<compile_context>
chip_gen: v7x
topology: tpu7x:2x2x1
jax: 0.10.2.dev20260603
libtpu: 0.0.44.dev20260713+nightly
codegen_flags: <defaults>
</compile_context>

<pallas_src>
import functools

import jax
import jax.numpy as jnp
from jax import lax
from jax.experimental import pallas as pl
from jax.experimental.pallas import tpu as pltpu
from jax.experimental.pallas import tpu_sc as plsc

F32 = jnp.float32
N_NODES = 10000
N_EDGES = 320000
D_FEAT = 6
HIDDEN = 64
N_GRAPHS = 32
EPS = 1e-05
BN_EPS = 1e-3

NP = 10240
XW = 16
NC, NS = 2, 16
NW = NC * NS
EB = 128
RW = 80
E_PAD = NW * RW * EB
TR = NP // NS


@functools.cache
def _mesh():
    return plsc.VectorSubcoreMesh(core_axis_name="c", subcore_axis_name="s",
                                  num_cores=NC, num_subcores=NS)


@functools.cache
def _sc_gather_xy_k():
    @functools.partial(
        pl.kernel,
        out_type=(jax.ShapeDtypeStruct((E_PAD, 128), F32),
                  jax.ShapeDtypeStruct((E_PAD, 128), F32)),
        mesh=_mesh(),
        scratch_types=[
            pltpu.VMEM((EB,), jnp.int32),
            pltpu.VMEM((EB, 128), F32),
            pltpu.SemaphoreType.DMA,
        ])
    def _sc_gather_xy(x_hbm, send_hbm, recv_hbm, xs_hbm, xr_hbm,
                      idxv, buf, sem):
        c = lax.axis_index("c")
        s = lax.axis_index("s")
        w = s * NC + c
        e0 = w * RW * EB

        def body(j, carry):
            eo = e0 + j * EB
            pltpu.sync_copy(send_hbm.at[pl.ds(eo, EB)], idxv)
            pltpu.async_copy(x_hbm.at[idxv], buf, sem).wait()
            pltpu.sync_copy(buf, xs_hbm.at[pl.ds(eo, EB)])
            pltpu.sync_copy(recv_hbm.at[pl.ds(eo, EB)], idxv)
            pltpu.async_copy(x_hbm.at[idxv], buf, sem).wait()
            pltpu.sync_copy(buf, xr_hbm.at[pl.ds(eo, EB)])
            return carry

        lax.fori_loop(0, RW, body, 0)
    return _sc_gather_xy


@functools.cache
def _make_sc_scatter(F):
    @functools.partial(
        pl.kernel,
        out_type=jax.ShapeDtypeStruct((NC, NP, F), F32),
        mesh=_mesh(),
        scratch_types=[
            pltpu.VMEM((RW, EB), jnp.int32),
            pltpu.VMEM((EB, F), F32),
            pltpu.VMEM_SHARED((NP, F), F32),
            pltpu.SemaphoreType.DMA,
        ])
    def _k(msgs_hbm, idx_hbm, zeros_hbm, out_hbm, idxv, rows, accum, sem):
        c = lax.axis_index("c")
        s = lax.axis_index("s")
        w = s * NC + c
        r0 = w * RW
        pltpu.sync_copy(zeros_hbm.at[pl.ds(s * TR, TR)],
                        accum.at[pl.ds(s * TR, TR)])
        pltpu.sync_copy(idx_hbm.at[pl.ds(r0, RW)], idxv)
        plsc.subcore_barrier()

        def body(j, carry):
            e0 = (r0 + j) * EB
            pltpu.async_copy(msgs_hbm.at[pl.ds(e0, EB)], rows, sem).wait()
            pltpu.sync_copy(rows, accum.at[idxv.at[j]], add=True)
            return carry

        lax.fori_loop(0, RW, body, 0)
        plsc.subcore_barrier()
        pltpu.sync_copy(accum.at[pl.ds(s * TR, TR)],
                        out_hbm.at[c].at[pl.ds(s * TR, TR)])
    return _k


@functools.cache
def _make_sc_gather_scatter(Kc, F):
    @functools.partial(
        pl.kernel,
        out_type=jax.ShapeDtypeStruct((NC, Kc, NP, F), F32),
        mesh=_mesh(),
        scratch_types=[
            pltpu.VMEM((RW, EB), jnp.int32),
            pltpu.VMEM((RW, EB), jnp.int32),
            pltpu.VMEM((EB, F), F32),
            pltpu.VMEM_SHARED((NP, F), F32),
            pltpu.SemaphoreType.DMA,
        ])
    def _k(y_hbm, sidx_hbm, ridx_hbm, zeros_hbm, out_hbm,
           sidx, ridx, rows, accum, sem):
        c = lax.axis_index("c")
        s = lax.axis_index("s")
        w = s * NC + c
        r0 = w * RW
        pltpu.sync_copy(sidx_hbm.at[pl.ds(r0, RW)], sidx)
        pltpu.sync_copy(ridx_hbm.at[pl.ds(r0, RW)], ridx)
        for k in range(Kc):
            pltpu.sync_copy(zeros_hbm.at[pl.ds(s * TR, TR)],
                            accum.at[pl.ds(s * TR, TR)])
            plsc.subcore_barrier()

            def body(j, carry):
                pltpu.async_copy(y_hbm.at[k].at[ridx.at[j]], rows, sem).wait()
                pltpu.sync_copy(rows, accum.at[sidx.at[j]], add=True)
                return carry

            lax.fori_loop(0, RW, body, 0)
            plsc.subcore_barrier()
            pltpu.sync_copy(accum.at[pl.ds(s * TR, TR)],
                            out_hbm.at[c].at[k].at[pl.ds(s * TR, TR)])
    return _k



_EBLK = 512
_NEB = E_PAD // _EBLK
_NBLK = 1024
_NNB = NP // _NBLK


def _msgs_body(xs_ref, xr_ref, w1p_ref, b1_ref,
               w2_ref, b2_ref, w3_ref, b3_ref, out_ref):
    xs = xs_ref[...]
    xr = xr_ref[...]
    diff = xr - xs
    lane = lax.broadcasted_iota(jnp.int32, (1, 128), 1)
    m03 = (lane < 3).astype(F32)
    m3 = (lane == 3).astype(F32)
    m46 = ((lane >= 4) & (lane < 7)).astype(F32)
    d2 = jnp.sum(diff * diff * m03, axis=1, keepdims=True)
    dist = jnp.sqrt(d2)
    inv = jnp.where(d2 > 0, 1.0 / jnp.where(d2 > 0, dist, 1.0), 0.0)
    vect = diff * inv
    e = (pltpu.roll(diff, 125, 1) * m03 + dist * m3
         + pltpu.roll(vect, 4, 1) * m46)
    h = jnp.maximum(jnp.dot(e, w1p_ref[...], preferred_element_type=F32)
                    + b1_ref[...], 0.0)
    h = jnp.maximum(jnp.dot(h, w2_ref[...], preferred_element_type=F32)
                    + b2_ref[...], 0.0)
    kern = jnp.dot(h, w3_ref[...], preferred_element_type=F32) + b3_ref[...]
    def _bf(v):
        return v.astype(jnp.bfloat16).astype(F32)
    acc = _bf(jnp.broadcast_to(xs[:, 0:1], (xs.shape[0], HIDDEN))) * _bf(kern[:, 0:HIDDEN])
    for f in range(1, D_FEAT):
        acc = acc + (_bf(jnp.broadcast_to(xs[:, f:f + 1], (xs.shape[0], HIDDEN)))
                     * _bf(kern[:, HIDDEN * f:HIDDEN * (f + 1)]))
    out_ref[...] = jnp.concatenate([acc, jnp.zeros_like(acc)], axis=1)


def _tc_msgs(xs, xr, w1p, b1, w2, b2, w3, b3):
    full = lambda shape: pl.BlockSpec(shape, lambda b: (0,) * len(shape))
    return pl.pallas_call(
        _msgs_body,
        grid=(_NEB,),
        in_specs=[
            pl.BlockSpec((_EBLK, 128), lambda b: (b, 0)),
            pl.BlockSpec((_EBLK, 128), lambda b: (b, 0)),
            full((128, HIDDEN)), full((1, HIDDEN)),
            full((HIDDEN, HIDDEN)), full((1, HIDDEN)),
            full((HIDDEN, D_FEAT * HIDDEN)), full((1, D_FEAT * HIDDEN)),
        ],
        out_specs=pl.BlockSpec((_EBLK, 128), lambda b: (b, 0)),
        out_shape=jax.ShapeDtypeStruct((E_PAD, 128), F32),
    )(xs, xr, w1p, b1, w2, b2, w3, b3)


def _ecc_root_body(aggp_ref, x_ref, root_ref, b_ref, w_ref, out_ref):
    agg = (aggp_ref[0] + aggp_ref[1])[:, :HIDDEN]
    xh = jnp.maximum(
        agg + jnp.dot(x_ref[...], root_ref[...], preferred_element_type=F32)
        + b_ref[...], 0.0)
    out_ref[0] = jnp.dot(xh, w_ref[...], preferred_element_type=F32)


def _tc_ecc_root(aggp, x_pad, root_p, ecc_b, g1wp):
    full = lambda shape: pl.BlockSpec(shape, lambda b: (0,) * len(shape))
    return pl.pallas_call(
        _ecc_root_body,
        grid=(_NNB,),
        in_specs=[
            pl.BlockSpec((NC, _NBLK, 128), lambda b: (0, b, 0)),
            pl.BlockSpec((_NBLK, XW), lambda b: (b, 0)),
            full((XW, HIDDEN)), full((1, HIDDEN)), full((HIDDEN, 128)),
        ],
        out_specs=pl.BlockSpec((1, _NBLK, 128), lambda b: (0, b, 0)),
        out_shape=jax.ShapeDtypeStruct((1, NP, 128), F32),
    )(aggp, x_pad, root_p, ecc_b, g1wp)


def _make_tc_layer(Kin, Fin, Fout, Kout):

    def body(z_ref, b_ref, w_ref, out_ref):
        parts = [z_ref[0, k] + z_ref[1, k] for k in range(Kin)]
        z = parts[0] if Kin == 1 else jnp.concatenate(parts, axis=1)
        xh = jnp.maximum(z[:, :Fin] + b_ref[...], 0.0)
        y = jnp.dot(xh, w_ref[...], preferred_element_type=F32)
        for k in range(Kout):
            out_ref[k] = y[:, k * 128:(k + 1) * 128]

    full = lambda shape: pl.BlockSpec(shape, lambda b: (0,) * len(shape))

    def run(zparts, b, w):
        return pl.pallas_call(
            body,
            grid=(_NNB,),
            in_specs=[
                pl.BlockSpec((NC, Kin, _NBLK, 128), lambda b: (0, 0, b, 0)),
                full((1, Fin)), full((Fin, Kout * 128)),
            ],
            out_specs=pl.BlockSpec((Kout, _NBLK, 128),
                                   lambda b: (0, b, 0)),
            out_shape=jax.ShapeDtypeStruct((Kout, NP, 128), F32),
        )(zparts, b, w)
    return run


_tc_l2 = _make_tc_layer(1, 64, 128, 1)
_tc_l3 = _make_tc_layer(1, 128, 256, 2)
_tc_l4 = _make_tc_layer(2, 256, 512, 4)

_PBLK = 1000
_NPB = N_NODES // _PBLK
_F4 = 512


def _pool_body(z_ref, b_ref, icol_ref, ones_ref,
               maxo_ref, sumo_ref, cnto_ref, macc, sacc, cacc):
    b = pl.program_id(0)

    @pl.when(b == 0)
    def _init():
        macc[...] = jnp.full((N_GRAPHS, _F4), -jnp.inf, F32)
        sacc[...] = jnp.zeros((N_GRAPHS, _F4), F32)
        cacc[...] = jnp.zeros((N_GRAPHS, 128), F32)

    parts = [z_ref[0, k] + z_ref[1, k] for k in range(4)]
    xh = jnp.maximum(jnp.concatenate(parts, axis=1) + b_ref[...], 0.0)
    icol = icol_ref[0]
    gid = lax.broadcasted_iota(jnp.int32, (1, N_GRAPHS), 1)
    oh = (icol == gid).astype(F32)
    dn = (((0,), (0,)), ((), ()))
    sacc[...] += lax.dot_general(oh, xh, dn, preferred_element_type=F32,
                                 precision=lax.Precision.HIGHEST)
    cacc[...] += lax.dot_general(oh, ones_ref[...], dn,
                                 preferred_element_type=F32,
                                 precision=lax.Precision.HIGHEST)
    for g in range(N_GRAPHS):
        m = icol == g
        sel = jnp.where(m, xh, -jnp.inf)
        macc[g:g + 1, :] = jnp.maximum(
            macc[g:g + 1, :], jnp.max(sel, axis=0, keepdims=True))

    maxo_ref[...] = macc[...]
    sumo_ref[...] = sacc[...]
    cnto_ref[...] = cacc[...]


def _tc_pool(z4, b4, icol, ones_blk):
    full = lambda shape: pl.BlockSpec(shape, lambda b: (0,) * len(shape))
    return pl.pallas_call(
        _pool_body,
        grid=(_NPB,),
        in_specs=[
            pl.BlockSpec((NC, 4, _PBLK, 128), lambda b: (0, 0, b, 0)),
            full((1, _F4)),
            pl.BlockSpec((1, _PBLK, 1), lambda b: (b, 0, 0)),
            full((_PBLK, 128)),
        ],
        out_specs=[full((N_GRAPHS, _F4)), full((N_GRAPHS, _F4)),
                   full((N_GRAPHS, 128))],
        out_shape=[jax.ShapeDtypeStruct((N_GRAPHS, _F4), F32),
                   jax.ShapeDtypeStruct((N_GRAPHS, _F4), F32),
                   jax.ShapeDtypeStruct((N_GRAPHS, 128), F32)],
        scratch_shapes=[pltpu.VMEM((N_GRAPHS, _F4), F32),
                        pltpu.VMEM((N_GRAPHS, _F4), F32),
                        pltpu.VMEM((N_GRAPHS, 128), F32)],
    )(z4, b4, icol, ones_blk)


def _leaky(v):
    return jnp.where(v >= 0, v, 0.15 * v)


def _head_body(maxp_ref, sump_ref, cnt_ref, *refs):
    (d1w, d1b, g1, be1, mu1, va1,
     d2w, d2b, g2, be2, mu2, va2,
     d3w, d3b, g3, be3, mu3, va3,
     a1w, a1b, a2w, a2b, aow, aob,
     s1w, s1b, s2w, s2b, xu_ref, xs_ref) = refs
    cnt = jnp.maximum(cnt_ref[:, 0:1], 1.0)
    g = jnp.concatenate([maxp_ref[...], sump_ref[...] / cnt], axis=1)
    for (dw, db, gm, bt, mu, va) in ((d1w, d1b, g1, be1, mu1, va1),
                                     (d2w, d2b, g2, be2, mu2, va2),
                                     (d3w, d3b, g3, be3, mu3, va3)):
        g = _leaky(jnp.dot(g, dw[...], preferred_element_type=F32) + db[...])
        g = ((g - mu[...]) * lax.rsqrt(va[...] + BN_EPS) * gm[...] + bt[...])
    xu = jnp.dot(g, a1w[...], preferred_element_type=F32) + a1b[...]
    xu = jnp.dot(xu, a2w[...], preferred_element_type=F32) + a2b[...]
    xu = jnp.dot(xu, aow[...], preferred_element_type=F32) + aob[...]
    n2 = jnp.sum(xu * xu, axis=1, keepdims=True)
    nrm = jnp.sqrt(n2)
    invn = jnp.where(n2 > 0, 1.0 / jnp.where(n2 > 0, nrm, 1.0), 0.0)
    xu_ref[...] = xu * invn
    xs = jnp.dot(g, s1w[...], preferred_element_type=F32) + s1b[...]
    xs = jnp.dot(xs, s2w[...], preferred_element_type=F32) + s2b[...]
    xs_ref[...] = jnp.abs(xs) + EPS


def _tc_head(maxp, sump, cnt, plist):
    full = lambda a: pl.BlockSpec(a.shape, lambda: (0,) * a.ndim)
    args = [maxp, sump, cnt] + plist
    return pl.pallas_call(
        _head_body,
        in_specs=[full(a) for a in args],
        out_specs=[pl.BlockSpec((N_GRAPHS, 128), lambda: (0, 0)),
                   pl.BlockSpec((N_GRAPHS, 128), lambda: (0, 0))],
        out_shape=[jax.ShapeDtypeStruct((N_GRAPHS, 128), F32),
                   jax.ShapeDtypeStruct((N_GRAPHS, 128), F32)],
    )(*args)



def kernel(x, params, edge_index, i):
    p = params
    x_pad = jnp.zeros((NP, XW), F32).at[:N_NODES, :D_FEAT].set(x)
    x_pad128 = jnp.zeros((NP, 128), F32).at[:N_NODES, :D_FEAT].set(x)

    pad_e = E_PAD - N_EDGES
    dummy = N_NODES + (jnp.arange(pad_e, dtype=jnp.int32) % (NP - N_NODES))
    send_p = jnp.concatenate([edge_index[0], dummy])
    recv_p = jnp.concatenate([edge_index[1], dummy])
    send_r = send_p.reshape(NW * RW, EB)
    recv_r = recv_p.reshape(NW * RW, EB)

    w1p = jnp.zeros((128, HIDDEN), F32).at[:7].set(p['kn_W1'])
    b1 = p['kn_b1'][None, :]
    b2 = p['kn_b2'][None, :]
    b3 = p['kn_b3'][None, :]

    root_p = jnp.zeros((XW, HIDDEN), F32).at[:D_FEAT].set(p['ecc_root'])
    zeros64 = jnp.zeros((NP, 64), F32)
    zeros128 = jnp.zeros((NP, 128), F32)

    xs_g, xr_g = _sc_gather_xy_k()(x_pad128, send_p, recv_p)

    msgs = _tc_msgs(xs_g, xr_g, w1p, b1, p['kn_W2'], b2, p['kn_W3'], b3)

    aggp = _make_sc_scatter(128)(msgs, recv_r, zeros128)

    g1wp = jnp.zeros((HIDDEN, 128), F32).at[:, :HIDDEN].set(p['g1_W'])
    y1 = _tc_ecc_root(aggp, x_pad, root_p, p['ecc_b'][None, :], g1wp)

    z1 = _make_sc_gather_scatter(1, 128)(y1, send_r, recv_r, zeros128)
    y2 = _tc_l2(z1, p['g1_b'][None, :], p['g2_W'])
    z2 = _make_sc_gather_scatter(1, 128)(y2, send_r, recv_r, zeros128)
    y3 = _tc_l3(z2, p['g2_b'][None, :], p['g3_W'])
    z3 = _make_sc_gather_scatter(2, 128)(y3, send_r, recv_r, zeros128)
    y4 = _tc_l4(z3, p['g3_b'][None, :], p['g4_W'])
    z4 = _make_sc_gather_scatter(4, 128)(y4, send_r, recv_r, zeros128)

    icol = i.astype(jnp.int32).reshape(_NPB, _PBLK, 1)
    ones_blk = jnp.ones((_PBLK, 128), F32)
    maxp, sump, cnt = _tc_pool(z4, p['g4_b'][None, :], icol, ones_blk)

    aow = jnp.zeros((HIDDEN, 128), F32).at[:, :2].set(p['ao_W'])
    aob = jnp.zeros((1, 128), F32).at[0, :2].set(p['ao_b'])
    s2w = jnp.zeros((HIDDEN, 128), F32).at[:, :HIDDEN].set(p['s2_W'])
    s2b = jnp.zeros((1, 128), F32).at[0, :HIDDEN].set(p['s2_b'])
    plist = [
        p['d1_W'], p['d1_b'][None, :], p['bn1_gamma'][None, :],
        p['bn1_beta'][None, :], p['bn1_mean'][None, :], p['bn1_var'][None, :],
        p['d2_W'], p['d2_b'][None, :], p['bn2_gamma'][None, :],
        p['bn2_beta'][None, :], p['bn2_mean'][None, :], p['bn2_var'][None, :],
        p['d3_W'], p['d3_b'][None, :], p['bn3_gamma'][None, :],
        p['bn3_beta'][None, :], p['bn3_mean'][None, :], p['bn3_var'][None, :],
        p['a1_W'], p['a1_b'][None, :], p['a2_W'], p['a2_b'][None, :],
        aow, aob,
        p['s1_W'], p['s1_b'][None, :], s2w, s2b,
    ]
    xu128, xs128 = _tc_head(maxp, sump, cnt, plist)
    return jnp.concatenate([xu128[:, :2], xs128[:, :HIDDEN]], axis=1)


def _dead_bisect_tail(p, aggp, x, edge_index, i):
    xh = jnp.maximum((aggp[0] + aggp[1])[:N_NODES]
                     + x @ p['ecc_root'] + p['ecc_b'], 0.0)
    send = edge_index[0]
    receive = edge_index[1]
    for li in range(1, 5):
        y = xh @ p[f'g{li}_W']
        xh = jax.nn.relu(jax.ops.segment_sum(y[receive], send,
                                             num_segments=N_NODES) + p[f'g{li}_b'])
    x1 = jax.ops.segment_max(xh, i, num_segments=N_GRAPHS)
    sums = jax.ops.segment_sum(xh, i, num_segments=N_GRAPHS)
    counts = jax.ops.segment_sum(jnp.ones((N_NODES, 1), F32), i, num_segments=N_GRAPHS)
    x2 = sums / jnp.maximum(counts, 1.0)
    g = jnp.concatenate([x1, x2], axis=1)
    for li in range(1, 4):
        t = g @ p[f'd{li}_W'] + p[f'd{li}_b']
        g = jnp.where(t >= 0, t, 0.15 * t)
        g = (g - p[f'bn{li}_mean']) / jnp.sqrt(p[f'bn{li}_var'] + BN_EPS) * p[f'bn{li}_gamma'] + p[f'bn{li}_beta']
    xu = g @ p['a1_W'] + p['a1_b']
    xu = xu @ p['a2_W'] + p['a2_b']
    xu = xu @ p['ao_W'] + p['ao_b']
    nrm = jnp.sqrt(jnp.sum(jnp.square(xu), axis=1))
    safe_n = jnp.where(nrm == 0, 1.0, nrm)
    xu = jnp.where(nrm[:, None] == 0, 0.0, xu / safe_n[:, None])
    xsig = g @ p['s1_W'] + p['s1_b']
    xsig = xsig @ p['s2_W'] + p['s2_b']
    xsig = jnp.abs(xsig) + EPS
    return jnp.concatenate([xu, xsig], axis=1)

# --- scband reference (transcript-rebuilt; emitter-appended) ---
"""Pipeline reference for scband-model-38388417691745 (READ-ONLY COPY).

The authoritative reference and input builder live on the scoring server;
editing this copy changes nothing except your own understanding.
"""

import jax, jax.numpy as jnp
import numpy as np

N_NODES = 10000
N_EDGES = 320000
D_FEAT = 6
HIDDEN = 64
N_GRAPHS = 32
EPS = 1e-05
BN_EPS = 1e-3


def _leaky(x):
    return jnp.where(x >= 0, x, 0.15 * x)


def _make_params(key):
    ks = iter(jax.random.split(key, 64))

    def w(shape, s=0.05):
        return jax.random.normal(next(ks), shape, dtype=jnp.float32) * s

    p = {}
    # ECCConv: edge kernel network [64, 64] -> F_in*channels, plus root weight and bias
    p['kn_W1'] = w((7, HIDDEN)); p['kn_b1'] = jnp.zeros((HIDDEN,), jnp.float32)
    p['kn_W2'] = w((HIDDEN, HIDDEN)); p['kn_b2'] = jnp.zeros((HIDDEN,), jnp.float32)
    p['kn_W3'] = w((HIDDEN, D_FEAT * HIDDEN)); p['kn_b3'] = jnp.zeros((D_FEAT * HIDDEN,), jnp.float32)
    p['ecc_root'] = w((D_FEAT, HIDDEN)); p['ecc_b'] = jnp.zeros((HIDDEN,), jnp.float32)
    # GCN stack: 64->64, 64->128, 128->256, 256->512
    dims = [(HIDDEN, HIDDEN), (HIDDEN, 2 * HIDDEN), (2 * HIDDEN, 4 * HIDDEN), (4 * HIDDEN, 8 * HIDDEN)]
    for li, (fi, fo) in enumerate(dims, 1):
        p[f'g{li}_W'] = w((fi, fo)); p[f'g{li}_b'] = jnp.zeros((fo,), jnp.float32)
    # decode MLP with BatchNorm (inference mode)
    prev = 2 * 8 * HIDDEN  # concat of max-pool and avg-pool (1024)
    for li, sz in enumerate([16 * HIDDEN, 16 * HIDDEN, 8 * HIDDEN], 1):
        p[f'd{li}_W'] = w((prev, sz)); p[f'd{li}_b'] = jnp.zeros((sz,), jnp.float32)
        p[f'bn{li}_gamma'] = jnp.ones((sz,), jnp.float32)
        p[f'bn{li}_beta'] = jnp.zeros((sz,), jnp.float32)
        p[f'bn{li}_mean'] = jnp.zeros((sz,), jnp.float32)
        p[f'bn{li}_var'] = jnp.ones((sz,), jnp.float32)
        prev = sz
    # angle head
    p['a1_W'] = w((prev, HIDDEN)); p['a1_b'] = jnp.zeros((HIDDEN,), jnp.float32)
    p['a2_W'] = w((HIDDEN, HIDDEN)); p['a2_b'] = jnp.zeros((HIDDEN,), jnp.float32)
    p['ao_W'] = w((HIDDEN, 2)); p['ao_b'] = jnp.zeros((2,), jnp.float32)
    # sigma head (note: sigs_out Dense(2) is defined but never used in call -> output dim 64)
    p['s1_W'] = w((prev, HIDDEN)); p['s1_b'] = jnp.zeros((HIDDEN,), jnp.float32)
    p['s2_W'] = w((HIDDEN, HIDDEN)); p['s2_b'] = jnp.zeros((HIDDEN,), jnp.float32)
    return p


def setup_inputs(seed: int = 0) -> dict:
    key = jax.random.key(seed)
    k1, k2, k3, k4 = jax.random.split(key, 4)
    x = jax.random.normal(k1, (N_NODES, D_FEAT), dtype=jnp.float32)
    edge_index = jax.random.randint(k2, (2, N_EDGES), 0, N_NODES, dtype=jnp.int32)
    i = jnp.sort(jax.random.randint(k3, (N_NODES,), 0, N_GRAPHS, dtype=jnp.int32))
    params = _make_params(k4)
    return {'x': x, 'params': params, 'edge_index': edge_index, 'i': i}


def _forward(x, params, edge_index, i):
    send = edge_index[0]
    receive = edge_index[1]
    # generate_edge_features (forward=False branch)
    diff_x = x[receive] - x[send]
    dists = jnp.sqrt(jnp.sum(jnp.square(diff_x[:, :3]), axis=1))
    safe_d = jnp.where(dists == 0, 1.0, dists)
    vects = jnp.where(dists[:, None] == 0, 0.0, diff_x[:, :3] / safe_d[:, None])
    e = jnp.concatenate([diff_x[:, 3:], dists[:, None], vects], axis=1)  # [E, 7]
    # ECCConv (spektral single mode): edge-conditioned kernel, scatter-sum to targets, root transform
    h = jax.nn.relu(e @ params['kn_W1'] + params['kn_b1'])
    h = jax.nn.relu(h @ params['kn_W2'] + params['kn_b2'])
    kern = (h @ params['kn_W3'] + params['kn_b3']).reshape(-1, D_FEAT, HIDDEN)
    msgs = jnp.einsum('ef,efo->eo', x[send], kern)
    agg = jax.ops.segment_sum(msgs, receive, num_segments=N_NODES)
    xh = jax.nn.relu(agg + x @ params['ecc_root'] + params['ecc_b'])
    # GCNConv stack: out = A @ (x W) + b with sparse A (rows=send, cols=receive, values=1)
    for li in range(1, 5):
        y = xh @ params[f'g{li}_W']
        xh = jax.nn.relu(jax.ops.segment_sum(y[receive], send, num_segments=N_NODES) + params[f'g{li}_b'])
    # GlobalMaxPool / GlobalAvgPool per graph id
    x1 = jax.ops.segment_max(xh, i, num_segments=N_GRAPHS)
    sums = jax.ops.segment_sum(xh, i, num_segments=N_GRAPHS)
    counts = jax.ops.segment_sum(jnp.ones((N_NODES, 1), jnp.float32), i, num_segments=N_GRAPHS)
    x2 = sums / jnp.maximum(counts, 1.0)
    g = jnp.concatenate([x1, x2], axis=1)
    # decode MLP: dropout inactive (training=False), LeakyReLU(0.15), BatchNorm inference
    for li in range(1, 4):
        g = _leaky(g @ params[f'd{li}_W'] + params[f'd{li}_b'])
        g = (g - params[f'bn{li}_mean']) / jnp.sqrt(params[f'bn{li}_var'] + BN_EPS) * params[f'bn{li}_gamma'] + params[f'bn{li}_beta']
    # angle head with L2 normalization (divide_no_nan)
    xu = g @ params['a1_W'] + params['a1_b']
    xu = xu @ params['a2_W'] + params['a2_b']
    xu = xu @ params['ao_W'] + params['ao_b']
    nrm = jnp.sqrt(jnp.sum(jnp.square(xu), axis=1))
    safe_n = jnp.where(nrm == 0, 1.0, nrm)
    xu = jnp.where(nrm[:, None] == 0, 0.0, xu / safe_n[:, None])
    # sigma head (sigs_out is never applied in the original call)
    xs = g @ params['s1_W'] + params['s1_b']
    xs = xs @ params['s2_W'] + params['s2_b']
    xs = jnp.abs(xs) + EPS
    return jnp.concatenate([xu, xs], axis=1)  # [N_GRAPHS, 66]


def reference(x, params, edge_index, i):
    return _forward(x, params, edge_index, i)

if __name__ == "__main__":
    import jax
    _d = setup_inputs()
    print(jax.jit(kernel)(*tuple(_d.values())))

</pallas_src>

<mosaic_0001>
#map = affine_map<(d0, d1) -> (0, 0)>
#map1 = affine_map<(d0, d1) -> (0, 0, 0)>
module attributes {stable_mosaic.version = 14 : i64} {
  func.func @_k(%arg0: i32, %arg1: i32, %arg2: memref<327680x128xf32, #tpu.memory_space<hbm>>, %arg3: memref<2560x128xi32, #tpu.memory_space<hbm>>, %arg4: memref<10240x128xf32, #tpu.memory_space<hbm>>, %arg5: memref<2x10240x128xf32, #tpu.memory_space<hbm>>, %arg6: memref<80x128xi32, #tpu.memory_space<vmem>>, %arg7: memref<128x128xf32, #tpu.memory_space<vmem>>, %arg8: memref<10240x128xf32, #tpu.memory_space<vmem_shared>>, %arg9: memref<!tpu.dma_semaphore, #tpu.memory_space<semaphore_mem>>) attributes {dimension_semantics = [#tpu.dimension_semantics<core_parallel>, #tpu.dimension_semantics<subcore_parallel>], iteration_bounds = array<i64: 2, 16>, scalar_prefetch = 0 : i64, scratch_operands = 4 : i64, tpu.core_type = #tpu.core_type<sc_vector_subcore>, window_params = [{transform_indices = #map}, {transform_indices = #map}, {transform_indices = #map}, {transform_indices = #map1}]} {
    %mul3A = arith.constant 2 : i32
    %mul3A_0 = arith.muli %arg1, %mul3A : i32
    %add3A = arith.addi %mul3A_0, %arg0 : i32
    %mul3A_1 = arith.constant 80 : i32
    %mul3A_2 = arith.muli %add3A, %mul3A_1 : i32
    %mul3A_3 = arith.constant 640 : i32
    %mul3A_4 = arith.muli %arg1, %mul3A_3 : i32
    %mul3A_5 = arith.constant 640 : i32
    %mul3A_6 = arith.muli %arg1, %mul3A_5 : i32
    "tpu.region"() ({
      %run_scoped3A = tpu.sem_alloc : memref<!tpu.dma_semaphore, #tpu.memory_space<semaphore_mem>>
      %dma_start3A = arith.constant 0 : i32
      %dma_start3A_17 = tpu.memref_slice %arg8[%mul3A_6, %dma_start3A] : memref<10240x128xf32, #tpu.memory_space<vmem_shared>> -> memref<640x128xf32, #tpu.memory_space<vmem_shared>>
      %dma_start3A_18 = arith.constant 0 : i32
      %dma_start3A_19 = tpu.memref_slice %arg4[%mul3A_4, %dma_start3A_18] : memref<10240x128xf32, #tpu.memory_space<hbm>> -> memref<640x128xf32, #tpu.memory_space<hbm>>
      tpu.enqueue_dma source(%dma_start3A_19 : memref<640x128xf32, #tpu.memory_space<hbm>>) target(%dma_start3A_17 : memref<640x128xf32, #tpu.memory_space<vmem_shared>>) target_semaphore(%run_scoped3A : memref<!tpu.dma_semaphore, #tpu.memory_space<semaphore_mem>>)
      %dma_wait3A = arith.constant 0 : i32
      %dma_wait3A_20 = tpu.memref_slice %arg8[%mul3A_6, %dma_wait3A] : memref<10240x128xf32, #tpu.memory_space<vmem_shared>> -> memref<640x128xf32, #tpu.memory_space<vmem_shared>>
      %dma_wait3A_21 = arith.constant 0 : i32
      %dma_wait3A_22 = tpu.memref_slice %arg4[%mul3A_4, %dma_wait3A_21] : memref<10240x128xf32, #tpu.memory_space<hbm>> -> memref<640x128xf32, #tpu.memory_space<hbm>>
      tpu.wait_dma2 semaphore(%run_scoped3A : memref<!tpu.dma_semaphore, #tpu.memory_space<semaphore_mem>>) src(%dma_wait3A_22 : memref<640x128xf32, #tpu.memory_space<hbm>>) dst(%dma_wait3A_20 : memref<640x128xf32, #tpu.memory_space<vmem_shared>>)
      tpu.yield
    }) : () -> ()
    "tpu.region"() ({
      %run_scoped3A = tpu.sem_alloc : memref<!tpu.dma_semaphore, #tpu.memory_space<semaphore_mem>>
      %dma_start3A = arith.constant 0 : i32
      %dma_start3A_17 = tpu.memref_slice %arg3[%mul3A_2, %dma_start3A] : memref<2560x128xi32, #tpu.memory_space<hbm>> -> memref<80x128xi32, #tpu.memory_space<hbm>>
      %dma_start3A_18 = arith.constant 0 : i32
      %dma_start3A_19 = tpu.memref_slice %arg3[%mul3A_2, %dma_start3A_18] : memref<2560x128xi32, #tpu.memory_space<hbm>> -> memref<80x128xi32, #tpu.memory_space<hbm>>
      tpu.enqueue_dma source(%dma_start3A_19 : memref<80x128xi32, #tpu.memory_space<hbm>>) target(%arg6 : memref<80x128xi32, #tpu.memory_space<vmem>>) target_semaphore(%run_scoped3A : memref<!tpu.dma_semaphore, #tpu.memory_space<semaphore_mem>>)
      %dma_wait3A = arith.constant 0 : i32
      %dma_wait3A_20 = tpu.memref_slice %arg3[%mul3A_2, %dma_wait3A] : memref<2560x128xi32, #tpu.memory_space<hbm>> -> memref<80x128xi32, #tpu.memory_space<hbm>>
      %dma_wait3A_21 = arith.constant 0 : i32
      %dma_wait3A_22 = tpu.memref_slice %arg3[%mul3A_2, %dma_wait3A_21] : memref<2560x128xi32, #tpu.memory_space<hbm>> -> memref<80x128xi32, #tpu.memory_space<hbm>>
      tpu.wait_dma2 semaphore(%run_scoped3A : memref<!tpu.dma_semaphore, #tpu.memory_space<semaphore_mem>>) src(%dma_wait3A_22 : memref<80x128xi32, #tpu.memory_space<hbm>>) dst(%arg6 : memref<80x128xi32, #tpu.memory_space<vmem>>)
      tpu.yield
    }) : () -> ()
    %barrier3A = arith.constant 0 : index
    tpu.barrier barrier_id(%barrier3A)
    %scan3A = arith.constant 0 : i32
    %scan3A_7 = arith.constant 0 : i32
    %scan3A_8 = arith.constant 80 : i32
    %scan3A_9 = arith.addi %scan3A_7, %scan3A_8 : i32
    %scan3A_10 = arith.constant 1 : i32
    scf.for %scan3A_17 = %scan3A_7 to %scan3A_9 step %scan3A_10  : i32 {
      %add3A_18 = arith.addi %mul3A_2, %scan3A_17 : i32
      %mul3A_19 = arith.constant 128 : i32
      %mul3A_20 = arith.muli %add3A_18, %mul3A_19 : i32
      %dma_start3A = arith.constant 0 : i32
      %dma_start3A_21 = tpu.memref_slice %arg2[%mul3A_20, %dma_start3A] : memref<327680x128xf32, #tpu.memory_space<hbm>> -> memref<128x128xf32, #tpu.memory_space<hbm>>
      %dma_start3A_22 = arith.constant 0 : i32
      %dma_start3A_23 = tpu.memref_slice %arg2[%mul3A_20, %dma_start3A_22] : memref<327680x128xf32, #tpu.memory_space<hbm>> -> memref<128x128xf32, #tpu.memory_space<hbm>>
      tpu.enqueue_dma source(%dma_start3A_23 : memref<128x128xf32, #tpu.memory_space<hbm>>) target(%arg7 : memref<128x128xf32, #tpu.memory_space<vmem>>) target_semaphore(%arg9 : memref<!tpu.dma_semaphore, #tpu.memory_space<semaphore_mem>>)
      %dma_wait3A = arith.constant 0 : i32
      %dma_wait3A_24 = tpu.memref_slice %arg2[%mul3A_20, %dma_wait3A] : memref<327680x128xf32, #tpu.memory_space<hbm>> -> memref<128x128xf32, #tpu.memory_space<hbm>>
      %dma_wait3A_25 = arith.constant 0 : i32
      %dma_wait3A_26 = tpu.memref_slice %arg2[%mul3A_20, %dma_wait3A_25] : memref<327680x128xf32, #tpu.memory_space<hbm>> -> memref<128x128xf32, #tpu.memory_space<hbm>>
      tpu.wait_dma2 semaphore(%arg9 : memref<!tpu.dma_semaphore, #tpu.memory_space<semaphore_mem>>) src(%dma_wait3A_26 : memref<128x128xf32, #tpu.memory_space<hbm>>) dst(%arg7 : memref<128x128xf32, #tpu.memory_space<vmem>>)
      "tpu.region"() ({
        %run_scoped3A = tpu.sem_alloc : memref<!tpu.dma_semaphore, #tpu.memory_space<semaphore_mem>>
        %dma_start3A_27 = arith.constant 0 : i32
        %dma_start3A_28 = tpu.memref_slice %arg6[%scan3A_17, %dma_start3A_27] : memref<80x128xi32, #tpu.memory_space<vmem>> -> memref<1x128xi32, #tpu.memory_space<vmem>>
        %dma_start3A_29 = tpu.memref_squeeze %dma_start3A_28 : memref<1x128xi32, #tpu.memory_space<vmem>> -> memref<128xi32, #tpu.memory_space<vmem>>
        %dma_start3A_30 = arith.constant 0 : i32
        %dma_start3A_31 = arith.constant 0 : i32
        %dma_start3A_32 = tpu.memref_slice %arg8[%dma_start3A_30, %dma_start3A_31] : memref<10240x128xf32, #tpu.memory_space<vmem_shared>> -> memref<10240x128xf32, #tpu.memory_space<vmem_shared>>
        tpu.enqueue_indirect_dma source(%arg7 : memref<128x128xf32, #tpu.memory_space<vmem>>) target(%dma_start3A_32 : memref<10240x128xf32, #tpu.memory_space<vmem_shared>>) offsets(%dma_start3A_29 : memref<128xi32, #tpu.memory_space<vmem>>) semaphore(%run_scoped3A : memref<!tpu.dma_semaphore, #tpu.memory_space<semaphore_mem>>) {add = true}
        %dma_wait3A_33 = arith.constant 0 : i32
        %dma_wait3A_34 = tpu.memref_slice %arg6[%scan3A_17, %dma_wait3A_33] : memref<80x128xi32, #tpu.memory_space<vmem>> -> memref<1x128xi32, #tpu.memory_space<vmem>>
        %dma_wait3A_35 = tpu.memref_squeeze %dma_wait3A_34 : memref<1x128xi32, #tpu.memory_space<vmem>> -> memref<128xi32, #tpu.memory_space<vmem>>
        %dma_wait3A_36 = arith.constant 0 : i32
        %dma_wait3A_37 = arith.constant 0 : i32
        %dma_wait3A_38 = tpu.memref_slice %arg8[%dma_wait3A_36, %dma_wait3A_37] : memref<10240x128xf32, #tpu.memory_space<vmem_shared>> -> memref<10240x128xf32, #tpu.memory_space<vmem_shared>>
        tpu.wait_indirect_dma semaphore(%run_scoped3A : memref<!tpu.dma_semaphore, #tpu.memory_space<semaphore_mem>>) src(%arg7 : memref<128x128xf32, #tpu.memory_space<vmem>>) dst(%dma_wait3A_38 : memref<10240x128xf32, #tpu.memory_space<vmem_shared>>)
        tpu.yield
      }) : () -> ()
    }
    %scan3A_11 = arith.constant 80 : i32
    %barrier3A_12 = arith.constant 0 : index
    tpu.barrier barrier_id(%barrier3A_12)
    %mul3A_13 = arith.constant 640 : i32
    %mul3A_14 = arith.muli %arg1, %mul3A_13 : i32
    %mul3A_15 = arith.constant 640 : i32
    %mul3A_16 = arith.muli %arg1, %mul3A_15 : i32
    "tpu.region"() ({
      %run_scoped3A = tpu.sem_alloc : memref<!tpu.dma_semaphore, #tpu.memory_space<semaphore_mem>>
      %dma_start3A = arith.constant 0 : i32
      %dma_start3A_17 = arith.constant 0 : i32
      %dma_start3A_18 = tpu.memref_slice %arg5[%arg0, %dma_start3A, %dma_start3A_17] : memref<2x10240x128xf32, #tpu.memory_space<hbm>> -> memref<1x10240x128xf32, #tpu.memory_space<hbm>>
      %dma_start3A_19 = tpu.memref_squeeze %dma_start3A_18 : memref<1x10240x128xf32, #tpu.memory_space<hbm>> -> memref<10240x128xf32, #tpu.memory_space<hbm>>
      %dma_start3A_20 = arith.constant 0 : i32
      %dma_start3A_21 = tpu.memref_slice %dma_start3A_19[%mul3A_16, %dma_start3A_20] : memref<10240x128xf32, #tpu.memory_space<hbm>> -> memref<640x128xf32, #tpu.memory_space<hbm>>
      %dma_start3A_22 = arith.constant 0 : i32
      %dma_start3A_23 = tpu.memref_slice %arg8[%mul3A_14, %dma_start3A_22] : memref<10240x128xf32, #tpu.memory_space<vmem_shared>> -> memref<640x128xf32, #tpu.memory_space<vmem_shared>>
      tpu.enqueue_dma source(%dma_start3A_23 : memref<640x128xf32, #tpu.memory_space<vmem_shared>>) target(%dma_start3A_21 : memref<640x128xf32, #tpu.memory_space<hbm>>) target_semaphore(%run_scoped3A : memref<!tpu.dma_semaphore, #tpu.memory_space<semaphore_mem>>)
      %dma_wait3A = arith.constant 0 : i32
      %dma_wait3A_24 = arith.constant 0 : i32
      %dma_wait3A_25 = tpu.memref_slice %arg5[%arg0, %dma_wait3A, %dma_wait3A_24] : memref<2x10240x128xf32, #tpu.memory_space<hbm>> -> memref<1x10240x128xf32, #tpu.memory_space<hbm>>
      %dma_wait3A_26 = tpu.memref_squeeze %dma_wait3A_25 : memref<1x10240x128xf32, #tpu.memory_space<hbm>> -> memref<10240x128xf32, #tpu.memory_space<hbm>>
      %dma_wait3A_27 = arith.constant 0 : i32
      %dma_wait3A_28 = tpu.memref_slice %dma_wait3A_26[%mul3A_16, %dma_wait3A_27] : memref<10240x128xf32, #tpu.memory_space<hbm>> -> memref<640x128xf32, #tpu.memory_space<hbm>>
      %dma_wait3A_29 = arith.constant 0 : i32
      %dma_wait3A_30 = tpu.memref_slice %arg8[%mul3A_14, %dma_wait3A_29] : memref<10240x128xf32, #tpu.memory_space<vmem_shared>> -> memref<640x128xf32, #tpu.memory_space<vmem_shared>>
      tpu.wait_dma2 semaphore(%run_scoped3A : memref<!tpu.dma_semaphore, #tpu.memory_space<semaphore_mem>>) src(%dma_wait3A_30 : memref<640x128xf32, #tpu.memory_space<vmem_shared>>) dst(%dma_wait3A_28 : memref<640x128xf32, #tpu.memory_space<hbm>>)
      tpu.yield
    }) : () -> ()
    return
  }
}

#map = affine_map<(d0, d1) -> (0, 0, 0)>
#map1 = affine_map<(d0, d1) -> (0, 0)>
#map2 = affine_map<(d0, d1) -> (0, 0, 0, 0)>
module attributes {stable_mosaic.version = 14 : i64} {
  func.func @_k(%arg0: i32, %arg1: i32, %arg2: memref<1x10240x128xf32, #tpu.memory_space<hbm>>, %arg3: memref<2560x128xi32, #tpu.memory_space<hbm>>, %arg4: memref<2560x128xi32, #tpu.memory_space<hbm>>, %arg5: memref<10240x128xf32, #tpu.memory_space<hbm>>, %arg6: memref<2x1x10240x128xf32, #tpu.memory_space<hbm>>, %arg7: memref<80x128xi32, #tpu.memory_space<vmem>>, %arg8: memref<80x128xi32, #tpu.memory_space<vmem>>, %arg9: memref<128x128xf32, #tpu.memory_space<vmem>>, %arg10: memref<10240x128xf32, #tpu.memory_space<vmem_shared>>, %arg11: memref<!tpu.dma_semaphore, #tpu.memory_space<semaphore_mem>>) attributes {dimension_semantics = [#tpu.dimension_semantics<core_parallel>, #tpu.dimension_semantics<subcore_parallel>], iteration_bounds = array<i64: 2, 16>, scalar_prefetch = 0 : i64, scratch_operands = 5 : i64, tpu.core_type = #tpu.core_type<sc_vector_subcore>, window_params = [{transform_indices = #map}, {transform_indices = #map1}, {transform_indices = #map1}, {transform_indices = #map1}, {transform_indices = #map2}]} {
    %mul3A = arith.constant 2 : i32
    %mul3A_0 = arith.muli %arg1, %mul3A : i32
    %add3A = arith.addi %mul3A_0, %arg0 : i32
    %mul3A_1 = arith.constant 80 : i32
    %mul3A_2 = arith.muli %add3A, %mul3A_1 : i32
    "tpu.region"() ({
      %run_scoped3A_17 = tpu.sem_alloc : memref<!tpu.dma_semaphore, #tpu.memory_space<semaphore_mem>>
      %dma_start3A = arith.constant 0 : i32
      %dma_start3A_18 = tpu.memref_slice %arg3[%mul3A_2, %dma_start3A] : memref<2560x128xi32, #tpu.memory_space<hbm>> -> memref<80x128xi32, #tpu.memory_space<hbm>>
      %dma_start3A_19 = arith.constant 0 : i32
      %dma_start3A_20 = tpu.memref_slice %arg3[%mul3A_2, %dma_start3A_19] : memref<2560x128xi32, #tpu.memory_space<hbm>> -> memref<80x128xi32, #tpu.memory_space<hbm>>
      tpu.enqueue_dma source(%dma_start3A_20 : memref<80x128xi32, #tpu.memory_space<hbm>>) target(%arg7 : memref<80x128xi32, #tpu.memory_space<vmem>>) target_semaphore(%run_scoped3A_17 : memref<!tpu.dma_semaphore, #tpu.memory_space<semaphore_mem>>)
      %dma_wait3A = arith.constant 0 : i32
      %dma_wait3A_21 = tpu.memref_slice %arg3[%mul3A_2, %dma_wait3A] : memref<2560x128xi32, #tpu.memory_space<hbm>> -> memref<80x128xi32, #tpu.memory_space<hbm>>
      %dma_wait3A_22 = arith.constant 0 : i32
      %dma_wait3A_23 = tpu.memref_slice %arg3[%mul3A_2, %dma_wait3A_22] : memref<2560x128xi32, #tpu.memory_space<hbm>> -> memref<80x128xi32, #tpu.memory_space<hbm>>
      tpu.wait_dma2 semaphore(%run_scoped3A_17 : memref<!tpu.dma_semaphore, #tpu.memory_space<semaphore_mem>>) src(%dma_wait3A_23 : memref<80x128xi32, #tpu.memory_space<hbm>>) dst(%arg7 : memref<80x128xi32, #tpu.memory_space<vmem>>)
      tpu.yield
    }) : () -> ()
    "tpu.region"() ({
      %run_scoped3A_17 = tpu.sem_alloc : memref<!tpu.dma_semaphore, #tpu.memory_space<semaphore_mem>>
      %dma_start3A = arith.constant 0 : i32
      %dma_start3A_18 = tpu.memref_slice %arg4[%mul3A_2, %dma_start3A] : memref<2560x128xi32, #tpu.memory_space<hbm>> -> memref<80x128xi32, #tpu.memory_space<hbm>>
      %dma_start3A_19 = arith.constant 0 : i32
      %dma_start3A_20 = tpu.memref_slice %arg4[%mul3A_2, %dma_start3A_19] : memref<2560x128xi32, #tpu.memory_space<hbm>> -> memref<80x128xi32, #tpu.memory_space<hbm>>
      tpu.enqueue_dma source(%dma_start3A_20 : memref<80x128xi32, #tpu.memory_space<hbm>>) target(%arg8 : memref<80x128xi32, #tpu.memory_space<vmem>>) target_semaphore(%run_scoped3A_17 : memref<!tpu.dma_semaphore, #tpu.memory_space<semaphore_mem>>)
      %dma_wait3A = arith.constant 0 : i32
      %dma_wait3A_21 = tpu.memref_slice %arg4[%mul3A_2, %dma_wait3A] : memref<2560x128xi32, #tpu.memory_space<hbm>> -> memref<80x128xi32, #tpu.memory_space<hbm>>
      %dma_wait3A_22 = arith.constant 0 : i32
      %dma_wait3A_23 = tpu.memref_slice %arg4[%mul3A_2, %dma_wait3A_22] : memref<2560x128xi32, #tpu.memory_space<hbm>> -> memref<80x128xi32, #tpu.memory_space<hbm>>
      tpu.wait_dma2 semaphore(%run_scoped3A_17 : memref<!tpu.dma_semaphore, #tpu.memory_space<semaphore_mem>>) src(%dma_wait3A_23 : memref<80x128xi32, #tpu.memory_space<hbm>>) dst(%arg8 : memref<80x128xi32, #tpu.memory_space<vmem>>)
      tpu.yield
    }) : () -> ()
    %mul3A_3 = arith.constant 640 : i32
    %mul3A_4 = arith.muli %arg1, %mul3A_3 : i32
    %mul3A_5 = arith.constant 640 : i32
    %mul3A_6 = arith.muli %arg1, %mul3A_5 : i32
    "tpu.region"() ({
      %run_scoped3A_17 = tpu.sem_alloc : memref<!tpu.dma_semaphore, #tpu.memory_space<semaphore_mem>>
      %dma_start3A = arith.constant 0 : i32
      %dma_start3A_18 = tpu.memref_slice %arg10[%mul3A_6, %dma_start3A] : memref<10240x128xf32, #tpu.memory_space<vmem_shared>> -> memref<640x128xf32, #tpu.memory_space<vmem_shared>>
      %dma_start3A_19 = arith.constant 0 : i32
      %dma_start3A_20 = tpu.memref_slice %arg5[%mul3A_4, %dma_start3A_19] : memref<10240x128xf32, #tpu.memory_space<hbm>> -> memref<640x128xf32, #tpu.memory_space<hbm>>
      tpu.enqueue_dma source(%dma_start3A_20 : memref<640x128xf32, #tpu.memory_space<hbm>>) target(%dma_start3A_18 : memref<640x128xf32, #tpu.memory_space<vmem_shared>>) target_semaphore(%run_scoped3A_17 : memref<!tpu.dma_semaphore, #tpu.memory_space<semaphore_mem>>)
      %dma_wait3A = arith.constant 0 : i32
      %dma_wait3A_21 = tpu.memref_slice %arg10[%mul3A_6, %dma_wait3A] : memref<10240x128xf32, #tpu.memory_space<vmem_shared>> -> memref<640x128xf32, #tpu.memory_space<vmem_shared>>
      %dma_wait3A_22 = arith.constant 0 : i32
      %dma_wait3A_23 = tpu.memref_slice %arg5[%mul3A_4, %dma_wait3A_22] : memref<10240x128xf32, #tpu.memory_space<hbm>> -> memref<640x128xf32, #tpu.memory_space<hbm>>
      tpu.wait_dma2 semaphore(%run_scoped3A_17 : memref<!tpu.dma_semaphore, #tpu.memory_space<semaphore_mem>>) src(%dma_wait3A_23 : memref<640x128xf32, #tpu.memory_space<hbm>>) dst(%dma_wait3A_21 : memref<640x128xf32, #tpu.memory_space<vmem_shared>>)
      tpu.yield
    }) : () -> ()
    %barrier3A = arith.constant 0 : index
    tpu.barrier barrier_id(%barrier3A)
    %scan3A = arith.constant 0 : i32
    %scan3A_7 = arith.constant 0 : i32
    %scan3A_8 = arith.constant 80 : i32
    %scan3A_9 = arith.addi %scan3A_7, %scan3A_8 : i32
    %scan3A_10 = arith.constant 1 : i32
    scf.for %scan3A_17 = %scan3A_7 to %scan3A_9 step %scan3A_10  : i32 {
      %dma_start3A = arith.constant 0 : i32
      %dma_start3A_18 = arith.constant 0 : i32
      %dma_start3A_19 = tpu.memref_slice %arg8[%scan3A_17, %dma_start3A_18] : memref<80x128xi32, #tpu.memory_space<vmem>> -> memref<1x128xi32, #tpu.memory_space<vmem>>
      %dma_start3A_20 = tpu.memref_squeeze %dma_start3A_19 : memref<1x128xi32, #tpu.memory_space<vmem>> -> memref<128xi32, #tpu.memory_space<vmem>>
      %dma_start3A_21 = arith.constant 0 : i32
      %dma_start3A_22 = arith.constant 0 : i32
      %dma_start3A_23 = tpu.memref_slice %arg2[%dma_start3A, %dma_start3A_21, %dma_start3A_22] : memref<1x10240x128xf32, #tpu.memory_space<hbm>> -> memref<1x10240x128xf32, #tpu.memory_space<hbm>>
      %dma_start3A_24 = tpu.memref_squeeze %dma_start3A_23 : memref<1x10240x128xf32, #tpu.memory_space<hbm>> -> memref<10240x128xf32, #tpu.memory_space<hbm>>
      %dma_start3A_25 = arith.constant 0 : i32
      %dma_start3A_26 = arith.constant 0 : i32
      %dma_start3A_27 = tpu.memref_slice %dma_start3A_24[%dma_start3A_25, %dma_start3A_26] : memref<10240x128xf32, #tpu.memory_space<hbm>> -> memref<10240x128xf32, #tpu.memory_space<hbm>>
      tpu.enqueue_indirect_dma source(%dma_start3A_27 : memref<10240x128xf32, #tpu.memory_space<hbm>>) target(%arg9 : memref<128x128xf32, #tpu.memory_space<vmem>>) offsets(%dma_start3A_20 : memref<128xi32, #tpu.memory_space<vmem>>) semaphore(%arg11 : memref<!tpu.dma_semaphore, #tpu.memory_space<semaphore_mem>>)
      %dma_wait3A = arith.constant 0 : i32
      %dma_wait3A_28 = arith.constant 0 : i32
      %dma_wait3A_29 = tpu.memref_slice %arg8[%scan3A_17, %dma_wait3A_28] : memref<80x128xi32, #tpu.memory_space<vmem>> -> memref<1x128xi32, #tpu.memory_space<vmem>>
      %dma_wait3A_30 = tpu.memref_squeeze %dma_wait3A_29 : memref<1x128xi32, #tpu.memory_space<vmem>> -> memref<128xi32, #tpu.memory_space<vmem>>
      %dma_wait3A_31 = arith.constant 0 : i32
      %dma_wait3A_32 = arith.constant 0 : i32
      %dma_wait3A_33 = tpu.memref_slice %arg2[%dma_wait3A, %dma_wait3A_31, %dma_wait3A_32] : memref<1x10240x128xf32, #tpu.memory_space<hbm>> -> memref<1x10240x128xf32, #tpu.memory_space<hbm>>
      %dma_wait3A_34 = tpu.memref_squeeze %dma_wait3A_33 : memref<1x10240x128xf32, #tpu.memory_space<hbm>> -> memref<10240x128xf32, #tpu.memory_space<hbm>>
      %dma_wait3A_35 = arith.constant 0 : i32
      %dma_wait3A_36 = arith.constant 0 : i32
      %dma_wait3A_37 = tpu.memref_slice %dma_wait3A_34[%dma_wait3A_35, %dma_wait3A_36] : memref<10240x128xf32, #tpu.memory_space<hbm>> -> memref<10240x128xf32, #tpu.memory_space<hbm>>
      tpu.wait_indirect_dma semaphore(%arg11 : memref<!tpu.dma_semaphore, #tpu.memory_space<semaphore_mem>>) src(%dma_wait3A_37 : memref<10240x128xf32, #tpu.memory_space<hbm>>) dst(%arg9 : memref<128x128xf32, #tpu.memory_space<vmem>>)
      "tpu.region"() ({
        %run_scoped3A_38 = tpu.sem_alloc : memref<!tpu.dma_semaphore, #tpu.memory_space<semaphore_mem>>
        %dma_start3A_39 = arith.constant 0 : i32
        %dma_start3A_40 = tpu.memref_slice %arg7[%scan3A_17, %dma_start3A_39] : memref<80x128xi32, #tpu.memory_space<vmem>> -> memref<1x128xi32, #tpu.memory_space<vmem>>
        %dma_start3A_41 = tpu.memref_squeeze %dma_start3A_40 : memref<1x128xi32, #tpu.memory_space<vmem>> -> memref<128xi32, #tpu.memory_space<vmem>>
        %dma_start3A_42 = arith.constant 0 : i32
        %dma_start3A_43 = arith.constant 0 : i32
        %dma_start3A_44 = tpu.memref_slice %arg10[%dma_start3A_42, %dma_start3A_43] : memref<10240x128xf32, #tpu.memory_space<vmem_shared>> -> memref<10240x128xf32, #tpu.memory_space<vmem_shared>>
        tpu.enqueue_indirect_dma source(%arg9 : memref<128x128xf32, #tpu.memory_space<vmem>>) target(%dma_start3A_44 : memref<10240x128xf32, #tpu.memory_space<vmem_shared>>) offsets(%dma_start3A_41 : memref<128xi32, #tpu.memory_space<vmem>>) semaphore(%run_scoped3A_38 : memref<!tpu.dma_semaphore, #tpu.memory_space<semaphore_mem>>) {add = true}
        %dma_wait3A_45 = arith.constant 0 : i32
        %dma_wait3A_46 = tpu.memref_slice %arg7[%scan3A_17, %dma_wait3A_45] : memref<80x128xi32, #tpu.memory_space<vmem>> -> memref<1x128xi32, #tpu.memory_space<vmem>>
        %dma_wait3A_47 = tpu.memref_squeeze %dma_wait3A_46 : memref<1x128xi32, #tpu.memory_space<vmem>> -> memref<128xi32, #tpu.memory_space<vmem>>
        %dma_wait3A_48 = arith.constant 0 : i32
        %dma_wait3A_49 = arith.constant 0 : i32
        %dma_wait3A_50 = tpu.memref_slice %arg10[%dma_wait3A_48, %dma_wait3A_49] : memref<10240x128xf32, #tpu.memory_space<vmem_shared>> -> memref<10240x128xf32, #tpu.memory_space<vmem_shared>>
        tpu.wait_indirect_dma semaphore(%run_scoped3A_38 : memref<!tpu.dma_semaphore, #tpu.memory_space<semaphore_mem>>) src(%arg9 : memref<128x128xf32, #tpu.memory_space<vmem>>) dst(%dma_wait3A_50 : memref<10240x128xf32, #tpu.memory_space<vmem_shared>>)
        tpu.yield
      }) : () -> ()
    }
    %scan3A_11 = arith.constant 80 : i32
    %barrier3A_12 = arith.constant 0 : index
    tpu.barrier barrier_id(%barrier3A_12)
    %mul3A_13 = arith.constant 640 : i32
    %mul3A_14 = arith.muli %arg1, %mul3A_13 : i32
    %mul3A_15 = arith.constant 640 : i32
    %mul3A_16 = arith.muli %arg1, %mul3A_15 : i32
    %run_scoped3A = arith.constant 0 : i32
    "tpu.region"() ({
      %run_scoped3A_17 = tpu.sem_alloc : memref<!tpu.dma_semaphore, #tpu.memory_space<semaphore_mem>>
      %dma_start3A = arith.constant 0 : i32
      %dma_start3A_18 = arith.constant 0 : i32
      %dma_start3A_19 = arith.constant 0 : i32
      %dma_start3A_20 = tpu.memref_slice %arg6[%arg0, %dma_start3A, %dma_start3A_18, %dma_start3A_19] : memref<2x1x10240x128xf32, #tpu.memory_space<hbm>> -> memref<1x1x10240x128xf32, #tpu.memory_space<hbm>>
      %dma_start3A_21 = tpu.memref_squeeze %dma_start3A_20 : memref<1x1x10240x128xf32, #tpu.memory_space<hbm>> -> memref<1x10240x128xf32, #tpu.memory_space<hbm>>
      %dma_start3A_22 = arith.constant 0 : i32
      %dma_start3A_23 = arith.constant 0 : i32
      %dma_start3A_24 = tpu.memref_slice %dma_start3A_21[%run_scoped3A, %dma_start3A_22, %dma_start3A_23] : memref<1x10240x128xf32, #tpu.memory_space<hbm>> -> memref<1x10240x128xf32, #tpu.memory_space<hbm>>
      %dma_start3A_25 = tpu.memref_squeeze %dma_start3A_24 : memref<1x10240x128xf32, #tpu.memory_space<hbm>> -> memref<10240x128xf32, #tpu.memory_space<hbm>>
      %dma_start3A_26 = arith.constant 0 : i32
      %dma_start3A_27 = tpu.memref_slice %dma_start3A_25[%mul3A_16, %dma_start3A_26] : memref<10240x128xf32, #tpu.memory_space<hbm>> -> memref<640x128xf32, #tpu.memory_space<hbm>>
      %dma_start3A_28 = arith.constant 0 : i32
      %dma_start3A_29 = tpu.memref_slice %arg10[%mul3A_14, %dma_start3A_28] : memref<10240x128xf32, #tpu.memory_space<vmem_shared>> -> memref<640x128xf32, #tpu.memory_space<vmem_shared>>
      tpu.enqueue_dma source(%dma_start3A_29 : memref<640x128xf32, #tpu.memory_space<vmem_shared>>) target(%dma_start3A_27 : memref<640x128xf32, #tpu.memory_space<hbm>>) target_semaphore(%run_scoped3A_17 : memref<!tpu.dma_semaphore, #tpu.memory_space<semaphore_mem>>)
      %dma_wait3A = arith.constant 0 : i32
      %dma_wait3A_30 = arith.constant 0 : i32
      %dma_wait3A_31 = arith.constant 0 : i32
      %dma_wait3A_32 = tpu.memref_slice %arg6[%arg0, %dma_wait3A, %dma_wait3A_30, %dma_wait3A_31] : memref<2x1x10240x128xf32, #tpu.memory_space<hbm>> -> memref<1x1x10240x128xf32, #tpu.memory_space<hbm>>
      %dma_wait3A_33 = tpu.memref_squeeze %dma_wait3A_32 : memref<1x1x10240x128xf32, #tpu.memory_space<hbm>> -> memref<1x10240x128xf32, #tpu.memory_space<hbm>>
      %dma_wait3A_34 = arith.constant 0 : i32
      %dma_wait3A_35 = arith.constant 0 : i32
      %dma_wait3A_36 = tpu.memref_slice %dma_wait3A_33[%run_scoped3A, %dma_wait3A_34, %dma_wait3A_35] : memref<1x10240x128xf32, #tpu.memory_space<hbm>> -> memref<1x10240x128xf32, #tpu.memory_space<hbm>>
      %dma_wait3A_37 = tpu.memref_squeeze %dma_wait3A_36 : memref<1x10240x128xf32, #tpu.memory_space<hbm>> -> memref<10240x128xf32, #tpu.memory_space<hbm>>
      %dma_wait3A_38 = arith.constant 0 : i32
      %dma_wait3A_39 = tpu.memref_slice %dma_wait3A_37[%mul3A_16, %dma_wait3A_38] : memref<10240x128xf32, #tpu.memory_space<hbm>> -> memref<640x128xf32, #tpu.memory_space<hbm>>
      %dma_wait3A_40 = arith.constant 0 : i32
      %dma_wait3A_41 = tpu.memref_slice %arg10[%mul3A_14, %dma_wait3A_40] : memref<10240x128xf32, #tpu.memory_space<vmem_shared>> -> memref<640x128xf32, #tpu.memory_space<vmem_shared>>
      tpu.wait_dma2 semaphore(%run_scoped3A_17 : memref<!tpu.dma_semaphore, #tpu.memory_space<semaphore_mem>>) src(%dma_wait3A_41 : memref<640x128xf32, #tpu.memory_space<vmem_shared>>) dst(%dma_wait3A_39 : memref<640x128xf32, #tpu.memory_space<hbm>>)
      tpu.yield
    }) : () -> ()
    return
  }
}

#map = affine_map<(d0, d1) -> (0, 0)>
#map1 = affine_map<(d0, d1) -> (0)>
module attributes {stable_mosaic.version = 14 : i64} {
  func.func @_sc_gather_xy(%arg0: i32, %arg1: i32, %arg2: memref<10240x128xf32, #tpu.memory_space<hbm>>, %arg3: memref<327680xi32, #tpu.memory_space<hbm>>, %arg4: memref<327680xi32, #tpu.memory_space<hbm>>, %arg5: memref<327680x128xf32, #tpu.memory_space<hbm>>, %arg6: memref<327680x128xf32, #tpu.memory_space<hbm>>, %arg7: memref<128xi32, #tpu.memory_space<vmem>>, %arg8: memref<128x128xf32, #tpu.memory_space<vmem>>, %arg9: memref<!tpu.dma_semaphore, #tpu.memory_space<semaphore_mem>>) attributes {dimension_semantics = [#tpu.dimension_semantics<core_parallel>, #tpu.dimension_semantics<subcore_parallel>], iteration_bounds = array<i64: 2, 16>, scalar_prefetch = 0 : i64, scratch_operands = 3 : i64, tpu.core_type = #tpu.core_type<sc_vector_subcore>, window_params = [{transform_indices = #map}, {transform_indices = #map1}, {transform_indices = #map1}, {transform_indices = #map}, {transform_indices = #map}]} {
    %mul3A = arith.constant 2 : i32
    %mul3A_0 = arith.muli %arg1, %mul3A : i32
    %add3A = arith.addi %mul3A_0, %arg0 : i32
    %mul3A_1 = arith.constant 80 : i32
    %mul3A_2 = arith.muli %add3A, %mul3A_1 : i32
    %mul3A_3 = arith.constant 128 : i32
    %mul3A_4 = arith.muli %mul3A_2, %mul3A_3 : i32
    %scan3A = arith.constant 0 : i32
    %scan3A_5 = arith.constant 0 : i32
    %scan3A_6 = arith.constant 80 : i32
    %scan3A_7 = arith.addi %scan3A_5, %scan3A_6 : i32
    %scan3A_8 = arith.constant 1 : i32
    scf.for %scan3A_10 = %scan3A_5 to %scan3A_7 step %scan3A_8  : i32 {
      %mul3A_11 = arith.constant 128 : i32
      %mul3A_12 = arith.muli %scan3A_10, %mul3A_11 : i32
      %add3A_13 = arith.addi %mul3A_4, %mul3A_12 : i32
      "tpu.region"() ({
        %run_scoped3A = tpu.sem_alloc : memref<!tpu.dma_semaphore, #tpu.memory_space<semaphore_mem>>
        %dma_start3A_24 = tpu.memref_slice %arg3[%add3A_13] : memref<327680xi32, #tpu.memory_space<hbm>> -> memref<128xi32, #tpu.memory_space<hbm>>
        %dma_start3A_25 = tpu.memref_slice %arg3[%add3A_13] : memref<327680xi32, #tpu.memory_space<hbm>> -> memref<128xi32, #tpu.memory_space<hbm>>
        tpu.enqueue_dma source(%dma_start3A_25 : memref<128xi32, #tpu.memory_space<hbm>>) target(%arg7 : memref<128xi32, #tpu.memory_space<vmem>>) target_semaphore(%run_scoped3A : memref<!tpu.dma_semaphore, #tpu.memory_space<semaphore_mem>>)
        %dma_wait3A_26 = tpu.memref_slice %arg3[%add3A_13] : memref<327680xi32, #tpu.memory_space<hbm>> -> memref<128xi32, #tpu.memory_space<hbm>>
        %dma_wait3A_27 = tpu.memref_slice %arg3[%add3A_13] : memref<327680xi32, #tpu.memory_space<hbm>> -> memref<128xi32, #tpu.memory_space<hbm>>
        tpu.wait_dma2 semaphore(%run_scoped3A : memref<!tpu.dma_semaphore, #tpu.memory_space<semaphore_mem>>) src(%dma_wait3A_27 : memref<128xi32, #tpu.memory_space<hbm>>) dst(%arg7 : memref<128xi32, #tpu.memory_space<vmem>>)
        tpu.yield
      }) : () -> ()
      %dma_start3A = arith.constant 0 : i32
      %dma_start3A_14 = arith.constant 0 : i32
      %dma_start3A_15 = tpu.memref_slice %arg2[%dma_start3A, %dma_start3A_14] : memref<10240x128xf32, #tpu.memory_space<hbm>> -> memref<10240x128xf32, #tpu.memory_space<hbm>>
      tpu.enqueue_indirect_dma source(%dma_start3A_15 : memref<10240x128xf32, #tpu.memory_space<hbm>>) target(%arg8 : memref<128x128xf32, #tpu.memory_space<vmem>>) offsets(%arg7 : memref<128xi32, #tpu.memory_space<vmem>>) semaphore(%arg9 : memref<!tpu.dma_semaphore, #tpu.memory_space<semaphore_mem>>)
      %dma_wait3A = arith.constant 0 : i32
      %dma_wait3A_16 = arith.constant 0 : i32
      %dma_wait3A_17 = tpu.memref_slice %arg2[%dma_wait3A, %dma_wait3A_16] : memref<10240x128xf32, #tpu.memory_space<hbm>> -> memref<10240x128xf32, #tpu.memory_space<hbm>>
      tpu.wait_indirect_dma semaphore(%arg9 : memref<!tpu.dma_semaphore, #tpu.memory_space<semaphore_mem>>) src(%dma_wait3A_17 : memref<10240x128xf32, #tpu.memory_space<hbm>>) dst(%arg8 : memref<128x128xf32, #tpu.memory_space<vmem>>)
      "tpu.region"() ({
        %run_scoped3A = tpu.sem_alloc : memref<!tpu.dma_semaphore, #tpu.memory_space<semaphore_mem>>
        %dma_start3A_24 = arith.constant 0 : i32
        %dma_start3A_25 = tpu.memref_slice %arg5[%add3A_13, %dma_start3A_24] : memref<327680x128xf32, #tpu.memory_space<hbm>> -> memref<128x128xf32, #tpu.memory_space<hbm>>
        %dma_start3A_26 = arith.constant 0 : i32
        %dma_start3A_27 = tpu.memref_slice %arg5[%add3A_13, %dma_start3A_26] : memref<327680x128xf32, #tpu.memory_space<hbm>> -> memref<128x128xf32, #tpu.memory_space<hbm>>
        tpu.enqueue_dma source(%arg8 : memref<128x128xf32, #tpu.memory_space<vmem>>) target(%dma_start3A_27 : memref<128x128xf32, #tpu.memory_space<hbm>>) target_semaphore(%run_scoped3A : memref<!tpu.dma_semaphore, #tpu.memory_space<semaphore_mem>>)
        %dma_wait3A_28 = arith.constant 0 : i32
        %dma_wait3A_29 = tpu.memref_slice %arg5[%add3A_13, %dma_wait3A_28] : memref<327680x128xf32, #tpu.memory_space<hbm>> -> memref<128x128xf32, #tpu.memory_space<hbm>>
        %dma_wait3A_30 = arith.constant 0 : i32
        %dma_wait3A_31 = tpu.memref_slice %arg5[%add3A_13, %dma_wait3A_30] : memref<327680x128xf32, #tpu.memory_space<hbm>> -> memref<128x128xf32, #tpu.memory_space<hbm>>
        tpu.wait_dma2 semaphore(%run_scoped3A : memref<!tpu.dma_semaphore, #tpu.memory_space<semaphore_mem>>) src(%arg8 : memref<128x128xf32, #tpu.memory_space<vmem>>) dst(%dma_wait3A_31 : memref<128x128xf32, #tpu.memory_space<hbm>>)
        tpu.yield
      }) : () -> ()
      "tpu.region"() ({
        %run_scoped3A = tpu.sem_alloc : memref<!tpu.dma_semaphore, #tpu.memory_space<semaphore_mem>>
        %dma_start3A_24 = tpu.memref_slice %arg4[%add3A_13] : memref<327680xi32, #tpu.memory_space<hbm>> -> memref<128xi32, #tpu.memory_space<hbm>>
        %dma_start3A_25 = tpu.memref_slice %arg4[%add3A_13] : memref<327680xi32, #tpu.memory_space<hbm>> -> memref<128xi32, #tpu.memory_space<hbm>>
        tpu.enqueue_dma source(%dma_start3A_25 : memref<128xi32, #tpu.memory_space<hbm>>) target(%arg7 : memref<128xi32, #tpu.memory_space<vmem>>) target_semaphore(%run_scoped3A : memref<!tpu.dma_semaphore, #tpu.memory_space<semaphore_mem>>)
        %dma_wait3A_26 = tpu.memref_slice %arg4[%add3A_13] : memref<327680xi32, #tpu.memory_space<hbm>> -> memref<128xi32, #tpu.memory_space<hbm>>
        %dma_wait3A_27 = tpu.memref_slice %arg4[%add3A_13] : memref<327680xi32, #tpu.memory_space<hbm>> -> memref<128xi32, #tpu.memory_space<hbm>>
        tpu.wait_dma2 semaphore(%run_scoped3A : memref<!tpu.dma_semaphore, #tpu.memory_space<semaphore_mem>>) src(%dma_wait3A_27 : memref<128xi32, #tpu.memory_space<hbm>>) dst(%arg7 : memref<128xi32, #tpu.memory_space<vmem>>)
        tpu.yield
      }) : () -> ()
      %dma_start3A_18 = arith.constant 0 : i32
      %dma_start3A_19 = arith.constant 0 : i32
      %dma_start3A_20 = tpu.memref_slice %arg2[%dma_start3A_18, %dma_start3A_19] : memref<10240x128xf32, #tpu.memory_space<hbm>> -> memref<10240x128xf32, #tpu.memory_space<hbm>>
      tpu.enqueue_indirect_dma source(%dma_start3A_20 : memref<10240x128xf32, #tpu.memory_space<hbm>>) target(%arg8 : memref<128x128xf32, #tpu.memory_space<vmem>>) offsets(%arg7 : memref<128xi32, #tpu.memory_space<vmem>>) semaphore(%arg9 : memref<!tpu.dma_semaphore, #tpu.memory_space<semaphore_mem>>)
      %dma_wait3A_21 = arith.constant 0 : i32
      %dma_wait3A_22 = arith.constant 0 : i32
      %dma_wait3A_23 = tpu.memref_slice %arg2[%dma_wait3A_21, %dma_wait3A_22] : memref<10240x128xf32, #tpu.memory_space<hbm>> -> memref<10240x128xf32, #tpu.memory_space<hbm>>
      tpu.wait_indirect_dma semaphore(%arg9 : memref<!tpu.dma_semaphore, #tpu.memory_space<semaphore_mem>>) src(%dma_wait3A_23 : memref<10240x128xf32, #tpu.memory_space<hbm>>) dst(%arg8 : memref<128x128xf32, #tpu.memory_space<vmem>>)
      "tpu.region"() ({
        %run_scoped3A = tpu.sem_alloc : memref<!tpu.dma_semaphore, #tpu.memory_space<semaphore_mem>>
        %dma_start3A_24 = arith.constant 0 : i32
        %dma_start3A_25 = tpu.memref_slice %arg6[%add3A_13, %dma_start3A_24] : memref<327680x128xf32, #tpu.memory_space<hbm>> -> memref<128x128xf32, #tpu.memory_space<hbm>>
        %dma_start3A_26 = arith.constant 0 : i32
        %dma_start3A_27 = tpu.memref_slice %arg6[%add3A_13, %dma_start3A_26] : memref<327680x128xf32, #tpu.memory_space<hbm>> -> memref<128x128xf32, #tpu.memory_space<hbm>>
        tpu.enqueue_dma source(%arg8 : memref<128x128xf32, #tpu.memory_space<vmem>>) target(%dma_start3A_27 : memref<128x128xf32, #tpu.memory_space<hbm>>) target_semaphore(%run_scoped3A : memref<!tpu.dma_semaphore, #tpu.memory_space<semaphore_mem>>)
        %dma_wait3A_28 = arith.constant 0 : i32
        %dma_wait3A_29 = tpu.memref_slice %arg6[%add3A_13, %dma_wait3A_28] : memref<327680x128xf32, #tpu.memory_space<hbm>> -> memref<128x128xf32, #tpu.memory_space<hbm>>
        %dma_wait3A_30 = arith.constant 0 : i32
        %dma_wait3A_31 = tpu.memref_slice %arg6[%add3A_13, %dma_wait3A_30] : memref<327680x128xf32, #tpu.memory_space<hbm>> -> memref<128x128xf32, #tpu.memory_space<hbm>>
        tpu.wait_dma2 semaphore(%run_scoped3A : memref<!tpu.dma_semaphore, #tpu.memory_space<semaphore_mem>>) src(%arg8 : memref<128x128xf32, #tpu.memory_space<vmem>>) dst(%dma_wait3A_31 : memref<128x128xf32, #tpu.memory_space<hbm>>)
        tpu.yield
      }) : () -> ()
    }
    %scan3A_9 = arith.constant 80 : i32
    return
  }
}

#map = affine_map<(d0, d1) -> (0, 0, 0)>
#map1 = affine_map<(d0, d1) -> (0, 0)>
#map2 = affine_map<(d0, d1) -> (0, 0, 0, 0)>
module attributes {stable_mosaic.version = 14 : i64} {
  func.func @_k(%arg0: i32, %arg1: i32, %arg2: memref<1x10240x128xf32, #tpu.memory_space<hbm>>, %arg3: memref<2560x128xi32, #tpu.memory_space<hbm>>, %arg4: memref<2560x128xi32, #tpu.memory_space<hbm>>, %arg5: memref<10240x128xf32, #tpu.memory_space<hbm>>, %arg6: memref<2x1x10240x128xf32, #tpu.memory_space<hbm>>, %arg7: memref<80x128xi32, #tpu.memory_space<vmem>>, %arg8: memref<80x128xi32, #tpu.memory_space<vmem>>, %arg9: memref<128x128xf32, #tpu.memory_space<vmem>>, %arg10: memref<10240x128xf32, #tpu.memory_space<vmem_shared>>, %arg11: memref<!tpu.dma_semaphore, #tpu.memory_space<semaphore_mem>>) attributes {dimension_semantics = [#tpu.dimension_semantics<core_parallel>, #tpu.dimension_semantics<subcore_parallel>], iteration_bounds = array<i64: 2, 16>, scalar_prefetch = 0 : i64, scratch_operands = 5 : i64, tpu.core_type = #tpu.core_type<sc_vector_subcore>, window_params = [{transform_indices = #map}, {transform_indices = #map1}, {transform_indices = #map1}, {transform_indices = #map1}, {transform_indices = #map2}]} {
    %mul3A = arith.constant 2 : i32
    %mul3A_0 = arith.muli %arg1, %mul3A : i32
    %add3A = arith.addi %mul3A_0, %arg0 : i32
    %mul3A_1 = arith.constant 80 : i32
    %mul3A_2 = arith.muli %add3A, %mul3A_1 : i32
    "tpu.region"() ({
      %run_scoped3A_17 = tpu.sem_alloc : memref<!tpu.dma_semaphore, #tpu.memory_space<semaphore_mem>>
      %dma_start3A = arith.constant 0 : i32
      %dma_start3A_18 = tpu.memref_slice %arg3[%mul3A_2, %dma_start3A] : memref<2560x128xi32, #tpu.memory_space<hbm>> -> memref<80x128xi32, #tpu.memory_space<hbm>>
      %dma_start3A_19 = arith.constant 0 : i32
      %dma_start3A_20 = tpu.memref_slice %arg3[%mul3A_2, %dma_start3A_19] : memref<2560x128xi32, #tpu.memory_space<hbm>> -> memref<80x128xi32, #tpu.memory_space<hbm>>
      tpu.enqueue_dma source(%dma_start3A_20 : memref<80x128xi32, #tpu.memory_space<hbm>>) target(%arg7 : memref<80x128xi32, #tpu.memory_space<vmem>>) target_semaphore(%run_scoped3A_17 : memref<!tpu.dma_semaphore, #tpu.memory_space<semaphore_mem>>)
      %dma_wait3A = arith.constant 0 : i32
      %dma_wait3A_21 = tpu.memref_slice %arg3[%mul3A_2, %dma_wait3A] : memref<2560x128xi32, #tpu.memory_space<hbm>> -> memref<80x128xi32, #tpu.memory_space<hbm>>
      %dma_wait3A_22 = arith.constant 0 : i32
      %dma_wait3A_23 = tpu.memref_slice %arg3[%mul3A_2, %dma_wait3A_22] : memref<2560x128xi32, #tpu.memory_space<hbm>> -> memref<80x128xi32, #tpu.memory_space<hbm>>
      tpu.wait_dma2 semaphore(%run_scoped3A_17 : memref<!tpu.dma_semaphore, #tpu.memory_space<semaphore_mem>>) src(%dma_wait3A_23 : memref<80x128xi32, #tpu.memory_space<hbm>>) dst(%arg7 : memref<80x128xi32, #tpu.memory_space<vmem>>)
      tpu.yield
    }) : () -> ()
    "tpu.region"() ({
      %run_scoped3A_17 = tpu.sem_alloc : memref<!tpu.dma_semaphore, #tpu.memory_space<semaphore_mem>>
      %dma_start3A = arith.constant 0 : i32
      %dma_start3A_18 = tpu.memref_slice %arg4[%mul3A_2, %dma_start3A] : memref<2560x128xi32, #tpu.memory_space<hbm>> -> memref<80x128xi32, #tpu.memory_space<hbm>>
      %dma_start3A_19 = arith.constant 0 : i32
      %dma_start3A_20 = tpu.memref_slice %arg4[%mul3A_2, %dma_start3A_19] : memref<2560x128xi32, #tpu.memory_space<hbm>> -> memref<80x128xi32, #tpu.memory_space<hbm>>
      tpu.enqueue_dma source(%dma_start3A_20 : memref<80x128xi32, #tpu.memory_space<hbm>>) target(%arg8 : memref<80x128xi32, #tpu.memory_space<vmem>>) target_semaphore(%run_scoped3A_17 : memref<!tpu.dma_semaphore, #tpu.memory_space<semaphore_mem>>)
      %dma_wait3A = arith.constant 0 : i32
      %dma_wait3A_21 = tpu.memref_slice %arg4[%mul3A_2, %dma_wait3A] : memref<2560x128xi32, #tpu.memory_space<hbm>> -> memref<80x128xi32, #tpu.memory_space<hbm>>
      %dma_wait3A_22 = arith.constant 0 : i32
      %dma_wait3A_23 = tpu.memref_slice %arg4[%mul3A_2, %dma_wait3A_22] : memref<2560x128xi32, #tpu.memory_space<hbm>> -> memref<80x128xi32, #tpu.memory_space<hbm>>
      tpu.wait_dma2 semaphore(%run_scoped3A_17 : memref<!tpu.dma_semaphore, #tpu.memory_space<semaphore_mem>>) src(%dma_wait3A_23 : memref<80x128xi32, #tpu.memory_space<hbm>>) dst(%arg8 : memref<80x128xi32, #tpu.memory_space<vmem>>)
      tpu.yield
    }) : () -> ()
    %mul3A_3 = arith.constant 640 : i32
    %mul3A_4 = arith.muli %arg1, %mul3A_3 : i32
    %mul3A_5 = arith.constant 640 : i32
    %mul3A_6 = arith.muli %arg1, %mul3A_5 : i32
    "tpu.region"() ({
      %run_scoped3A_17 = tpu.sem_alloc : memref<!tpu.dma_semaphore, #tpu.memory_space<semaphore_mem>>
      %dma_start3A = arith.constant 0 : i32
      %dma_start3A_18 = tpu.memref_slice %arg10[%mul3A_6, %dma_start3A] : memref<10240x128xf32, #tpu.memory_space<vmem_shared>> -> memref<640x128xf32, #tpu.memory_space<vmem_shared>>
      %dma_start3A_19 = arith.constant 0 : i32
      %dma_start3A_20 = tpu.memref_slice %arg5[%mul3A_4, %dma_start3A_19] : memref<10240x128xf32, #tpu.memory_space<hbm>> -> memref<640x128xf32, #tpu.memory_space<hbm>>
      tpu.enqueue_dma source(%dma_start3A_20 : memref<640x128xf32, #tpu.memory_space<hbm>>) target(%dma_start3A_18 : memref<640x128xf32, #tpu.memory_space<vmem_shared>>) target_semaphore(%run_scoped3A_17 : memref<!tpu.dma_semaphore, #tpu.memory_space<semaphore_mem>>)
      %dma_wait3A = arith.constant 0 : i32
      %dma_wait3A_21 = tpu.memref_slice %arg10[%mul3A_6, %dma_wait3A] : memref<10240x128xf32, #tpu.memory_space<vmem_shared>> -> memref<640x128xf32, #tpu.memory_space<vmem_shared>>
      %dma_wait3A_22 = arith.constant 0 : i32
      %dma_wait3A_23 = tpu.memref_slice %arg5[%mul3A_4, %dma_wait3A_22] : memref<10240x128xf32, #tpu.memory_space<hbm>> -> memref<640x128xf32, #tpu.memory_space<hbm>>
      tpu.wait_dma2 semaphore(%run_scoped3A_17 : memref<!tpu.dma_semaphore, #tpu.memory_space<semaphore_mem>>) src(%dma_wait3A_23 : memref<640x128xf32, #tpu.memory_space<hbm>>) dst(%dma_wait3A_21 : memref<640x128xf32, #tpu.memory_space<vmem_shared>>)
      tpu.yield
    }) : () -> ()
    %barrier3A = arith.constant 0 : index
    tpu.barrier barrier_id(%barrier3A)
    %scan3A = arith.constant 0 : i32
    %scan3A_7 = arith.constant 0 : i32
    %scan3A_8 = arith.constant 80 : i32
    %scan3A_9 = arith.addi %scan3A_7, %scan3A_8 : i32
    %scan3A_10 = arith.constant 1 : i32
    scf.for %scan3A_17 = %scan3A_7 to %scan3A_9 step %scan3A_10  : i32 {
      %dma_start3A = arith.constant 0 : i32
      %dma_start3A_18 = arith.constant 0 : i32
      %dma_start3A_19 = tpu.memref_slice %arg8[%scan3A_17, %dma_start3A_18] : memref<80x128xi32, #tpu.memory_space<vmem>> -> memref<1x128xi32, #tpu.memory_space<vmem>>
      %dma_start3A_20 = tpu.memref_squeeze %dma_start3A_19 : memref<1x128xi32, #tpu.memory_space<vmem>> -> memref<128xi32, #tpu.memory_space<vmem>>
      %dma_start3A_21 = arith.constant 0 : i32
      %dma_start3A_22 = arith.constant 0 : i32
      %dma_start3A_23 = tpu.memref_slice %arg2[%dma_start3A, %dma_start3A_21, %dma_start3A_22] : memref<1x10240x128xf32, #tpu.memory_space<hbm>> -> memref<1x10240x128xf32, #tpu.memory_space<hbm>>
      %dma_start3A_24 = tpu.memref_squeeze %dma_start3A_23 : memref<1x10240x128xf32, #tpu.memory_space<hbm>> -> memref<10240x128xf32, #tpu.memory_space<hbm>>
      %dma_start3A_25 = arith.constant 0 : i32
      %dma_start3A_26 = arith.constant 0 : i32
      %dma_start3A_27 = tpu.memref_slice %dma_start3A_24[%dma_start3A_25, %dma_start3A_26] : memref<10240x128xf32, #tpu.memory_space<hbm>> -> memref<10240x128xf32, #tpu.memory_space<hbm>>
      tpu.enqueue_indirect_dma source(%dma_start3A_27 : memref<10240x128xf32, #tpu.memory_space<hbm>>) target(%arg9 : memref<128x128xf32, #tpu.memory_space<vmem>>) offsets(%dma_start3A_20 : memref<128xi32, #tpu.memory_space<vmem>>) semaphore(%arg11 : memref<!tpu.dma_semaphore, #tpu.memory_space<semaphore_mem>>)
      %dma_wait3A = arith.constant 0 : i32
      %dma_wait3A_28 = arith.constant 0 : i32
      %dma_wait3A_29 = tpu.memref_slice %arg8[%scan3A_17, %dma_wait3A_28] : memref<80x128xi32, #tpu.memory_space<vmem>> -> memref<1x128xi32, #tpu.memory_space<vmem>>
      %dma_wait3A_30 = tpu.memref_squeeze %dma_wait3A_29 : memref<1x128xi32, #tpu.memory_space<vmem>> -> memref<128xi32, #tpu.memory_space<vmem>>
      %dma_wait3A_31 = arith.constant 0 : i32
      %dma_wait3A_32 = arith.constant 0 : i32
      %dma_wait3A_33 = tpu.memref_slice %arg2[%dma_wait3A, %dma_wait3A_31, %dma_wait3A_32] : memref<1x10240x128xf32, #tpu.memory_space<hbm>> -> memref<1x10240x128xf32, #tpu.memory_space<hbm>>
      %dma_wait3A_34 = tpu.memref_squeeze %dma_wait3A_33 : memref<1x10240x128xf32, #tpu.memory_space<hbm>> -> memref<10240x128xf32, #tpu.memory_space<hbm>>
      %dma_wait3A_35 = arith.constant 0 : i32
      %dma_wait3A_36 = arith.constant 0 : i32
      %dma_wait3A_37 = tpu.memref_slice %dma_wait3A_34[%dma_wait3A_35, %dma_wait3A_36] : memref<10240x128xf32, #tpu.memory_space<hbm>> -> memref<10240x128xf32, #tpu.memory_space<hbm>>
      tpu.wait_indirect_dma semaphore(%arg11 : memref<!tpu.dma_semaphore, #tpu.memory_space<semaphore_mem>>) src(%dma_wait3A_37 : memref<10240x128xf32, #tpu.memory_space<hbm>>) dst(%arg9 : memref<128x128xf32, #tpu.memory_space<vmem>>)
      "tpu.region"() ({
        %run_scoped3A_38 = tpu.sem_alloc : memref<!tpu.dma_semaphore, #tpu.memory_space<semaphore_mem>>
        %dma_start3A_39 = arith.constant 0 : i32
        %dma_start3A_40 = tpu.memref_slice %arg7[%scan3A_17, %dma_start3A_39] : memref<80x128xi32, #tpu.memory_space<vmem>> -> memref<1x128xi32, #tpu.memory_space<vmem>>
        %dma_start3A_41 = tpu.memref_squeeze %dma_start3A_40 : memref<1x128xi32, #tpu.memory_space<vmem>> -> memref<128xi32, #tpu.memory_space<vmem>>
        %dma_start3A_42 = arith.constant 0 : i32
        %dma_start3A_43 = arith.constant 0 : i32
        %dma_start3A_44 = tpu.memref_slice %arg10[%dma_start3A_42, %dma_start3A_43] : memref<10240x128xf32, #tpu.memory_space<vmem_shared>> -> memref<10240x128xf32, #tpu.memory_space<vmem_shared>>
        tpu.enqueue_indirect_dma source(%arg9 : memref<128x128xf32, #tpu.memory_space<vmem>>) target(%dma_start3A_44 : memref<10240x128xf32, #tpu.memory_space<vmem_shared>>) offsets(%dma_start3A_41 : memref<128xi32, #tpu.memory_space<vmem>>) semaphore(%run_scoped3A_38 : memref<!tpu.dma_semaphore, #tpu.memory_space<semaphore_mem>>) {add = true}
        %dma_wait3A_45 = arith.constant 0 : i32
        %dma_wait3A_46 = tpu.memref_slice %arg7[%scan3A_17, %dma_wait3A_45] : memref<80x128xi32, #tpu.memory_space<vmem>> -> memref<1x128xi32, #tpu.memory_space<vmem>>
        %dma_wait3A_47 = tpu.memref_squeeze %dma_wait3A_46 : memref<1x128xi32, #tpu.memory_space<vmem>> -> memref<128xi32, #tpu.memory_space<vmem>>
        %dma_wait3A_48 = arith.constant 0 : i32
        %dma_wait3A_49 = arith.constant 0 : i32
        %dma_wait3A_50 = tpu.memref_slice %arg10[%dma_wait3A_48, %dma_wait3A_49] : memref<10240x128xf32, #tpu.memory_space<vmem_shared>> -> memref<10240x128xf32, #tpu.memory_space<vmem_shared>>
        tpu.wait_indirect_dma semaphore(%run_scoped3A_38 : memref<!tpu.dma_semaphore, #tpu.memory_space<semaphore_mem>>) src(%arg9 : memref<128x128xf32, #tpu.memory_space<vmem>>) dst(%dma_wait3A_50 : memref<10240x128xf32, #tpu.memory_space<vmem_shared>>)
        tpu.yield
      }) : () -> ()
    }
    %scan3A_11 = arith.constant 80 : i32
    %barrier3A_12 = arith.constant 0 : index
    tpu.barrier barrier_id(%barrier3A_12)
    %mul3A_13 = arith.constant 640 : i32
    %mul3A_14 = arith.muli %arg1, %mul3A_13 : i32
    %mul3A_15 = arith.constant 640 : i32
    %mul3A_16 = arith.muli %arg1, %mul3A_15 : i32
    %run_scoped3A = arith.constant 0 : i32
    "tpu.region"() ({
      %run_scoped3A_17 = tpu.sem_alloc : memref<!tpu.dma_semaphore, #tpu.memory_space<semaphore_mem>>
      %dma_start3A = arith.constant 0 : i32
      %dma_start3A_18 = arith.constant 0 : i32
      %dma_start3A_19 = arith.constant 0 : i32
      %dma_start3A_20 = tpu.memref_slice %arg6[%arg0, %dma_start3A, %dma_start3A_18, %dma_start3A_19] : memref<2x1x10240x128xf32, #tpu.memory_space<hbm>> -> memref<1x1x10240x128xf32, #tpu.memory_space<hbm>>
      %dma_start3A_21 = tpu.memref_squeeze %dma_start3A_20 : memref<1x1x10240x128xf32, #tpu.memory_space<hbm>> -> memref<1x10240x128xf32, #tpu.memory_space<hbm>>
      %dma_start3A_22 = arith.constant 0 : i32
      %dma_start3A_23 = arith.constant 0 : i32
      %dma_start3A_24 = tpu.memref_slice %dma_start3A_21[%run_scoped3A, %dma_start3A_22, %dma_start3A_23] : memref<1x10240x128xf32, #tpu.memory_space<hbm>> -> memref<1x10240x128xf32, #tpu.memory_space<hbm>>
      %dma_start3A_25 = tpu.memref_squeeze %dma_start3A_24 : memref<1x10240x128xf32, #tpu.memory_space<hbm>> -> memref<10240x128xf32, #tpu.memory_space<hbm>>
      %dma_start3A_26 = arith.constant 0 : i32
      %dma_start3A_27 = tpu.memref_slice %dma_start3A_25[%mul3A_16, %dma_start3A_26] : memref<10240x128xf32, #tpu.memory_space<hbm>> -> memref<640x128xf32, #tpu.memory_space<hbm>>
      %dma_start3A_28 = arith.constant 0 : i32
      %dma_start3A_29 = tpu.memref_slice %arg10[%mul3A_14, %dma_start3A_28] : memref<10240x128xf32, #tpu.memory_space<vmem_shared>> -> memref<640x128xf32, #tpu.memory_space<vmem_shared>>
      tpu.enqueue_dma source(%dma_start3A_29 : memref<640x128xf32, #tpu.memory_space<vmem_shared>>) target(%dma_start3A_27 : memref<640x128xf32, #tpu.memory_space<hbm>>) target_semaphore(%run_scoped3A_17 : memref<!tpu.dma_semaphore, #tpu.memory_space<semaphore_mem>>)
      %dma_wait3A = arith.constant 0 : i32
      %dma_wait3A_30 = arith.constant 0 : i32
      %dma_wait3A_31 = arith.constant 0 : i32
      %dma_wait3A_32 = tpu.memref_slice %arg6[%arg0, %dma_wait3A, %dma_wait3A_30, %dma_wait3A_31] : memref<2x1x10240x128xf32, #tpu.memory_space<hbm>> -> memref<1x1x10240x128xf32, #tpu.memory_space<hbm>>
      %dma_wait3A_33 = tpu.memref_squeeze %dma_wait3A_32 : memref<1x1x10240x128xf32, #tpu.memory_space<hbm>> -> memref<1x10240x128xf32, #tpu.memory_space<hbm>>
      %dma_wait3A_34 = arith.constant 0 : i32
      %dma_wait3A_35 = arith.constant 0 : i32
      %dma_wait3A_36 = tpu.memref_slice %dma_wait3A_33[%run_scoped3A, %dma_wait3A_34, %dma_wait3A_35] : memref<1x10240x128xf32, #tpu.memory_space<hbm>> -> memref<1x10240x128xf32, #tpu.memory_space<hbm>>
      %dma_wait3A_37 = tpu.memref_squeeze %dma_wait3A_36 : memref<1x10240x128xf32, #tpu.memory_space<hbm>> -> memref<10240x128xf32, #tpu.memory_space<hbm>>
      %dma_wait3A_38 = arith.constant 0 : i32
      %dma_wait3A_39 = tpu.memref_slice %dma_wait3A_37[%mul3A_16, %dma_wait3A_38] : memref<10240x128xf32, #tpu.memory_space<hbm>> -> memref<640x128xf32, #tpu.memory_space<hbm>>
      %dma_wait3A_40 = arith.constant 0 : i32
      %dma_wait3A_41 = tpu.memref_slice %arg10[%mul3A_14, %dma_wait3A_40] : memref<10240x128xf32, #tpu.memory_space<vmem_shared>> -> memref<640x128xf32, #tpu.memory_space<vmem_shared>>
      tpu.wait_dma2 semaphore(%run_scoped3A_17 : memref<!tpu.dma_semaphore, #tpu.memory_space<semaphore_mem>>) src(%dma_wait3A_41 : memref<640x128xf32, #tpu.memory_space<vmem_shared>>) dst(%dma_wait3A_39 : memref<640x128xf32, #tpu.memory_space<hbm>>)
      tpu.yield
    }) : () -> ()
    return
  }
}

#map = affine_map<(d0, d1) -> (0, 0, 0)>
#map1 = affine_map<(d0, d1) -> (0, 0)>
#map2 = affine_map<(d0, d1) -> (0, 0, 0, 0)>
module attributes {stable_mosaic.version = 14 : i64} {
  func.func @_k(%arg0: i32, %arg1: i32, %arg2: memref<2x10240x128xf32, #tpu.memory_space<hbm>>, %arg3: memref<2560x128xi32, #tpu.memory_space<hbm>>, %arg4: memref<2560x128xi32, #tpu.memory_space<hbm>>, %arg5: memref<10240x128xf32, #tpu.memory_space<hbm>>, %arg6: memref<2x2x10240x128xf32, #tpu.memory_space<hbm>>, %arg7: memref<80x128xi32, #tpu.memory_space<vmem>>, %arg8: memref<80x128xi32, #tpu.memory_space<vmem>>, %arg9: memref<128x128xf32, #tpu.memory_space<vmem>>, %arg10: memref<10240x128xf32, #tpu.memory_space<vmem_shared>>, %arg11: memref<!tpu.dma_semaphore, #tpu.memory_space<semaphore_mem>>) attributes {dimension_semantics = [#tpu.dimension_semantics<core_parallel>, #tpu.dimension_semantics<subcore_parallel>], iteration_bounds = array<i64: 2, 16>, scalar_prefetch = 0 : i64, scratch_operands = 5 : i64, tpu.core_type = #tpu.core_type<sc_vector_subcore>, window_params = [{transform_indices = #map}, {transform_indices = #map1}, {transform_indices = #map1}, {transform_indices = #map1}, {transform_indices = #map2}]} {
    %mul3A = arith.constant 2 : i32
    %mul3A_0 = arith.muli %arg1, %mul3A : i32
    %add3A = arith.addi %mul3A_0, %arg0 : i32
    %mul3A_1 = arith.constant 80 : i32
    %mul3A_2 = arith.muli %add3A, %mul3A_1 : i32
    "tpu.region"() ({
      %run_scoped3A_34 = tpu.sem_alloc : memref<!tpu.dma_semaphore, #tpu.memory_space<semaphore_mem>>
      %dma_start3A = arith.constant 0 : i32
      %dma_start3A_35 = tpu.memref_slice %arg3[%mul3A_2, %dma_start3A] : memref<2560x128xi32, #tpu.memory_space<hbm>> -> memref<80x128xi32, #tpu.memory_space<hbm>>
      %dma_start3A_36 = arith.constant 0 : i32
      %dma_start3A_37 = tpu.memref_slice %arg3[%mul3A_2, %dma_start3A_36] : memref<2560x128xi32, #tpu.memory_space<hbm>> -> memref<80x128xi32, #tpu.memory_space<hbm>>
      tpu.enqueue_dma source(%dma_start3A_37 : memref<80x128xi32, #tpu.memory_space<hbm>>) target(%arg7 : memref<80x128xi32, #tpu.memory_space<vmem>>) target_semaphore(%run_scoped3A_34 : memref<!tpu.dma_semaphore, #tpu.memory_space<semaphore_mem>>)
      %dma_wait3A = arith.constant 0 : i32
      %dma_wait3A_38 = tpu.memref_slice %arg3[%mul3A_2, %dma_wait3A] : memref<2560x128xi32, #tpu.memory_space<hbm>> -> memref<80x128xi32, #tpu.memory_space<hbm>>
      %dma_wait3A_39 = arith.constant 0 : i32
      %dma_wait3A_40 = tpu.memref_slice %arg3[%mul3A_2, %dma_wait3A_39] : memref<2560x128xi32, #tpu.memory_space<hbm>> -> memref<80x128xi32, #tpu.memory_space<hbm>>
      tpu.wait_dma2 semaphore(%run_scoped3A_34 : memref<!tpu.dma_semaphore, #tpu.memory_space<semaphore_mem>>) src(%dma_wait3A_40 : memref<80x128xi32, #tpu.memory_space<hbm>>) dst(%arg7 : memref<80x128xi32, #tpu.memory_space<vmem>>)
      tpu.yield
    }) : () -> ()
    "tpu.region"() ({
      %run_scoped3A_34 = tpu.sem_alloc : memref<!tpu.dma_semaphore, #tpu.memory_space<semaphore_mem>>
      %dma_start3A = arith.constant 0 : i32
      %dma_start3A_35 = tpu.memref_slice %arg4[%mul3A_2, %dma_start3A] : memref<2560x128xi32, #tpu.memory_space<hbm>> -> memref<80x128xi32, #tpu.memory_space<hbm>>
      %dma_start3A_36 = arith.constant 0 : i32
      %dma_start3A_37 = tpu.memref_slice %arg4[%mul3A_2, %dma_start3A_36] : memref<2560x128xi32, #tpu.memory_space<hbm>> -> memref<80x128xi32, #tpu.memory_space<hbm>>
      tpu.enqueue_dma source(%dma_start3A_37 : memref<80x128xi32, #tpu.memory_space<hbm>>) target(%arg8 : memref<80x128xi32, #tpu.memory_space<vmem>>) target_semaphore(%run_scoped3A_34 : memref<!tpu.dma_semaphore, #tpu.memory_space<semaphore_mem>>)
      %dma_wait3A = arith.constant 0 : i32
      %dma_wait3A_38 = tpu.memref_slice %arg4[%mul3A_2, %dma_wait3A] : memref<2560x128xi32, #tpu.memory_space<hbm>> -> memref<80x128xi32, #tpu.memory_space<hbm>>
      %dma_wait3A_39 = arith.constant 0 : i32
      %dma_wait3A_40 = tpu.memref_slice %arg4[%mul3A_2, %dma_wait3A_39] : memref<2560x128xi32, #tpu.memory_space<hbm>> -> memref<80x128xi32, #tpu.memory_space<hbm>>
      tpu.wait_dma2 semaphore(%run_scoped3A_34 : memref<!tpu.dma_semaphore, #tpu.memory_space<semaphore_mem>>) src(%dma_wait3A_40 : memref<80x128xi32, #tpu.memory_space<hbm>>) dst(%arg8 : memref<80x128xi32, #tpu.memory_space<vmem>>)
      tpu.yield
    }) : () -> ()
    %mul3A_3 = arith.constant 640 : i32
    %mul3A_4 = arith.muli %arg1, %mul3A_3 : i32
    %mul3A_5 = arith.constant 640 : i32
    %mul3A_6 = arith.muli %arg1, %mul3A_5 : i32
    "tpu.region"() ({
      %run_scoped3A_34 = tpu.sem_alloc : memref<!tpu.dma_semaphore, #tpu.memory_space<semaphore_mem>>
      %dma_start3A = arith.constant 0 : i32
      %dma_start3A_35 = tpu.memref_slice %arg10[%mul3A_6, %dma_start3A] : memref<10240x128xf32, #tpu.memory_space<vmem_shared>> -> memref<640x128xf32, #tpu.memory_space<vmem_shared>>
      %dma_start3A_36 = arith.constant 0 : i32
      %dma_start3A_37 = tpu.memref_slice %arg5[%mul3A_4, %dma_start3A_36] : memref<10240x128xf32, #tpu.memory_space<hbm>> -> memref<640x128xf32, #tpu.memory_space<hbm>>
      tpu.enqueue_dma source(%dma_start3A_37 : memref<640x128xf32, #tpu.memory_space<hbm>>) target(%dma_start3A_35 : memref<640x128xf32, #tpu.memory_space<vmem_shared>>) target_semaphore(%run_scoped3A_34 : memref<!tpu.dma_semaphore, #tpu.memory_space<semaphore_mem>>)
      %dma_wait3A = arith.constant 0 : i32
      %dma_wait3A_38 = tpu.memref_slice %arg10[%mul3A_6, %dma_wait3A] : memref<10240x128xf32, #tpu.memory_space<vmem_shared>> -> memref<640x128xf32, #tpu.memory_space<vmem_shared>>
      %dma_wait3A_39 = arith.constant 0 : i32
      %dma_wait3A_40 = tpu.memref_slice %arg5[%mul3A_4, %dma_wait3A_39] : memref<10240x128xf32, #tpu.memory_space<hbm>> -> memref<640x128xf32, #tpu.memory_space<hbm>>
      tpu.wait_dma2 semaphore(%run_scoped3A_34 : memref<!tpu.dma_semaphore, #tpu.memory_space<semaphore_mem>>) src(%dma_wait3A_40 : memref<640x128xf32, #tpu.memory_space<hbm>>) dst(%dma_wait3A_38 : memref<640x128xf32, #tpu.memory_space<vmem_shared>>)
      tpu.yield
    }) : () -> ()
    %barrier3A = arith.constant 0 : index
    tpu.barrier barrier_id(%barrier3A)
    %scan3A = arith.constant 0 : i32
    %scan3A_7 = arith.constant 0 : i32
    %scan3A_8 = arith.constant 80 : i32
    %scan3A_9 = arith.addi %scan3A_7, %scan3A_8 : i32
    %scan3A_10 = arith.constant 1 : i32
    scf.for %scan3A_34 = %scan3A_7 to %scan3A_9 step %scan3A_10  : i32 {
      %dma_start3A = arith.constant 0 : i32
      %dma_start3A_35 = arith.constant 0 : i32
      %dma_start3A_36 = tpu.memref_slice %arg8[%scan3A_34, %dma_start3A_35] : memref<80x128xi32, #tpu.memory_space<vmem>> -> memref<1x128xi32, #tpu.memory_space<vmem>>
      %dma_start3A_37 = tpu.memref_squeeze %dma_start3A_36 : memref<1x128xi32, #tpu.memory_space<vmem>> -> memref<128xi32, #tpu.memory_space<vmem>>
      %dma_start3A_38 = arith.constant 0 : i32
      %dma_start3A_39 = arith.constant 0 : i32
      %dma_start3A_40 = tpu.memref_slice %arg2[%dma_start3A, %dma_start3A_38, %dma_start3A_39] : memref<2x10240x128xf32, #tpu.memory_space<hbm>> -> memref<1x10240x128xf32, #tpu.memory_space<hbm>>
      %dma_start3A_41 = tpu.memref_squeeze %dma_start3A_40 : memref<1x10240x128xf32, #tpu.memory_space<hbm>> -> memref<10240x128xf32, #tpu.memory_space<hbm>>
      %dma_start3A_42 = arith.constant 0 : i32
      %dma_start3A_43 = arith.constant 0 : i32
      %dma_start3A_44 = tpu.memref_slice %dma_start3A_41[%dma_start3A_42, %dma_start3A_43] : memref<10240x128xf32, #tpu.memory_space<hbm>> -> memref<10240x128xf32, #tpu.memory_space<hbm>>
      tpu.enqueue_indirect_dma source(%dma_start3A_44 : memref<10240x128xf32, #tpu.memory_space<hbm>>) target(%arg9 : memref<128x128xf32, #tpu.memory_space<vmem>>) offsets(%dma_start3A_37 : memref<128xi32, #tpu.memory_space<vmem>>) semaphore(%arg11 : memref<!tpu.dma_semaphore, #tpu.memory_space<semaphore_mem>>)
      %dma_wait3A = arith.constant 0 : i32
      %dma_wait3A_45 = arith.constant 0 : i32
      %dma_wait3A_46 = tpu.memref_slice %arg8[%scan3A_34, %dma_wait3A_45] : memref<80x128xi32, #tpu.memory_space<vmem>> -> memref<1x128xi32, #tpu.memory_space<vmem>>
      %dma_wait3A_47 = tpu.memref_squeeze %dma_wait3A_46 : memref<1x128xi32, #tpu.memory_space<vmem>> -> memref<128xi32, #tpu.memory_space<vmem>>
      %dma_wait3A_48 = arith.constant 0 : i32
      %dma_wait3A_49 = arith.constant 0 : i32
      %dma_wait3A_50 = tpu.memref_slice %arg2[%dma_wait3A, %dma_wait3A_48, %dma_wait3A_49] : memref<2x10240x128xf32, #tpu.memory_space<hbm>> -> memref<1x10240x128xf32, #tpu.memory_space<hbm>>
      %dma_wait3A_51 = tpu.memref_squeeze %dma_wait3A_50 : memref<1x10240x128xf32, #tpu.memory_space<hbm>> -> memref<10240x128xf32, #tpu.memory_space<hbm>>
      %dma_wait3A_52 = arith.constant 0 : i32
      %dma_wait3A_53 = arith.constant 0 : i32
      %dma_wait3A_54 = tpu.memref_slice %dma_wait3A_51[%dma_wait3A_52, %dma_wait3A_53] : memref<10240x128xf32, #tpu.memory_space<hbm>> -> memref<10240x128xf32, #tpu.memory_space<hbm>>
      tpu.wait_indirect_dma semaphore(%arg11 : memref<!tpu.dma_semaphore, #tpu.memory_space<semaphore_mem>>) src(%dma_wait3A_54 : memref<10240x128xf32, #tpu.memory_space<hbm>>) dst(%arg9 : memref<128x128xf32, #tpu.memory_space<vmem>>)
      "tpu.region"() ({
        %run_scoped3A_55 = tpu.sem_alloc : memref<!tpu.dma_semaphore, #tpu.memory_space<semaphore_mem>>
        %dma_start3A_56 = arith.constant 0 : i32
        %dma_start3A_57 = tpu.memref_slice %arg7[%scan3A_34, %dma_start3A_56] : memref<80x128xi32, #tpu.memory_space<vmem>> -> memref<1x128xi32, #tpu.memory_space<vmem>>
        %dma_start3A_58 = tpu.memref_squeeze %dma_start3A_57 : memref<1x128xi32, #tpu.memory_space<vmem>> -> memref<128xi32, #tpu.memory_space<vmem>>
        %dma_start3A_59 = arith.constant 0 : i32
        %dma_start3A_60 = arith.constant 0 : i32
        %dma_start3A_61 = tpu.memref_slice %arg10[%dma_start3A_59, %dma_start3A_60] : memref<10240x128xf32, #tpu.memory_space<vmem_shared>> -> memref<10240x128xf32, #tpu.memory_space<vmem_shared>>
        tpu.enqueue_indirect_dma source(%arg9 : memref<128x128xf32, #tpu.memory_space<vmem>>) target(%dma_start3A_61 : memref<10240x128xf32, #tpu.memory_space<vmem_shared>>) offsets(%dma_start3A_58 : memref<128xi32, #tpu.memory_space<vmem>>) semaphore(%run_scoped3A_55 : memref<!tpu.dma_semaphore, #tpu.memory_space<semaphore_mem>>) {add = true}
        %dma_wait3A_62 = arith.constant 0 : i32
        %dma_wait3A_63 = tpu.memref_slice %arg7[%scan3A_34, %dma_wait3A_62] : memref<80x128xi32, #tpu.memory_space<vmem>> -> memref<1x128xi32, #tpu.memory_space<vmem>>
        %dma_wait3A_64 = tpu.memref_squeeze %dma_wait3A_63 : memref<1x128xi32, #tpu.memory_space<vmem>> -> memref<128xi32, #tpu.memory_space<vmem>>
        %dma_wait3A_65 = arith.constant 0 : i32
        %dma_wait3A_66 = arith.constant 0 : i32
        %dma_wait3A_67 = tpu.memref_slice %arg10[%dma_wait3A_65, %dma_wait3A_66] : memref<10240x128xf32, #tpu.memory_space<vmem_shared>> -> memref<10240x128xf32, #tpu.memory_space<vmem_shared>>
        tpu.wait_indirect_dma semaphore(%run_scoped3A_55 : memref<!tpu.dma_semaphore, #tpu.memory_space<semaphore_mem>>) src(%arg9 : memref<128x128xf32, #tpu.memory_space<vmem>>) dst(%dma_wait3A_67 : memref<10240x128xf32, #tpu.memory_space<vmem_shared>>)
        tpu.yield
      }) : () -> ()
    }
    %scan3A_11 = arith.constant 80 : i32
    %barrier3A_12 = arith.constant 0 : index
    tpu.barrier barrier_id(%barrier3A_12)
    %mul3A_13 = arith.constant 640 : i32
    %mul3A_14 = arith.muli %arg1, %mul3A_13 : i32
    %mul3A_15 = arith.constant 640 : i32
    %mul3A_16 = arith.muli %arg1, %mul3A_15 : i32
    %run_scoped3A = arith.constant 0 : i32
    "tpu.region"() ({
      %run_scoped3A_34 = tpu.sem_alloc : memref<!tpu.dma_semaphore, #tpu.memory_space<semaphore_mem>>
      %dma_start3A = arith.constant 0 : i32
      %dma_start3A_35 = arith.constant 0 : i32
      %dma_start3A_36 = arith.constant 0 : i32
      %dma_start3A_37 = tpu.memref_slice %arg6[%arg0, %dma_start3A, %dma_start3A_35, %dma_start3A_36] : memref<2x2x10240x128xf32, #tpu.memory_space<hbm>> -> memref<1x2x10240x128xf32, #tpu.memory_space<hbm>>
      %dma_start3A_38 = tpu.memref_squeeze %dma_start3A_37 : memref<1x2x10240x128xf32, #tpu.memory_space<hbm>> -> memref<2x10240x128xf32, #tpu.memory_space<hbm>>
      %dma_start3A_39 = arith.constant 0 : i32
      %dma_start3A_40 = arith.constant 0 : i32
      %dma_start3A_41 = tpu.memref_slice %dma_start3A_38[%run_scoped3A, %dma_start3A_39, %dma_start3A_40] : memref<2x10240x128xf32, #tpu.memory_space<hbm>> -> memref<1x10240x128xf32, #tpu.memory_space<hbm>>
      %dma_start3A_42 = tpu.memref_squeeze %dma_start3A_41 : memref<1x10240x128xf32, #tpu.memory_space<hbm>> -> memref<10240x128xf32, #tpu.memory_space<hbm>>
      %dma_start3A_43 = arith.constant 0 : i32
      %dma_start3A_44 = tpu.memref_slice %dma_start3A_42[%mul3A_16, %dma_start3A_43] : memref<10240x128xf32, #tpu.memory_space<hbm>> -> memref<640x128xf32, #tpu.memory_space<hbm>>
      %dma_start3A_45 = arith.constant 0 : i32
      %dma_start3A_46 = tpu.memref_slice %arg10[%mul3A_14, %dma_start3A_45] : memref<10240x128xf32, #tpu.memory_space<vmem_shared>> -> memref<640x128xf32, #tpu.memory_space<vmem_shared>>
      tpu.enqueue_dma source(%dma_start3A_46 : memref<640x128xf32, #tpu.memory_space<vmem_shared>>) target(%dma_start3A_44 : memref<640x128xf32, #tpu.memory_space<hbm>>) target_semaphore(%run_scoped3A_34 : memref<!tpu.dma_semaphore, #tpu.memory_space<semaphore_mem>>)
      %dma_wait3A = arith.constant 0 : i32
      %dma_wait3A_47 = arith.constant 0 : i32
      %dma_wait3A_48 = arith.constant 0 : i32
      %dma_wait3A_49 = tpu.memref_slice %arg6[%arg0, %dma_wait3A, %dma_wait3A_47, %dma_wait3A_48] : memref<2x2x10240x128xf32, #tpu.memory_space<hbm>> -> memref<1x2x10240x128xf32, #tpu.memory_space<hbm>>
      %dma_wait3A_50 = tpu.memref_squeeze %dma_wait3A_49 : memref<1x2x10240x128xf32, #tpu.memory_space<hbm>> -> memref<2x10240x128xf32, #tpu.memory_space<hbm>>
      %dma_wait3A_51 = arith.constant 0 : i32
      %dma_wait3A_52 = arith.constant 0 : i32
      %dma_wait3A_53 = tpu.memref_slice %dma_wait3A_50[%run_scoped3A, %dma_wait3A_51, %dma_wait3A_52] : memref<2x10240x128xf32, #tpu.memory_space<hbm>> -> memref<1x10240x128xf32, #tpu.memory_space<hbm>>
      %dma_wait3A_54 = tpu.memref_squeeze %dma_wait3A_53 : memref<1x10240x128xf32, #tpu.memory_space<hbm>> -> memref<10240x128xf32, #tpu.memory_space<hbm>>
      %dma_wait3A_55 = arith.constant 0 : i32
      %dma_wait3A_56 = tpu.memref_slice %dma_wait3A_54[%mul3A_16, %dma_wait3A_55] : memref<10240x128xf32, #tpu.memory_space<hbm>> -> memref<640x128xf32, #tpu.memory_space<hbm>>
      %dma_wait3A_57 = arith.constant 0 : i32
      %dma_wait3A_58 = tpu.memref_slice %arg10[%mul3A_14, %dma_wait3A_57] : memref<10240x128xf32, #tpu.memory_space<vmem_shared>> -> memref<640x128xf32, #tpu.memory_space<vmem_shared>>
      tpu.wait_dma2 semaphore(%run_scoped3A_34 : memref<!tpu.dma_semaphore, #tpu.memory_space<semaphore_mem>>) src(%dma_wait3A_58 : memref<640x128xf32, #tpu.memory_space<vmem_shared>>) dst(%dma_wait3A_56 : memref<640x128xf32, #tpu.memory_space<hbm>>)
      tpu.yield
    }) : () -> ()
    %mul3A_17 = arith.constant 640 : i32
    %mul3A_18 = arith.muli %arg1, %mul3A_17 : i32
    %mul3A_19 = arith.constant 640 : i32
    %mul3A_20 = arith.muli %arg1, %mul3A_19 : i32
    "tpu.region"() ({
      %run_scoped3A_34 = tpu.sem_alloc : memref<!tpu.dma_semaphore, #tpu.memory_space<semaphore_mem>>
      %dma_start3A = arith.constant 0 : i32
      %dma_start3A_35 = tpu.memref_slice %arg10[%mul3A_20, %dma_start3A] : memref<10240x128xf32, #tpu.memory_space<vmem_shared>> -> memref<640x128xf32, #tpu.memory_space<vmem_shared>>
      %dma_start3A_36 = arith.constant 0 : i32
      %dma_start3A_37 = tpu.memref_slice %arg5[%mul3A_18, %dma_start3A_36] : memref<10240x128xf32, #tpu.memory_space<hbm>> -> memref<640x128xf32, #tpu.memory_space<hbm>>
      tpu.enqueue_dma source(%dma_start3A_37 : memref<640x128xf32, #tpu.memory_space<hbm>>) target(%dma_start3A_35 : memref<640x128xf32, #tpu.memory_space<vmem_shared>>) target_semaphore(%run_scoped3A_34 : memref<!tpu.dma_semaphore, #tpu.memory_space<semaphore_mem>>)
      %dma_wait3A = arith.constant 0 : i32
      %dma_wait3A_38 = tpu.memref_slice %arg10[%mul3A_20, %dma_wait3A] : memref<10240x128xf32, #tpu.memory_space<vmem_shared>> -> memref<640x128xf32, #tpu.memory_space<vmem_shared>>
      %dma_wait3A_39 = arith.constant 0 : i32
      %dma_wait3A_40 = tpu.memref_slice %arg5[%mul3A_18, %dma_wait3A_39] : memref<10240x128xf32, #tpu.memory_space<hbm>> -> memref<640x128xf32, #tpu.memory_space<hbm>>
      tpu.wait_dma2 semaphore(%run_scoped3A_34 : memref<!tpu.dma_semaphore, #tpu.memory_space<semaphore_mem>>) src(%dma_wait3A_40 : memref<640x128xf32, #tpu.memory_space<hbm>>) dst(%dma_wait3A_38 : memref<640x128xf32, #tpu.memory_space<vmem_shared>>)
      tpu.yield
    }) : () -> ()
    %barrier3A_21 = arith.constant 0 : index
    tpu.barrier barrier_id(%barrier3A_21)
    %scan3A_22 = arith.constant 0 : i32
    %scan3A_23 = arith.constant 0 : i32
    %scan3A_24 = arith.constant 80 : i32
    %scan3A_25 = arith.addi %scan3A_23, %scan3A_24 : i32
    %scan3A_26 = arith.constant 1 : i32
    scf.for %scan3A_34 = %scan3A_23 to %scan3A_25 step %scan3A_26  : i32 {
      %dma_start3A = arith.constant 1 : i32
      %dma_start3A_35 = arith.constant 0 : i32
      %dma_start3A_36 = tpu.memref_slice %arg8[%scan3A_34, %dma_start3A_35] : memref<80x128xi32, #tpu.memory_space<vmem>> -> memref<1x128xi32, #tpu.memory_space<vmem>>
      %dma_start3A_37 = tpu.memref_squeeze %dma_start3A_36 : memref<1x128xi32, #tpu.memory_space<vmem>> -> memref<128xi32, #tpu.memory_space<vmem>>
      %dma_start3A_38 = arith.constant 0 : i32
      %dma_start3A_39 = arith.constant 0 : i32
      %dma_start3A_40 = tpu.memref_slice %arg2[%dma_start3A, %dma_start3A_38, %dma_start3A_39] : memref<2x10240x128xf32, #tpu.memory_space<hbm>> -> memref<1x10240x128xf32, #tpu.memory_space<hbm>>
      %dma_start3A_41 = tpu.memref_squeeze %dma_start3A_40 : memref<1x10240x128xf32, #tpu.memory_space<hbm>> -> memref<10240x128xf32, #tpu.memory_space<hbm>>
      %dma_start3A_42 = arith.constant 0 : i32
      %dma_start3A_43 = arith.constant 0 : i32
      %dma_start3A_44 = tpu.memref_slice %dma_start3A_41[%dma_start3A_42, %dma_start3A_43] : memref<10240x128xf32, #tpu.memory_space<hbm>> -> memref<10240x128xf32, #tpu.memory_space<hbm>>
      tpu.enqueue_indirect_dma source(%dma_start3A_44 : memref<10240x128xf32, #tpu.memory_space<hbm>>) target(%arg9 : memref<128x128xf32, #tpu.memory_space<vmem>>) offsets(%dma_start3A_37 : memref<128xi32, #tpu.memory_space<vmem>>) semaphore(%arg11 : memref<!tpu.dma_semaphore, #tpu.memory_space<semaphore_mem>>)
      %dma_wait3A = arith.constant 1 : i32
      %dma_wait3A_45 = arith.constant 0 : i32
      %dma_wait3A_46 = tpu.memref_slice %arg8[%scan3A_34, %dma_wait3A_45] : memref<80x128xi32, #tpu.memory_space<vmem>> -> memref<1x128xi32, #tpu.memory_space<vmem>>
      %dma_wait3A_47 = tpu.memref_squeeze %dma_wait3A_46 : memref<1x128xi32, #tpu.memory_space<vmem>> -> memref<128xi32, #tpu.memory_space<vmem>>
      %dma_wait3A_48 = arith.constant 0 : i32
      %dma_wait3A_49 = arith.constant 0 : i32
      %dma_wait3A_50 = tpu.memref_slice %arg2[%dma_wait3A, %dma_wait3A_48, %dma_wait3A_49] : memref<2x10240x128xf32, #tpu.memory_space<hbm>> -> memref<1x10240x128xf32, #tpu.memory_space<hbm>>
      %dma_wait3A_51 = tpu.memref_squeeze %dma_wait3A_50 : memref<1x10240x128xf32, #tpu.memory_space<hbm>> -> memref<10240x128xf32, #tpu.memory_space<hbm>>
      %dma_wait3A_52 = arith.constant 0 : i32
      %dma_wait3A_53 = arith.constant 0 : i32
      %dma_wait3A_54 = tpu.memref_slice %dma_wait3A_51[%dma_wait3A_52, %dma_wait3A_53] : memref<10240x128xf32, #tpu.memory_space<hbm>> -> memref<10240x128xf32, #tpu.memory_space<hbm>>
      tpu.wait_indirect_dma semaphore(%arg11 : memref<!tpu.dma_semaphore, #tpu.memory_space<semaphore_mem>>) src(%dma_wait3A_54 : memref<10240x128xf32, #tpu.memory_space<hbm>>) dst(%arg9 : memref<128x128xf32, #tpu.memory_space<vmem>>)
      "tpu.region"() ({
        %run_scoped3A_55 = tpu.sem_alloc : memref<!tpu.dma_semaphore, #tpu.memory_space<semaphore_mem>>
        %dma_start3A_56 = arith.constant 0 : i32
        %dma_start3A_57 = tpu.memref_slice %arg7[%scan3A_34, %dma_start3A_56] : memref<80x128xi32, #tpu.memory_space<vmem>> -> memref<1x128xi32, #tpu.memory_space<vmem>>
        %dma_start3A_58 = tpu.memref_squeeze %dma_start3A_57 : memref<1x128xi32, #tpu.memory_space<vmem>> -> memref<128xi32, #tpu.memory_space<vmem>>
        %dma_start3A_59 = arith.constant 0 : i32
        %dma_start3A_60 = arith.constant 0 : i32
        %dma_start3A_61 = tpu.memref_slice %arg10[%dma_start3A_59, %dma_start3A_60] : memref<10240x128xf32, #tpu.memory_space<vmem_shared>> -> memref<10240x128xf32, #tpu.memory_space<vmem_shared>>
        tpu.enqueue_indirect_dma source(%arg9 : memref<128x128xf32, #tpu.memory_space<vmem>>) target(%dma_start3A_61 : memref<10240x128xf32, #tpu.memory_space<vmem_shared>>) offsets(%dma_start3A_58 : memref<128xi32, #tpu.memory_space<vmem>>) semaphore(%run_scoped3A_55 : memref<!tpu.dma_semaphore, #tpu.memory_space<semaphore_mem>>) {add = true}
        %dma_wait3A_62 = arith.constant 0 : i32
        %dma_wait3A_63 = tpu.memref_slice %arg7[%scan3A_34, %dma_wait3A_62] : memref<80x128xi32, #tpu.memory_space<vmem>> -> memref<1x128xi32, #tpu.memory_space<vmem>>
        %dma_wait3A_64 = tpu.memref_squeeze %dma_wait3A_63 : memref<1x128xi32, #tpu.memory_space<vmem>> -> memref<128xi32, #tpu.memory_space<vmem>>
        %dma_wait3A_65 = arith.constant 0 : i32
        %dma_wait3A_66 = arith.constant 0 : i32
        %dma_wait3A_67 = tpu.memref_slice %arg10[%dma_wait3A_65, %dma_wait3A_66] : memref<10240x128xf32, #tpu.memory_space<vmem_shared>> -> memref<10240x128xf32, #tpu.memory_space<vmem_shared>>
        tpu.wait_indirect_dma semaphore(%run_scoped3A_55 : memref<!tpu.dma_semaphore, #tpu.memory_space<semaphore_mem>>) src(%arg9 : memref<128x128xf32, #tpu.memory_space<vmem>>) dst(%dma_wait3A_67 : memref<10240x128xf32, #tpu.memory_space<vmem_shared>>)
        tpu.yield
      }) : () -> ()
    }
    %scan3A_27 = arith.constant 80 : i32
    %barrier3A_28 = arith.constant 0 : index
    tpu.barrier barrier_id(%barrier3A_28)
    %mul3A_29 = arith.constant 640 : i32
    %mul3A_30 = arith.muli %arg1, %mul3A_29 : i32
    %mul3A_31 = arith.constant 640 : i32
    %mul3A_32 = arith.muli %arg1, %mul3A_31 : i32
    %run_scoped3A_33 = arith.constant 1 : i32
    "tpu.region"() ({
      %run_scoped3A_34 = tpu.sem_alloc : memref<!tpu.dma_semaphore, #tpu.memory_space<semaphore_mem>>
      %dma_start3A = arith.constant 0 : i32
      %dma_start3A_35 = arith.constant 0 : i32
      %dma_start3A_36 = arith.constant 0 : i32
      %dma_start3A_37 = tpu.memref_slice %arg6[%arg0, %dma_start3A, %dma_start3A_35, %dma_start3A_36] : memref<2x2x10240x128xf32, #tpu.memory_space<hbm>> -> memref<1x2x10240x128xf32, #tpu.memory_space<hbm>>
      %dma_start3A_38 = tpu.memref_squeeze %dma_start3A_37 : memref<1x2x10240x128xf32, #tpu.memory_space<hbm>> -> memref<2x10240x128xf32, #tpu.memory_space<hbm>>
      %dma_start3A_39 = arith.constant 0 : i32
      %dma_start3A_40 = arith.constant 0 : i32
      %dma_start3A_41 = tpu.memref_slice %dma_start3A_38[%run_scoped3A_33, %dma_start3A_39, %dma_start3A_40] : memref<2x10240x128xf32, #tpu.memory_space<hbm>> -> memref<1x10240x128xf32, #tpu.memory_space<hbm>>
      %dma_start3A_42 = tpu.memref_squeeze %dma_start3A_41 : memref<1x10240x128xf32, #tpu.memory_space<hbm>> -> memref<10240x128xf32, #tpu.memory_space<hbm>>
      %dma_start3A_43 = arith.constant 0 : i32
      %dma_start3A_44 = tpu.memref_slice %dma_start3A_42[%mul3A_32, %dma_start3A_43] : memref<10240x128xf32, #tpu.memory_space<hbm>> -> memref<640x128xf32, #tpu.memory_space<hbm>>
      %dma_start3A_45 = arith.constant 0 : i32
      %dma_start3A_46 = tpu.memref_slice %arg10[%mul3A_30, %dma_start3A_45] : memref<10240x128xf32, #tpu.memory_space<vmem_shared>> -> memref<640x128xf32, #tpu.memory_space<vmem_shared>>
      tpu.enqueue_dma source(%dma_start3A_46 : memref<640x128xf32, #tpu.memory_space<vmem_shared>>) target(%dma_start3A_44 : memref<640x128xf32, #tpu.memory_space<hbm>>) target_semaphore(%run_scoped3A_34 : memref<!tpu.dma_semaphore, #tpu.memory_space<semaphore_mem>>)
      %dma_wait3A = arith.constant 0 : i32
      %dma_wait3A_47 = arith.constant 0 : i32
      %dma_wait3A_48 = arith.constant 0 : i32
      %dma_wait3A_49 = tpu.memref_slice %arg6[%arg0, %dma_wait3A, %dma_wait3A_47, %dma_wait3A_48] : memref<2x2x10240x128xf32, #tpu.memory_space<hbm>> -> memref<1x2x10240x128xf32, #tpu.memory_space<hbm>>
      %dma_wait3A_50 = tpu.memref_squeeze %dma_wait3A_49 : memref<1x2x10240x128xf32, #tpu.memory_space<hbm>> -> memref<2x10240x128xf32, #tpu.memory_space<hbm>>
      %dma_wait3A_51 = arith.constant 0 : i32
      %dma_wait3A_52 = arith.constant 0 : i32
      %dma_wait3A_53 = tpu.memref_slice %dma_wait3A_50[%run_scoped3A_33, %dma_wait3A_51, %dma_wait3A_52] : memref<2x10240x128xf32, #tpu.memory_space<hbm>> -> memref<1x10240x128xf32, #tpu.memory_space<hbm>>
      %dma_wait3A_54 = tpu.memref_squeeze %dma_wait3A_53 : memref<1x10240x128xf32, #tpu.memory_space<hbm>> -> memref<10240x128xf32, #tpu.memory_space<hbm>>
      %dma_wait3A_55 = arith.constant 0 : i32
      %dma_wait3A_56 = tpu.memref_slice %dma_wait3A_54[%mul3A_32, %dma_wait3A_55] : memref<10240x128xf32, #tpu.memory_space<hbm>> -> memref<640x128xf32, #tpu.memory_space<hbm>>
      %dma_wait3A_57 = arith.constant 0 : i32
      %dma_wait3A_58 = tpu.memref_slice %arg10[%mul3A_30, %dma_wait3A_57] : memref<10240x128xf32, #tpu.memory_space<vmem_shared>> -> memref<640x128xf32, #tpu.memory_space<vmem_shared>>
      tpu.wait_dma2 semaphore(%run_scoped3A_34 : memref<!tpu.dma_semaphore, #tpu.memory_space<semaphore_mem>>) src(%dma_wait3A_58 : memref<640x128xf32, #tpu.memory_space<vmem_shared>>) dst(%dma_wait3A_56 : memref<640x128xf32, #tpu.memory_space<hbm>>)
      tpu.yield
    }) : () -> ()
    return
  }
}

#map = affine_map<(d0, d1) -> (0, 0, 0)>
#map1 = affine_map<(d0, d1) -> (0, 0)>
#map2 = affine_map<(d0, d1) -> (0, 0, 0, 0)>
module attributes {stable_mosaic.version = 14 : i64} {
  func.func @_k(%arg0: i32, %arg1: i32, %arg2: memref<4x10240x128xf32, #tpu.memory_space<hbm>>, %arg3: memref<2560x128xi32, #tpu.memory_space<hbm>>, %arg4: memref<2560x128xi32, #tpu.memory_space<hbm>>, %arg5: memref<10240x128xf32, #tpu.memory_space<hbm>>, %arg6: memref<2x4x10240x128xf32, #tpu.memory_space<hbm>>, %arg7: memref<80x128xi32, #tpu.memory_space<vmem>>, %arg8: memref<80x128xi32, #tpu.memory_space<vmem>>, %arg9: memref<128x128xf32, #tpu.memory_space<vmem>>, %arg10: memref<10240x128xf32, #tpu.memory_space<vmem_shared>>, %arg11: memref<!tpu.dma_semaphore, #tpu.memory_space<semaphore_mem>>) attributes {dimension_semantics = [#tpu.dimension_semantics<core_parallel>, #tpu.dimension_semantics<subcore_parallel>], iteration_bounds = array<i64: 2, 16>, scalar_prefetch = 0 : i64, scratch_operands = 5 : i64, tpu.core_type = #tpu.core_type<sc_vector_subcore>, window_params = [{transform_indices = #map}, {transform_indices = #map1}, {transform_indices = #map1}, {transform_indices = #map1}, {transform_indices = #map2}]} {
    %mul3A = arith.constant 2 : i32
    %mul3A_0 = arith.muli %arg1, %mul3A : i32
    %add3A = arith.addi %mul3A_0, %arg0 : i32
    %mul3A_1 = arith.constant 80 : i32
    %mul3A_2 = arith.muli %add3A, %mul3A_1 : i32
    "tpu.region"() ({
      %run_scoped3A_68 = tpu.sem_alloc : memref<!tpu.dma_semaphore, #tpu.memory_space<semaphore_mem>>
      %dma_start3A = arith.constant 0 : i32
      %dma_start3A_69 = tpu.memref_slice %arg3[%mul3A_2, %dma_start3A] : memref<2560x128xi32, #tpu.memory_space<hbm>> -> memref<80x128xi32, #tpu.memory_space<hbm>>
      %dma_start3A_70 = arith.constant 0 : i32
      %dma_start3A_71 = tpu.memref_slice %arg3[%mul3A_2, %dma_start3A_70] : memref<2560x128xi32, #tpu.memory_space<hbm>> -> memref<80x128xi32, #tpu.memory_space<hbm>>
      tpu.enqueue_dma source(%dma_start3A_71 : memref<80x128xi32, #tpu.memory_space<hbm>>) target(%arg7 : memref<80x128xi32, #tpu.memory_space<vmem>>) target_semaphore(%run_scoped3A_68 : memref<!tpu.dma_semaphore, #tpu.memory_space<semaphore_mem>>)
      %dma_wait3A = arith.constant 0 : i32
      %dma_wait3A_72 = tpu.memref_slice %arg3[%mul3A_2, %dma_wait3A] : memref<2560x128xi32, #tpu.memory_space<hbm>> -> memref<80x128xi32, #tpu.memory_space<hbm>>
      %dma_wait3A_73 = arith.constant 0 : i32
      %dma_wait3A_74 = tpu.memref_slice %arg3[%mul3A_2, %dma_wait3A_73] : memref<2560x128xi32, #tpu.memory_space<hbm>> -> memref<80x128xi32, #tpu.memory_space<hbm>>
      tpu.wait_dma2 semaphore(%run_scoped3A_68 : memref<!tpu.dma_semaphore, #tpu.memory_space<semaphore_mem>>) src(%dma_wait3A_74 : memref<80x128xi32, #tpu.memory_space<hbm>>) dst(%arg7 : memref<80x128xi32, #tpu.memory_space<vmem>>)
      tpu.yield
    }) : () -> ()
    "tpu.region"() ({
      %run_scoped3A_68 = tpu.sem_alloc : memref<!tpu.dma_semaphore, #tpu.memory_space<semaphore_mem>>
      %dma_start3A = arith.constant 0 : i32
      %dma_start3A_69 = tpu.memref_slice %arg4[%mul3A_2, %dma_start3A] : memref<2560x128xi32, #tpu.memory_space<hbm>> -> memref<80x128xi32, #tpu.memory_space<hbm>>
      %dma_start3A_70 = arith.constant 0 : i32
      %dma_start3A_71 = tpu.memref_slice %arg4[%mul3A_2, %dma_start3A_70] : memref<2560x128xi32, #tpu.memory_space<hbm>> -> memref<80x128xi32, #tpu.memory_space<hbm>>
      tpu.enqueue_dma source(%dma_start3A_71 : memref<80x128xi32, #tpu.memory_space<hbm>>) target(%arg8 : memref<80x128xi32, #tpu.memory_space<vmem>>) target_semaphore(%run_scoped3A_68 : memref<!tpu.dma_semaphore, #tpu.memory_space<semaphore_mem>>)
      %dma_wait3A = arith.constant 0 : i32
      %dma_wait3A_72 = tpu.memref_slice %arg4[%mul3A_2, %dma_wait3A] : memref<2560x128xi32, #tpu.memory_space<hbm>> -> memref<80x128xi32, #tpu.memory_space<hbm>>
      %dma_wait3A_73 = arith.constant 0 : i32
      %dma_wait3A_74 = tpu.memref_slice %arg4[%mul3A_2, %dma_wait3A_73] : memref<2560x128xi32, #tpu.memory_space<hbm>> -> memref<80x128xi32, #tpu.memory_space<hbm>>
      tpu.wait_dma2 semaphore(%run_scoped3A_68 : memref<!tpu.dma_semaphore, #tpu.memory_space<semaphore_mem>>) src(%dma_wait3A_74 : memref<80x128xi32, #tpu.memory_space<hbm>>) dst(%arg8 : memref<80x128xi32, #tpu.memory_space<vmem>>)
      tpu.yield
    }) : () -> ()
    %mul3A_3 = arith.constant 640 : i32
    %mul3A_4 = arith.muli %arg1, %mul3A_3 : i32
    %mul3A_5 = arith.constant 640 : i32
    %mul3A_6 = arith.muli %arg1, %mul3A_5 : i32
    "tpu.region"() ({
      %run_scoped3A_68 = tpu.sem_alloc : memref<!tpu.dma_semaphore, #tpu.memory_space<semaphore_mem>>
      %dma_start3A = arith.constant 0 : i32
      %dma_start3A_69 = tpu.memref_slice %arg10[%mul3A_6, %dma_start3A] : memref<10240x128xf32, #tpu.memory_space<vmem_shared>> -> memref<640x128xf32, #tpu.memory_space<vmem_shared>>
      %dma_start3A_70 = arith.constant 0 : i32
      %dma_start3A_71 = tpu.memref_slice %arg5[%mul3A_4, %dma_start3A_70] : memref<10240x128xf32, #tpu.memory_space<hbm>> -> memref<640x128xf32, #tpu.memory_space<hbm>>
      tpu.enqueue_dma source(%dma_start3A_71 : memref<640x128xf32, #tpu.memory_space<hbm>>) target(%dma_start3A_69 : memref<640x128xf32, #tpu.memory_space<vmem_shared>>) target_semaphore(%run_scoped3A_68 : memref<!tpu.dma_semaphore, #tpu.memory_space<semaphore_mem>>)
      %dma_wait3A = arith.constant 0 : i32
      %dma_wait3A_72 = tpu.memref_slice %arg10[%mul3A_6, %dma_wait3A] : memref<10240x128xf32, #tpu.memory_space<vmem_shared>> -> memref<640x128xf32, #tpu.memory_space<vmem_shared>>
      %dma_wait3A_73 = arith.constant 0 : i32
      %dma_wait3A_74 = tpu.memref_slice %arg5[%mul3A_4, %dma_wait3A_73] : memref<10240x128xf32, #tpu.memory_space<hbm>> -> memref<640x128xf32, #tpu.memory_space<hbm>>
      tpu.wait_dma2 semaphore(%run_scoped3A_68 : memref<!tpu.dma_semaphore, #tpu.memory_space<semaphore_mem>>) src(%dma_wait3A_74 : memref<640x128xf32, #tpu.memory_space<hbm>>) dst(%dma_wait3A_72 : memref<640x128xf32, #tpu.memory_space<vmem_shared>>)
      tpu.yield
    }) : () -> ()
    %barrier3A = arith.constant 0 : index
    tpu.barrier barrier_id(%barrier3A)
    %scan3A = arith.constant 0 : i32
    %scan3A_7 = arith.constant 0 : i32
    %scan3A_8 = arith.constant 80 : i32
    %scan3A_9 = arith.addi %scan3A_7, %scan3A_8 : i32
    %scan3A_10 = arith.constant 1 : i32
    scf.for %scan3A_68 = %scan3A_7 to %scan3A_9 step %scan3A_10  : i32 {
      %dma_start3A = arith.constant 0 : i32
      %dma_start3A_69 = arith.constant 0 : i32
      %dma_start3A_70 = tpu.memref_slice %arg8[%scan3A_68, %dma_start3A_69] : memref<80x128xi32, #tpu.memory_space<vmem>> -> memref<1x128xi32, #tpu.memory_space<vmem>>
      %dma_start3A_71 = tpu.memref_squeeze %dma_start3A_70 : memref<1x128xi32, #tpu.memory_space<vmem>> -> memref<128xi32, #tpu.memory_space<vmem>>
      %dma_start3A_72 = arith.constant 0 : i32
      %dma_start3A_73 = arith.constant 0 : i32
      %dma_start3A_74 = tpu.memref_slice %arg2[%dma_start3A, %dma_start3A_72, %dma_start3A_73] : memref<4x10240x128xf32, #tpu.memory_space<hbm>> -> memref<1x10240x128xf32, #tpu.memory_space<hbm>>
      %dma_start3A_75 = tpu.memref_squeeze %dma_start3A_74 : memref<1x10240x128xf32, #tpu.memory_space<hbm>> -> memref<10240x128xf32, #tpu.memory_space<hbm>>
      %dma_start3A_76 = arith.constant 0 : i32
      %dma_start3A_77 = arith.constant 0 : i32
      %dma_start3A_78 = tpu.memref_slice %dma_start3A_75[%dma_start3A_76, %dma_start3A_77] : memref<10240x128xf32, #tpu.memory_space<hbm>> -> memref<10240x128xf32, #tpu.memory_space<hbm>>
      tpu.enqueue_indirect_dma source(%dma_start3A_78 : memref<10240x128xf32, #tpu.memory_space<hbm>>) target(%arg9 : memref<128x128xf32, #tpu.memory_space<vmem>>) offsets(%dma_start3A_71 : memref<128xi32, #tpu.memory_space<vmem>>) semaphore(%arg11 : memref<!tpu.dma_semaphore, #tpu.memory_space<semaphore_mem>>)
      %dma_wait3A = arith.constant 0 : i32
      %dma_wait3A_79 = arith.constant 0 : i32
      %dma_wait3A_80 = tpu.memref_slice %arg8[%scan3A_68, %dma_wait3A_79] : memref<80x128xi32, #tpu.memory_space<vmem>> -> memref<1x128xi32, #tpu.memory_space<vmem>>
      %dma_wait3A_81 = tpu.memref_squeeze %dma_wait3A_80 : memref<1x128xi32, #tpu.memory_space<vmem>> -> memref<128xi32, #tpu.memory_space<vmem>>
      %dma_wait3A_82 = arith.constant 0 : i32
      %dma_wait3A_83 = arith.constant 0 : i32
      %dma_wait3A_84 = tpu.memref_slice %arg2[%dma_wait3A, %dma_wait3A_82, %dma_wait3A_83] : memref<4x10240x128xf32, #tpu.memory_space<hbm>> -> memref<1x10240x128xf32, #tpu.memory_space<hbm>>
      %dma_wait3A_85 = tpu.memref_squeeze %dma_wait3A_84 : memref<1x10240x128xf32, #tpu.memory_space<hbm>> -> memref<10240x128xf32, #tpu.memory_space<hbm>>
      %dma_wait3A_86 = arith.constant 0 : i32
      %dma_wait3A_87 = arith.constant 0 : i32
      %dma_wait3A_88 = tpu.memref_slice %dma_wait3A_85[%dma_wait3A_86, %dma_wait3A_87] : memref<10240x128xf32, #tpu.memory_space<hbm>> -> memref<10240x128xf32, #tpu.memory_space<hbm>>
      tpu.wait_indirect_dma semaphore(%arg11 : memref<!tpu.dma_semaphore, #tpu.memory_space<semaphore_mem>>) src(%dma_wait3A_88 : memref<10240x128xf32, #tpu.memory_space<hbm>>) dst(%arg9 : memref<128x128xf32, #tpu.memory_space<vmem>>)
      "tpu.region"() ({
        %run_scoped3A_89 = tpu.sem_alloc : memref<!tpu.dma_semaphore, #tpu.memory_space<semaphore_mem>>
        %dma_start3A_90 = arith.constant 0 : i32
        %dma_start3A_91 = tpu.memref_slice %arg7[%scan3A_68, %dma_start3A_90] : memref<80x128xi32, #tpu.memory_space<vmem>> -> memref<1x128xi32, #tpu.memory_space<vmem>>
        %dma_start3A_92 = tpu.memref_squeeze %dma_start3A_91 : memref<1x128xi32, #tpu.memory_space<vmem>> -> memref<128xi32, #tpu.memory_space<vmem>>
        %dma_start3A_93 = arith.constant 0 : i32
        %dma_start3A_94 = arith.constant 0 : i32
        %dma_start3A_95 = tpu.memref_slice %arg10[%dma_start3A_93, %dma_start3A_94] : memref<10240x128xf32, #tpu.memory_space<vmem_shared>> -> memref<10240x128xf32, #tpu.memory_space<vmem_shared>>
        tpu.enqueue_indirect_dma source(%arg9 : memref<128x128xf32, #tpu.memory_space<vmem>>) target(%dma_start3A_95 : memref<10240x128xf32, #tpu.memory_space<vmem_shared>>) offsets(%dma_start3A_92 : memref<128xi32, #tpu.memory_space<vmem>>) semaphore(%run_scoped3A_89 : memref<!tpu.dma_semaphore, #tpu.memory_space<semaphore_mem>>) {add = true}
        %dma_wait3A_96 = arith.constant 0 : i32
        %dma_wait3A_97 = tpu.memref_slice %arg7[%scan3A_68, %dma_wait3A_96] : memref<80x128xi32, #tpu.memory_space<vmem>> -> memref<1x128xi32, #tpu.memory_space<vmem>>
        %dma_wait3A_98 = tpu.memref_squeeze %dma_wait3A_97 : memref<1x128xi32, #tpu.memory_space<vmem>> -> memref<128xi32, #tpu.memory_space<vmem>>
        %dma_wait3A_99 = arith.constant 0 : i32
        %dma_wait3A_100 = arith.constant 0 : i32
        %dma_wait3A_101 = tpu.memref_slice %arg10[%dma_wait3A_99, %dma_wait3A_100] : memref<10240x128xf32, #tpu.memory_space<vmem_shared>> -> memref<10240x128xf32, #tpu.memory_space<vmem_shared>>
        tpu.wait_indirect_dma semaphore(%run_scoped3A_89 : memref<!tpu.dma_semaphore, #tpu.memory_space<semaphore_mem>>) src(%arg9 : memref<128x128xf32, #tpu.memory_space<vmem>>) dst(%dma_wait3A_101 : memref<10240x128xf32, #tpu.memory_space<vmem_shared>>)
        tpu.yield
      }) : () -> ()
    }
    %scan3A_11 = arith.constant 80 : i32
    %barrier3A_12 = arith.constant 0 : index
    tpu.barrier barrier_id(%barrier3A_12)
    %mul3A_13 = arith.constant 640 : i32
    %mul3A_14 = arith.muli %arg1, %mul3A_13 : i32
    %mul3A_15 = arith.constant 640 : i32
    %mul3A_16 = arith.muli %arg1, %mul3A_15 : i32
    %run_scoped3A = arith.constant 0 : i32
    "tpu.region"() ({
      %run_scoped3A_68 = tpu.sem_alloc : memref<!tpu.dma_semaphore, #tpu.memory_space<semaphore_mem>>
      %dma_start3A = arith.constant 0 : i32
      %dma_start3A_69 = arith.constant 0 : i32
      %dma_start3A_70 = arith.constant 0 : i32
      %dma_start3A_71 = tpu.memref_slice %arg6[%arg0, %dma_start3A, %dma_start3A_69, %dma_start3A_70] : memref<2x4x10240x128xf32, #tpu.memory_space<hbm>> -> memref<1x4x10240x128xf32, #tpu.memory_space<hbm>>
      %dma_start3A_72 = tpu.memref_squeeze %dma_start3A_71 : memref<1x4x10240x128xf32, #tpu.memory_space<hbm>> -> memref<4x10240x128xf32, #tpu.memory_space<hbm>>
      %dma_start3A_73 = arith.constant 0 : i32
      %dma_start3A_74 = arith.constant 0 : i32
      %dma_start3A_75 = tpu.memref_slice %dma_start3A_72[%run_scoped3A, %dma_start3A_73, %dma_start3A_74] : memref<4x10240x128xf32, #tpu.memory_space<hbm>> -> memref<1x10240x128xf32, #tpu.memory_space<hbm>>
      %dma_start3A_76 = tpu.memref_squeeze %dma_start3A_75 : memref<1x10240x128xf32, #tpu.memory_space<hbm>> -> memref<10240x128xf32, #tpu.memory_space<hbm>>
      %dma_start3A_77 = arith.constant 0 : i32
      %dma_start3A_78 = tpu.memref_slice %dma_start3A_76[%mul3A_16, %dma_start3A_77] : memref<10240x128xf32, #tpu.memory_space<hbm>> -> memref<640x128xf32, #tpu.memory_space<hbm>>
      %dma_start3A_79 = arith.constant 0 : i32
      %dma_start3A_80 = tpu.memref_slice %arg10[%mul3A_14, %dma_start3A_79] : memref<10240x128xf32, #tpu.memory_space<vmem_shared>> -> memref<640x128xf32, #tpu.memory_space<vmem_shared>>
      tpu.enqueue_dma source(%dma_start3A_80 : memref<640x128xf32, #tpu.memory_space<vmem_shared>>) target(%dma_start3A_78 : memref<640x128xf32, #tpu.memory_space<hbm>>) target_semaphore(%run_scoped3A_68 : memref<!tpu.dma_semaphore, #tpu.memory_space<semaphore_mem>>)
      %dma_wait3A = arith.constant 0 : i32
      %dma_wait3A_81 = arith.constant 0 : i32
      %dma_wait3A_82 = arith.constant 0 : i32
      %dma_wait3A_83 = tpu.memref_slice %arg6[%arg0, %dma_wait3A, %dma_wait3A_81, %dma_wait3A_82] : memref<2x4x10240x128xf32, #tpu.memory_space<hbm>> -> memref<1x4x10240x128xf32, #tpu.memory_space<hbm>>
      %dma_wait3A_84 = tpu.memref_squeeze %dma_wait3A_83 : memref<1x4x10240x128xf32, #tpu.memory_space<hbm>> -> memref<4x10240x128xf32, #tpu.memory_space<hbm>>
      %dma_wait3A_85 = arith.constant 0 : i32
      %dma_wait3A_86 = arith.constant 0 : i32
      %dma_wait3A_87 = tpu.memref_slice %dma_wait3A_84[%run_scoped3A, %dma_wait3A_85, %dma_wait3A_86] : memref<4x10240x128xf32, #tpu.memory_space<hbm>> -> memref<1x10240x128xf32, #tpu.memory_space<hbm>>
      %dma_wait3A_88 = tpu.memref_squeeze %dma_wait3A_87 : memref<1x10240x128xf32, #tpu.memory_space<hbm>> -> memref<10240x128xf32, #tpu.memory_space<hbm>>
      %dma_wait3A_89 = arith.constant 0 : i32
      %dma_wait3A_90 = tpu.memref_slice %dma_wait3A_88[%mul3A_16, %dma_wait3A_89] : memref<10240x128xf32, #tpu.memory_space<hbm>> -> memref<640x128xf32, #tpu.memory_space<hbm>>
      %dma_wait3A_91 = arith.constant 0 : i32
      %dma_wait3A_92 = tpu.memref_slice %arg10[%mul3A_14, %dma_wait3A_91] : memref<10240x128xf32, #tpu.memory_space<vmem_shared>> -> memref<640x128xf32, #tpu.memory_space<vmem_shared>>
      tpu.wait_dma2 semaphore(%run_scoped3A_68 : memref<!tpu.dma_semaphore, #tpu.memory_space<semaphore_mem>>) src(%dma_wait3A_92 : memref<640x128xf32, #tpu.memory_space<vmem_shared>>) dst(%dma_wait3A_90 : memref<640x128xf32, #tpu.memory_space<hbm>>)
      tpu.yield
    }) : () -> ()
    %mul3A_17 = arith.constant 640 : i32
    %mul3A_18 = arith.muli %arg1, %mul3A_17 : i32
    %mul3A_19 = arith.constant 640 : i32
    %mul3A_20 = arith.muli %arg1, %mul3A_19 : i32
    "tpu.region"() ({
      %run_scoped3A_68 = tpu.sem_alloc : memref<!tpu.dma_semaphore, #tpu.memory_space<semaphore_mem>>
      %dma_start3A = arith.constant 0 : i32
      %dma_start3A_69 = tpu.memref_slice %arg10[%mul3A_20, %dma_start3A] : memref<10240x128xf32, #tpu.memory_space<vmem_shared>> -> memref<640x128xf32, #tpu.memory_space<vmem_shared>>
      %dma_start3A_70 = arith.constant 0 : i32
      %dma_start3A_71 = tpu.memref_slice %arg5[%mul3A_18, %dma_start3A_70] : memref<10240x128xf32, #tpu.memory_space<hbm>> -> memref<640x128xf32, #tpu.memory_space<hbm>>
      tpu.enqueue_dma source(%dma_start3A_71 : memref<640x128xf32, #tpu.memory_space<hbm>>) target(%dma_start3A_69 : memref<640x128xf32, #tpu.memory_space<vmem_shared>>) target_semaphore(%run_scoped3A_68 : memref<!tpu.dma_semaphore, #tpu.memory_space<semaphore_mem>>)
      %dma_wait3A = arith.constant 0 : i32
      %dma_wait3A_72 = tpu.memref_slice %arg10[%mul3A_20, %dma_wait3A] : memref<10240x128xf32, #tpu.memory_space<vmem_shared>> -> memref<640x128xf32, #tpu.memory_space<vmem_shared>>
      %dma_wait3A_73 = arith.constant 0 : i32
      %dma_wait3A_74 = tpu.memref_slice %arg5[%mul3A_18, %dma_wait3A_73] : memref<10240x128xf32, #tpu.memory_space<hbm>> -> memref<640x128xf32, #tpu.memory_space<hbm>>
      tpu.wait_dma2 semaphore(%run_scoped3A_68 : memref<!tpu.dma_semaphore, #tpu.memory_space<semaphore_mem>>) src(%dma_wait3A_74 : memref<640x128xf32, #tpu.memory_space<hbm>>) dst(%dma_wait3A_72 : memref<640x128xf32, #tpu.memory_space<vmem_shared>>)
      tpu.yield
    }) : () -> ()
    %barrier3A_21 = arith.constant 0 : index
    tpu.barrier barrier_id(%barrier3A_21)
    %scan3A_22 = arith.constant 0 : i32
    %scan3A_23 = arith.constant 0 : i32
    %scan3A_24 = arith.constant 80 : i32
    %scan3A_25 = arith.addi %scan3A_23, %scan3A_24 : i32
    %scan3A_26 = arith.constant 1 : i32
    scf.for %scan3A_68 = %scan3A_23 to %scan3A_25 step %scan3A_26  : i32 {
      %dma_start3A = arith.constant 1 : i32
      %dma_start3A_69 = arith.constant 0 : i32
      %dma_start3A_70 = tpu.memref_slice %arg8[%scan3A_68, %dma_start3A_69] : memref<80x128xi32, #tpu.memory_space<vmem>> -> memref<1x128xi32, #tpu.memory_space<vmem>>
      %dma_start3A_71 = tpu.memref_squeeze %dma_start3A_70 : memref<1x128xi32, #tpu.memory_space<vmem>> -> memref<128xi32, #tpu.memory_space<vmem>>
      %dma_start3A_72 = arith.constant 0 : i32
      %dma_start3A_73 = arith.constant 0 : i32
      %dma_start3A_74 = tpu.memref_slice %arg2[%dma_start3A, %dma_start3A_72, %dma_start3A_73] : memref<4x10240x128xf32, #tpu.memory_space<hbm>> -> memref<1x10240x128xf32, #tpu.memory_space<hbm>>
      %dma_start3A_75 = tpu.memref_squeeze %dma_start3A_74 : memref<1x10240x128xf32, #tpu.memory_space<hbm>> -> memref<10240x128xf32, #tpu.memory_space<hbm>>
      %dma_start3A_76 = arith.constant 0 : i32
      %dma_start3A_77 = arith.constant 0 : i32
      %dma_start3A_78 = tpu.memref_slice %dma_start3A_75[%dma_start3A_76, %dma_start3A_77] : memref<10240x128xf32, #tpu.memory_space<hbm>> -> memref<10240x128xf32, #tpu.memory_space<hbm>>
      tpu.enqueue_indirect_dma source(%dma_start3A_78 : memref<10240x128xf32, #tpu.memory_space<hbm>>) target(%arg9 : memref<128x128xf32, #tpu.memory_space<vmem>>) offsets(%dma_start3A_71 : memref<128xi32, #tpu.memory_space<vmem>>) semaphore(%arg11 : memref<!tpu.dma_semaphore, #tpu.memory_space<semaphore_mem>>)
      %dma_wait3A = arith.constant 1 : i32
      %dma_wait3A_79 = arith.constant 0 : i32
      %dma_wait3A_80 = tpu.memref_slice %arg8[%scan3A_68, %dma_wait3A_79] : memref<80x128xi32, #tpu.memory_space<vmem>> -> memref<1x128xi32, #tpu.memory_space<vmem>>
      %dma_wait3A_81 = tpu.memref_squeeze %dma_wait3A_80 : memref<1x128xi32, #tpu.memory_space<vmem>> -> memref<128xi32, #tpu.memory_space<vmem>>
      %dma_wait3A_82 = arith.constant 0 : i32
      %dma_wait3A_83 = arith.constant 0 : i32
      %dma_wait3A_84 = tpu.memref_slice %arg2[%dma_wait3A, %dma_wait3A_82, %dma_wait3A_83] : memref<4x10240x128xf32, #tpu.memory_space<hbm>> -> memref<1x10240x128xf32, #tpu.memory_space<hbm>>
      %dma_wait3A_85 = tpu.memref_squeeze %dma_wait3A_84 : memref<1x10240x128xf32, #tpu.memory_space<hbm>> -> memref<10240x128xf32, #tpu.memory_space<hbm>>
      %dma_wait3A_86 = arith.constant 0 : i32
      %dma_wait3A_87 = arith.constant 0 : i32
      %dma_wait3A_88 = tpu.memref_slice %dma_wait3A_85[%dma_wait3A_86, %dma_wait3A_87] : memref<10240x128xf32, #tpu.memory_space<hbm>> -> memref<10240x128xf32, #tpu.memory_space<hbm>>
      tpu.wait_indirect_dma semaphore(%arg11 : memref<!tpu.dma_semaphore, #tpu.memory_space<semaphore_mem>>) src(%dma_wait3A_88 : memref<10240x128xf32, #tpu.memory_space<hbm>>) dst(%arg9 : memref<128x128xf32, #tpu.memory_space<vmem>>)
      "tpu.region"() ({
        %run_scoped3A_89 = tpu.sem_alloc : memref<!tpu.dma_semaphore, #tpu.memory_space<semaphore_mem>>
        %dma_start3A_90 = arith.constant 0 : i32
        %dma_start3A_91 = tpu.memref_slice %arg7[%scan3A_68, %dma_start3A_90] : memref<80x128xi32, #tpu.memory_space<vmem>> -> memref<1x128xi32, #tpu.memory_space<vmem>>
        %dma_start3A_92 = tpu.memref_squeeze %dma_start3A_91 : memref<1x128xi32, #tpu.memory_space<vmem>> -> memref<128xi32, #tpu.memory_space<vmem>>
        %dma_start3A_93 = arith.constant 0 : i32
        %dma_start3A_94 = arith.constant 0 : i32
        %dma_start3A_95 = tpu.memref_slice %arg10[%dma_start3A_93, %dma_start3A_94] : memref<10240x128xf32, #tpu.memory_space<vmem_shared>> -> memref<10240x128xf32, #tpu.memory_space<vmem_shared>>
        tpu.enqueue_indirect_dma source(%arg9 : memref<128x128xf32, #tpu.memory_space<vmem>>) target(%dma_start3A_95 : memref<10240x128xf32, #tpu.memory_space<vmem_shared>>) offsets(%dma_start3A_92 : memref<128xi32, #tpu.memory_space<vmem>>) semaphore(%run_scoped3A_89 : memref<!tpu.dma_semaphore, #tpu.memory_space<semaphore_mem>>) {add = true}
        %dma_wait3A_96 = arith.constant 0 : i32
        %dma_wait3A_97 = tpu.memref_slice %arg7[%scan3A_68, %dma_wait3A_96] : memref<80x128xi32, #tpu.memory_space<vmem>> -> memref<1x128xi32, #tpu.memory_space<vmem>>
        %dma_wait3A_98 = tpu.memref_squeeze %dma_wait3A_97 : memref<1x128xi32, #tpu.memory_space<vmem>> -> memref<128xi32, #tpu.memory_space<vmem>>
        %dma_wait3A_99 = arith.constant 0 : i32
        %dma_wait3A_100 = arith.constant 0 : i32
        %dma_wait3A_101 = tpu.memref_slice %arg10[%dma_wait3A_99, %dma_wait3A_100] : memref<10240x128xf32, #tpu.memory_space<vmem_shared>> -> memref<10240x128xf32, #tpu.memory_space<vmem_shared>>
        tpu.wait_indirect_dma semaphore(%run_scoped3A_89 : memref<!tpu.dma_semaphore, #tpu.memory_space<semaphore_mem>>) src(%arg9 : memref<128x128xf32, #tpu.memory_space<vmem>>) dst(%dma_wait3A_101 : memref<10240x128xf32, #tpu.memory_space<vmem_shared>>)
        tpu.yield
      }) : () -> ()
    }
    %scan3A_27 = arith.constant 80 : i32
    %barrier3A_28 = arith.constant 0 : index
    tpu.barrier barrier_id(%barrier3A_28)
    %mul3A_29 = arith.constant 640 : i32
    %mul3A_30 = arith.muli %arg1, %mul3A_29 : i32
    %mul3A_31 = arith.constant 640 : i32
    %mul3A_32 = arith.muli %arg1, %mul3A_31 : i32
    %run_scoped3A_33 = arith.constant 1 : i32
    "tpu.region"() ({
      %run_scoped3A_68 = tpu.sem_alloc : memref<!tpu.dma_semaphore, #tpu.memory_space<semaphore_mem>>
      %dma_start3A = arith.constant 0 : i32
      %dma_start3A_69 = arith.constant 0 : i32
      %dma_start3A_70 = arith.constant 0 : i32
      %dma_start3A_71 = tpu.memref_slice %arg6[%arg0, %dma_start3A, %dma_start3A_69, %dma_start3A_70] : memref<2x4x10240x128xf32, #tpu.memory_space<hbm>> -> memref<1x4x10240x128xf32, #tpu.memory_space<hbm>>
      %dma_start3A_72 = tpu.memref_squeeze %dma_start3A_71 : memref<1x4x10240x128xf32, #tpu.memory_space<hbm>> -> memref<4x10240x128xf32, #tpu.memory_space<hbm>>
      %dma_start3A_73 = arith.constant 0 : i32
      %dma_start3A_74 = arith.constant 0 : i32
      %dma_start3A_75 = tpu.memref_slice %dma_start3A_72[%run_scoped3A_33, %dma_start3A_73, %dma_start3A_74] : memref<4x10240x128xf32, #tpu.memory_space<hbm>> -> memref<1x10240x128xf32, #tpu.memory_space<hbm>>
      %dma_start3A_76 = tpu.memref_squeeze %dma_start3A_75 : memref<1x10240x128xf32, #tpu.memory_space<hbm>> -> memref<10240x128xf32, #tpu.memory_space<hbm>>
      %dma_start3A_77 = arith.constant 0 : i32
      %dma_start3A_78 = tpu.memref_slice %dma_start3A_76[%mul3A_32, %dma_start3A_77] : memref<10240x128xf32, #tpu.memory_space<hbm>> -> memref<640x128xf32, #tpu.memory_space<hbm>>
      %dma_start3A_79 = arith.constant 0 : i32
      %dma_start3A_80 = tpu.memref_slice %arg10[%mul3A_30, %dma_start3A_79] : memref<10240x128xf32, #tpu.memory_space<vmem_shared>> -> memref<640x128xf32, #tpu.memory_space<vmem_shared>>
      tpu.enqueue_dma source(%dma_start3A_80 : memref<640x128xf32, #tpu.memory_space<vmem_shared>>) target(%dma_start3A_78 : memref<640x128xf32, #tpu.memory_space<hbm>>) target_semaphore(%run_scoped3A_68 : memref<!tpu.dma_semaphore, #tpu.memory_space<semaphore_mem>>)
      %dma_wait3A = arith.constant 0 : i32
      %dma_wait3A_81 = arith.constant 0 : i32
      %dma_wait3A_82 = arith.constant 0 : i32
      %dma_wait3A_83 = tpu.memref_slice %arg6[%arg0, %dma_wait3A, %dma_wait3A_81, %dma_wait3A_82] : memref<2x4x10240x128xf32, #tpu.memory_space<hbm>> -> memref<1x4x10240x128xf32, #tpu.memory_space<hbm>>
      %dma_wait3A_84 = tpu.memref_squeeze %dma_wait3A_83 : memref<1x4x10240x128xf32, #tpu.memory_space<hbm>> -> memref<4x10240x128xf32, #tpu.memory_space<hbm>>
      %dma_wait3A_85 = arith.constant 0 : i32
      %dma_wait3A_86 = arith.constant 0 : i32
      %dma_wait3A_87 = tpu.memref_slice %dma_wait3A_84[%run_scoped3A_33, %dma_wait3A_85, %dma_wait3A_86] : memref<4x10240x128xf32, #tpu.memory_space<hbm>> -> memref<1x10240x128xf32, #tpu.memory_space<hbm>>
      %dma_wait3A_88 = tpu.memref_squeeze %dma_wait3A_87 : memref<1x10240x128xf32, #tpu.memory_space<hbm>> -> memref<10240x128xf32, #tpu.memory_space<hbm>>
      %dma_wait3A_89 = arith.constant 0 : i32
      %dma_wait3A_90 = tpu.memref_slice %dma_wait3A_88[%mul3A_32, %dma_wait3A_89] : memref<10240x128xf32, #tpu.memory_space<hbm>> -> memref<640x128xf32, #tpu.memory_space<hbm>>
      %dma_wait3A_91 = arith.constant 0 : i32
      %dma_wait3A_92 = tpu.memref_slice %arg10[%mul3A_30, %dma_wait3A_91] : memref<10240x128xf32, #tpu.memory_space<vmem_shared>> -> memref<640x128xf32, #tpu.memory_space<vmem_shared>>
      tpu.wait_dma2 semaphore(%run_scoped3A_68 : memref<!tpu.dma_semaphore, #tpu.memory_space<semaphore_mem>>) src(%dma_wait3A_92 : memref<640x128xf32, #tpu.memory_space<vmem_shared>>) dst(%dma_wait3A_90 : memref<640x128xf32, #tpu.memory_space<hbm>>)
      tpu.yield
    }) : () -> ()
    %mul3A_34 = arith.constant 640 : i32
    %mul3A_35 = arith.muli %arg1, %mul3A_34 : i32
    %mul3A_36 = arith.constant 640 : i32
    %mul3A_37 = arith.muli %arg1, %mul3A_36 : i32
    "tpu.region"() ({
      %run_scoped3A_68 = tpu.sem_alloc : memref<!tpu.dma_semaphore, #tpu.memory_space<semaphore_mem>>
      %dma_start3A = arith.constant 0 : i32
      %dma_start3A_69 = tpu.memref_slice %arg10[%mul3A_37, %dma_start3A] : memref<10240x128xf32, #tpu.memory_space<vmem_shared>> -> memref<640x128xf32, #tpu.memory_space<vmem_shared>>
      %dma_start3A_70 = arith.constant 0 : i32
      %dma_start3A_71 = tpu.memref_slice %arg5[%mul3A_35, %dma_start3A_70] : memref<10240x128xf32, #tpu.memory_space<hbm>> -> memref<640x128xf32, #tpu.memory_space<hbm>>
      tpu.enqueue_dma source(%dma_start3A_71 : memref<640x128xf32, #tpu.memory_space<hbm>>) target(%dma_start3A_69 : memref<640x128xf32, #tpu.memory_space<vmem_shared>>) target_semaphore(%run_scoped3A_68 : memref<!tpu.dma_semaphore, #tpu.memory_space<semaphore_mem>>)
      %dma_wait3A = arith.constant 0 : i32
      %dma_wait3A_72 = tpu.memref_slice %arg10[%mul3A_37, %dma_wait3A] : memref<10240x128xf32, #tpu.memory_space<vmem_shared>> -> memref<640x128xf32, #tpu.memory_space<vmem_shared>>
      %dma_wait3A_73 = arith.constant 0 : i32
      %dma_wait3A_74 = tpu.memref_slice %arg5[%mul3A_35, %dma_wait3A_73] : memref<10240x128xf32, #tpu.memory_space<hbm>> -> memref<640x128xf32, #tpu.memory_space<hbm>>
      tpu.wait_dma2 semaphore(%run_scoped3A_68 : memref<!tpu.dma_semaphore, #tpu.memory_space<semaphore_mem>>) src(%dma_wait3A_74 : memref<640x128xf32, #tpu.memory_space<hbm>>) dst(%dma_wait3A_72 : memref<640x128xf32, #tpu.memory_space<vmem_shared>>)
      tpu.yield
    }) : () -> ()
    %barrier3A_38 = arith.constant 0 : index
    tpu.barrier barrier_id(%barrier3A_38)
    %scan3A_39 = arith.constant 0 : i32
    %scan3A_40 = arith.constant 0 : i32
    %scan3A_41 = arith.constant 80 : i32
    %scan3A_42 = arith.addi %scan3A_40, %scan3A_41 : i32
    %scan3A_43 = arith.constant 1 : i32
    scf.for %scan3A_68 = %scan3A_40 to %scan3A_42 step %scan3A_43  : i32 {
      %dma_start3A = arith.constant 2 : i32
      %dma_start3A_69 = arith.constant 0 : i32
      %dma_start3A_70 = tpu.memref_slice %arg8[%scan3A_68, %dma_start3A_69] : memref<80x128xi32, #tpu.memory_space<vmem>> -> memref<1x128xi32, #tpu.memory_space<vmem>>
      %dma_start3A_71 = tpu.memref_squeeze %dma_start3A_70 : memref<1x128xi32, #tpu.memory_space<vmem>> -> memref<128xi32, #tpu.memory_space<vmem>>
      %dma_start3A_72 = arith.constant 0 : i32
      %dma_start3A_73 = arith.constant 0 : i32
      %dma_start3A_74 = tpu.memref_slice %arg2[%dma_start3A, %dma_start3A_72, %dma_start3A_73] : memref<4x10240x128xf32, #tpu.memory_space<hbm>> -> memref<1x10240x128xf32, #tpu.memory_space<hbm>>
      %dma_start3A_75 = tpu.memref_squeeze %dma_start3A_74 : memref<1x10240x128xf32, #tpu.memory_space<hbm>> -> memref<10240x128xf32, #tpu.memory_space<hbm>>
      %dma_start3A_76 = arith.constant 0 : i32
      %dma_start3A_77 = arith.constant 0 : i32
      %dma_start3A_78 = tpu.memref_slice %dma_start3A_75[%dma_start3A_76, %dma_start3A_77] : memref<10240x128xf32, #tpu.memory_space<hbm>> -> memref<10240x128xf32, #tpu.memory_space<hbm>>
      tpu.enqueue_indirect_dma source(%dma_start3A_78 : memref<10240x128xf32, #tpu.memory_space<hbm>>) target(%arg9 : memref<128x128xf32, #tpu.memory_space<vmem>>) offsets(%dma_start3A_71 : memref<128xi32, #tpu.memory_space<vmem>>) semaphore(%arg11 : memref<!tpu.dma_semaphore, #tpu.memory_space<semaphore_mem>>)
      %dma_wait3A = arith.constant 2 : i32
      %dma_wait3A_79 = arith.constant 0 : i32
      %dma_wait3A_80 = tpu.memref_slice %arg8[%scan3A_68, %dma_wait3A_79] : memref<80x128xi32, #tpu.memory_space<vmem>> -> memref<1x128xi32, #tpu.memory_space<vmem>>
      %dma_wait3A_81 = tpu.memref_squeeze %dma_wait3A_80 : memref<1x128xi32, #tpu.memory_space<vmem>> -> memref<128xi32, #tpu.memory_space<vmem>>
      %dma_wait3A_82 = arith.constant 0 : i32
      %dma_wait3A_83 = arith.constant 0 : i32
      %dma_wait3A_84 = tpu.memref_slice %arg2[%dma_wait3A, %dma_wait3A_82, %dma_wait3A_83] : memref<4x10240x128xf32, #tpu.memory_space<hbm>> -> memref<1x10240x128xf32, #tpu.memory_space<hbm>>
      %dma_wait3A_85 = tpu.memref_squeeze %dma_wait3A_84 : memref<1x10240x128xf32, #tpu.memory_space<hbm>> -> memref<10240x128xf32, #tpu.memory_space<hbm>>
      %dma_wait3A_86 = arith.constant 0 : i32
      %dma_wait3A_87 = arith.constant 0 : i32
      %dma_wait3A_88 = tpu.memref_slice %dma_wait3A_85[%dma_wait3A_86, %dma_wait3A_87] : memref<10240x128xf32, #tpu.memory_space<hbm>> -> memref<10240x128xf32, #tpu.memory_space<hbm>>
      tpu.wait_indirect_dma semaphore(%arg11 : memref<!tpu.dma_semaphore, #tpu.memory_space<semaphore_mem>>) src(%dma_wait3A_88 : memref<10240x128xf32, #tpu.memory_space<hbm>>) dst(%arg9 : memref<128x128xf32, #tpu.memory_space<vmem>>)
      "tpu.region"() ({
        %run_scoped3A_89 = tpu.sem_alloc : memref<!tpu.dma_semaphore, #tpu.memory_space<semaphore_mem>>
        %dma_start3A_90 = arith.constant 0 : i32
        %dma_start3A_91 = tpu.memref_slice %arg7[%scan3A_68, %dma_start3A_90] : memref<80x128xi32, #tpu.memory_space<vmem>> -> memref<1x128xi32, #tpu.memory_space<vmem>>
        %dma_start3A_92 = tpu.memref_squeeze %dma_start3A_91 : memref<1x128xi32, #tpu.memory_space<vmem>> -> memref<128xi32, #tpu.memory_space<vmem>>
        %dma_start3A_93 = arith.constant 0 : i32
        %dma_start3A_94 = arith.constant 0 : i32
        %dma_start3A_95 = tpu.memref_slice %arg10[%dma_start3A_93, %dma_start3A_94] : memref<10240x128xf32, #tpu.memory_space<vmem_shared>> -> memref<10240x128xf32, #tpu.memory_space<vmem_shared>>
        tpu.enqueue_indirect_dma source(%arg9 : memref<128x128xf32, #tpu.memory_space<vmem>>) target(%dma_start3A_95 : memref<10240x128xf32, #tpu.memory_space<vmem_shared>>) offsets(%dma_start3A_92 : memref<128xi32, #tpu.memory_space<vmem>>) semaphore(%run_scoped3A_89 : memref<!tpu.dma_semaphore, #tpu.memory_space<semaphore_mem>>) {add = true}
        %dma_wait3A_96 = arith.constant 0 : i32
        %dma_wait3A_97 = tpu.memref_slice %arg7[%scan3A_68, %dma_wait3A_96] : memref<80x128xi32, #tpu.memory_space<vmem>> -> memref<1x128xi32, #tpu.memory_space<vmem>>
        %dma_wait3A_98 = tpu.memref_squeeze %dma_wait3A_97 : memref<1x128xi32, #tpu.memory_space<vmem>> -> memref<128xi32, #tpu.memory_space<vmem>>
        %dma_wait3A_99 = arith.constant 0 : i32
        %dma_wait3A_100 = arith.constant 0 : i32
        %dma_wait3A_101 = tpu.memref_slice %arg10[%dma_wait3A_99, %dma_wait3A_100] : memref<10240x128xf32, #tpu.memory_space<vmem_shared>> -> memref<10240x128xf32, #tpu.memory_space<vmem_shared>>
        tpu.wait_indirect_dma semaphore(%run_scoped3A_89 : memref<!tpu.dma_semaphore, #tpu.memory_space<semaphore_mem>>) src(%arg9 : memref<128x128xf32, #tpu.memory_space<vmem>>) dst(%dma_wait3A_101 : memref<10240x128xf32, #tpu.memory_space<vmem_shared>>)
        tpu.yield
      }) : () -> ()
    }
    %scan3A_44 = arith.constant 80 : i32
    %barrier3A_45 = arith.constant 0 : index
    tpu.barrier barrier_id(%barrier3A_45)
    %mul3A_46 = arith.constant 640 : i32
    %mul3A_47 = arith.muli %arg1, %mul3A_46 : i32
    %mul3A_48 = arith.constant 640 : i32
    %mul3A_49 = arith.muli %arg1, %mul3A_48 : i32
    %run_scoped3A_50 = arith.constant 2 : i32
    "tpu.region"() ({
      %run_scoped3A_68 = tpu.sem_alloc : memref<!tpu.dma_semaphore, #tpu.memory_space<semaphore_mem>>
      %dma_start3A = arith.constant 0 : i32
      %dma_start3A_69 = arith.constant 0 : i32
      %dma_start3A_70 = arith.constant 0 : i32
      %dma_start3A_71 = tpu.memref_slice %arg6[%arg0, %dma_start3A, %dma_start3A_69, %dma_start3A_70] : memref<2x4x10240x128xf32, #tpu.memory_space<hbm>> -> memref<1x4x10240x128xf32, #tpu.memory_space<hbm>>
      %dma_start3A_72 = tpu.memref_squeeze %dma_start3A_71 : memref<1x4x10240x128xf32, #tpu.memory_space<hbm>> -> memref<4x10240x128xf32, #tpu.memory_space<hbm>>
      %dma_start3A_73 = arith.constant 0 : i32
      %dma_start3A_74 = arith.constant 0 : i32
      %dma_start3A_75 = tpu.memref_slice %dma_start3A_72[%run_scoped3A_50, %dma_start3A_73, %dma_start3A_74] : memref<4x10240x128xf32, #tpu.memory_space<hbm>> -> memref<1x10240x128xf32, #tpu.memory_space<hbm>>
      %dma_start3A_76 = tpu.memref_squeeze %dma_start3A_75 : memref<1x10240x128xf32, #tpu.memory_space<hbm>> -> memref<10240x128xf32, #tpu.memory_space<hbm>>
      %dma_start3A_77 = arith.constant 0 : i32
      %dma_start3A_78 = tpu.memref_slice %dma_start3A_76[%mul3A_49, %dma_start3A_77] : memref<10240x128xf32, #tpu.memory_space<hbm>> -> memref<640x128xf32, #tpu.memory_space<hbm>>
      %dma_start3A_79 = arith.constant 0 : i32
      %dma_start3A_80 = tpu.memref_slice %arg10[%mul3A_47, %dma_start3A_79] : memref<10240x128xf32, #tpu.memory_space<vmem_shared>> -> memref<640x128xf32, #tpu.memory_space<vmem_shared>>
      tpu.enqueue_dma source(%dma_start3A_80 : memref<640x128xf32, #tpu.memory_space<vmem_shared>>) target(%dma_start3A_78 : memref<640x128xf32, #tpu.memory_space<hbm>>) target_semaphore(%run_scoped3A_68 : memref<!tpu.dma_semaphore, #tpu.memory_space<semaphore_mem>>)
      %dma_wait3A = arith.constant 0 : i32
      %dma_wait3A_81 = arith.constant 0 : i32
      %dma_wait3A_82 = arith.constant 0 : i32
      %dma_wait3A_83 = tpu.memref_slice %arg6[%arg0, %dma_wait3A, %dma_wait3A_81, %dma_wait3A_82] : memref<2x4x10240x128xf32, #tpu.memory_space<hbm>> -> memref<1x4x10240x128xf32, #tpu.memory_space<hbm>>
      %dma_wait3A_84 = tpu.memref_squeeze %dma_wait3A_83 : memref<1x4x10240x128xf32, #tpu.memory_space<hbm>> -> memref<4x10240x128xf32, #tpu.memory_space<hbm>>
      %dma_wait3A_85 = arith.constant 0 : i32
      %dma_wait3A_86 = arith.constant 0 : i32
      %dma_wait3A_87 = tpu.memref_slice %dma_wait3A_84[%run_scoped3A_50, %dma_wait3A_85, %dma_wait3A_86] : memref<4x10240x128xf32, #tpu.memory_space<hbm>> -> memref<1x10240x128xf32, #tpu.memory_space<hbm>>
      %dma_wait3A_88 = tpu.memref_squeeze %dma_wait3A_87 : memref<1x10240x128xf32, #tpu.memory_space<hbm>> -> memref<10240x128xf32, #tpu.memory_space<hbm>>
      %dma_wait3A_89 = arith.constant 0 : i32
      %dma_wait3A_90 = tpu.memref_slice %dma_wait3A_88[%mul3A_49, %dma_wait3A_89] : memref<10240x128xf32, #tpu.memory_space<hbm>> -> memref<640x128xf32, #tpu.memory_space<hbm>>
      %dma_wait3A_91 = arith.constant 0 : i32
      %dma_wait3A_92 = tpu.memref_slice %arg10[%mul3A_47, %dma_wait3A_91] : memref<10240x128xf32, #tpu.memory_space<vmem_shared>> -> memref<640x128xf32, #tpu.memory_space<vmem_shared>>
      tpu.wait_dma2 semaphore(%run_scoped3A_68 : memref<!tpu.dma_semaphore, #tpu.memory_space<semaphore_mem>>) src(%dma_wait3A_92 : memref<640x128xf32, #tpu.memory_space<vmem_shared>>) dst(%dma_wait3A_90 : memref<640x128xf32, #tpu.memory_space<hbm>>)
      tpu.yield
    }) : () -> ()
    %mul3A_51 = arith.constant 640 : i32
    %mul3A_52 = arith.muli %arg1, %mul3A_51 : i32
    %mul3A_53 = arith.constant 640 : i32
    %mul3A_54 = arith.muli %arg1, %mul3A_53 : i32
    "tpu.region"() ({
      %run_scoped3A_68 = tpu.sem_alloc : memref<!tpu.dma_semaphore, #tpu.memory_space<semaphore_mem>>
      %dma_start3A = arith.constant 0 : i32
      %dma_start3A_69 = tpu.memref_slice %arg10[%mul3A_54, %dma_start3A] : memref<10240x128xf32, #tpu.memory_space<vmem_shared>> -> memref<640x128xf32, #tpu.memory_space<vmem_shared>>
      %dma_start3A_70 = arith.constant 0 : i32
      %dma_start3A_71 = tpu.memref_slice %arg5[%mul3A_52, %dma_start3A_70] : memref<10240x128xf32, #tpu.memory_space<hbm>> -> memref<640x128xf32, #tpu.memory_space<hbm>>
      tpu.enqueue_dma source(%dma_start3A_71 : memref<640x128xf32, #tpu.memory_space<hbm>>) target(%dma_start3A_69 : memref<640x128xf32, #tpu.memory_space<vmem_shared>>) target_semaphore(%run_scoped3A_68 : memref<!tpu.dma_semaphore, #tpu.memory_space<semaphore_mem>>)
      %dma_wait3A = arith.constant 0 : i32
      %dma_wait3A_72 = tpu.memref_slice %arg10[%mul3A_54, %dma_wait3A] : memref<10240x128xf32, #tpu.memory_space<vmem_shared>> -> memref<640x128xf32, #tpu.memory_space<vmem_shared>>
      %dma_wait3A_73 = arith.constant 0 : i32
      %dma_wait3A_74 = tpu.memref_slice %arg5[%mul3A_52, %dma_wait3A_73] : memref<10240x128xf32, #tpu.memory_space<hbm>> -> memref<640x128xf32, #tpu.memory_space<hbm>>
      tpu.wait_dma2 semaphore(%run_scoped3A_68 : memref<!tpu.dma_semaphore, #tpu.memory_space<semaphore_mem>>) src(%dma_wait3A_74 : memref<640x128xf32, #tpu.memory_space<hbm>>) dst(%dma_wait3A_72 : memref<640x128xf32, #tpu.memory_space<vmem_shared>>)
      tpu.yield
    }) : () -> ()
    %barrier3A_55 = arith.constant 0 : index
    tpu.barrier barrier_id(%barrier3A_55)
    %scan3A_56 = arith.constant 0 : i32
    %scan3A_57 = arith.constant 0 : i32
    %scan3A_58 = arith.constant 80 : i32
    %scan3A_59 = arith.addi %scan3A_57, %scan3A_58 : i32
    %scan3A_60 = arith.constant 1 : i32
    scf.for %scan3A_68 = %scan3A_57 to %scan3A_59 step %scan3A_60  : i32 {
      %dma_start3A = arith.constant 3 : i32
      %dma_start3A_69 = arith.constant 0 : i32
      %dma_start3A_70 = tpu.memref_slice %arg8[%scan3A_68, %dma_start3A_69] : memref<80x128xi32, #tpu.memory_space<vmem>> -> memref<1x128xi32, #tpu.memory_space<vmem>>
      %dma_start3A_71 = tpu.memref_squeeze %dma_start3A_70 : memref<1x128xi32, #tpu.memory_space<vmem>> -> memref<128xi32, #tpu.memory_space<vmem>>
      %dma_start3A_72 = arith.constant 0 : i32
      %dma_start3A_73 = arith.constant 0 : i32
      %dma_start3A_74 = tpu.memref_slice %arg2[%dma_start3A, %dma_start3A_72, %dma_start3A_73] : memref<4x10240x128xf32, #tpu.memory_space<hbm>> -> memref<1x10240x128xf32, #tpu.memory_space<hbm>>
      %dma_start3A_75 = tpu.memref_squeeze %dma_start3A_74 : memref<1x10240x128xf32, #tpu.memory_space<hbm>> -> memref<10240x128xf32, #tpu.memory_space<hbm>>
      %dma_start3A_76 = arith.constant 0 : i32
      %dma_start3A_77 = arith.constant 0 : i32
      %dma_start3A_78 = tpu.memref_slice %dma_start3A_75[%dma_start3A_76, %dma_start3A_77] : memref<10240x128xf32, #tpu.memory_space<hbm>> -> memref<10240x128xf32, #tpu.memory_space<hbm>>
      tpu.enqueue_indirect_dma source(%dma_start3A_78 : memref<10240x128xf32, #tpu.memory_space<hbm>>) target(%arg9 : memref<128x128xf32, #tpu.memory_space<vmem>>) offsets(%dma_start3A_71 : memref<128xi32, #tpu.memory_space<vmem>>) semaphore(%arg11 : memref<!tpu.dma_semaphore, #tpu.memory_space<semaphore_mem>>)
      %dma_wait3A = arith.constant 3 : i32
      %dma_wait3A_79 = arith.constant 0 : i32
      %dma_wait3A_80 = tpu.memref_slice %arg8[%scan3A_68, %dma_wait3A_79] : memref<80x128xi32, #tpu.memory_space<vmem>> -> memref<1x128xi32, #tpu.memory_space<vmem>>
      %dma_wait3A_81 = tpu.memref_squeeze %dma_wait3A_80 : memref<1x128xi32, #tpu.memory_space<vmem>> -> memref<128xi32, #tpu.memory_space<vmem>>
      %dma_wait3A_82 = arith.constant 0 : i32
      %dma_wait3A_83 = arith.constant 0 : i32
      %dma_wait3A_84 = tpu.memref_slice %arg2[%dma_wait3A, %dma_wait3A_82, %dma_wait3A_83] : memref<4x10240x128xf32, #tpu.memory_space<hbm>> -> memref<1x10240x128xf32, #tpu.memory_space<hbm>>
      %dma_wait3A_85 = tpu.memref_squeeze %dma_wait3A_84 : memref<1x10240x128xf32, #tpu.memory_space<hbm>> -> memref<10240x128xf32, #tpu.memory_space<hbm>>
      %dma_wait3A_86 = arith.constant 0 : i32
      %dma_wait3A_87 = arith.constant 0 : i32
      %dma_wait3A_88 = tpu.memref_slice %dma_wait3A_85[%dma_wait3A_86, %dma_wait3A_87] : memref<10240x128xf32, #tpu.memory_space<hbm>> -> memref<10240x128xf32, #tpu.memory_space<hbm>>
      tpu.wait_indirect_dma semaphore(%arg11 : memref<!tpu.dma_semaphore, #tpu.memory_space<semaphore_mem>>) src(%dma_wait3A_88 : memref<10240x128xf32, #tpu.memory_space<hbm>>) dst(%arg9 : memref<128x128xf32, #tpu.memory_space<vmem>>)
      "tpu.region"() ({
        %run_scoped3A_89 = tpu.sem_alloc : memref<!tpu.dma_semaphore, #tpu.memory_space<semaphore_mem>>
        %dma_start3A_90 = arith.constant 0 : i32
        %dma_start3A_91 = tpu.memref_slice %arg7[%scan3A_68, %dma_start3A_90] : memref<80x128xi32, #tpu.memory_space<vmem>> -> memref<1x128xi32, #tpu.memory_space<vmem>>
        %dma_start3A_92 = tpu.memref_squeeze %dma_start3A_91 : memref<1x128xi32, #tpu.memory_space<vmem>> -> memref<128xi32, #tpu.memory_space<vmem>>
        %dma_start3A_93 = arith.constant 0 : i32
        %dma_start3A_94 = arith.constant 0 : i32
        %dma_start3A_95 = tpu.memref_slice %arg10[%dma_start3A_93, %dma_start3A_94] : memref<10240x128xf32, #tpu.memory_space<vmem_shared>> -> memref<10240x128xf32, #tpu.memory_space<vmem_shared>>
        tpu.enqueue_indirect_dma source(%arg9 : memref<128x128xf32, #tpu.memory_space<vmem>>) target(%dma_start3A_95 : memref<10240x128xf32, #tpu.memory_space<vmem_shared>>) offsets(%dma_start3A_92 : memref<128xi32, #tpu.memory_space<vmem>>) semaphore(%run_scoped3A_89 : memref<!tpu.dma_semaphore, #tpu.memory_space<semaphore_mem>>) {add = true}
        %dma_wait3A_96 = arith.constant 0 : i32
        %dma_wait3A_97 = tpu.memref_slice %arg7[%scan3A_68, %dma_wait3A_96] : memref<80x128xi32, #tpu.memory_space<vmem>> -> memref<1x128xi32, #tpu.memory_space<vmem>>
        %dma_wait3A_98 = tpu.memref_squeeze %dma_wait3A_97 : memref<1x128xi32, #tpu.memory_space<vmem>> -> memref<128xi32, #tpu.memory_space<vmem>>
        %dma_wait3A_99 = arith.constant 0 : i32
        %dma_wait3A_100 = arith.constant 0 : i32
        %dma_wait3A_101 = tpu.memref_slice %arg10[%dma_wait3A_99, %dma_wait3A_100] : memref<10240x128xf32, #tpu.memory_space<vmem_shared>> -> memref<10240x128xf32, #tpu.memory_space<vmem_shared>>
        tpu.wait_indirect_dma semaphore(%run_scoped3A_89 : memref<!tpu.dma_semaphore, #tpu.memory_space<semaphore_mem>>) src(%arg9 : memref<128x128xf32, #tpu.memory_space<vmem>>) dst(%dma_wait3A_101 : memref<10240x128xf32, #tpu.memory_space<vmem_shared>>)
        tpu.yield
      }) : () -> ()
    }
    %scan3A_61 = arith.constant 80 : i32
    %barrier3A_62 = arith.constant 0 : index
    tpu.barrier barrier_id(%barrier3A_62)
    %mul3A_63 = arith.constant 640 : i32
    %mul3A_64 = arith.muli %arg1, %mul3A_63 : i32
    %mul3A_65 = arith.constant 640 : i32
    %mul3A_66 = arith.muli %arg1, %mul3A_65 : i32
    %run_scoped3A_67 = arith.constant 3 : i32
    "tpu.region"() ({
      %run_scoped3A_68 = tpu.sem_alloc : memref<!tpu.dma_semaphore, #tpu.memory_space<semaphore_mem>>
      %dma_start3A = arith.constant 0 : i32
      %dma_start3A_69 = arith.constant 0 : i32
      %dma_start3A_70 = arith.constant 0 : i32
      %dma_start3A_71 = tpu.memref_slice %arg6[%arg0, %dma_start3A, %dma_start3A_69, %dma_start3A_70] : memref<2x4x10240x128xf32, #tpu.memory_space<hbm>> -> memref<1x4x10240x128xf32, #tpu.memory_space<hbm>>
      %dma_start3A_72 = tpu.memref_squeeze %dma_start3A_71 : memref<1x4x10240x128xf32, #tpu.memory_space<hbm>> -> memref<4x10240x128xf32, #tpu.memory_space<hbm>>
      %dma_start3A_73 = arith.constant 0 : i32
      %dma_start3A_74 = arith.constant 0 : i32
      %dma_start3A_75 = tpu.memref_slice %dma_start3A_72[%run_scoped3A_67, %dma_start3A_73, %dma_start3A_74] : memref<4x10240x128xf32, #tpu.memory_space<hbm>> -> memref<1x10240x128xf32, #tpu.memory_space<hbm>>
      %dma_start3A_76 = tpu.memref_squeeze %dma_start3A_75 : memref<1x10240x128xf32, #tpu.memory_space<hbm>> -> memref<10240x128xf32, #tpu.memory_space<hbm>>
      %dma_start3A_77 = arith.constant 0 : i32
      %dma_start3A_78 = tpu.memref_slice %dma_start3A_76[%mul3A_66, %dma_start3A_77] : memref<10240x128xf32, #tpu.memory_space<hbm>> -> memref<640x128xf32, #tpu.memory_space<hbm>>
      %dma_start3A_79 = arith.constant 0 : i32
      %dma_start3A_80 = tpu.memref_slice %arg10[%mul3A_64, %dma_start3A_79] : memref<10240x128xf32, #tpu.memory_space<vmem_shared>> -> memref<640x128xf32, #tpu.memory_space<vmem_shared>>
      tpu.enqueue_dma source(%dma_start3A_80 : memref<640x128xf32, #tpu.memory_space<vmem_shared>>) target(%dma_start3A_78 : memref<640x128xf32, #tpu.memory_space<hbm>>) target_semaphore(%run_scoped3A_68 : memref<!tpu.dma_semaphore, #tpu.memory_space<semaphore_mem>>)
      %dma_wait3A = arith.constant 0 : i32
      %dma_wait3A_81 = arith.constant 0 : i32
      %dma_wait3A_82 = arith.constant 0 : i32
      %dma_wait3A_83 = tpu.memref_slice %arg6[%arg0, %dma_wait3A, %dma_wait3A_81, %dma_wait3A_82] : memref<2x4x10240x128xf32, #tpu.memory_space<hbm>> -> memref<1x4x10240x128xf32, #tpu.memory_space<hbm>>
      %dma_wait3A_84 = tpu.memref_squeeze %dma_wait3A_83 : memref<1x4x10240x128xf32, #tpu.memory_space<hbm>> -> memref<4x10240x128xf32, #tpu.memory_space<hbm>>
      %dma_wait3A_85 = arith.constant 0 : i32
      %dma_wait3A_86 = arith.constant 0 : i32
      %dma_wait3A_87 = tpu.memref_slice %dma_wait3A_84[%run_scoped3A_67, %dma_wait3A_85, %dma_wait3A_86] : memref<4x10240x128xf32, #tpu.memory_space<hbm>> -> memref<1x10240x128xf32, #tpu.memory_space<hbm>>
      %dma_wait3A_88 = tpu.memref_squeeze %dma_wait3A_87 : memref<1x10240x128xf32, #tpu.memory_space<hbm>> -> memref<10240x128xf32, #tpu.memory_space<hbm>>
      %dma_wait3A_89 = arith.constant 0 : i32
      %dma_wait3A_90 = tpu.memref_slice %dma_wait3A_88[%mul3A_66, %dma_wait3A_89] : memref<10240x128xf32, #tpu.memory_space<hbm>> -> memref<640x128xf32, #tpu.memory_space<hbm>>
      %dma_wait3A_91 = arith.constant 0 : i32
      %dma_wait3A_92 = tpu.memref_slice %arg10[%mul3A_64, %dma_wait3A_91] : memref<10240x128xf32, #tpu.memory_space<vmem_shared>> -> memref<640x128xf32, #tpu.memory_space<vmem_shared>>
      tpu.wait_dma2 semaphore(%run_scoped3A_68 : memref<!tpu.dma_semaphore, #tpu.memory_space<semaphore_mem>>) src(%dma_wait3A_92 : memref<640x128xf32, #tpu.memory_space<vmem_shared>>) dst(%dma_wait3A_90 : memref<640x128xf32, #tpu.memory_space<hbm>>)
      tpu.yield
    }) : () -> ()
    return
  }
}

module attributes {stable_mosaic.version = 14 : i64} {
  func.func @_msgs_body(%arg0: i32, %arg1: memref<512x128xf32, #tpu.memory_space<vmem>>, %arg2: memref<512x128xf32, #tpu.memory_space<vmem>>, %arg3: memref<128x64xf32, #tpu.memory_space<vmem>>, %arg4: memref<1x64xf32, #tpu.memory_space<vmem>>, %arg5: memref<64x64xf32, #tpu.memory_space<vmem>>, %arg6: memref<1x64xf32, #tpu.memory_space<vmem>>, %arg7: memref<64x384xf32, #tpu.memory_space<vmem>>, %arg8: memref<1x384xf32, #tpu.memory_space<vmem>>, %arg9: memref<512x128xf32, #tpu.memory_space<vmem>>) attributes {dimension_semantics = [#tpu.dimension_semantics<arbitrary>], iteration_bounds = array<i64: 640>, scalar_prefetch = 0 : i64, scratch_operands = 0 : i64, tpu.core_type = #tpu.core_type<tc>, window_params = [{transform_indices = @transform_0, window_bounds = array<i64: 512, 128>}, {transform_indices = @transform_1, window_bounds = array<i64: 512, 128>}, {pipeline_mode = #tpu.pipeline_mode<synchronous>, transform_indices = @transform_2, window_bounds = array<i64: 128, 64>}, {pipeline_mode = #tpu.pipeline_mode<synchronous>, transform_indices = @transform_3, window_bounds = array<i64: 1, 64>}, {pipeline_mode = #tpu.pipeline_mode<synchronous>, transform_indices = @transform_4, window_bounds = array<i64: 64, 64>}, {pipeline_mode = #tpu.pipeline_mode<synchronous>, transform_indices = @transform_5, window_bounds = array<i64: 1, 64>}, {pipeline_mode = #tpu.pipeline_mode<synchronous>, transform_indices = @transform_6, window_bounds = array<i64: 64, 384>}, {pipeline_mode = #tpu.pipeline_mode<synchronous>, transform_indices = @transform_7, window_bounds = array<i64: 1, 384>}, {transform_indices = @transform_8, window_bounds = array<i64: 512, 128>}]} {
    %get3A = arith.constant 0 : index
    %get3A_0 = arith.constant 0 : index
    %get3A_1 = vector.load %arg1[%get3A, %get3A_0] : memref<512x128xf32, #tpu.memory_space<vmem>>, vector<512x128xf32>
    %get3A_2 = arith.constant 0 : index
    %get3A_3 = arith.constant 0 : index
    %get3A_4 = vector.load %arg2[%get3A_2, %get3A_3] : memref<512x128xf32, #tpu.memory_space<vmem>>, vector<512x128xf32>
    %sub3A = arith.subf %get3A_4, %get3A_1 : vector<512x128xf32>
    %iota3A = tpu.iota {dimensions = array<i32: 1>} : vector<1x128xi32>
    %lt3A = arith.constant 3 : i32
    %lt3A_5 = vector.broadcast %lt3A : i32 to vector<1x128xi32>
    %lt3A_6 = arith.cmpi slt, %iota3A, %lt3A_5 : vector<1x128xi32>
    %convert_element_type3A = arith.extui %lt3A_6 : vector<1x128xi1> to vector<1x128xi32>
    %convert_element_type3A_7 = arith.sitofp %convert_element_type3A : vector<1x128xi32> to vector<1x128xf32>
    %eq3A = arith.constant 3 : i32
    %eq3A_8 = vector.broadcast %eq3A : i32 to vector<1x128xi32>
    %eq3A_9 = arith.cmpi eq, %iota3A, %eq3A_8 : vector<1x128xi32>
    %convert_element_type3A_10 = arith.extui %eq3A_9 : vector<1x128xi1> to vector<1x128xi32>
    %convert_element_type3A_11 = arith.sitofp %convert_element_type3A_10 : vector<1x128xi32> to vector<1x128xf32>
    %ge3A = arith.constant 4 : i32
    %ge3A_12 = vector.broadcast %ge3A : i32 to vector<1x128xi32>
    %ge3A_13 = arith.cmpi sge, %iota3A, %ge3A_12 : vector<1x128xi32>
    %lt3A_14 = arith.constant 7 : i32
    %lt3A_15 = vector.broadcast %lt3A_14 : i32 to vector<1x128xi32>
    %lt3A_16 = arith.cmpi slt, %iota3A, %lt3A_15 : vector<1x128xi32>
    %and3A = arith.andi %ge3A_13, %lt3A_16 : vector<1x128xi1>
    %convert_element_type3A_17 = arith.extui %and3A : vector<1x128xi1> to vector<1x128xi32>
    %convert_element_type3A_18 = arith.sitofp %convert_element_type3A_17 : vector<1x128xi32> to vector<1x128xf32>
    %mul3A = arith.mulf %sub3A, %sub3A : vector<512x128xf32>
    %mul3A_19 = vector.broadcast %convert_element_type3A_7 : vector<1x128xf32> to vector<512x128xf32>
    %mul3A_20 = arith.mulf %mul3A, %mul3A_19 : vector<512x128xf32>
    %reduce_sum3A = arith.constant dense<0.000000e+00> : vector<512xf32>
    %reduce_sum3A_21 = vector.multi_reduction <add>, %mul3A_20, %reduce_sum3A [1] : vector<512x128xf32> to vector<512xf32>
    %broadcast_in_dim3A = vector.shape_cast %reduce_sum3A_21 : vector<512xf32> to vector<512x1xf32>
    %sqrt3A = math.sqrt %broadcast_in_dim3A : vector<512x1xf32>
    %gt3A = arith.constant 0.000000e+00 : f32
    %gt3A_22 = vector.broadcast %gt3A : f32 to vector<512x1xf32>
    %gt3A_23 = arith.cmpf ogt, %broadcast_in_dim3A, %gt3A_22 : vector<512x1xf32>
    %gt3A_24 = arith.constant 0.000000e+00 : f32
    %gt3A_25 = vector.broadcast %gt3A_24 : f32 to vector<512x1xf32>
    %gt3A_26 = arith.cmpf ogt, %broadcast_in_dim3A, %gt3A_25 : vector<512x1xf32>
    %jit3A = arith.constant 1.000000e+00 : f32
    %broadcast_in_dim3A_27 = vector.broadcast %jit3A : f32 to vector<512x1xf32>
    %select_n3A = arith.select %gt3A_26, %sqrt3A, %broadcast_in_dim3A_27 : vector<512x1xi1>, vector<512x1xf32>
    %div3A = arith.constant 1.000000e+00 : f32
    %div3A_28 = vector.broadcast %div3A : f32 to vector<512x1xf32>
    %div3A_29 = arith.divf %div3A_28, %select_n3A : vector<512x1xf32>
    %jit3A_30 = arith.constant 0.000000e+00 : f32
    %broadcast_in_dim3A_31 = vector.broadcast %jit3A_30 : f32 to vector<512x1xf32>
    %select_n3A_32 = arith.select %gt3A_23, %div3A_29, %broadcast_in_dim3A_31 : vector<512x1xi1>, vector<512x1xf32>
    %mul3A_33 = vector.broadcast %select_n3A_32 : vector<512x1xf32> to vector<512x128xf32>
    %mul3A_34 = arith.mulf %sub3A, %mul3A_33 : vector<512x128xf32>
    %roll3A = arith.constant 125 : i32
    %roll3A_35 = tpu.dynamic_rotate %sub3A by %roll3A dim 1 : vector<512x128xf32>, i32 -> vector<512x128xf32>
    %mul3A_36 = vector.broadcast %convert_element_type3A_7 : vector<1x128xf32> to vector<512x128xf32>
    %mul3A_37 = arith.mulf %roll3A_35, %mul3A_36 : vector<512x128xf32>
    %mul3A_38 = vector.broadcast %sqrt3A : vector<512x1xf32> to vector<512x128xf32>
    %mul3A_39 = vector.broadcast %convert_element_type3A_11 : vector<1x128xf32> to vector<512x128xf32>
    %mul3A_40 = arith.mulf %mul3A_38, %mul3A_39 : vector<512x128xf32>
    %add3A = arith.addf %mul3A_37, %mul3A_40 : vector<512x128xf32>
    %roll3A_41 = arith.constant 4 : i32
    %roll3A_42 = tpu.dynamic_rotate %mul3A_34 by %roll3A_41 dim 1 : vector<512x128xf32>, i32 -> vector<512x128xf32>
    %mul3A_43 = vector.broadcast %convert_element_type3A_18 : vector<1x128xf32> to vector<512x128xf32>
    %mul3A_44 = arith.mulf %roll3A_42, %mul3A_43 : vector<512x128xf32>
    %add3A_45 = arith.addf %add3A, %mul3A_44 : vector<512x128xf32>
    %get3A_46 = arith.constant 0 : index
    %get3A_47 = arith.constant 0 : index
    %get3A_48 = vector.load %arg3[%get3A_46, %get3A_47] : memref<128x64xf32, #tpu.memory_space<vmem>>, vector<128x64xf32>
    %dot_general3A = arith.constant dense<0.000000e+00> : vector<512x64xf32>
    %dot_general3A_49 = tpu.matmul %add3A_45, %get3A_48, %dot_general3A {dimension_numbers = #tpu.dot_dimension_numbers<[1], [0], [0], [1], [0, 0, 1, 1], [], []>, transpose_lhs_hint = false} : vector<512x128xf32>, vector<128x64xf32>, vector<512x64xf32> -> vector<512x64xf32>
    %get3A_50 = arith.constant 0 : index
    %get3A_51 = arith.constant 0 : index
    %get3A_52 = vector.load %arg4[%get3A_50, %get3A_51] : memref<1x64xf32, #tpu.memory_space<vmem>>, vector<1x64xf32>
    %add3A_53 = vector.broadcast %get3A_52 : vector<1x64xf32> to vector<512x64xf32>
    %add3A_54 = arith.addf %dot_general3A_49, %add3A_53 : vector<512x64xf32>
    %max3A = arith.constant 0.000000e+00 : f32
    %max3A_55 = vector.broadcast %max3A : f32 to vector<512x64xf32>
    %max3A_56 = arith.maximumf %add3A_54, %max3A_55 : vector<512x64xf32>
    %get3A_57 = arith.constant 0 : index
    %get3A_58 = arith.constant 0 : index
    %get3A_59 = vector.load %arg5[%get3A_57, %get3A_58] : memref<64x64xf32, #tpu.memory_space<vmem>>, vector<64x64xf32>
    %dot_general3A_60 = arith.constant dense<0.000000e+00> : vector<512x64xf32>
    %dot_general3A_61 = tpu.matmul %max3A_56, %get3A_59, %dot_general3A_60 {dimension_numbers = #tpu.dot_dimension_numbers<[1], [0], [0], [1], [0, 0, 1, 1], [], []>, transpose_lhs_hint = false} : vector<512x64xf32>, vector<64x64xf32>, vector<512x64xf32> -> vector<512x64xf32>
    %get3A_62 = arith.constant 0 : index
    %get3A_63 = arith.constant 0 : index
    %get3A_64 = vector.load %arg6[%get3A_62, %get3A_63] : memref<1x64xf32, #tpu.memory_space<vmem>>, vector<1x64xf32>
    %add3A_65 = vector.broadcast %get3A_64 : vector<1x64xf32> to vector<512x64xf32>
    %add3A_66 = arith.addf %dot_general3A_61, %add3A_65 : vector<512x64xf32>
    %max3A_67 = arith.constant 0.000000e+00 : f32
    %max3A_68 = vector.broadcast %max3A_67 : f32 to vector<512x64xf32>
    %max3A_69 = arith.maximumf %add3A_66, %max3A_68 : vector<512x64xf32>
    %get3A_70 = arith.constant 0 : index
    %get3A_71 = arith.constant 0 : index
    %get3A_72 = vector.load %arg7[%get3A_70, %get3A_71] : memref<64x384xf32, #tpu.memory_space<vmem>>, vector<64x384xf32>
    %dot_general3A_73 = arith.constant dense<0.000000e+00> : vector<512x384xf32>
    %dot_general3A_74 = tpu.matmul %max3A_69, %get3A_72, %dot_general3A_73 {dimension_numbers = #tpu.dot_dimension_numbers<[1], [0], [0], [1], [0, 0, 1, 1], [], []>, transpose_lhs_hint = false} : vector<512x64xf32>, vector<64x384xf32>, vector<512x384xf32> -> vector<512x384xf32>
    %get3A_75 = arith.constant 0 : index
    %get3A_76 = arith.constant 0 : index
    %get3A_77 = vector.load %arg8[%get3A_75, %get3A_76] : memref<1x384xf32, #tpu.memory_space<vmem>>, vector<1x384xf32>
    %add3A_78 = vector.broadcast %get3A_77 : vector<1x384xf32> to vector<512x384xf32>
    %add3A_79 = arith.addf %dot_general3A_74, %add3A_78 : vector<512x384xf32>
    %slice3A = vector.extract_strided_slice %get3A_1 {offsets = [0, 0], sizes = [512, 1], strides = [1, 1]} : vector<512x128xf32> to vector<512x1xf32>
    %broadcast_in_dim3A_80 = vector.shape_cast %slice3A : vector<512x1xf32> to vector<512x1xf32>
    %broadcast_in_dim3A_81 = vector.broadcast %broadcast_in_dim3A_80 : vector<512x1xf32> to vector<512x64xf32>
    %convert_element_type3A_82 = arith.truncf %broadcast_in_dim3A_81 : vector<512x64xf32> to vector<512x64xbf16>
    %convert_element_type3A_83 = arith.extf %convert_element_type3A_82 : vector<512x64xbf16> to vector<512x64xf32>
    %slice3A_84 = vector.extract_strided_slice %add3A_79 {offsets = [0, 0], sizes = [512, 64], strides = [1, 1]} : vector<512x384xf32> to vector<512x64xf32>
    %convert_element_type3A_85 = arith.truncf %slice3A_84 : vector<512x64xf32> to vector<512x64xbf16>
    %convert_element_type3A_86 = arith.extf %convert_element_type3A_85 : vector<512x64xbf16> to vector<512x64xf32>
    %mul3A_87 = arith.mulf %convert_element_type3A_83, %convert_element_type3A_86 : vector<512x64xf32>
    %slice3A_88 = vector.extract_strided_slice %get3A_1 {offsets = [0, 1], sizes = [512, 1], strides = [1, 1]} : vector<512x128xf32> to vector<512x1xf32>
    %broadcast_in_dim3A_89 = vector.shape_cast %slice3A_88 : vector<512x1xf32> to vector<512x1xf32>
    %broadcast_in_dim3A_90 = vector.broadcast %broadcast_in_dim3A_89 : vector<512x1xf32> to vector<512x64xf32>
    %convert_element_type3A_91 = arith.truncf %broadcast_in_dim3A_90 : vector<512x64xf32> to vector<512x64xbf16>
    %convert_element_type3A_92 = arith.extf %convert_element_type3A_91 : vector<512x64xbf16> to vector<512x64xf32>
    %slice3A_93 = vector.extract_strided_slice %add3A_79 {offsets = [0, 64], sizes = [512, 64], strides = [1, 1]} : vector<512x384xf32> to vector<512x64xf32>
    %convert_element_type3A_94 = arith.truncf %slice3A_93 : vector<512x64xf32> to vector<512x64xbf16>
    %convert_element_type3A_95 = arith.extf %convert_element_type3A_94 : vector<512x64xbf16> to vector<512x64xf32>
    %mul3A_96 = arith.mulf %convert_element_type3A_92, %convert_element_type3A_95 : vector<512x64xf32>
    %add3A_97 = arith.addf %mul3A_87, %mul3A_96 : vector<512x64xf32>
    %slice3A_98 = vector.extract_strided_slice %get3A_1 {offsets = [0, 2], sizes = [512, 1], strides = [1, 1]} : vector<512x128xf32> to vector<512x1xf32>
    %broadcast_in_dim3A_99 = vector.shape_cast %slice3A_98 : vector<512x1xf32> to vector<512x1xf32>
    %broadcast_in_dim3A_100 = vector.broadcast %broadcast_in_dim3A_99 : vector<512x1xf32> to vector<512x64xf32>
    %convert_element_type3A_101 = arith.truncf %broadcast_in_dim3A_100 : vector<512x64xf32> to vector<512x64xbf16>
    %convert_element_type3A_102 = arith.extf %convert_element_type3A_101 : vector<512x64xbf16> to vector<512x64xf32>
    %slice3A_103 = vector.extract_strided_slice %add3A_79 {offsets = [0, 128], sizes = [512, 64], strides = [1, 1]} : vector<512x384xf32> to vector<512x64xf32>
    %convert_element_type3A_104 = arith.truncf %slice3A_103 : vector<512x64xf32> to vector<512x64xbf16>
    %convert_element_type3A_105 = arith.extf %convert_element_type3A_104 : vector<512x64xbf16> to vector<512x64xf32>
    %mul3A_106 = arith.mulf %convert_element_type3A_102, %convert_element_type3A_105 : vector<512x64xf32>
    %add3A_107 = arith.addf %add3A_97, %mul3A_106 : vector<512x64xf32>
    %slice3A_108 = vector.extract_strided_slice %get3A_1 {offsets = [0, 3], sizes = [512, 1], strides = [1, 1]} : vector<512x128xf32> to vector<512x1xf32>
    %broadcast_in_dim3A_109 = vector.shape_cast %slice3A_108 : vector<512x1xf32> to vector<512x1xf32>
    %broadcast_in_dim3A_110 = vector.broadcast %broadcast_in_dim3A_109 : vector<512x1xf32> to vector<512x64xf32>
    %convert_element_type3A_111 = arith.truncf %broadcast_in_dim3A_110 : vector<512x64xf32> to vector<512x64xbf16>
    %convert_element_type3A_112 = arith.extf %convert_element_type3A_111 : vector<512x64xbf16> to vector<512x64xf32>
    %slice3A_113 = vector.extract_strided_slice %add3A_79 {offsets = [0, 192], sizes = [512, 64], strides = [1, 1]} : vector<512x384xf32> to vector<512x64xf32>
    %convert_element_type3A_114 = arith.truncf %slice3A_113 : vector<512x64xf32> to vector<512x64xbf16>
    %convert_element_type3A_115 = arith.extf %convert_element_type3A_114 : vector<512x64xbf16> to vector<512x64xf32>
    %mul3A_116 = arith.mulf %convert_element_type3A_112, %convert_element_type3A_115 : vector<512x64xf32>
    %add3A_117 = arith.addf %add3A_107, %mul3A_116 : vector<512x64xf32>
    %slice3A_118 = vector.extract_strided_slice %get3A_1 {offsets = [0, 4], sizes = [512, 1], strides = [1, 1]} : vector<512x128xf32> to vector<512x1xf32>
    %broadcast_in_dim3A_119 = vector.shape_cast %slice3A_118 : vector<512x1xf32> to vector<512x1xf32>
    %broadcast_in_dim3A_120 = vector.broadcast %broadcast_in_dim3A_119 : vector<512x1xf32> to vector<512x64xf32>
    %convert_element_type3A_121 = arith.truncf %broadcast_in_dim3A_120 : vector<512x64xf32> to vector<512x64xbf16>
    %convert_element_type3A_122 = arith.extf %convert_element_type3A_121 : vector<512x64xbf16> to vector<512x64xf32>
    %slice3A_123 = vector.extract_strided_slice %add3A_79 {offsets = [0, 256], sizes = [512, 64], strides = [1, 1]} : vector<512x384xf32> to vector<512x64xf32>
    %convert_element_type3A_124 = arith.truncf %slice3A_123 : vector<512x64xf32> to vector<512x64xbf16>
    %convert_element_type3A_125 = arith.extf %convert_element_type3A_124 : vector<512x64xbf16> to vector<512x64xf32>
    %mul3A_126 = arith.mulf %convert_element_type3A_122, %convert_element_type3A_125 : vector<512x64xf32>
    %add3A_127 = arith.addf %add3A_117, %mul3A_126 : vector<512x64xf32>
    %slice3A_128 = vector.extract_strided_slice %get3A_1 {offsets = [0, 5], sizes = [512, 1], strides = [1, 1]} : vector<512x128xf32> to vector<512x1xf32>
    %broadcast_in_dim3A_129 = vector.shape_cast %slice3A_128 : vector<512x1xf32> to vector<512x1xf32>
    %broadcast_in_dim3A_130 = vector.broadcast %broadcast_in_dim3A_129 : vector<512x1xf32> to vector<512x64xf32>
    %convert_element_type3A_131 = arith.truncf %broadcast_in_dim3A_130 : vector<512x64xf32> to vector<512x64xbf16>
    %convert_element_type3A_132 = arith.extf %convert_element_type3A_131 : vector<512x64xbf16> to vector<512x64xf32>
    %slice3A_133 = vector.extract_strided_slice %add3A_79 {offsets = [0, 320], sizes = [512, 64], strides = [1, 1]} : vector<512x384xf32> to vector<512x64xf32>
    %convert_element_type3A_134 = arith.truncf %slice3A_133 : vector<512x64xf32> to vector<512x64xbf16>
    %convert_element_type3A_135 = arith.extf %convert_element_type3A_134 : vector<512x64xbf16> to vector<512x64xf32>
    %mul3A_136 = arith.mulf %convert_element_type3A_132, %convert_element_type3A_135 : vector<512x64xf32>
    %add3A_137 = arith.addf %add3A_127, %mul3A_136 : vector<512x64xf32>
    %broadcast_in_dim3A_138 = arith.constant 0.000000e+00 : f32
    %broadcast_in_dim3A_139 = vector.broadcast %broadcast_in_dim3A_138 : f32 to vector<512x64xf32>
    %concatenate3A = tpu.concatenate %add3A_137, %broadcast_in_dim3A_139 in 1 : vector<512x64xf32>, vector<512x64xf32> -> vector<512x128xf32>
    %swap3A = arith.constant 0 : index
    %swap3A_140 = arith.constant 0 : index
    %swap3A_141 = vector.load %arg9[%swap3A, %swap3A_140] : memref<512x128xf32, #tpu.memory_space<vmem>>, vector<512x128xf32>
    tpu.vector_store %arg9[%swap3A, %swap3A_140], %concatenate3A {strides = array<i32>} : memref<512x128xf32, #tpu.memory_space<vmem>>, vector<512x128xf32>,
    return
  }
  func.func @transform_0(%arg0: i32) -> (i32, i32) {
    %c0_i32 = arith.constant 0 : i32
    %c0_i32_0 = arith.constant 0 : i32
    return %arg0, %c0_i32 : i32, i32
  }
  func.func @transform_1(%arg0: i32) -> (i32, i32) {
    %c0_i32 = arith.constant 0 : i32
    %c0_i32_0 = arith.constant 0 : i32
    return %arg0, %c0_i32 : i32, i32
  }
  func.func @transform_2(%arg0: i32) -> (i32, i32) {
    %c0_i32 = arith.constant 0 : i32
    %c0_i32_0 = arith.constant 0 : i32
    %c0_i32_1 = arith.constant 0 : i32
    return %c0_i32, %c0_i32_0 : i32, i32
  }
  func.func @transform_3(%arg0: i32) -> (i32, i32) {
    %c0_i32 = arith.constant 0 : i32
    %c0_i32_0 = arith.constant 0 : i32
    %c0_i32_1 = arith.constant 0 : i32
    return %c0_i32, %c0_i32_0 : i32, i32
  }
  func.func @transform_4(%arg0: i32) -> (i32, i32) {
    %c0_i32 = arith.constant 0 : i32
    %c0_i32_0 = arith.constant 0 : i32
    %c0_i32_1 = arith.constant 0 : i32
    return %c0_i32, %c0_i32_0 : i32, i32
  }
  func.func @transform_5(%arg0: i32) -> (i32, i32) {
    %c0_i32 = arith.constant 0 : i32
    %c0_i32_0 = arith.constant 0 : i32
    %c0_i32_1 = arith.constant 0 : i32
    return %c0_i32, %c0_i32_0 : i32, i32
  }
  func.func @transform_6(%arg0: i32) -> (i32, i32) {
    %c0_i32 = arith.constant 0 : i32
    %c0_i32_0 = arith.constant 0 : i32
    %c0_i32_1 = arith.constant 0 : i32
    return %c0_i32, %c0_i32_0 : i32, i32
  }
  func.func @transform_7(%arg0: i32) -> (i32, i32) {
    %c0_i32 = arith.constant 0 : i32
    %c0_i32_0 = arith.constant 0 : i32
    %c0_i32_1 = arith.constant 0 : i32
    return %c0_i32, %c0_i32_0 : i32, i32
  }
  func.func @transform_8(%arg0: i32) -> (i32, i32) {
    %c0_i32 = arith.constant 0 : i32
    %c0_i32_0 = arith.constant 0 : i32
    return %arg0, %c0_i32 : i32, i32
  }
}

module attributes {stable_mosaic.version = 14 : i64} {
  func.func @_ecc_root_body(%arg0: i32, %arg1: memref<2x1024x128xf32, #tpu.memory_space<vmem>>, %arg2: memref<1024x16xf32, #tpu.memory_space<vmem>>, %arg3: memref<16x64xf32, #tpu.memory_space<vmem>>, %arg4: memref<1x64xf32, #tpu.memory_space<vmem>>, %arg5: memref<64x128xf32, #tpu.memory_space<vmem>>, %arg6: memref<1x1024x128xf32, #tpu.memory_space<vmem>>) attributes {dimension_semantics = [#tpu.dimension_semantics<arbitrary>], iteration_bounds = array<i64: 10>, scalar_prefetch = 0 : i64, scratch_operands = 0 : i64, tpu.core_type = #tpu.core_type<tc>, window_params = [{transform_indices = @transform_0, window_bounds = array<i64: 2, 1024, 128>}, {transform_indices = @transform_1, window_bounds = array<i64: 1024, 16>}, {pipeline_mode = #tpu.pipeline_mode<synchronous>, transform_indices = @transform_2, window_bounds = array<i64: 16, 64>}, {pipeline_mode = #tpu.pipeline_mode<synchronous>, transform_indices = @transform_3, window_bounds = array<i64: 1, 64>}, {pipeline_mode = #tpu.pipeline_mode<synchronous>, transform_indices = @transform_4, window_bounds = array<i64: 64, 128>}, {transform_indices = @transform_5, window_bounds = array<i64: 1, 1024, 128>}]} {
    %get3A = arith.constant 0 : index
    %get3A_0 = arith.constant 0 : index
    %get3A_1 = arith.constant 0 : index
    %get3A_2 = vector.load %arg1[%get3A, %get3A_0, %get3A_1] : memref<2x1024x128xf32, #tpu.memory_space<vmem>>, vector<1x1024x128xf32>
    %get3A_3 = vector.shape_cast %get3A_2 : vector<1x1024x128xf32> to vector<1024x128xf32>
    %get3A_4 = arith.constant 1 : index
    %get3A_5 = arith.constant 0 : index
    %get3A_6 = arith.constant 0 : index
    %get3A_7 = vector.load %arg1[%get3A_4, %get3A_5, %get3A_6] : memref<2x1024x128xf32, #tpu.memory_space<vmem>>, vector<1x1024x128xf32>
    %get3A_8 = vector.shape_cast %get3A_7 : vector<1x1024x128xf32> to vector<1024x128xf32>
    %add3A = arith.addf %get3A_3, %get3A_8 : vector<1024x128xf32>
    %slice3A = vector.extract_strided_slice %add3A {offsets = [0, 0], sizes = [1024, 64], strides = [1, 1]} : vector<1024x128xf32> to vector<1024x64xf32>
    %get3A_9 = arith.constant 0 : index
    %get3A_10 = arith.constant 0 : index
    %get3A_11 = vector.load %arg2[%get3A_9, %get3A_10] : memref<1024x16xf32, #tpu.memory_space<vmem>>, vector<1024x16xf32>
    %get3A_12 = arith.constant 0 : index
    %get3A_13 = arith.constant 0 : index
    %get3A_14 = vector.load %arg3[%get3A_12, %get3A_13] : memref<16x64xf32, #tpu.memory_space<vmem>>, vector<16x64xf32>
    %dot_general3A = arith.constant dense<0.000000e+00> : vector<1024x64xf32>
    %dot_general3A_15 = tpu.matmul %get3A_11, %get3A_14, %dot_general3A {dimension_numbers = #tpu.dot_dimension_numbers<[1], [0], [0], [1], [0, 0, 1, 1], [], []>, transpose_lhs_hint = false} : vector<1024x16xf32>, vector<16x64xf32>, vector<1024x64xf32> -> vector<1024x64xf32>
    %add3A_16 = arith.addf %slice3A, %dot_general3A_15 : vector<1024x64xf32>
    %get3A_17 = arith.constant 0 : index
    %get3A_18 = arith.constant 0 : index
    %get3A_19 = vector.load %arg4[%get3A_17, %get3A_18] : memref<1x64xf32, #tpu.memory_space<vmem>>, vector<1x64xf32>
    %add3A_20 = vector.broadcast %get3A_19 : vector<1x64xf32> to vector<1024x64xf32>
    %add3A_21 = arith.addf %add3A_16, %add3A_20 : vector<1024x64xf32>
    %max3A = arith.constant 0.000000e+00 : f32
    %max3A_22 = vector.broadcast %max3A : f32 to vector<1024x64xf32>
    %max3A_23 = arith.maximumf %add3A_21, %max3A_22 : vector<1024x64xf32>
    %get3A_24 = arith.constant 0 : index
    %get3A_25 = arith.constant 0 : index
    %get3A_26 = vector.load %arg5[%get3A_24, %get3A_25] : memref<64x128xf32, #tpu.memory_space<vmem>>, vector<64x128xf32>
    %dot_general3A_27 = arith.constant dense<0.000000e+00> : vector<1024x128xf32>
    %dot_general3A_28 = tpu.matmul %max3A_23, %get3A_26, %dot_general3A_27 {dimension_numbers = #tpu.dot_dimension_numbers<[1], [0], [0], [1], [0, 0, 1, 1], [], []>, transpose_lhs_hint = false} : vector<1024x64xf32>, vector<64x128xf32>, vector<1024x128xf32> -> vector<1024x128xf32>
    %swap3A = arith.constant 0 : index
    %swap3A_29 = arith.constant 0 : index
    %swap3A_30 = arith.constant 0 : index
    %swap3A_31 = vector.load %arg6[%swap3A, %swap3A_29, %swap3A_30] : memref<1x1024x128xf32, #tpu.memory_space<vmem>>, vector<1x1024x128xf32>
    %swap3A_32 = vector.shape_cast %swap3A_31 : vector<1x1024x128xf32> to vector<1024x128xf32>
    %swap3A_33 = vector.shape_cast %dot_general3A_28 : vector<1024x128xf32> to vector<1x1024x128xf32>
    tpu.vector_store %arg6[%swap3A, %swap3A_29, %swap3A_30], %swap3A_33 {strides = array<i32>} : memref<1x1024x128xf32, #tpu.memory_space<vmem>>, vector<1x1024x128xf32>,
    return
  }
  func.func @transform_0(%arg0: i32) -> (i32, i32, i32) {
    %c0_i32 = arith.constant 0 : i32
    %c0_i32_0 = arith.constant 0 : i32
    %c0_i32_1 = arith.constant 0 : i32
    return %c0_i32, %arg0, %c0_i32_0 : i32, i32, i32
  }
  func.func @transform_1(%arg0: i32) -> (i32, i32) {
    %c0_i32 = arith.constant 0 : i32
    %c0_i32_0 = arith.constant 0 : i32
    return %arg0, %c0_i32 : i32, i32
  }
  func.func @transform_2(%arg0: i32) -> (i32, i32) {
    %c0_i32 = arith.constant 0 : i32
    %c0_i32_0 = arith.constant 0 : i32
    %c0_i32_1 = arith.constant 0 : i32
    return %c0_i32, %c0_i32_0 : i32, i32
  }
  func.func @transform_3(%arg0: i32) -> (i32, i32) {
    %c0_i32 = arith.constant 0 : i32
    %c0_i32_0 = arith.constant 0 : i32
    %c0_i32_1 = arith.constant 0 : i32
    return %c0_i32, %c0_i32_0 : i32, i32
  }
  func.func @transform_4(%arg0: i32) -> (i32, i32) {
    %c0_i32 = arith.constant 0 : i32
    %c0_i32_0 = arith.constant 0 : i32
    %c0_i32_1 = arith.constant 0 : i32
    return %c0_i32, %c0_i32_0 : i32, i32
  }
  func.func @transform_5(%arg0: i32) -> (i32, i32, i32) {
    %c0_i32 = arith.constant 0 : i32
    %c0_i32_0 = arith.constant 0 : i32
    %c0_i32_1 = arith.constant 0 : i32
    return %c0_i32, %arg0, %c0_i32_0 : i32, i32, i32
  }
}

module attributes {stable_mosaic.version = 14 : i64} {
  func.func @body(%arg0: i32, %arg1: memref<2x1x1024x128xf32, #tpu.memory_space<vmem>>, %arg2: memref<1x64xf32, #tpu.memory_space<vmem>>, %arg3: memref<64x128xf32, #tpu.memory_space<vmem>>, %arg4: memref<1x1024x128xf32, #tpu.memory_space<vmem>>) attributes {dimension_semantics = [#tpu.dimension_semantics<arbitrary>], iteration_bounds = array<i64: 10>, scalar_prefetch = 0 : i64, scratch_operands = 0 : i64, tpu.core_type = #tpu.core_type<tc>, window_params = [{transform_indices = @transform_0, window_bounds = array<i64: 2, 1, 1024, 128>}, {pipeline_mode = #tpu.pipeline_mode<synchronous>, transform_indices = @transform_1, window_bounds = array<i64: 1, 64>}, {pipeline_mode = #tpu.pipeline_mode<synchronous>, transform_indices = @transform_2, window_bounds = array<i64: 64, 128>}, {transform_indices = @transform_3, window_bounds = array<i64: 1, 1024, 128>}]} {
    %get3A = arith.constant 0 : index
    %get3A_0 = arith.constant 0 : index
    %get3A_1 = arith.constant 0 : index
    %get3A_2 = arith.constant 0 : index
    %get3A_3 = vector.load %arg1[%get3A, %get3A_0, %get3A_1, %get3A_2] : memref<2x1x1024x128xf32, #tpu.memory_space<vmem>>, vector<1x1x1024x128xf32>
    %get3A_4 = vector.shape_cast %get3A_3 : vector<1x1x1024x128xf32> to vector<1024x128xf32>
    %get3A_5 = arith.constant 1 : index
    %get3A_6 = arith.constant 0 : index
    %get3A_7 = arith.constant 0 : index
    %get3A_8 = arith.constant 0 : index
    %get3A_9 = vector.load %arg1[%get3A_5, %get3A_6, %get3A_7, %get3A_8] : memref<2x1x1024x128xf32, #tpu.memory_space<vmem>>, vector<1x1x1024x128xf32>
    %get3A_10 = vector.shape_cast %get3A_9 : vector<1x1x1024x128xf32> to vector<1024x128xf32>
    %add3A = arith.addf %get3A_4, %get3A_10 : vector<1024x128xf32>
    %slice3A = vector.extract_strided_slice %add3A {offsets = [0, 0], sizes = [1024, 64], strides = [1, 1]} : vector<1024x128xf32> to vector<1024x64xf32>
    %get3A_11 = arith.constant 0 : index
    %get3A_12 = arith.constant 0 : index
    %get3A_13 = vector.load %arg2[%get3A_11, %get3A_12] : memref<1x64xf32, #tpu.memory_space<vmem>>, vector<1x64xf32>
    %add3A_14 = vector.broadcast %get3A_13 : vector<1x64xf32> to vector<1024x64xf32>
    %add3A_15 = arith.addf %slice3A, %add3A_14 : vector<1024x64xf32>
    %max3A = arith.constant 0.000000e+00 : f32
    %max3A_16 = vector.broadcast %max3A : f32 to vector<1024x64xf32>
    %max3A_17 = arith.maximumf %add3A_15, %max3A_16 : vector<1024x64xf32>
    %get3A_18 = arith.constant 0 : index
    %get3A_19 = arith.constant 0 : index
    %get3A_20 = vector.load %arg3[%get3A_18, %get3A_19] : memref<64x128xf32, #tpu.memory_space<vmem>>, vector<64x128xf32>
    %dot_general3A = arith.constant dense<0.000000e+00> : vector<1024x128xf32>
    %dot_general3A_21 = tpu.matmul %max3A_17, %get3A_20, %dot_general3A {dimension_numbers = #tpu.dot_dimension_numbers<[1], [0], [0], [1], [0, 0, 1, 1], [], []>, transpose_lhs_hint = false} : vector<1024x64xf32>, vector<64x128xf32>, vector<1024x128xf32> -> vector<1024x128xf32>
    %swap3A = arith.constant 0 : index
    %swap3A_22 = arith.constant 0 : index
    %swap3A_23 = arith.constant 0 : index
    %swap3A_24 = vector.load %arg4[%swap3A, %swap3A_22, %swap3A_23] : memref<1x1024x128xf32, #tpu.memory_space<vmem>>, vector<1x1024x128xf32>
    %swap3A_25 = vector.shape_cast %swap3A_24 : vector<1x1024x128xf32> to vector<1024x128xf32>
    %swap3A_26 = vector.shape_cast %dot_general3A_21 : vector<1024x128xf32> to vector<1x1024x128xf32>
    tpu.vector_store %arg4[%swap3A, %swap3A_22, %swap3A_23], %swap3A_26 {strides = array<i32>} : memref<1x1024x128xf32, #tpu.memory_space<vmem>>, vector<1x1024x128xf32>,
    return
  }
  func.func @transform_0(%arg0: i32) -> (i32, i32, i32, i32) {
    %c0_i32 = arith.constant 0 : i32
    %c0_i32_0 = arith.constant 0 : i32
    %c0_i32_1 = arith.constant 0 : i32
    %c0_i32_2 = arith.constant 0 : i32
    return %c0_i32, %c0_i32_0, %arg0, %c0_i32_1 : i32, i32, i32, i32
  }
  func.func @transform_1(%arg0: i32) -> (i32, i32) {
    %c0_i32 = arith.constant 0 : i32
    %c0_i32_0 = arith.constant 0 : i32
    %c0_i32_1 = arith.constant 0 : i32
    return %c0_i32, %c0_i32_0 : i32, i32
  }
  func.func @transform_2(%arg0: i32) -> (i32, i32) {
    %c0_i32 = arith.constant 0 : i32
    %c0_i32_0 = arith.constant 0 : i32
    %c0_i32_1 = arith.constant 0 : i32
    return %c0_i32, %c0_i32_0 : i32, i32
  }
  func.func @transform_3(%arg0: i32) -> (i32, i32, i32) {
    %c0_i32 = arith.constant 0 : i32
    %c0_i32_0 = arith.constant 0 : i32
    %c0_i32_1 = arith.constant 0 : i32
    return %c0_i32, %arg0, %c0_i32_0 : i32, i32, i32
  }
}

module attributes {stable_mosaic.version = 14 : i64} {
  func.func @body(%arg0: i32, %arg1: memref<2x1x1024x128xf32, #tpu.memory_space<vmem>>, %arg2: memref<1x128xf32, #tpu.memory_space<vmem>>, %arg3: memref<128x256xf32, #tpu.memory_space<vmem>>, %arg4: memref<2x1024x128xf32, #tpu.memory_space<vmem>>) attributes {dimension_semantics = [#tpu.dimension_semantics<arbitrary>], iteration_bounds = array<i64: 10>, scalar_prefetch = 0 : i64, scratch_operands = 0 : i64, tpu.core_type = #tpu.core_type<tc>, window_params = [{transform_indices = @transform_0, window_bounds = array<i64: 2, 1, 1024, 128>}, {pipeline_mode = #tpu.pipeline_mode<synchronous>, transform_indices = @transform_1, window_bounds = array<i64: 1, 128>}, {pipeline_mode = #tpu.pipeline_mode<synchronous>, transform_indices = @transform_2, window_bounds = array<i64: 128, 256>}, {transform_indices = @transform_3, window_bounds = array<i64: 2, 1024, 128>}]} {
    %get3A = arith.constant 0 : index
    %get3A_0 = arith.constant 0 : index
    %get3A_1 = arith.constant 0 : index
    %get3A_2 = arith.constant 0 : index
    %get3A_3 = vector.load %arg1[%get3A, %get3A_0, %get3A_1, %get3A_2] : memref<2x1x1024x128xf32, #tpu.memory_space<vmem>>, vector<1x1x1024x128xf32>
    %get3A_4 = vector.shape_cast %get3A_3 : vector<1x1x1024x128xf32> to vector<1024x128xf32>
    %get3A_5 = arith.constant 1 : index
    %get3A_6 = arith.constant 0 : index
    %get3A_7 = arith.constant 0 : index
    %get3A_8 = arith.constant 0 : index
    %get3A_9 = vector.load %arg1[%get3A_5, %get3A_6, %get3A_7, %get3A_8] : memref<2x1x1024x128xf32, #tpu.memory_space<vmem>>, vector<1x1x1024x128xf32>
    %get3A_10 = vector.shape_cast %get3A_9 : vector<1x1x1024x128xf32> to vector<1024x128xf32>
    %add3A = arith.addf %get3A_4, %get3A_10 : vector<1024x128xf32>
    %get3A_11 = arith.constant 0 : index
    %get3A_12 = arith.constant 0 : index
    %get3A_13 = vector.load %arg2[%get3A_11, %get3A_12] : memref<1x128xf32, #tpu.memory_space<vmem>>, vector<1x128xf32>
    %add3A_14 = vector.broadcast %get3A_13 : vector<1x128xf32> to vector<1024x128xf32>
    %add3A_15 = arith.addf %add3A, %add3A_14 : vector<1024x128xf32>
    %max3A = arith.constant 0.000000e+00 : f32
    %max3A_16 = vector.broadcast %max3A : f32 to vector<1024x128xf32>
    %max3A_17 = arith.maximumf %add3A_15, %max3A_16 : vector<1024x128xf32>
    %get3A_18 = arith.constant 0 : index
    %get3A_19 = arith.constant 0 : index
    %get3A_20 = vector.load %arg3[%get3A_18, %get3A_19] : memref<128x256xf32, #tpu.memory_space<vmem>>, vector<128x256xf32>
    %dot_general3A = arith.constant dense<0.000000e+00> : vector<1024x256xf32>
    %dot_general3A_21 = tpu.matmul %max3A_17, %get3A_20, %dot_general3A {dimension_numbers = #tpu.dot_dimension_numbers<[1], [0], [0], [1], [0, 0, 1, 1], [], []>, transpose_lhs_hint = false} : vector<1024x128xf32>, vector<128x256xf32>, vector<1024x256xf32> -> vector<1024x256xf32>
    %slice3A = vector.extract_strided_slice %dot_general3A_21 {offsets = [0, 0], sizes = [1024, 128], strides = [1, 1]} : vector<1024x256xf32> to vector<1024x128xf32>
    %swap3A = arith.constant 0 : index
    %swap3A_22 = arith.constant 0 : index
    %swap3A_23 = arith.constant 0 : index
    %swap3A_24 = vector.load %arg4[%swap3A, %swap3A_22, %swap3A_23] : memref<2x1024x128xf32, #tpu.memory_space<vmem>>, vector<1x1024x128xf32>
    %swap3A_25 = vector.shape_cast %swap3A_24 : vector<1x1024x128xf32> to vector<1024x128xf32>
    %swap3A_26 = vector.shape_cast %slice3A : vector<1024x128xf32> to vector<1x1024x128xf32>
    tpu.vector_store %arg4[%swap3A, %swap3A_22, %swap3A_23], %swap3A_26 {strides = array<i32>} : memref<2x1024x128xf32, #tpu.memory_space<vmem>>, vector<1x1024x128xf32>,
    %slice3A_27 = vector.extract_strided_slice %dot_general3A_21 {offsets = [0, 128], sizes = [1024, 128], strides = [1, 1]} : vector<1024x256xf32> to vector<1024x128xf32>
    %swap3A_28 = arith.constant 1 : index
    %swap3A_29 = arith.constant 0 : index
    %swap3A_30 = arith.constant 0 : index
    %swap3A_31 = vector.load %arg4[%swap3A_28, %swap3A_29, %swap3A_30] : memref<2x1024x128xf32, #tpu.memory_space<vmem>>, vector<1x1024x128xf32>
    %swap3A_32 = vector.shape_cast %swap3A_31 : vector<1x1024x128xf32> to vector<1024x128xf32>
    %swap3A_33 = vector.shape_cast %slice3A_27 : vector<1024x128xf32> to vector<1x1024x128xf32>
    tpu.vector_store %arg4[%swap3A_28, %swap3A_29, %swap3A_30], %swap3A_33 {strides = array<i32>} : memref<2x1024x128xf32, #tpu.memory_space<vmem>>, vector<1x1024x128xf32>,
    return
  }
  func.func @transform_0(%arg0: i32) -> (i32, i32, i32, i32) {
    %c0_i32 = arith.constant 0 : i32
    %c0_i32_0 = arith.constant 0 : i32
    %c0_i32_1 = arith.constant 0 : i32
    %c0_i32_2 = arith.constant 0 : i32
    return %c0_i32, %c0_i32_0, %arg0, %c0_i32_1 : i32, i32, i32, i32
  }
  func.func @transform_1(%arg0: i32) -> (i32, i32) {
    %c0_i32 = arith.constant 0 : i32
    %c0_i32_0 = arith.constant 0 : i32
    %c0_i32_1 = arith.constant 0 : i32
    return %c0_i32, %c0_i32_0 : i32, i32
  }
  func.func @transform_2(%arg0: i32) -> (i32, i32) {
    %c0_i32 = arith.constant 0 : i32
    %c0_i32_0 = arith.constant 0 : i32
    %c0_i32_1 = arith.constant 0 : i32
    return %c0_i32, %c0_i32_0 : i32, i32
  }
  func.func @transform_3(%arg0: i32) -> (i32, i32, i32) {
    %c0_i32 = arith.constant 0 : i32
    %c0_i32_0 = arith.constant 0 : i32
    %c0_i32_1 = arith.constant 0 : i32
    return %c0_i32, %arg0, %c0_i32_0 : i32, i32, i32
  }
}

module attributes {stable_mosaic.version = 14 : i64} {
  func.func @body(%arg0: i32, %arg1: memref<2x2x1024x128xf32, #tpu.memory_space<vmem>>, %arg2: memref<1x256xf32, #tpu.memory_space<vmem>>, %arg3: memref<256x512xf32, #tpu.memory_space<vmem>>, %arg4: memref<4x1024x128xf32, #tpu.memory_space<vmem>>) attributes {dimension_semantics = [#tpu.dimension_semantics<arbitrary>], iteration_bounds = array<i64: 10>, scalar_prefetch = 0 : i64, scratch_operands = 0 : i64, tpu.core_type = #tpu.core_type<tc>, window_params = [{transform_indices = @transform_0, window_bounds = array<i64: 2, 2, 1024, 128>}, {pipeline_mode = #tpu.pipeline_mode<synchronous>, transform_indices = @transform_1, window_bounds = array<i64: 1, 256>}, {pipeline_mode = #tpu.pipeline_mode<synchronous>, transform_indices = @transform_2, window_bounds = array<i64: 256, 512>}, {transform_indices = @transform_3, window_bounds = array<i64: 4, 1024, 128>}]} {
    %get3A = arith.constant 0 : index
    %get3A_0 = arith.constant 0 : index
    %get3A_1 = arith.constant 0 : index
    %get3A_2 = arith.constant 0 : index
    %get3A_3 = vector.load %arg1[%get3A, %get3A_0, %get3A_1, %get3A_2] : memref<2x2x1024x128xf32, #tpu.memory_space<vmem>>, vector<1x1x1024x128xf32>
    %get3A_4 = vector.shape_cast %get3A_3 : vector<1x1x1024x128xf32> to vector<1024x128xf32>
    %get3A_5 = arith.constant 1 : index
    %get3A_6 = arith.constant 0 : index
    %get3A_7 = arith.constant 0 : index
    %get3A_8 = arith.constant 0 : index
    %get3A_9 = vector.load %arg1[%get3A_5, %get3A_6, %get3A_7, %get3A_8] : memref<2x2x1024x128xf32, #tpu.memory_space<vmem>>, vector<1x1x1024x128xf32>
    %get3A_10 = vector.shape_cast %get3A_9 : vector<1x1x1024x128xf32> to vector<1024x128xf32>
    %add3A = arith.addf %get3A_4, %get3A_10 : vector<1024x128xf32>
    %get3A_11 = arith.constant 0 : index
    %get3A_12 = arith.constant 1 : index
    %get3A_13 = arith.constant 0 : index
    %get3A_14 = arith.constant 0 : index
    %get3A_15 = vector.load %arg1[%get3A_11, %get3A_12, %get3A_13, %get3A_14] : memref<2x2x1024x128xf32, #tpu.memory_space<vmem>>, vector<1x1x1024x128xf32>
    %get3A_16 = vector.shape_cast %get3A_15 : vector<1x1x1024x128xf32> to vector<1024x128xf32>
    %get3A_17 = arith.constant 1 : index
    %get3A_18 = arith.constant 1 : index
    %get3A_19 = arith.constant 0 : index
    %get3A_20 = arith.constant 0 : index
    %get3A_21 = vector.load %arg1[%get3A_17, %get3A_18, %get3A_19, %get3A_20] : memref<2x2x1024x128xf32, #tpu.memory_space<vmem>>, vector<1x1x1024x128xf32>
    %get3A_22 = vector.shape_cast %get3A_21 : vector<1x1x1024x128xf32> to vector<1024x128xf32>
    %add3A_23 = arith.addf %get3A_16, %get3A_22 : vector<1024x128xf32>
    %concatenate3A = tpu.concatenate %add3A, %add3A_23 in 1 : vector<1024x128xf32>, vector<1024x128xf32> -> vector<1024x256xf32>
    %get3A_24 = arith.constant 0 : index
    %get3A_25 = arith.constant 0 : index
    %get3A_26 = vector.load %arg2[%get3A_24, %get3A_25] : memref<1x256xf32, #tpu.memory_space<vmem>>, vector<1x256xf32>
    %add3A_27 = vector.broadcast %get3A_26 : vector<1x256xf32> to vector<1024x256xf32>
    %add3A_28 = arith.addf %concatenate3A, %add3A_27 : vector<1024x256xf32>
    %max3A = arith.constant 0.000000e+00 : f32
    %max3A_29 = vector.broadcast %max3A : f32 to vector<1024x256xf32>
    %max3A_30 = arith.maximumf %add3A_28, %max3A_29 : vector<1024x256xf32>
    %get3A_31 = arith.constant 0 : index
    %get3A_32 = arith.constant 0 : index
    %get3A_33 = vector.load %arg3[%get3A_31, %get3A_32] : memref<256x512xf32, #tpu.memory_space<vmem>>, vector<256x512xf32>
    %dot_general3A = arith.constant dense<0.000000e+00> : vector<1024x512xf32>
    %dot_general3A_34 = tpu.matmul %max3A_30, %get3A_33, %dot_general3A {dimension_numbers = #tpu.dot_dimension_numbers<[1], [0], [0], [1], [0, 0, 1, 1], [], []>, transpose_lhs_hint = false} : vector<1024x256xf32>, vector<256x512xf32>, vector<1024x512xf32> -> vector<1024x512xf32>
    %slice3A = vector.extract_strided_slice %dot_general3A_34 {offsets = [0, 0], sizes = [1024, 128], strides = [1, 1]} : vector<1024x512xf32> to vector<1024x128xf32>
    %swap3A = arith.constant 0 : index
    %swap3A_35 = arith.constant 0 : index
    %swap3A_36 = arith.constant 0 : index
    %swap3A_37 = vector.load %arg4[%swap3A, %swap3A_35, %swap3A_36] : memref<4x1024x128xf32, #tpu.memory_space<vmem>>, vector<1x1024x128xf32>
    %swap3A_38 = vector.shape_cast %swap3A_37 : vector<1x1024x128xf32> to vector<1024x128xf32>
    %swap3A_39 = vector.shape_cast %slice3A : vector<1024x128xf32> to vector<1x1024x128xf32>
    tpu.vector_store %arg4[%swap3A, %swap3A_35, %swap3A_36], %swap3A_39 {strides = array<i32>} : memref<4x1024x128xf32, #tpu.memory_space<vmem>>, vector<1x1024x128xf32>,
    %slice3A_40 = vector.extract_strided_slice %dot_general3A_34 {offsets = [0, 128], sizes = [1024, 128], strides = [1, 1]} : vector<1024x512xf32> to vector<1024x128xf32>
    %swap3A_41 = arith.constant 1 : index
    %swap3A_42 = arith.constant 0 : index
    %swap3A_43 = arith.constant 0 : index
    %swap3A_44 = vector.load %arg4[%swap3A_41, %swap3A_42, %swap3A_43] : memref<4x1024x128xf32, #tpu.memory_space<vmem>>, vector<1x1024x128xf32>
    %swap3A_45 = vector.shape_cast %swap3A_44 : vector<1x1024x128xf32> to vector<1024x128xf32>
    %swap3A_46 = vector.shape_cast %slice3A_40 : vector<1024x128xf32> to vector<1x1024x128xf32>
    tpu.vector_store %arg4[%swap3A_41, %swap3A_42, %swap3A_43], %swap3A_46 {strides = array<i32>} : memref<4x1024x128xf32, #tpu.memory_space<vmem>>, vector<1x1024x128xf32>,
    %slice3A_47 = vector.extract_strided_slice %dot_general3A_34 {offsets = [0, 256], sizes = [1024, 128], strides = [1, 1]} : vector<1024x512xf32> to vector<1024x128xf32>
    %swap3A_48 = arith.constant 2 : index
    %swap3A_49 = arith.constant 0 : index
    %swap3A_50 = arith.constant 0 : index
    %swap3A_51 = vector.load %arg4[%swap3A_48, %swap3A_49, %swap3A_50] : memref<4x1024x128xf32, #tpu.memory_space<vmem>>, vector<1x1024x128xf32>
    %swap3A_52 = vector.shape_cast %swap3A_51 : vector<1x1024x128xf32> to vector<1024x128xf32>
    %swap3A_53 = vector.shape_cast %slice3A_47 : vector<1024x128xf32> to vector<1x1024x128xf32>
    tpu.vector_store %arg4[%swap3A_48, %swap3A_49, %swap3A_50], %swap3A_53 {strides = array<i32>} : memref<4x1024x128xf32, #tpu.memory_space<vmem>>, vector<1x1024x128xf32>,
    %slice3A_54 = vector.extract_strided_slice %dot_general3A_34 {offsets = [0, 384], sizes = [1024, 128], strides = [1, 1]} : vector<1024x512xf32> to vector<1024x128xf32>
    %swap3A_55 = arith.constant 3 : index
    %swap3A_56 = arith.constant 0 : index
    %swap3A_57 = arith.constant 0 : index
    %swap3A_58 = vector.load %arg4[%swap3A_55, %swap3A_56, %swap3A_57] : memref<4x1024x128xf32, #tpu.memory_space<vmem>>, vector<1x1024x128xf32>
    %swap3A_59 = vector.shape_cast %swap3A_58 : vector<1x1024x128xf32> to vector<1024x128xf32>
    %swap3A_60 = vector.shape_cast %slice3A_54 : vector<1024x128xf32> to vector<1x1024x128xf32>
    tpu.vector_store %arg4[%swap3A_55, %swap3A_56, %swap3A_57], %swap3A_60 {strides = array<i32>} : memref<4x1024x128xf32, #tpu.memory_space<vmem>>, vector<1x1024x128xf32>,
    return
  }
  func.func @transform_0(%arg0: i32) -> (i32, i32, i32, i32) {
    %c0_i32 = arith.constant 0 : i32
    %c0_i32_0 = arith.constant 0 : i32
    %c0_i32_1 = arith.constant 0 : i32
    %c0_i32_2 = arith.constant 0 : i32
    return %c0_i32, %c0_i32_0, %arg0, %c0_i32_1 : i32, i32, i32, i32
  }
  func.func @transform_1(%arg0: i32) -> (i32, i32) {
    %c0_i32 = arith.constant 0 : i32
    %c0_i32_0 = arith.constant 0 : i32
    %c0_i32_1 = arith.constant 0 : i32
    return %c0_i32, %c0_i32_0 : i32, i32
  }
  func.func @transform_2(%arg0: i32) -> (i32, i32) {
    %c0_i32 = arith.constant 0 : i32
    %c0_i32_0 = arith.constant 0 : i32
    %c0_i32_1 = arith.constant 0 : i32
    return %c0_i32, %c0_i32_0 : i32, i32
  }
  func.func @transform_3(%arg0: i32) -> (i32, i32, i32) {
    %c0_i32 = arith.constant 0 : i32
    %c0_i32_0 = arith.constant 0 : i32
    %c0_i32_1 = arith.constant 0 : i32
    return %c0_i32, %arg0, %c0_i32_0 : i32, i32, i32
  }
}

module attributes {stable_mosaic.version = 14 : i64} {
  func.func @_pool_body(%arg0: i32, %arg1: memref<2x4x1000x128xf32, #tpu.memory_space<vmem>>, %arg2: memref<1x512xf32, #tpu.memory_space<vmem>>, %arg3: memref<1x1000x1xi32, #tpu.memory_space<vmem>>, %arg4: memref<1000x128xf32, #tpu.memory_space<vmem>>, %arg5: memref<32x512xf32, #tpu.memory_space<vmem>>, %arg6: memref<32x512xf32, #tpu.memory_space<vmem>>, %arg7: memref<32x128xf32, #tpu.memory_space<vmem>>, %arg8: memref<32x512xf32, #tpu.memory_space<vmem>>, %arg9: memref<32x512xf32, #tpu.memory_space<vmem>>, %arg10: memref<32x128xf32, #tpu.memory_space<vmem>>) attributes {dimension_semantics = [#tpu.dimension_semantics<arbitrary>], iteration_bounds = array<i64: 10>, scalar_prefetch = 0 : i64, scratch_operands = 3 : i64, tpu.core_type = #tpu.core_type<tc>, window_params = [{transform_indices = @transform_0, window_bounds = array<i64: 2, 4, 1000, 128>}, {pipeline_mode = #tpu.pipeline_mode<synchronous>, transform_indices = @transform_1, window_bounds = array<i64: 1, 512>}, {transform_indices = @transform_2, window_bounds = array<i64: 1, 1000, 1>}, {pipeline_mode = #tpu.pipeline_mode<synchronous>, transform_indices = @transform_3, window_bounds = array<i64: 1000, 128>}, {pipeline_mode = #tpu.pipeline_mode<synchronous>, transform_indices = @transform_4, window_bounds = array<i64: 32, 512>}, {pipeline_mode = #tpu.pipeline_mode<synchronous>, transform_indices = @transform_5, window_bounds = array<i64: 32, 512>}, {pipeline_mode = #tpu.pipeline_mode<synchronous>, transform_indices = @transform_6, window_bounds = array<i64: 32, 128>}]} {
    %eq3A = arith.constant 0 : i32
    %eq3A_0 = arith.cmpi eq, %arg0, %eq3A : i32
    %convert_element_type3A = arith.extui %eq3A_0 : i1 to i32
    %cond3A = arith.constant 0 : i32
    %cond3A_1 = arith.cmpi ne, %convert_element_type3A, %cond3A : i32
    scf.if %cond3A_1 {
      %broadcast_in_dim3A_678 = arith.constant 0xFF800000 : f32
      %broadcast_in_dim3A_679 = vector.broadcast %broadcast_in_dim3A_678 : f32 to vector<32x512xf32>
      %swap3A_680 = arith.constant 0 : index
      %swap3A_681 = arith.constant 0 : index
      %swap3A_682 = vector.load %arg8[%swap3A_680, %swap3A_681] : memref<32x512xf32, #tpu.memory_space<vmem>>, vector<32x512xf32>
      tpu.vector_store %arg8[%swap3A_680, %swap3A_681], %broadcast_in_dim3A_679 {strides = array<i32>} : memref<32x512xf32, #tpu.memory_space<vmem>>, vector<32x512xf32>,
      %broadcast_in_dim3A_683 = arith.constant 0.000000e+00 : f32
      %broadcast_in_dim3A_684 = vector.broadcast %broadcast_in_dim3A_683 : f32 to vector<32x512xf32>
      %swap3A_685 = arith.constant 0 : index
      %swap3A_686 = arith.constant 0 : index
      %swap3A_687 = vector.load %arg9[%swap3A_685, %swap3A_686] : memref<32x512xf32, #tpu.memory_space<vmem>>, vector<32x512xf32>
      tpu.vector_store %arg9[%swap3A_685, %swap3A_686], %broadcast_in_dim3A_684 {strides = array<i32>} : memref<32x512xf32, #tpu.memory_space<vmem>>, vector<32x512xf32>,
      %broadcast_in_dim3A_688 = arith.constant 0.000000e+00 : f32
      %broadcast_in_dim3A_689 = vector.broadcast %broadcast_in_dim3A_688 : f32 to vector<32x128xf32>
      %swap3A_690 = arith.constant 0 : index
      %swap3A_691 = arith.constant 0 : index
      %swap3A_692 = vector.load %arg10[%swap3A_690, %swap3A_691] : memref<32x128xf32, #tpu.memory_space<vmem>>, vector<32x128xf32>
      tpu.vector_store %arg10[%swap3A_690, %swap3A_691], %broadcast_in_dim3A_689 {strides = array<i32>} : memref<32x128xf32, #tpu.memory_space<vmem>>, vector<32x128xf32>,
    } else {
    }
    %get3A = arith.constant 0 : index
    %get3A_2 = arith.constant 0 : index
    %get3A_3 = arith.constant 0 : index
    %get3A_4 = arith.constant 0 : index
    %get3A_5 = vector.load %arg1[%get3A, %get3A_2, %get3A_3, %get3A_4] : memref<2x4x1000x128xf32, #tpu.memory_space<vmem>>, vector<1x1x1000x128xf32>
    %get3A_6 = vector.shape_cast %get3A_5 : vector<1x1x1000x128xf32> to vector<1000x128xf32>
    %get3A_7 = arith.constant 1 : index
    %get3A_8 = arith.constant 0 : index
    %get3A_9 = arith.constant 0 : index
    %get3A_10 = arith.constant 0 : index
    %get3A_11 = vector.load %arg1[%get3A_7, %get3A_8, %get3A_9, %get3A_10] : memref<2x4x1000x128xf32, #tpu.memory_space<vmem>>, vector<1x1x1000x128xf32>
    %get3A_12 = vector.shape_cast %get3A_11 : vector<1x1x1000x128xf32> to vector<1000x128xf32>
    %add3A = arith.addf %get3A_6, %get3A_12 : vector<1000x128xf32>
    %get3A_13 = arith.constant 0 : index
    %get3A_14 = arith.constant 1 : index
    %get3A_15 = arith.constant 0 : index
    %get3A_16 = arith.constant 0 : index
    %get3A_17 = vector.load %arg1[%get3A_13, %get3A_14, %get3A_15, %get3A_16] : memref<2x4x1000x128xf32, #tpu.memory_space<vmem>>, vector<1x1x1000x128xf32>
    %get3A_18 = vector.shape_cast %get3A_17 : vector<1x1x1000x128xf32> to vector<1000x128xf32>
    %get3A_19 = arith.constant 1 : index
    %get3A_20 = arith.constant 1 : index
    %get3A_21 = arith.constant 0 : index
    %get3A_22 = arith.constant 0 : index
    %get3A_23 = vector.load %arg1[%get3A_19, %get3A_20, %get3A_21, %get3A_22] : memref<2x4x1000x128xf32, #tpu.memory_space<vmem>>, vector<1x1x1000x128xf32>
    %get3A_24 = vector.shape_cast %get3A_23 : vector<1x1x1000x128xf32> to vector<1000x128xf32>
    %add3A_25 = arith.addf %get3A_18, %get3A_24 : vector<1000x128xf32>
    %get3A_26 = arith.constant 0 : index
    %get3A_27 = arith.constant 2 : index
    %get3A_28 = arith.constant 0 : index
    %get3A_29 = arith.constant 0 : index
    %get3A_30 = vector.load %arg1[%get3A_26, %get3A_27, %get3A_28, %get3A_29] : memref<2x4x1000x128xf32, #tpu.memory_space<vmem>>, vector<1x1x1000x128xf32>
    %get3A_31 = vector.shape_cast %get3A_30 : vector<1x1x1000x128xf32> to vector<1000x128xf32>
    %get3A_32 = arith.constant 1 : index
    %get3A_33 = arith.constant 2 : index
    %get3A_34 = arith.constant 0 : index
    %get3A_35 = arith.constant 0 : index
    %get3A_36 = vector.load %arg1[%get3A_32, %get3A_33, %get3A_34, %get3A_35] : memref<2x4x1000x128xf32, #tpu.memory_space<vmem>>, vector<1x1x1000x128xf32>
    %get3A_37 = vector.shape_cast %get3A_36 : vector<1x1x1000x128xf32> to vector<1000x128xf32>
    %add3A_38 = arith.addf %get3A_31, %get3A_37 : vector<1000x128xf32>
    %get3A_39 = arith.constant 0 : index
    %get3A_40 = arith.constant 3 : index
    %get3A_41 = arith.constant 0 : index
    %get3A_42 = arith.constant 0 : index
    %get3A_43 = vector.load %arg1[%get3A_39, %get3A_40, %get3A_41, %get3A_42] : memref<2x4x1000x128xf32, #tpu.memory_space<vmem>>, vector<1x1x1000x128xf32>
    %get3A_44 = vector.shape_cast %get3A_43 : vector<1x1x1000x128xf32> to vector<1000x128xf32>
    %get3A_45 = arith.constant 1 : index
    %get3A_46 = arith.constant 3 : index
    %get3A_47 = arith.constant 0 : index
    %get3A_48 = arith.constant 0 : index
    %get3A_49 = vector.load %arg1[%get3A_45, %get3A_46, %get3A_47, %get3A_48] : memref<2x4x1000x128xf32, #tpu.memory_space<vmem>>, vector<1x1x1000x128xf32>
    %get3A_50 = vector.shape_cast %get3A_49 : vector<1x1x1000x128xf32> to vector<1000x128xf32>
    %add3A_51 = arith.addf %get3A_44, %get3A_50 : vector<1000x128xf32>
    %concatenate3A = tpu.concatenate %add3A, %add3A_25, %add3A_38, %add3A_51 in 1 : vector<1000x128xf32>, vector<1000x128xf32>, vector<1000x128xf32>, vector<1000x128xf32> -> vector<1000x512xf32>
    %get3A_52 = arith.constant 0 : index
    %get3A_53 = arith.constant 0 : index
    %get3A_54 = vector.load %arg2[%get3A_52, %get3A_53] : memref<1x512xf32, #tpu.memory_space<vmem>>, vector<1x512xf32>
    %add3A_55 = vector.broadcast %get3A_54 : vector<1x512xf32> to vector<1000x512xf32>
    %add3A_56 = arith.addf %concatenate3A, %add3A_55 : vector<1000x512xf32>
    %max3A = arith.constant 0.000000e+00 : f32
    %max3A_57 = vector.broadcast %max3A : f32 to vector<1000x512xf32>
    %max3A_58 = arith.maximumf %add3A_56, %max3A_57 : vector<1000x512xf32>
    %get3A_59 = arith.constant 0 : index
    %get3A_60 = arith.constant 0 : index
    %get3A_61 = arith.constant 0 : index
    %get3A_62 = vector.load %arg3[%get3A_59, %get3A_60, %get3A_61] : memref<1x1000x1xi32, #tpu.memory_space<vmem>>, vector<1x1000x1xi32>
    %get3A_63 = vector.shape_cast %get3A_62 : vector<1x1000x1xi32> to vector<1000x1xi32>
    %iota3A = tpu.iota {dimensions = array<i32: 1>} : vector<1x32xi32>
    %eq3A_64 = vector.broadcast %get3A_63 : vector<1000x1xi32> to vector<1000x32xi32>
    %eq3A_65 = vector.broadcast %iota3A : vector<1x32xi32> to vector<1000x32xi32>
    %eq3A_66 = arith.cmpi eq, %eq3A_64, %eq3A_65 : vector<1000x32xi32>
    %convert_element_type3A_67 = arith.extui %eq3A_66 : vector<1000x32xi1> to vector<1000x32xi32>
    %convert_element_type3A_68 = arith.sitofp %convert_element_type3A_67 : vector<1000x32xi32> to vector<1000x32xf32>
    %get3A_69 = arith.constant 0 : index
    %get3A_70 = arith.constant 0 : index
    %get3A_71 = vector.load %arg9[%get3A_69, %get3A_70] : memref<32x512xf32, #tpu.memory_space<vmem>>, vector<32x512xf32>
    %dot_general3A = arith.constant dense<0.000000e+00> : vector<32x512xf32>
    %dot_general3A_72 = tpu.matmul %convert_element_type3A_68, %max3A_58, %dot_general3A {dimension_numbers = #tpu.dot_dimension_numbers<[0], [0], [1], [1], [0, 1, 1, 1], [], []>, precision = #tpu.contract_precision<fp32>, transpose_lhs_hint = false} : vector<1000x32xf32>, vector<1000x512xf32>, vector<32x512xf32> -> vector<32x512xf32>
    %add3A_73 = arith.addf %get3A_71, %dot_general3A_72 : vector<32x512xf32>
    %swap3A = arith.constant 0 : index
    %swap3A_74 = arith.constant 0 : index
    %swap3A_75 = vector.load %arg9[%swap3A, %swap3A_74] : memref<32x512xf32, #tpu.memory_space<vmem>>, vector<32x512xf32>
    tpu.vector_store %arg9[%swap3A, %swap3A_74], %add3A_73 {strides = array<i32>} : memref<32x512xf32, #tpu.memory_space<vmem>>, vector<32x512xf32>,
    %get3A_76 = arith.constant 0 : index
    %get3A_77 = arith.constant 0 : index
    %get3A_78 = vector.load %arg10[%get3A_76, %get3A_77] : memref<32x128xf32, #tpu.memory_space<vmem>>, vector<32x128xf32>
    %get3A_79 = arith.constant 0 : index
    %get3A_80 = arith.constant 0 : index
    %get3A_81 = vector.load %arg4[%get3A_79, %get3A_80] : memref<1000x128xf32, #tpu.memory_space<vmem>>, vector<1000x128xf32>
    %dot_general3A_82 = arith.constant dense<0.000000e+00> : vector<32x128xf32>
    %dot_general3A_83 = tpu.matmul %convert_element_type3A_68, %get3A_81, %dot_general3A_82 {dimension_numbers = #tpu.dot_dimension_numbers<[0], [0], [1], [1], [0, 1, 1, 1], [], []>, precision = #tpu.contract_precision<fp32>, transpose_lhs_hint = false} : vector<1000x32xf32>, vector<1000x128xf32>, vector<32x128xf32> -> vector<32x128xf32>
    %add3A_84 = arith.addf %get3A_78, %dot_general3A_83 : vector<32x128xf32>
    %swap3A_85 = arith.constant 0 : index
    %swap3A_86 = arith.constant 0 : index
    %swap3A_87 = vector.load %arg10[%swap3A_85, %swap3A_86] : memref<32x128xf32, #tpu.memory_space<vmem>>, vector<32x128xf32>
    tpu.vector_store %arg10[%swap3A_85, %swap3A_86], %add3A_84 {strides = array<i32>} : memref<32x128xf32, #tpu.memory_space<vmem>>, vector<32x128xf32>,
    %eq3A_88 = arith.constant 0 : i32
    %eq3A_89 = vector.broadcast %eq3A_88 : i32 to vector<1000x1xi32>
    %eq3A_90 = arith.cmpi eq, %get3A_63, %eq3A_89 : vector<1000x1xi32>
    %jit3A = arith.constant 0xFF800000 : f32
    %broadcast_in_dim3A = vector.shape_cast %eq3A_90 : vector<1000x1xi1> to vector<1000x1xi1>
    %broadcast_in_dim3A_91 = vector.broadcast %broadcast_in_dim3A : vector<1000x1xi1> to vector<1000x512xi1>
    %broadcast_in_dim3A_92 = vector.broadcast %jit3A : f32 to vector<1000x512xf32>
    %select_n3A = arith.select %broadcast_in_dim3A_91, %max3A_58, %broadcast_in_dim3A_92 : vector<1000x512xi1>, vector<1000x512xf32>
    %get3A_93 = arith.constant 0 : index
    %get3A_94 = arith.constant 0 : index
    %get3A_95 = vector.load %arg8[%get3A_93, %get3A_94] : memref<32x512xf32, #tpu.memory_space<vmem>>, vector<1x512xf32>
    %reduce_max3A = arith.constant dense<0xFF800000> : vector<512xf32>
    %reduce_max3A_96 = vector.multi_reduction <maximumf>, %select_n3A, %reduce_max3A [0] : vector<1000x512xf32> to vector<512xf32>
    %broadcast_in_dim3A_97 = vector.shape_cast %reduce_max3A_96 : vector<512xf32> to vector<1x512xf32>
    %max3A_98 = arith.maximumf %get3A_95, %broadcast_in_dim3A_97 : vector<1x512xf32>
    %swap3A_99 = arith.constant 0 : index
    %swap3A_100 = arith.constant 0 : index
    %swap3A_101 = vector.load %arg8[%swap3A_99, %swap3A_100] : memref<32x512xf32, #tpu.memory_space<vmem>>, vector<1x512xf32>
    tpu.vector_store %arg8[%swap3A_99, %swap3A_100], %max3A_98 {strides = array<i32>} : memref<32x512xf32, #tpu.memory_space<vmem>>, vector<1x512xf32>,
    %eq3A_102 = arith.constant 1 : i32
    %eq3A_103 = vector.broadcast %eq3A_102 : i32 to vector<1000x1xi32>
    %eq3A_104 = arith.cmpi eq, %get3A_63, %eq3A_103 : vector<1000x1xi32>
    %jit3A_105 = arith.constant 0xFF800000 : f32
    %broadcast_in_dim3A_106 = vector.shape_cast %eq3A_104 : vector<1000x1xi1> to vector<1000x1xi1>
    %broadcast_in_dim3A_107 = vector.broadcast %broadcast_in_dim3A_106 : vector<1000x1xi1> to vector<1000x512xi1>
    %broadcast_in_dim3A_108 = vector.broadcast %jit3A_105 : f32 to vector<1000x512xf32>
    %select_n3A_109 = arith.select %broadcast_in_dim3A_107, %max3A_58, %broadcast_in_dim3A_108 : vector<1000x512xi1>, vector<1000x512xf32>
    %get3A_110 = arith.constant 1 : index
    %get3A_111 = arith.constant 0 : index
    %get3A_112 = vector.load %arg8[%get3A_110, %get3A_111] : memref<32x512xf32, #tpu.memory_space<vmem>>, vector<1x512xf32>
    %reduce_max3A_113 = arith.constant dense<0xFF800000> : vector<512xf32>
    %reduce_max3A_114 = vector.multi_reduction <maximumf>, %select_n3A_109, %reduce_max3A_113 [0] : vector<1000x512xf32> to vector<512xf32>
    %broadcast_in_dim3A_115 = vector.shape_cast %reduce_max3A_114 : vector<512xf32> to vector<1x512xf32>
    %max3A_116 = arith.maximumf %get3A_112, %broadcast_in_dim3A_115 : vector<1x512xf32>
    %swap3A_117 = arith.constant 1 : index
    %swap3A_118 = arith.constant 0 : index
    %swap3A_119 = vector.load %arg8[%swap3A_117, %swap3A_118] : memref<32x512xf32, #tpu.memory_space<vmem>>, vector<1x512xf32>
    tpu.vector_store %arg8[%swap3A_117, %swap3A_118], %max3A_116 {strides = array<i32>} : memref<32x512xf32, #tpu.memory_space<vmem>>, vector<1x512xf32>,
    %eq3A_120 = arith.constant 2 : i32
    %eq3A_121 = vector.broadcast %eq3A_120 : i32 to vector<1000x1xi32>
    %eq3A_122 = arith.cmpi eq, %get3A_63, %eq3A_121 : vector<1000x1xi32>
    %jit3A_123 = arith.constant 0xFF800000 : f32
    %broadcast_in_dim3A_124 = vector.shape_cast %eq3A_122 : vector<1000x1xi1> to vector<1000x1xi1>
    %broadcast_in_dim3A_125 = vector.broadcast %broadcast_in_dim3A_124 : vector<1000x1xi1> to vector<1000x512xi1>
    %broadcast_in_dim3A_126 = vector.broadcast %jit3A_123 : f32 to vector<1000x512xf32>
    %select_n3A_127 = arith.select %broadcast_in_dim3A_125, %max3A_58, %broadcast_in_dim3A_126 : vector<1000x512xi1>, vector<1000x512xf32>
    %get3A_128 = arith.constant 2 : index
    %get3A_129 = arith.constant 0 : index
    %get3A_130 = vector.load %arg8[%get3A_128, %get3A_129] : memref<32x512xf32, #tpu.memory_space<vmem>>, vector<1x512xf32>
    %reduce_max3A_131 = arith.constant dense<0xFF800000> : vector<512xf32>
    %reduce_max3A_132 = vector.multi_reduction <maximumf>, %select_n3A_127, %reduce_max3A_131 [0] : vector<1000x512xf32> to vector<512xf32>
    %broadcast_in_dim3A_133 = vector.shape_cast %reduce_max3A_132 : vector<512xf32> to vector<1x512xf32>
    %max3A_134 = arith.maximumf %get3A_130, %broadcast_in_dim3A_133 : vector<1x512xf32>
    %swap3A_135 = arith.constant 2 : index
    %swap3A_136 = arith.constant 0 : index
    %swap3A_137 = vector.load %arg8[%swap3A_135, %swap3A_136] : memref<32x512xf32, #tpu.memory_space<vmem>>, vector<1x512xf32>
    tpu.vector_store %arg8[%swap3A_135, %swap3A_136], %max3A_134 {strides = array<i32>} : memref<32x512xf32, #tpu.memory_space<vmem>>, vector<1x512xf32>,
    %eq3A_138 = arith.constant 3 : i32
    %eq3A_139 = vector.broadcast %eq3A_138 : i32 to vector<1000x1xi32>
    %eq3A_140 = arith.cmpi eq, %get3A_63, %eq3A_139 : vector<1000x1xi32>
    %jit3A_141 = arith.constant 0xFF800000 : f32
    %broadcast_in_dim3A_142 = vector.shape_cast %eq3A_140 : vector<1000x1xi1> to vector<1000x1xi1>
    %broadcast_in_dim3A_143 = vector.broadcast %broadcast_in_dim3A_142 : vector<1000x1xi1> to vector<1000x512xi1>
    %broadcast_in_dim3A_144 = vector.broadcast %jit3A_141 : f32 to vector<1000x512xf32>
    %select_n3A_145 = arith.select %broadcast_in_dim3A_143, %max3A_58, %broadcast_in_dim3A_144 : vector<1000x512xi1>, vector<1000x512xf32>
    %get3A_146 = arith.constant 3 : index
    %get3A_147 = arith.constant 0 : index
    %get3A_148 = vector.load %arg8[%get3A_146, %get3A_147] : memref<32x512xf32, #tpu.memory_space<vmem>>, vector<1x512xf32>
    %reduce_max3A_149 = arith.constant dense<0xFF800000> : vector<512xf32>
    %reduce_max3A_150 = vector.multi_reduction <maximumf>, %select_n3A_145, %reduce_max3A_149 [0] : vector<1000x512xf32> to vector<512xf32>
    %broadcast_in_dim3A_151 = vector.shape_cast %reduce_max3A_150 : vector<512xf32> to vector<1x512xf32>
    %max3A_152 = arith.maximumf %get3A_148, %broadcast_in_dim3A_151 : vector<1x512xf32>
    %swap3A_153 = arith.constant 3 : index
    %swap3A_154 = arith.constant 0 : index
    %swap3A_155 = vector.load %arg8[%swap3A_153, %swap3A_154] : memref<32x512xf32, #tpu.memory_space<vmem>>, vector<1x512xf32>
    tpu.vector_store %arg8[%swap3A_153, %swap3A_154], %max3A_152 {strides = array<i32>} : memref<32x512xf32, #tpu.memory_space<vmem>>, vector<1x512xf32>,
    %eq3A_156 = arith.constant 4 : i32
    %eq3A_157 = vector.broadcast %eq3A_156 : i32 to vector<1000x1xi32>
    %eq3A_158 = arith.cmpi eq, %get3A_63, %eq3A_157 : vector<1000x1xi32>
    %jit3A_159 = arith.constant 0xFF800000 : f32
    %broadcast_in_dim3A_160 = vector.shape_cast %eq3A_158 : vector<1000x1xi1> to vector<1000x1xi1>
    %broadcast_in_dim3A_161 = vector.broadcast %broadcast_in_dim3A_160 : vector<1000x1xi1> to vector<1000x512xi1>
    %broadcast_in_dim3A_162 = vector.broadcast %jit3A_159 : f32 to vector<1000x512xf32>
    %select_n3A_163 = arith.select %broadcast_in_dim3A_161, %max3A_58, %broadcast_in_dim3A_162 : vector<1000x512xi1>, vector<1000x512xf32>
    %get3A_164 = arith.constant 4 : index
    %get3A_165 = arith.constant 0 : index
    %get3A_166 = vector.load %arg8[%get3A_164, %get3A_165] : memref<32x512xf32, #tpu.memory_space<vmem>>, vector<1x512xf32>
    %reduce_max3A_167 = arith.constant dense<0xFF800000> : vector<512xf32>
    %reduce_max3A_168 = vector.multi_reduction <maximumf>, %select_n3A_163, %reduce_max3A_167 [0] : vector<1000x512xf32> to vector<512xf32>
    %broadcast_in_dim3A_169 = vector.shape_cast %reduce_max3A_168 : vector<512xf32> to vector<1x512xf32>
    %max3A_170 = arith.maximumf %get3A_166, %broadcast_in_dim3A_169 : vector<1x512xf32>
    %swap3A_171 = arith.constant 4 : index
    %swap3A_172 = arith.constant 0 : index
    %swap3A_173 = vector.load %arg8[%swap3A_171, %swap3A_172] : memref<32x512xf32, #tpu.memory_space<vmem>>, vector<1x512xf32>
    tpu.vector_store %arg8[%swap3A_171, %swap3A_172], %max3A_170 {strides = array<i32>} : memref<32x512xf32, #tpu.memory_space<vmem>>, vector<1x512xf32>,
    %eq3A_174 = arith.constant 5 : i32
    %eq3A_175 = vector.broadcast %eq3A_174 : i32 to vector<1000x1xi32>
    %eq3A_176 = arith.cmpi eq, %get3A_63, %eq3A_175 : vector<1000x1xi32>
    %jit3A_177 = arith.constant 0xFF800000 : f32
    %broadcast_in_dim3A_178 = vector.shape_cast %eq3A_176 : vector<1000x1xi1> to vector<1000x1xi1>
    %broadcast_in_dim3A_179 = vector.broadcast %broadcast_in_dim3A_178 : vector<1000x1xi1> to vector<1000x512xi1>
    %broadcast_in_dim3A_180 = vector.broadcast %jit3A_177 : f32 to vector<1000x512xf32>
    %select_n3A_181 = arith.select %broadcast_in_dim3A_179, %max3A_58, %broadcast_in_dim3A_180 : vector<1000x512xi1>, vector<1000x512xf32>
    %get3A_182 = arith.constant 5 : index
    %get3A_183 = arith.constant 0 : index
    %get3A_184 = vector.load %arg8[%get3A_182, %get3A_183] : memref<32x512xf32, #tpu.memory_space<vmem>>, vector<1x512xf32>
    %reduce_max3A_185 = arith.constant dense<0xFF800000> : vector<512xf32>
    %reduce_max3A_186 = vector.multi_reduction <maximumf>, %select_n3A_181, %reduce_max3A_185 [0] : vector<1000x512xf32> to vector<512xf32>
    %broadcast_in_dim3A_187 = vector.shape_cast %reduce_max3A_186 : vector<512xf32> to vector<1x512xf32>
    %max3A_188 = arith.maximumf %get3A_184, %broadcast_in_dim3A_187 : vector<1x512xf32>
    %swap3A_189 = arith.constant 5 : index
    %swap3A_190 = arith.constant 0 : index
    %swap3A_191 = vector.load %arg8[%swap3A_189, %swap3A_190] : memref<32x512xf32, #tpu.memory_space<vmem>>, vector<1x512xf32>
    tpu.vector_store %arg8[%swap3A_189, %swap3A_190], %max3A_188 {strides = array<i32>} : memref<32x512xf32, #tpu.memory_space<vmem>>, vector<1x512xf32>,
    %eq3A_192 = arith.constant 6 : i32
    %eq3A_193 = vector.broadcast %eq3A_192 : i32 to vector<1000x1xi32>
    %eq3A_194 = arith.cmpi eq, %get3A_63, %eq3A_193 : vector<1000x1xi32>
    %jit3A_195 = arith.constant 0xFF800000 : f32
    %broadcast_in_dim3A_196 = vector.shape_cast %eq3A_194 : vector<1000x1xi1> to vector<1000x1xi1>
    %broadcast_in_dim3A_197 = vector.broadcast %broadcast_in_dim3A_196 : vector<1000x1xi1> to vector<1000x512xi1>
    %broadcast_in_dim3A_198 = vector.broadcast %jit3A_195 : f32 to vector<1000x512xf32>
    %select_n3A_199 = arith.select %broadcast_in_dim3A_197, %max3A_58, %broadcast_in_dim3A_198 : vector<1000x512xi1>, vector<1000x512xf32>
    %get3A_200 = arith.constant 6 : index
    %get3A_201 = arith.constant 0 : index
    %get3A_202 = vector.load %arg8[%get3A_200, %get3A_201] : memref<32x512xf32, #tpu.memory_space<vmem>>, vector<1x512xf32>
    %reduce_max3A_203 = arith.constant dense<0xFF800000> : vector<512xf32>
    %reduce_max3A_204 = vector.multi_reduction <maximumf>, %select_n3A_199, %reduce_max3A_203 [0] : vector<1000x512xf32> to vector<512xf32>
    %broadcast_in_dim3A_205 = vector.shape_cast %reduce_max3A_204 : vector<512xf32> to vector<1x512xf32>
    %max3A_206 = arith.maximumf %get3A_202, %broadcast_in_dim3A_205 : vector<1x512xf32>
    %swap3A_207 = arith.constant 6 : index
    %swap3A_208 = arith.constant 0 : index
    %swap3A_209 = vector.load %arg8[%swap3A_207, %swap3A_208] : memref<32x512xf32, #tpu.memory_space<vmem>>, vector<1x512xf32>
    tpu.vector_store %arg8[%swap3A_207, %swap3A_208], %max3A_206 {strides = array<i32>} : memref<32x512xf32, #tpu.memory_space<vmem>>, vector<1x512xf32>,
    %eq3A_210 = arith.constant 7 : i32
    %eq3A_211 = vector.broadcast %eq3A_210 : i32 to vector<1000x1xi32>
    %eq3A_212 = arith.cmpi eq, %get3A_63, %eq3A_211 : vector<1000x1xi32>
    %jit3A_213 = arith.constant 0xFF800000 : f32
    %broadcast_in_dim3A_214 = vector.shape_cast %eq3A_212 : vector<1000x1xi1> to vector<1000x1xi1>
    %broadcast_in_dim3A_215 = vector.broadcast %broadcast_in_dim3A_214 : vector<1000x1xi1> to vector<1000x512xi1>
    %broadcast_in_dim3A_216 = vector.broadcast %jit3A_213 : f32 to vector<1000x512xf32>
    %select_n3A_217 = arith.select %broadcast_in_dim3A_215, %max3A_58, %broadcast_in_dim3A_216 : vector<1000x512xi1>, vector<1000x512xf32>
    %get3A_218 = arith.constant 7 : index
    %get3A_219 = arith.constant 0 : index
    %get3A_220 = vector.load %arg8[%get3A_218, %get3A_219] : memref<32x512xf32, #tpu.memory_space<vmem>>, vector<1x512xf32>
    %reduce_max3A_221 = arith.constant dense<0xFF800000> : vector<512xf32>
    %reduce_max3A_222 = vector.multi_reduction <maximumf>, %select_n3A_217, %reduce_max3A_221 [0] : vector<1000x512xf32> to vector<512xf32>
    %broadcast_in_dim3A_223 = vector.shape_cast %reduce_max3A_222 : vector<512xf32> to vector<1x512xf32>
    %max3A_224 = arith.maximumf %get3A_220, %broadcast_in_dim3A_223 : vector<1x512xf32>
    %swap3A_225 = arith.constant 7 : index
    %swap3A_226 = arith.constant 0 : index
    %swap3A_227 = vector.load %arg8[%swap3A_225, %swap3A_226] : memref<32x512xf32, #tpu.memory_space<vmem>>, vector<1x512xf32>
    tpu.vector_store %arg8[%swap3A_225, %swap3A_226], %max3A_224 {strides = array<i32>} : memref<32x512xf32, #tpu.memory_space<vmem>>, vector<1x512xf32>,
    %eq3A_228 = arith.constant 8 : i32
    %eq3A_229 = vector.broadcast %eq3A_228 : i32 to vector<1000x1xi32>
    %eq3A_230 = arith.cmpi eq, %get3A_63, %eq3A_229 : vector<1000x1xi32>
    %jit3A_231 = arith.constant 0xFF800000 : f32
    %broadcast_in_dim3A_232 = vector.shape_cast %eq3A_230 : vector<1000x1xi1> to vector<1000x1xi1>
    %broadcast_in_dim3A_233 = vector.broadcast %broadcast_in_dim3A_232 : vector<1000x1xi1> to vector<1000x512xi1>
    %broadcast_in_dim3A_234 = vector.broadcast %jit3A_231 : f32 to vector<1000x512xf32>
    %select_n3A_235 = arith.select %broadcast_in_dim3A_233, %max3A_58, %broadcast_in_dim3A_234 : vector<1000x512xi1>, vector<1000x512xf32>
    %get3A_236 = arith.constant 8 : index
    %get3A_237 = arith.constant 0 : index
    %get3A_238 = vector.load %arg8[%get3A_236, %get3A_237] : memref<32x512xf32, #tpu.memory_space<vmem>>, vector<1x512xf32>
    %reduce_max3A_239 = arith.constant dense<0xFF800000> : vector<512xf32>
    %reduce_max3A_240 = vector.multi_reduction <maximumf>, %select_n3A_235, %reduce_max3A_239 [0] : vector<1000x512xf32> to vector<512xf32>
    %broadcast_in_dim3A_241 = vector.shape_cast %reduce_max3A_240 : vector<512xf32> to vector<1x512xf32>
    %max3A_242 = arith.maximumf %get3A_238, %broadcast_in_dim3A_241 : vector<1x512xf32>
    %swap3A_243 = arith.constant 8 : index
    %swap3A_244 = arith.constant 0 : index
    %swap3A_245 = vector.load %arg8[%swap3A_243, %swap3A_244] : memref<32x512xf32, #tpu.memory_space<vmem>>, vector<1x512xf32>
    tpu.vector_store %arg8[%swap3A_243, %swap3A_244], %max3A_242 {strides = array<i32>} : memref<32x512xf32, #tpu.memory_space<vmem>>, vector<1x512xf32>,
    %eq3A_246 = arith.constant 9 : i32
    %eq3A_247 = vector.broadcast %eq3A_246 : i32 to vector<1000x1xi32>
    %eq3A_248 = arith.cmpi eq, %get3A_63, %eq3A_247 : vector<1000x1xi32>
    %jit3A_249 = arith.constant 0xFF800000 : f32
    %broadcast_in_dim3A_250 = vector.shape_cast %eq3A_248 : vector<1000x1xi1> to vector<1000x1xi1>
    %broadcast_in_dim3A_251 = vector.broadcast %broadcast_in_dim3A_250 : vector<1000x1xi1> to vector<1000x512xi1>
    %broadcast_in_dim3A_252 = vector.broadcast %jit3A_249 : f32 to vector<1000x512xf32>
    %select_n3A_253 = arith.select %broadcast_in_dim3A_251, %max3A_58, %broadcast_in_dim3A_252 : vector<1000x512xi1>, vector<1000x512xf32>
    %get3A_254 = arith.constant 9 : index
    %get3A_255 = arith.constant 0 : index
    %get3A_256 = vector.load %arg8[%get3A_254, %get3A_255] : memref<32x512xf32, #tpu.memory_space<vmem>>, vector<1x512xf32>
    %reduce_max3A_257 = arith.constant dense<0xFF800000> : vector<512xf32>
    %reduce_max3A_258 = vector.multi_reduction <maximumf>, %select_n3A_253, %reduce_max3A_257 [0] : vector<1000x512xf32> to vector<512xf32>
    %broadcast_in_dim3A_259 = vector.shape_cast %reduce_max3A_258 : vector<512xf32> to vector<1x512xf32>
    %max3A_260 = arith.maximumf %get3A_256, %broadcast_in_dim3A_259 : vector<1x512xf32>
    %swap3A_261 = arith.constant 9 : index
    %swap3A_262 = arith.constant 0 : index
    %swap3A_263 = vector.load %arg8[%swap3A_261, %swap3A_262] : memref<32x512xf32, #tpu.memory_space<vmem>>, vector<1x512xf32>
    tpu.vector_store %arg8[%swap3A_261, %swap3A_262], %max3A_260 {strides = array<i32>} : memref<32x512xf32, #tpu.memory_space<vmem>>, vector<1x512xf32>,
    %eq3A_264 = arith.constant 10 : i32
    %eq3A_265 = vector.broadcast %eq3A_264 : i32 to vector<1000x1xi32>
    %eq3A_266 = arith.cmpi eq, %get3A_63, %eq3A_265 : vector<1000x1xi32>
    %jit3A_267 = arith.constant 0xFF800000 : f32
    %broadcast_in_dim3A_268 = vector.shape_cast %eq3A_266 : vector<1000x1xi1> to vector<1000x1xi1>
    %broadcast_in_dim3A_269 = vector.broadcast %broadcast_in_dim3A_268 : vector<1000x1xi1> to vector<1000x512xi1>
    %broadcast_in_dim3A_270 = vector.broadcast %jit3A_267 : f32 to vector<1000x512xf32>
    %select_n3A_271 = arith.select %broadcast_in_dim3A_269, %max3A_58, %broadcast_in_dim3A_270 : vector<1000x512xi1>, vector<1000x512xf32>
    %get3A_272 = arith.constant 10 : index
    %get3A_273 = arith.constant 0 : index
    %get3A_274 = vector.load %arg8[%get3A_272, %get3A_273] : memref<32x512xf32, #tpu.memory_space<vmem>>, vector<1x512xf32>
    %reduce_max3A_275 = arith.constant dense<0xFF800000> : vector<512xf32>
    %reduce_max3A_276 = vector.multi_reduction <maximumf>, %select_n3A_271, %reduce_max3A_275 [0] : vector<1000x512xf32> to vector<512xf32>
    %broadcast_in_dim3A_277 = vector.shape_cast %reduce_max3A_276 : vector<512xf32> to vector<1x512xf32>
    %max3A_278 = arith.maximumf %get3A_274, %broadcast_in_dim3A_277 : vector<1x512xf32>
    %swap3A_279 = arith.constant 10 : index
    %swap3A_280 = arith.constant 0 : index
    %swap3A_281 = vector.load %arg8[%swap3A_279, %swap3A_280] : memref<32x512xf32, #tpu.memory_space<vmem>>, vector<1x512xf32>
    tpu.vector_store %arg8[%swap3A_279, %swap3A_280], %max3A_278 {strides = array<i32>} : memref<32x512xf32, #tpu.memory_space<vmem>>, vector<1x512xf32>,
    %eq3A_282 = arith.constant 11 : i32
    %eq3A_283 = vector.broadcast %eq3A_282 : i32 to vector<1000x1xi32>
    %eq3A_284 = arith.cmpi eq, %get3A_63, %eq3A_283 : vector<1000x1xi32>
    %jit3A_285 = arith.constant 0xFF800000 : f32
    %broadcast_in_dim3A_286 = vector.shape_cast %eq3A_284 : vector<1000x1xi1> to vector<1000x1xi1>
    %broadcast_in_dim3A_287 = vector.broadcast %broadcast_in_dim3A_286 : vector<1000x1xi1> to vector<1000x512xi1>
    %broadcast_in_dim3A_288 = vector.broadcast %jit3A_285 : f32 to vector<1000x512xf32>
    %select_n3A_289 = arith.select %broadcast_in_dim3A_287, %max3A_58, %broadcast_in_dim3A_288 : vector<1000x512xi1>, vector<1000x512xf32>
    %get3A_290 = arith.constant 11 : index
    %get3A_291 = arith.constant 0 : index
    %get3A_292 = vector.load %arg8[%get3A_290, %get3A_291] : memref<32x512xf32, #tpu.memory_space<vmem>>, vector<1x512xf32>
    %reduce_max3A_293 = arith.constant dense<0xFF800000> : vector<512xf32>
    %reduce_max3A_294 = vector.multi_reduction <maximumf>, %select_n3A_289, %reduce_max3A_293 [0] : vector<1000x512xf32> to vector<512xf32>
    %broadcast_in_dim3A_295 = vector.shape_cast %reduce_max3A_294 : vector<512xf32> to vector<1x512xf32>
    %max3A_296 = arith.maximumf %get3A_292, %broadcast_in_dim3A_295 : vector<1x512xf32>
    %swap3A_297 = arith.constant 11 : index
    %swap3A_298 = arith.constant 0 : index
    %swap3A_299 = vector.load %arg8[%swap3A_297, %swap3A_298] : memref<32x512xf32, #tpu.memory_space<vmem>>, vector<1x512xf32>
    tpu.vector_store %arg8[%swap3A_297, %swap3A_298], %max3A_296 {strides = array<i32>} : memref<32x512xf32, #tpu.memory_space<vmem>>, vector<1x512xf32>,
    %eq3A_300 = arith.constant 12 : i32
    %eq3A_301 = vector.broadcast %eq3A_300 : i32 to vector<1000x1xi32>
    %eq3A_302 = arith.cmpi eq, %get3A_63, %eq3A_301 : vector<1000x1xi32>
    %jit3A_303 = arith.constant 0xFF800000 : f32
    %broadcast_in_dim3A_304 = vector.shape_cast %eq3A_302 : vector<1000x1xi1> to vector<1000x1xi1>
    %broadcast_in_dim3A_305 = vector.broadcast %broadcast_in_dim3A_304 : vector<1000x1xi1> to vector<1000x512xi1>
    %broadcast_in_dim3A_306 = vector.broadcast %jit3A_303 : f32 to vector<1000x512xf32>
    %select_n3A_307 = arith.select %broadcast_in_dim3A_305, %max3A_58, %broadcast_in_dim3A_306 : vector<1000x512xi1>, vector<1000x512xf32>
    %get3A_308 = arith.constant 12 : index
    %get3A_309 = arith.constant 0 : index
    %get3A_310 = vector.load %arg8[%get3A_308, %get3A_309] : memref<32x512xf32, #tpu.memory_space<vmem>>, vector<1x512xf32>
    %reduce_max3A_311 = arith.constant dense<0xFF800000> : vector<512xf32>
    %reduce_max3A_312 = vector.multi_reduction <maximumf>, %select_n3A_307, %reduce_max3A_311 [0] : vector<1000x512xf32> to vector<512xf32>
    %broadcast_in_dim3A_313 = vector.shape_cast %reduce_max3A_312 : vector<512xf32> to vector<1x512xf32>
    %max3A_314 = arith.maximumf %get3A_310, %broadcast_in_dim3A_313 : vector<1x512xf32>
    %swap3A_315 = arith.constant 12 : index
    %swap3A_316 = arith.constant 0 : index
    %swap3A_317 = vector.load %arg8[%swap3A_315, %swap3A_316] : memref<32x512xf32, #tpu.memory_space<vmem>>, vector<1x512xf32>
    tpu.vector_store %arg8[%swap3A_315, %swap3A_316], %max3A_314 {strides = array<i32>} : memref<32x512xf32, #tpu.memory_space<vmem>>, vector<1x512xf32>,
    %eq3A_318 = arith.constant 13 : i32
    %eq3A_319 = vector.broadcast %eq3A_318 : i32 to vector<1000x1xi32>
    %eq3A_320 = arith.cmpi eq, %get3A_63, %eq3A_319 : vector<1000x1xi32>
    %jit3A_321 = arith.constant 0xFF800000 : f32
    %broadcast_in_dim3A_322 = vector.shape_cast %eq3A_320 : vector<1000x1xi1> to vector<1000x1xi1>
    %broadcast_in_dim3A_323 = vector.broadcast %broadcast_in_dim3A_322 : vector<1000x1xi1> to vector<1000x512xi1>
    %broadcast_in_dim3A_324 = vector.broadcast %jit3A_321 : f32 to vector<1000x512xf32>
    %select_n3A_325 = arith.select %broadcast_in_dim3A_323, %max3A_58, %broadcast_in_dim3A_324 : vector<1000x512xi1>, vector<1000x512xf32>
    %get3A_326 = arith.constant 13 : index
    %get3A_327 = arith.constant 0 : index
    %get3A_328 = vector.load %arg8[%get3A_326, %get3A_327] : memref<32x512xf32, #tpu.memory_space<vmem>>, vector<1x512xf32>
    %reduce_max3A_329 = arith.constant dense<0xFF800000> : vector<512xf32>
    %reduce_max3A_330 = vector.multi_reduction <maximumf>, %select_n3A_325, %reduce_max3A_329 [0] : vector<1000x512xf32> to vector<512xf32>
    %broadcast_in_dim3A_331 = vector.shape_cast %reduce_max3A_330 : vector<512xf32> to vector<1x512xf32>
    %max3A_332 = arith.maximumf %get3A_328, %broadcast_in_dim3A_331 : vector<1x512xf32>
    %swap3A_333 = arith.constant 13 : index
    %swap3A_334 = arith.constant 0 : index
    %swap3A_335 = vector.load %arg8[%swap3A_333, %swap3A_334] : memref<32x512xf32, #tpu.memory_space<vmem>>, vector<1x512xf32>
    tpu.vector_store %arg8[%swap3A_333, %swap3A_334], %max3A_332 {strides = array<i32>} : memref<32x512xf32, #tpu.memory_space<vmem>>, vector<1x512xf32>,
    %eq3A_336 = arith.constant 14 : i32
    %eq3A_337 = vector.broadcast %eq3A_336 : i32 to vector<1000x1xi32>
    %eq3A_338 = arith.cmpi eq, %get3A_63, %eq3A_337 : vector<1000x1xi32>
    %jit3A_339 = arith.constant 0xFF800000 : f32
    %broadcast_in_dim3A_340 = vector.shape_cast %eq3A_338 : vector<1000x1xi1> to vector<1000x1xi1>
    %broadcast_in_dim3A_341 = vector.broadcast %broadcast_in_dim3A_340 : vector<1000x1xi1> to vector<1000x512xi1>
    %broadcast_in_dim3A_342 = vector.broadcast %jit3A_339 : f32 to vector<1000x512xf32>
    %select_n3A_343 = arith.select %broadcast_in_dim3A_341, %max3A_58, %broadcast_in_dim3A_342 : vector<1000x512xi1>, vector<1000x512xf32>
    %get3A_344 = arith.constant 14 : index
    %get3A_345 = arith.constant 0 : index
    %get3A_346 = vector.load %arg8[%get3A_344, %get3A_345] : memref<32x512xf32, #tpu.memory_space<vmem>>, vector<1x512xf32>
    %reduce_max3A_347 = arith.constant dense<0xFF800000> : vector<512xf32>
    %reduce_max3A_348 = vector.multi_reduction <maximumf>, %select_n3A_343, %reduce_max3A_347 [0] : vector<1000x512xf32> to vector<512xf32>
    %broadcast_in_dim3A_349 = vector.shape_cast %reduce_max3A_348 : vector<512xf32> to vector<1x512xf32>
    %max3A_350 = arith.maximumf %get3A_346, %broadcast_in_dim3A_349 : vector<1x512xf32>
    %swap3A_351 = arith.constant 14 : index
    %swap3A_352 = arith.constant 0 : index
    %swap3A_353 = vector.load %arg8[%swap3A_351, %swap3A_352] : memref<32x512xf32, #tpu.memory_space<vmem>>, vector<1x512xf32>
    tpu.vector_store %arg8[%swap3A_351, %swap3A_352], %max3A_350 {strides = array<i32>} : memref<32x512xf32, #tpu.memory_space<vmem>>, vector<1x512xf32>,
    %eq3A_354 = arith.constant 15 : i32
    %eq3A_355 = vector.broadcast %eq3A_354 : i32 to vector<1000x1xi32>
    %eq3A_356 = arith.cmpi eq, %get3A_63, %eq3A_355 : vector<1000x1xi32>
    %jit3A_357 = arith.constant 0xFF800000 : f32
    %broadcast_in_dim3A_358 = vector.shape_cast %eq3A_356 : vector<1000x1xi1> to vector<1000x1xi1>
    %broadcast_in_dim3A_359 = vector.broadcast %broadcast_in_dim3A_358 : vector<1000x1xi1> to vector<1000x512xi1>
    %broadcast_in_dim3A_360 = vector.broadcast %jit3A_357 : f32 to vector<1000x512xf32>
    %select_n3A_361 = arith.select %broadcast_in_dim3A_359, %max3A_58, %broadcast_in_dim3A_360 : vector<1000x512xi1>, vector<1000x512xf32>
    %get3A_362 = arith.constant 15 : index
    %get3A_363 = arith.constant 0 : index
    %get3A_364 = vector.load %arg8[%get3A_362, %get3A_363] : memref<32x512xf32, #tpu.memory_space<vmem>>, vector<1x512xf32>
    %reduce_max3A_365 = arith.constant dense<0xFF800000> : vector<512xf32>
    %reduce_max3A_366 = vector.multi_reduction <maximumf>, %select_n3A_361, %reduce_max3A_365 [0] : vector<1000x512xf32> to vector<512xf32>
    %broadcast_in_dim3A_367 = vector.shape_cast %reduce_max3A_366 : vector<512xf32> to vector<1x512xf32>
    %max3A_368 = arith.maximumf %get3A_364, %broadcast_in_dim3A_367 : vector<1x512xf32>
    %swap3A_369 = arith.constant 15 : index
    %swap3A_370 = arith.constant 0 : index
    %swap3A_371 = vector.load %arg8[%swap3A_369, %swap3A_370] : memref<32x512xf32, #tpu.memory_space<vmem>>, vector<1x512xf32>
    tpu.vector_store %arg8[%swap3A_369, %swap3A_370], %max3A_368 {strides = array<i32>} : memref<32x512xf32, #tpu.memory_space<vmem>>, vector<1x512xf32>,
    %eq3A_372 = arith.constant 16 : i32
    %eq3A_373 = vector.broadcast %eq3A_372 : i32 to vector<1000x1xi32>
    %eq3A_374 = arith.cmpi eq, %get3A_63, %eq3A_373 : vector<1000x1xi32>
    %jit3A_375 = arith.constant 0xFF800000 : f32
    %broadcast_in_dim3A_376 = vector.shape_cast %eq3A_374 : vector<1000x1xi1> to vector<1000x1xi1>
    %broadcast_in_dim3A_377 = vector.broadcast %broadcast_in_dim3A_376 : vector<1000x1xi1> to vector<1000x512xi1>
    %broadcast_in_dim3A_378 = vector.broadcast %jit3A_375 : f32 to vector<1000x512xf32>
    %select_n3A_379 = arith.select %broadcast_in_dim3A_377, %max3A_58, %broadcast_in_dim3A_378 : vector<1000x512xi1>, vector<1000x512xf32>
    %get3A_380 = arith.constant 16 : index
    %get3A_381 = arith.constant 0 : index
    %get3A_382 = vector.load %arg8[%get3A_380, %get3A_381] : memref<32x512xf32, #tpu.memory_space<vmem>>, vector<1x512xf32>
    %reduce_max3A_383 = arith.constant dense<0xFF800000> : vector<512xf32>
    %reduce_max3A_384 = vector.multi_reduction <maximumf>, %select_n3A_379, %reduce_max3A_383 [0] : vector<1000x512xf32> to vector<512xf32>
    %broadcast_in_dim3A_385 = vector.shape_cast %reduce_max3A_384 : vector<512xf32> to vector<1x512xf32>
    %max3A_386 = arith.maximumf %get3A_382, %broadcast_in_dim3A_385 : vector<1x512xf32>
    %swap3A_387 = arith.constant 16 : index
    %swap3A_388 = arith.constant 0 : index
    %swap3A_389 = vector.load %arg8[%swap3A_387, %swap3A_388] : memref<32x512xf32, #tpu.memory_space<vmem>>, vector<1x512xf32>
    tpu.vector_store %arg8[%swap3A_387, %swap3A_388], %max3A_386 {strides = array<i32>} : memref<32x512xf32, #tpu.memory_space<vmem>>, vector<1x512xf32>,
    %eq3A_390 = arith.constant 17 : i32
    %eq3A_391 = vector.broadcast %eq3A_390 : i32 to vector<1000x1xi32>
    %eq3A_392 = arith.cmpi eq, %get3A_63, %eq3A_391 : vector<1000x1xi32>
    %jit3A_393 = arith.constant 0xFF800000 : f32
    %broadcast_in_dim3A_394 = vector.shape_cast %eq3A_392 : vector<1000x1xi1> to vector<1000x1xi1>
    %broadcast_in_dim3A_395 = vector.broadcast %broadcast_in_dim3A_394 : vector<1000x1xi1> to vector<1000x512xi1>
    %broadcast_in_dim3A_396 = vector.broadcast %jit3A_393 : f32 to vector<1000x512xf32>
    %select_n3A_397 = arith.select %broadcast_in_dim3A_395, %max3A_58, %broadcast_in_dim3A_396 : vector<1000x512xi1>, vector<1000x512xf32>
    %get3A_398 = arith.constant 17 : index
    %get3A_399 = arith.constant 0 : index
    %get3A_400 = vector.load %arg8[%get3A_398, %get3A_399] : memref<32x512xf32, #tpu.memory_space<vmem>>, vector<1x512xf32>
    %reduce_max3A_401 = arith.constant dense<0xFF800000> : vector<512xf32>
    %reduce_max3A_402 = vector.multi_reduction <maximumf>, %select_n3A_397, %reduce_max3A_401 [0] : vector<1000x512xf32> to vector<512xf32>
    %broadcast_in_dim3A_403 = vector.shape_cast %reduce_max3A_402 : vector<512xf32> to vector<1x512xf32>
    %max3A_404 = arith.maximumf %get3A_400, %broadcast_in_dim3A_403 : vector<1x512xf32>
    %swap3A_405 = arith.constant 17 : index
    %swap3A_406 = arith.constant 0 : index
    %swap3A_407 = vector.load %arg8[%swap3A_405, %swap3A_406] : memref<32x512xf32, #tpu.memory_space<vmem>>, vector<1x512xf32>
    tpu.vector_store %arg8[%swap3A_405, %swap3A_406], %max3A_404 {strides = array<i32>} : memref<32x512xf32, #tpu.memory_space<vmem>>, vector<1x512xf32>,
    %eq3A_408 = arith.constant 18 : i32
    %eq3A_409 = vector.broadcast %eq3A_408 : i32 to vector<1000x1xi32>
    %eq3A_410 = arith.cmpi eq, %get3A_63, %eq3A_409 : vector<1000x1xi32>
    %jit3A_411 = arith.constant 0xFF800000 : f32
    %broadcast_in_dim3A_412 = vector.shape_cast %eq3A_410 : vector<1000x1xi1> to vector<1000x1xi1>
    %broadcast_in_dim3A_413 = vector.broadcast %broadcast_in_dim3A_412 : vector<1000x1xi1> to vector<1000x512xi1>
    %broadcast_in_dim3A_414 = vector.broadcast %jit3A_411 : f32 to vector<1000x512xf32>
    %select_n3A_415 = arith.select %broadcast_in_dim3A_413, %max3A_58, %broadcast_in_dim3A_414 : vector<1000x512xi1>, vector<1000x512xf32>
    %get3A_416 = arith.constant 18 : index
    %get3A_417 = arith.constant 0 : index
    %get3A_418 = vector.load %arg8[%get3A_416, %get3A_417] : memref<32x512xf32, #tpu.memory_space<vmem>>, vector<1x512xf32>
    %reduce_max3A_419 = arith.constant dense<0xFF800000> : vector<512xf32>
    %reduce_max3A_420 = vector.multi_reduction <maximumf>, %select_n3A_415, %reduce_max3A_419 [0] : vector<1000x512xf32> to vector<512xf32>
    %broadcast_in_dim3A_421 = vector.shape_cast %reduce_max3A_420 : vector<512xf32> to vector<1x512xf32>
    %max3A_422 = arith.maximumf %get3A_418, %broadcast_in_dim3A_421 : vector<1x512xf32>
    %swap3A_423 = arith.constant 18 : index
    %swap3A_424 = arith.constant 0 : index
    %swap3A_425 = vector.load %arg8[%swap3A_423, %swap3A_424] : memref<32x512xf32, #tpu.memory_space<vmem>>, vector<1x512xf32>
    tpu.vector_store %arg8[%swap3A_423, %swap3A_424], %max3A_422 {strides = array<i32>} : memref<32x512xf32, #tpu.memory_space<vmem>>, vector<1x512xf32>,
    %eq3A_426 = arith.constant 19 : i32
    %eq3A_427 = vector.broadcast %eq3A_426 : i32 to vector<1000x1xi32>
    %eq3A_428 = arith.cmpi eq, %get3A_63, %eq3A_427 : vector<1000x1xi32>
    %jit3A_429 = arith.constant 0xFF800000 : f32
    %broadcast_in_dim3A_430 = vector.shape_cast %eq3A_428 : vector<1000x1xi1> to vector<1000x1xi1>
    %broadcast_in_dim3A_431 = vector.broadcast %broadcast_in_dim3A_430 : vector<1000x1xi1> to vector<1000x512xi1>
    %broadcast_in_dim3A_432 = vector.broadcast %jit3A_429 : f32 to vector<1000x512xf32>
    %select_n3A_433 = arith.select %broadcast_in_dim3A_431, %max3A_58, %broadcast_in_dim3A_432 : vector<1000x512xi1>, vector<1000x512xf32>
    %get3A_434 = arith.constant 19 : index
    %get3A_435 = arith.constant 0 : index
    %get3A_436 = vector.load %arg8[%get3A_434, %get3A_435] : memref<32x512xf32, #tpu.memory_space<vmem>>, vector<1x512xf32>
    %reduce_max3A_437 = arith.constant dense<0xFF800000> : vector<512xf32>
    %reduce_max3A_438 = vector.multi_reduction <maximumf>, %select_n3A_433, %reduce_max3A_437 [0] : vector<1000x512xf32> to vector<512xf32>
    %broadcast_in_dim3A_439 = vector.shape_cast %reduce_max3A_438 : vector<512xf32> to vector<1x512xf32>
    %max3A_440 = arith.maximumf %get3A_436, %broadcast_in_dim3A_439 : vector<1x512xf32>
    %swap3A_441 = arith.constant 19 : index
    %swap3A_442 = arith.constant 0 : index
    %swap3A_443 = vector.load %arg8[%swap3A_441, %swap3A_442] : memref<32x512xf32, #tpu.memory_space<vmem>>, vector<1x512xf32>
    tpu.vector_store %arg8[%swap3A_441, %swap3A_442], %max3A_440 {strides = array<i32>} : memref<32x512xf32, #tpu.memory_space<vmem>>, vector<1x512xf32>,
    %eq3A_444 = arith.constant 20 : i32
    %eq3A_445 = vector.broadcast %eq3A_444 : i32 to vector<1000x1xi32>
    %eq3A_446 = arith.cmpi eq, %get3A_63, %eq3A_445 : vector<1000x1xi32>
    %jit3A_447 = arith.constant 0xFF800000 : f32
    %broadcast_in_dim3A_448 = vector.shape_cast %eq3A_446 : vector<1000x1xi1> to vector<1000x1xi1>
    %broadcast_in_dim3A_449 = vector.broadcast %broadcast_in_dim3A_448 : vector<1000x1xi1> to vector<1000x512xi1>
    %broadcast_in_dim3A_450 = vector.broadcast %jit3A_447 : f32 to vector<1000x512xf32>
    %select_n3A_451 = arith.select %broadcast_in_dim3A_449, %max3A_58, %broadcast_in_dim3A_450 : vector<1000x512xi1>, vector<1000x512xf32>
    %get3A_452 = arith.constant 20 : index
    %get3A_453 = arith.constant 0 : index
    %get3A_454 = vector.load %arg8[%get3A_452, %get3A_453] : memref<32x512xf32, #tpu.memory_space<vmem>>, vector<1x512xf32>
    %reduce_max3A_455 = arith.constant dense<0xFF800000> : vector<512xf32>
    %reduce_max3A_456 = vector.multi_reduction <maximumf>, %select_n3A_451, %reduce_max3A_455 [0] : vector<1000x512xf32> to vector<512xf32>
    %broadcast_in_dim3A_457 = vector.shape_cast %reduce_max3A_456 : vector<512xf32> to vector<1x512xf32>
    %max3A_458 = arith.maximumf %get3A_454, %broadcast_in_dim3A_457 : vector<1x512xf32>
    %swap3A_459 = arith.constant 20 : index
    %swap3A_460 = arith.constant 0 : index
    %swap3A_461 = vector.load %arg8[%swap3A_459, %swap3A_460] : memref<32x512xf32, #tpu.memory_space<vmem>>, vector<1x512xf32>
    tpu.vector_store %arg8[%swap3A_459, %swap3A_460], %max3A_458 {strides = array<i32>} : memref<32x512xf32, #tpu.memory_space<vmem>>, vector<1x512xf32>,
    %eq3A_462 = arith.constant 21 : i32
    %eq3A_463 = vector.broadcast %eq3A_462 : i32 to vector<1000x1xi32>
    %eq3A_464 = arith.cmpi eq, %get3A_63, %eq3A_463 : vector<1000x1xi32>
    %jit3A_465 = arith.constant 0xFF800000 : f32
    %broadcast_in_dim3A_466 = vector.shape_cast %eq3A_464 : vector<1000x1xi1> to vector<1000x1xi1>
    %broadcast_in_dim3A_467 = vector.broadcast %broadcast_in_dim3A_466 : vector<1000x1xi1> to vector<1000x512xi1>
    %broadcast_in_dim3A_468 = vector.broadcast %jit3A_465 : f32 to vector<1000x512xf32>
    %select_n3A_469 = arith.select %broadcast_in_dim3A_467, %max3A_58, %broadcast_in_dim3A_468 : vector<1000x512xi1>, vector<1000x512xf32>
    %get3A_470 = arith.constant 21 : index
    %get3A_471 = arith.constant 0 : index
    %get3A_472 = vector.load %arg8[%get3A_470, %get3A_471] : memref<32x512xf32, #tpu.memory_space<vmem>>, vector<1x512xf32>
    %reduce_max3A_473 = arith.constant dense<0xFF800000> : vector<512xf32>
    %reduce_max3A_474 = vector.multi_reduction <maximumf>, %select_n3A_469, %reduce_max3A_473 [0] : vector<1000x512xf32> to vector<512xf32>
    %broadcast_in_dim3A_475 = vector.shape_cast %reduce_max3A_474 : vector<512xf32> to vector<1x512xf32>
    %max3A_476 = arith.maximumf %get3A_472, %broadcast_in_dim3A_475 : vector<1x512xf32>
    %swap3A_477 = arith.constant 21 : index
    %swap3A_478 = arith.constant 0 : index
    %swap3A_479 = vector.load %arg8[%swap3A_477, %swap3A_478] : memref<32x512xf32, #tpu.memory_space<vmem>>, vector<1x512xf32>
    tpu.vector_store %arg8[%swap3A_477, %swap3A_478], %max3A_476 {strides = array<i32>} : memref<32x512xf32, #tpu.memory_space<vmem>>, vector<1x512xf32>,
    %eq3A_480 = arith.constant 22 : i32
    %eq3A_481 = vector.broadcast %eq3A_480 : i32 to vector<1000x1xi32>
    %eq3A_482 = arith.cmpi eq, %get3A_63, %eq3A_481 : vector<1000x1xi32>
    %jit3A_483 = arith.constant 0xFF800000 : f32
    %broadcast_in_dim3A_484 = vector.shape_cast %eq3A_482 : vector<1000x1xi1> to vector<1000x1xi1>
    %broadcast_in_dim3A_485 = vector.broadcast %broadcast_in_dim3A_484 : vector<1000x1xi1> to vector<1000x512xi1>
    %broadcast_in_dim3A_486 = vector.broadcast %jit3A_483 : f32 to vector<1000x512xf32>
    %select_n3A_487 = arith.select %broadcast_in_dim3A_485, %max3A_58, %broadcast_in_dim3A_486 : vector<1000x512xi1>, vector<1000x512xf32>
    %get3A_488 = arith.constant 22 : index
    %get3A_489 = arith.constant 0 : index
    %get3A_490 = vector.load %arg8[%get3A_488, %get3A_489] : memref<32x512xf32, #tpu.memory_space<vmem>>, vector<1x512xf32>
    %reduce_max3A_491 = arith.constant dense<0xFF800000> : vector<512xf32>
    %reduce_max3A_492 = vector.multi_reduction <maximumf>, %select_n3A_487, %reduce_max3A_491 [0] : vector<1000x512xf32> to vector<512xf32>
    %broadcast_in_dim3A_493 = vector.shape_cast %reduce_max3A_492 : vector<512xf32> to vector<1x512xf32>
    %max3A_494 = arith.maximumf %get3A_490, %broadcast_in_dim3A_493 : vector<1x512xf32>
    %swap3A_495 = arith.constant 22 : index
    %swap3A_496 = arith.constant 0 : index
    %swap3A_497 = vector.load %arg8[%swap3A_495, %swap3A_496] : memref<32x512xf32, #tpu.memory_space<vmem>>, vector<1x512xf32>
    tpu.vector_store %arg8[%swap3A_495, %swap3A_496], %max3A_494 {strides = array<i32>} : memref<32x512xf32, #tpu.memory_space<vmem>>, vector<1x512xf32>,
    %eq3A_498 = arith.constant 23 : i32
    %eq3A_499 = vector.broadcast %eq3A_498 : i32 to vector<1000x1xi32>
    %eq3A_500 = arith.cmpi eq, %get3A_63, %eq3A_499 : vector<1000x1xi32>
    %jit3A_501 = arith.constant 0xFF800000 : f32
    %broadcast_in_dim3A_502 = vector.shape_cast %eq3A_500 : vector<1000x1xi1> to vector<1000x1xi1>
    %broadcast_in_dim3A_503 = vector.broadcast %broadcast_in_dim3A_502 : vector<1000x1xi1> to vector<1000x512xi1>
    %broadcast_in_dim3A_504 = vector.broadcast %jit3A_501 : f32 to vector<1000x512xf32>
    %select_n3A_505 = arith.select %broadcast_in_dim3A_503, %max3A_58, %broadcast_in_dim3A_504 : vector<1000x512xi1>, vector<1000x512xf32>
    %get3A_506 = arith.constant 23 : index
    %get3A_507 = arith.constant 0 : index
    %get3A_508 = vector.load %arg8[%get3A_506, %get3A_507] : memref<32x512xf32, #tpu.memory_space<vmem>>, vector<1x512xf32>
    %reduce_max3A_509 = arith.constant dense<0xFF800000> : vector<512xf32>
    %reduce_max3A_510 = vector.multi_reduction <maximumf>, %select_n3A_505, %reduce_max3A_509 [0] : vector<1000x512xf32> to vector<512xf32>
    %broadcast_in_dim3A_511 = vector.shape_cast %reduce_max3A_510 : vector<512xf32> to vector<1x512xf32>
    %max3A_512 = arith.maximumf %get3A_508, %broadcast_in_dim3A_511 : vector<1x512xf32>
    %swap3A_513 = arith.constant 23 : index
    %swap3A_514 = arith.constant 0 : index
    %swap3A_515 = vector.load %arg8[%swap3A_513, %swap3A_514] : memref<32x512xf32, #tpu.memory_space<vmem>>, vector<1x512xf32>
    tpu.vector_store %arg8[%swap3A_513, %swap3A_514], %max3A_512 {strides = array<i32>} : memref<32x512xf32, #tpu.memory_space<vmem>>, vector<1x512xf32>,
    %eq3A_516 = arith.constant 24 : i32
    %eq3A_517 = vector.broadcast %eq3A_516 : i32 to vector<1000x1xi32>
    %eq3A_518 = arith.cmpi eq, %get3A_63, %eq3A_517 : vector<1000x1xi32>
    %jit3A_519 = arith.constant 0xFF800000 : f32
    %broadcast_in_dim3A_520 = vector.shape_cast %eq3A_518 : vector<1000x1xi1> to vector<1000x1xi1>
    %broadcast_in_dim3A_521 = vector.broadcast %broadcast_in_dim3A_520 : vector<1000x1xi1> to vector<1000x512xi1>
    %broadcast_in_dim3A_522 = vector.broadcast %jit3A_519 : f32 to vector<1000x512xf32>
    %select_n3A_523 = arith.select %broadcast_in_dim3A_521, %max3A_58, %broadcast_in_dim3A_522 : vector<1000x512xi1>, vector<1000x512xf32>
    %get3A_524 = arith.constant 24 : index
    %get3A_525 = arith.constant 0 : index
    %get3A_526 = vector.load %arg8[%get3A_524, %get3A_525] : memref<32x512xf32, #tpu.memory_space<vmem>>, vector<1x512xf32>
    %reduce_max3A_527 = arith.constant dense<0xFF800000> : vector<512xf32>
    %reduce_max3A_528 = vector.multi_reduction <maximumf>, %select_n3A_523, %reduce_max3A_527 [0] : vector<1000x512xf32> to vector<512xf32>
    %broadcast_in_dim3A_529 = vector.shape_cast %reduce_max3A_528 : vector<512xf32> to vector<1x512xf32>
    %max3A_530 = arith.maximumf %get3A_526, %broadcast_in_dim3A_529 : vector<1x512xf32>
    %swap3A_531 = arith.constant 24 : index
    %swap3A_532 = arith.constant 0 : index
    %swap3A_533 = vector.load %arg8[%swap3A_531, %swap3A_532] : memref<32x512xf32, #tpu.memory_space<vmem>>, vector<1x512xf32>
    tpu.vector_store %arg8[%swap3A_531, %swap3A_532], %max3A_530 {strides = array<i32>} : memref<32x512xf32, #tpu.memory_space<vmem>>, vector<1x512xf32>,
    %eq3A_534 = arith.constant 25 : i32
    %eq3A_535 = vector.broadcast %eq3A_534 : i32 to vector<1000x1xi32>
    %eq3A_536 = arith.cmpi eq, %get3A_63, %eq3A_535 : vector<1000x1xi32>
    %jit3A_537 = arith.constant 0xFF800000 : f32
    %broadcast_in_dim3A_538 = vector.shape_cast %eq3A_536 : vector<1000x1xi1> to vector<1000x1xi1>
    %broadcast_in_dim3A_539 = vector.broadcast %broadcast_in_dim3A_538 : vector<1000x1xi1> to vector<1000x512xi1>
    %broadcast_in_dim3A_540 = vector.broadcast %jit3A_537 : f32 to vector<1000x512xf32>
    %select_n3A_541 = arith.select %broadcast_in_dim3A_539, %max3A_58, %broadcast_in_dim3A_540 : vector<1000x512xi1>, vector<1000x512xf32>
    %get3A_542 = arith.constant 25 : index
    %get3A_543 = arith.constant 0 : index
    %get3A_544 = vector.load %arg8[%get3A_542, %get3A_543] : memref<32x512xf32, #tpu.memory_space<vmem>>, vector<1x512xf32>
    %reduce_max3A_545 = arith.constant dense<0xFF800000> : vector<512xf32>
    %reduce_max3A_546 = vector.multi_reduction <maximumf>, %select_n3A_541, %reduce_max3A_545 [0] : vector<1000x512xf32> to vector<512xf32>
    %broadcast_in_dim3A_547 = vector.shape_cast %reduce_max3A_546 : vector<512xf32> to vector<1x512xf32>
    %max3A_548 = arith.maximumf %get3A_544, %broadcast_in_dim3A_547 : vector<1x512xf32>
    %swap3A_549 = arith.constant 25 : index
    %swap3A_550 = arith.constant 0 : index
    %swap3A_551 = vector.load %arg8[%swap3A_549, %swap3A_550] : memref<32x512xf32, #tpu.memory_space<vmem>>, vector<1x512xf32>
    tpu.vector_store %arg8[%swap3A_549, %swap3A_550], %max3A_548 {strides = array<i32>} : memref<32x512xf32, #tpu.memory_space<vmem>>, vector<1x512xf32>,
    %eq3A_552 = arith.constant 26 : i32
    %eq3A_553 = vector.broadcast %eq3A_552 : i32 to vector<1000x1xi32>
    %eq3A_554 = arith.cmpi eq, %get3A_63, %eq3A_553 : vector<1000x1xi32>
    %jit3A_555 = arith.constant 0xFF800000 : f32
    %broadcast_in_dim3A_556 = vector.shape_cast %eq3A_554 : vector<1000x1xi1> to vector<1000x1xi1>
    %broadcast_in_dim3A_557 = vector.broadcast %broadcast_in_dim3A_556 : vector<1000x1xi1> to vector<1000x512xi1>
    %broadcast_in_dim3A_558 = vector.broadcast %jit3A_555 : f32 to vector<1000x512xf32>
    %select_n3A_559 = arith.select %broadcast_in_dim3A_557, %max3A_58, %broadcast_in_dim3A_558 : vector<1000x512xi1>, vector<1000x512xf32>
    %get3A_560 = arith.constant 26 : index
    %get3A_561 = arith.constant 0 : index
    %get3A_562 = vector.load %arg8[%get3A_560, %get3A_561] : memref<32x512xf32, #tpu.memory_space<vmem>>, vector<1x512xf32>
    %reduce_max3A_563 = arith.constant dense<0xFF800000> : vector<512xf32>
    %reduce_max3A_564 = vector.multi_reduction <maximumf>, %select_n3A_559, %reduce_max3A_563 [0] : vector<1000x512xf32> to vector<512xf32>
    %broadcast_in_dim3A_565 = vector.shape_cast %reduce_max3A_564 : vector<512xf32> to vector<1x512xf32>
    %max3A_566 = arith.maximumf %get3A_562, %broadcast_in_dim3A_565 : vector<1x512xf32>
    %swap3A_567 = arith.constant 26 : index
    %swap3A_568 = arith.constant 0 : index
    %swap3A_569 = vector.load %arg8[%swap3A_567, %swap3A_568] : memref<32x512xf32, #tpu.memory_space<vmem>>, vector<1x512xf32>
    tpu.vector_store %arg8[%swap3A_567, %swap3A_568], %max3A_566 {strides = array<i32>} : memref<32x512xf32, #tpu.memory_space<vmem>>, vector<1x512xf32>,
    %eq3A_570 = arith.constant 27 : i32
    %eq3A_571 = vector.broadcast %eq3A_570 : i32 to vector<1000x1xi32>
    %eq3A_572 = arith.cmpi eq, %get3A_63, %eq3A_571 : vector<1000x1xi32>
    %jit3A_573 = arith.constant 0xFF800000 : f32
    %broadcast_in_dim3A_574 = vector.shape_cast %eq3A_572 : vector<1000x1xi1> to vector<1000x1xi1>
    %broadcast_in_dim3A_575 = vector.broadcast %broadcast_in_dim3A_574 : vector<1000x1xi1> to vector<1000x512xi1>
    %broadcast_in_dim3A_576 = vector.broadcast %jit3A_573 : f32 to vector<1000x512xf32>
    %select_n3A_577 = arith.select %broadcast_in_dim3A_575, %max3A_58, %broadcast_in_dim3A_576 : vector<1000x512xi1>, vector<1000x512xf32>
    %get3A_578 = arith.constant 27 : index
    %get3A_579 = arith.constant 0 : index
    %get3A_580 = vector.load %arg8[%get3A_578, %get3A_579] : memref<32x512xf32, #tpu.memory_space<vmem>>, vector<1x512xf32>
    %reduce_max3A_581 = arith.constant dense<0xFF800000> : vector<512xf32>
    %reduce_max3A_582 = vector.multi_reduction <maximumf>, %select_n3A_577, %reduce_max3A_581 [0] : vector<1000x512xf32> to vector<512xf32>
    %broadcast_in_dim3A_583 = vector.shape_cast %reduce_max3A_582 : vector<512xf32> to vector<1x512xf32>
    %max3A_584 = arith.maximumf %get3A_580, %broadcast_in_dim3A_583 : vector<1x512xf32>
    %swap3A_585 = arith.constant 27 : index
    %swap3A_586 = arith.constant 0 : index
    %swap3A_587 = vector.load %arg8[%swap3A_585, %swap3A_586] : memref<32x512xf32, #tpu.memory_space<vmem>>, vector<1x512xf32>
    tpu.vector_store %arg8[%swap3A_585, %swap3A_586], %max3A_584 {strides = array<i32>} : memref<32x512xf32, #tpu.memory_space<vmem>>, vector<1x512xf32>,
    %eq3A_588 = arith.constant 28 : i32
    %eq3A_589 = vector.broadcast %eq3A_588 : i32 to vector<1000x1xi32>
    %eq3A_590 = arith.cmpi eq, %get3A_63, %eq3A_589 : vector<1000x1xi32>
    %jit3A_591 = arith.constant 0xFF800000 : f32
    %broadcast_in_dim3A_592 = vector.shape_cast %eq3A_590 : vector<1000x1xi1> to vector<1000x1xi1>
    %broadcast_in_dim3A_593 = vector.broadcast %broadcast_in_dim3A_592 : vector<1000x1xi1> to vector<1000x512xi1>
    %broadcast_in_dim3A_594 = vector.broadcast %jit3A_591 : f32 to vector<1000x512xf32>
    %select_n3A_595 = arith.select %broadcast_in_dim3A_593, %max3A_58, %broadcast_in_dim3A_594 : vector<1000x512xi1>, vector<1000x512xf32>
    %get3A_596 = arith.constant 28 : index
    %get3A_597 = arith.constant 0 : index
    %get3A_598 = vector.load %arg8[%get3A_596, %get3A_597] : memref<32x512xf32, #tpu.memory_space<vmem>>, vector<1x512xf32>
    %reduce_max3A_599 = arith.constant dense<0xFF800000> : vector<512xf32>
    %reduce_max3A_600 = vector.multi_reduction <maximumf>, %select_n3A_595, %reduce_max3A_599 [0] : vector<1000x512xf32> to vector<512xf32>
    %broadcast_in_dim3A_601 = vector.shape_cast %reduce_max3A_600 : vector<512xf32> to vector<1x512xf32>
    %max3A_602 = arith.maximumf %get3A_598, %broadcast_in_dim3A_601 : vector<1x512xf32>
    %swap3A_603 = arith.constant 28 : index
    %swap3A_604 = arith.constant 0 : index
    %swap3A_605 = vector.load %arg8[%swap3A_603, %swap3A_604] : memref<32x512xf32, #tpu.memory_space<vmem>>, vector<1x512xf32>
    tpu.vector_store %arg8[%swap3A_603, %swap3A_604], %max3A_602 {strides = array<i32>} : memref<32x512xf32, #tpu.memory_space<vmem>>, vector<1x512xf32>,
    %eq3A_606 = arith.constant 29 : i32
    %eq3A_607 = vector.broadcast %eq3A_606 : i32 to vector<1000x1xi32>
    %eq3A_608 = arith.cmpi eq, %get3A_63, %eq3A_607 : vector<1000x1xi32>
    %jit3A_609 = arith.constant 0xFF800000 : f32
    %broadcast_in_dim3A_610 = vector.shape_cast %eq3A_608 : vector<1000x1xi1> to vector<1000x1xi1>
    %broadcast_in_dim3A_611 = vector.broadcast %broadcast_in_dim3A_610 : vector<1000x1xi1> to vector<1000x512xi1>
    %broadcast_in_dim3A_612 = vector.broadcast %jit3A_609 : f32 to vector<1000x512xf32>
    %select_n3A_613 = arith.select %broadcast_in_dim3A_611, %max3A_58, %broadcast_in_dim3A_612 : vector<1000x512xi1>, vector<1000x512xf32>
    %get3A_614 = arith.constant 29 : index
    %get3A_615 = arith.constant 0 : index
    %get3A_616 = vector.load %arg8[%get3A_614, %get3A_615] : memref<32x512xf32, #tpu.memory_space<vmem>>, vector<1x512xf32>
    %reduce_max3A_617 = arith.constant dense<0xFF800000> : vector<512xf32>
    %reduce_max3A_618 = vector.multi_reduction <maximumf>, %select_n3A_613, %reduce_max3A_617 [0] : vector<1000x512xf32> to vector<512xf32>
    %broadcast_in_dim3A_619 = vector.shape_cast %reduce_max3A_618 : vector<512xf32> to vector<1x512xf32>
    %max3A_620 = arith.maximumf %get3A_616, %broadcast_in_dim3A_619 : vector<1x512xf32>
    %swap3A_621 = arith.constant 29 : index
    %swap3A_622 = arith.constant 0 : index
    %swap3A_623 = vector.load %arg8[%swap3A_621, %swap3A_622] : memref<32x512xf32, #tpu.memory_space<vmem>>, vector<1x512xf32>
    tpu.vector_store %arg8[%swap3A_621, %swap3A_622], %max3A_620 {strides = array<i32>} : memref<32x512xf32, #tpu.memory_space<vmem>>, vector<1x512xf32>,
    %eq3A_624 = arith.constant 30 : i32
    %eq3A_625 = vector.broadcast %eq3A_624 : i32 to vector<1000x1xi32>
    %eq3A_626 = arith.cmpi eq, %get3A_63, %eq3A_625 : vector<1000x1xi32>
    %jit3A_627 = arith.constant 0xFF800000 : f32
    %broadcast_in_dim3A_628 = vector.shape_cast %eq3A_626 : vector<1000x1xi1> to vector<1000x1xi1>
    %broadcast_in_dim3A_629 = vector.broadcast %broadcast_in_dim3A_628 : vector<1000x1xi1> to vector<1000x512xi1>
    %broadcast_in_dim3A_630 = vector.broadcast %jit3A_627 : f32 to vector<1000x512xf32>
    %select_n3A_631 = arith.select %broadcast_in_dim3A_629, %max3A_58, %broadcast_in_dim3A_630 : vector<1000x512xi1>, vector<1000x512xf32>
    %get3A_632 = arith.constant 30 : index
    %get3A_633 = arith.constant 0 : index
    %get3A_634 = vector.load %arg8[%get3A_632, %get3A_633] : memref<32x512xf32, #tpu.memory_space<vmem>>, vector<1x512xf32>
    %reduce_max3A_635 = arith.constant dense<0xFF800000> : vector<512xf32>
    %reduce_max3A_636 = vector.multi_reduction <maximumf>, %select_n3A_631, %reduce_max3A_635 [0] : vector<1000x512xf32> to vector<512xf32>
    %broadcast_in_dim3A_637 = vector.shape_cast %reduce_max3A_636 : vector<512xf32> to vector<1x512xf32>
    %max3A_638 = arith.maximumf %get3A_634, %broadcast_in_dim3A_637 : vector<1x512xf32>
    %swap3A_639 = arith.constant 30 : index
    %swap3A_640 = arith.constant 0 : index
    %swap3A_641 = vector.load %arg8[%swap3A_639, %swap3A_640] : memref<32x512xf32, #tpu.memory_space<vmem>>, vector<1x512xf32>
    tpu.vector_store %arg8[%swap3A_639, %swap3A_640], %max3A_638 {strides = array<i32>} : memref<32x512xf32, #tpu.memory_space<vmem>>, vector<1x512xf32>,
    %eq3A_642 = arith.constant 31 : i32
    %eq3A_643 = vector.broadcast %eq3A_642 : i32 to vector<1000x1xi32>
    %eq3A_644 = arith.cmpi eq, %get3A_63, %eq3A_643 : vector<1000x1xi32>
    %jit3A_645 = arith.constant 0xFF800000 : f32
    %broadcast_in_dim3A_646 = vector.shape_cast %eq3A_644 : vector<1000x1xi1> to vector<1000x1xi1>
    %broadcast_in_dim3A_647 = vector.broadcast %broadcast_in_dim3A_646 : vector<1000x1xi1> to vector<1000x512xi1>
    %broadcast_in_dim3A_648 = vector.broadcast %jit3A_645 : f32 to vector<1000x512xf32>
    %select_n3A_649 = arith.select %broadcast_in_dim3A_647, %max3A_58, %broadcast_in_dim3A_648 : vector<1000x512xi1>, vector<1000x512xf32>
    %get3A_650 = arith.constant 31 : index
    %get3A_651 = arith.constant 0 : index
    %get3A_652 = vector.load %arg8[%get3A_650, %get3A_651] : memref<32x512xf32, #tpu.memory_space<vmem>>, vector<1x512xf32>
    %reduce_max3A_653 = arith.constant dense<0xFF800000> : vector<512xf32>
    %reduce_max3A_654 = vector.multi_reduction <maximumf>, %select_n3A_649, %reduce_max3A_653 [0] : vector<1000x512xf32> to vector<512xf32>
    %broadcast_in_dim3A_655 = vector.shape_cast %reduce_max3A_654 : vector<512xf32> to vector<1x512xf32>
    %max3A_656 = arith.maximumf %get3A_652, %broadcast_in_dim3A_655 : vector<1x512xf32>
    %swap3A_657 = arith.constant 31 : index
    %swap3A_658 = arith.constant 0 : index
    %swap3A_659 = vector.load %arg8[%swap3A_657, %swap3A_658] : memref<32x512xf32, #tpu.memory_space<vmem>>, vector<1x512xf32>
    tpu.vector_store %arg8[%swap3A_657, %swap3A_658], %max3A_656 {strides = array<i32>} : memref<32x512xf32, #tpu.memory_space<vmem>>, vector<1x512xf32>,
    %get3A_660 = arith.constant 0 : index
    %get3A_661 = arith.constant 0 : index
    %get3A_662 = vector.load %arg8[%get3A_660, %get3A_661] : memref<32x512xf32, #tpu.memory_space<vmem>>, vector<32x512xf32>
    %swap3A_663 = arith.constant 0 : index
    %swap3A_664 = arith.constant 0 : index
    %swap3A_665 = vector.load %arg5[%swap3A_663, %swap3A_664] : memref<32x512xf32, #tpu.memory_space<vmem>>, vector<32x512xf32>
    tpu.vector_store %arg5[%swap3A_663, %swap3A_664], %get3A_662 {strides = array<i32>} : memref<32x512xf32, #tpu.memory_space<vmem>>, vector<32x512xf32>,
    %get3A_666 = arith.constant 0 : index
    %get3A_667 = arith.constant 0 : index
    %get3A_668 = vector.load %arg9[%get3A_666, %get3A_667] : memref<32x512xf32, #tpu.memory_space<vmem>>, vector<32x512xf32>
    %swap3A_669 = arith.constant 0 : index
    %swap3A_670 = arith.constant 0 : index
    %swap3A_671 = vector.load %arg6[%swap3A_669, %swap3A_670] : memref<32x512xf32, #tpu.memory_space<vmem>>, vector<32x512xf32>
    tpu.vector_store %arg6[%swap3A_669, %swap3A_670], %get3A_668 {strides = array<i32>} : memref<32x512xf32, #tpu.memory_space<vmem>>, vector<32x512xf32>,
    %get3A_672 = arith.constant 0 : index
    %get3A_673 = arith.constant 0 : index
    %get3A_674 = vector.load %arg10[%get3A_672, %get3A_673] : memref<32x128xf32, #tpu.memory_space<vmem>>, vector<32x128xf32>
    %swap3A_675 = arith.constant 0 : index
    %swap3A_676 = arith.constant 0 : index
    %swap3A_677 = vector.load %arg7[%swap3A_675, %swap3A_676] : memref<32x128xf32, #tpu.memory_space<vmem>>, vector<32x128xf32>
    tpu.vector_store %arg7[%swap3A_675, %swap3A_676], %get3A_674 {strides = array<i32>} : memref<32x128xf32, #tpu.memory_space<vmem>>, vector<32x128xf32>,
    return
  }
  func.func @transform_0(%arg0: i32) -> (i32, i32, i32, i32) {
    %c0_i32 = arith.constant 0 : i32
    %c0_i32_0 = arith.constant 0 : i32
    %c0_i32_1 = arith.constant 0 : i32
    %c0_i32_2 = arith.constant 0 : i32
    return %c0_i32, %c0_i32_0, %arg0, %c0_i32_1 : i32, i32, i32, i32
  }
  func.func @transform_1(%arg0: i32) -> (i32, i32) {
    %c0_i32 = arith.constant 0 : i32
    %c0_i32_0 = arith.constant 0 : i32
    %c0_i32_1 = arith.constant 0 : i32
    return %c0_i32, %c0_i32_0 : i32, i32
  }
  func.func @transform_2(%arg0: i32) -> (i32, i32, i32) {
    %c0_i32 = arith.constant 0 : i32
    %c0_i32_0 = arith.constant 0 : i32
    %c0_i32_1 = arith.constant 0 : i32
    return %arg0, %c0_i32, %c0_i32_0 : i32, i32, i32
  }
  func.func @transform_3(%arg0: i32) -> (i32, i32) {
    %c0_i32 = arith.constant 0 : i32
    %c0_i32_0 = arith.constant 0 : i32
    %c0_i32_1 = arith.constant 0 : i32
    return %c0_i32, %c0_i32_0 : i32, i32
  }
  func.func @transform_4(%arg0: i32) -> (i32, i32) {
    %c0_i32 = arith.constant 0 : i32
    %c0_i32_0 = arith.constant 0 : i32
    %c0_i32_1 = arith.constant 0 : i32
    return %c0_i32, %c0_i32_0 : i32, i32
  }
  func.func @transform_5(%arg0: i32) -> (i32, i32) {
    %c0_i32 = arith.constant 0 : i32
    %c0_i32_0 = arith.constant 0 : i32
    %c0_i32_1 = arith.constant 0 : i32
    return %c0_i32, %c0_i32_0 : i32, i32
  }
  func.func @transform_6(%arg0: i32) -> (i32, i32) {
    %c0_i32 = arith.constant 0 : i32
    %c0_i32_0 = arith.constant 0 : i32
    %c0_i32_1 = arith.constant 0 : i32
    return %c0_i32, %c0_i32_0 : i32, i32
  }
}

module attributes {stable_mosaic.version = 14 : i64} {
  func.func @_head_body(%arg0: memref<32x512xf32, #tpu.memory_space<vmem>>, %arg1: memref<32x512xf32, #tpu.memory_space<vmem>>, %arg2: memref<32x128xf32, #tpu.memory_space<vmem>>, %arg3: memref<1024x1024xf32, #tpu.memory_space<vmem>>, %arg4: memref<1x1024xf32, #tpu.memory_space<vmem>>, %arg5: memref<1x1024xf32, #tpu.memory_space<vmem>>, %arg6: memref<1x1024xf32, #tpu.memory_space<vmem>>, %arg7: memref<1x1024xf32, #tpu.memory_space<vmem>>, %arg8: memref<1x1024xf32, #tpu.memory_space<vmem>>, %arg9: memref<1024x1024xf32, #tpu.memory_space<vmem>>, %arg10: memref<1x1024xf32, #tpu.memory_space<vmem>>, %arg11: memref<1x1024xf32, #tpu.memory_space<vmem>>, %arg12: memref<1x1024xf32, #tpu.memory_space<vmem>>, %arg13: memref<1x1024xf32, #tpu.memory_space<vmem>>, %arg14: memref<1x1024xf32, #tpu.memory_space<vmem>>, %arg15: memref<1024x512xf32, #tpu.memory_space<vmem>>, %arg16: memref<1x512xf32, #tpu.memory_space<vmem>>, %arg17: memref<1x512xf32, #tpu.memory_space<vmem>>, %arg18: memref<1x512xf32, #tpu.memory_space<vmem>>, %arg19: memref<1x512xf32, #tpu.memory_space<vmem>>, %arg20: memref<1x512xf32, #tpu.memory_space<vmem>>, %arg21: memref<512x64xf32, #tpu.memory_space<vmem>>, %arg22: memref<1x64xf32, #tpu.memory_space<vmem>>, %arg23: memref<64x64xf32, #tpu.memory_space<vmem>>, %arg24: memref<1x64xf32, #tpu.memory_space<vmem>>, %arg25: memref<64x128xf32, #tpu.memory_space<vmem>>, %arg26: memref<1x128xf32, #tpu.memory_space<vmem>>, %arg27: memref<512x64xf32, #tpu.memory_space<vmem>>, %arg28: memref<1x64xf32, #tpu.memory_space<vmem>>, %arg29: memref<64x128xf32, #tpu.memory_space<vmem>>, %arg30: memref<1x128xf32, #tpu.memory_space<vmem>>, %arg31: memref<32x128xf32, #tpu.memory_space<vmem>>, %arg32: memref<32x128xf32, #tpu.memory_space<vmem>>) attributes {dimension_semantics = [], scalar_prefetch = 0 : i64, scratch_operands = 0 : i64, tpu.core_type = #tpu.core_type<tc>} {
    %get3A = arith.constant 0 : index
    %get3A_0 = arith.constant 0 : index
    %get3A_1 = vector.load %arg2[%get3A, %get3A_0] : memref<32x128xf32, #tpu.memory_space<vmem>>, vector<32x1xf32>
    %max3A = arith.constant 1.000000e+00 : f32
    %max3A_2 = vector.broadcast %max3A : f32 to vector<32x1xf32>
    %max3A_3 = arith.maximumf %get3A_1, %max3A_2 : vector<32x1xf32>
    %get3A_4 = arith.constant 0 : index
    %get3A_5 = arith.constant 0 : index
    %get3A_6 = vector.load %arg0[%get3A_4, %get3A_5] : memref<32x512xf32, #tpu.memory_space<vmem>>, vector<32x512xf32>
    %get3A_7 = arith.constant 0 : index
    %get3A_8 = arith.constant 0 : index
    %get3A_9 = vector.load %arg1[%get3A_7, %get3A_8] : memref<32x512xf32, #tpu.memory_space<vmem>>, vector<32x512xf32>
    %div3A = vector.broadcast %max3A_3 : vector<32x1xf32> to vector<32x512xf32>
    %div3A_10 = arith.divf %get3A_9, %div3A : vector<32x512xf32>
    %concatenate3A = tpu.concatenate %get3A_6, %div3A_10 in 1 : vector<32x512xf32>, vector<32x512xf32> -> vector<32x1024xf32>
    %get3A_11 = arith.constant 0 : index
    %get3A_12 = arith.constant 0 : index
    %get3A_13 = vector.load %arg3[%get3A_11, %get3A_12] : memref<1024x1024xf32, #tpu.memory_space<vmem>>, vector<1024x1024xf32>
    %dot_general3A = arith.constant dense<0.000000e+00> : vector<32x1024xf32>
    %dot_general3A_14 = tpu.matmul %concatenate3A, %get3A_13, %dot_general3A {dimension_numbers = #tpu.dot_dimension_numbers<[1], [0], [0], [1], [0, 0, 1, 1], [], []>, transpose_lhs_hint = false} : vector<32x1024xf32>, vector<1024x1024xf32>, vector<32x1024xf32> -> vector<32x1024xf32>
    %get3A_15 = arith.constant 0 : index
    %get3A_16 = arith.constant 0 : index
    %get3A_17 = vector.load %arg4[%get3A_15, %get3A_16] : memref<1x1024xf32, #tpu.memory_space<vmem>>, vector<1x1024xf32>
    %add3A = vector.broadcast %get3A_17 : vector<1x1024xf32> to vector<32x1024xf32>
    %add3A_18 = arith.addf %dot_general3A_14, %add3A : vector<32x1024xf32>
    %ge3A = arith.constant 0.000000e+00 : f32
    %ge3A_19 = vector.broadcast %ge3A : f32 to vector<32x1024xf32>
    %ge3A_20 = arith.cmpf oge, %add3A_18, %ge3A_19 : vector<32x1024xf32>
    %mul3A = arith.constant 1.500000e-01 : f32
    %mul3A_21 = vector.broadcast %mul3A : f32 to vector<32x1024xf32>
    %mul3A_22 = arith.mulf %mul3A_21, %add3A_18 : vector<32x1024xf32>
    %select_n3A = arith.select %ge3A_20, %add3A_18, %mul3A_22 : vector<32x1024xi1>, vector<32x1024xf32>
    %get3A_23 = arith.constant 0 : index
    %get3A_24 = arith.constant 0 : index
    %get3A_25 = vector.load %arg7[%get3A_23, %get3A_24] : memref<1x1024xf32, #tpu.memory_space<vmem>>, vector<1x1024xf32>
    %sub3A = vector.broadcast %get3A_25 : vector<1x1024xf32> to vector<32x1024xf32>
    %sub3A_26 = arith.subf %select_n3A, %sub3A : vector<32x1024xf32>
    %get3A_27 = arith.constant 0 : index
    %get3A_28 = arith.constant 0 : index
    %get3A_29 = vector.load %arg8[%get3A_27, %get3A_28] : memref<1x1024xf32, #tpu.memory_space<vmem>>, vector<1x1024xf32>
    %add3A_30 = arith.constant 1.000000e-03 : f32
    %add3A_31 = vector.broadcast %add3A_30 : f32 to vector<1x1024xf32>
    %add3A_32 = arith.addf %get3A_29, %add3A_31 : vector<1x1024xf32>
    %rsqrt3A = math.rsqrt %add3A_32 : vector<1x1024xf32>
    %mul3A_33 = vector.broadcast %rsqrt3A : vector<1x1024xf32> to vector<32x1024xf32>
    %mul3A_34 = arith.mulf %sub3A_26, %mul3A_33 : vector<32x1024xf32>
    %get3A_35 = arith.constant 0 : index
    %get3A_36 = arith.constant 0 : index
    %get3A_37 = vector.load %arg5[%get3A_35, %get3A_36] : memref<1x1024xf32, #tpu.memory_space<vmem>>, vector<1x1024xf32>
    %mul3A_38 = vector.broadcast %get3A_37 : vector<1x1024xf32> to vector<32x1024xf32>
    %mul3A_39 = arith.mulf %mul3A_34, %mul3A_38 : vector<32x1024xf32>
    %get3A_40 = arith.constant 0 : index
    %get3A_41 = arith.constant 0 : index
    %get3A_42 = vector.load %arg6[%get3A_40, %get3A_41] : memref<1x1024xf32, #tpu.memory_space<vmem>>, vector<1x1024xf32>
    %add3A_43 = vector.broadcast %get3A_42 : vector<1x1024xf32> to vector<32x1024xf32>
    %add3A_44 = arith.addf %mul3A_39, %add3A_43 : vector<32x1024xf32>
    %get3A_45 = arith.constant 0 : index
    %get3A_46 = arith.constant 0 : index
    %get3A_47 = vector.load %arg9[%get3A_45, %get3A_46] : memref<1024x1024xf32, #tpu.memory_space<vmem>>, vector<1024x1024xf32>
    %dot_general3A_48 = arith.constant dense<0.000000e+00> : vector<32x1024xf32>
    %dot_general3A_49 = tpu.matmul %add3A_44, %get3A_47, %dot_general3A_48 {dimension_numbers = #tpu.dot_dimension_numbers<[1], [0], [0], [1], [0, 0, 1, 1], [], []>, transpose_lhs_hint = false} : vector<32x1024xf32>, vector<1024x1024xf32>, vector<32x1024xf32> -> vector<32x1024xf32>
    %get3A_50 = arith.constant 0 : index
    %get3A_51 = arith.constant 0 : index
    %get3A_52 = vector.load %arg10[%get3A_50, %get3A_51] : memref<1x1024xf32, #tpu.memory_space<vmem>>, vector<1x1024xf32>
    %add3A_53 = vector.broadcast %get3A_52 : vector<1x1024xf32> to vector<32x1024xf32>
    %add3A_54 = arith.addf %dot_general3A_49, %add3A_53 : vector<32x1024xf32>
    %ge3A_55 = arith.constant 0.000000e+00 : f32
    %ge3A_56 = vector.broadcast %ge3A_55 : f32 to vector<32x1024xf32>
    %ge3A_57 = arith.cmpf oge, %add3A_54, %ge3A_56 : vector<32x1024xf32>
    %mul3A_58 = arith.constant 1.500000e-01 : f32
    %mul3A_59 = vector.broadcast %mul3A_58 : f32 to vector<32x1024xf32>
    %mul3A_60 = arith.mulf %mul3A_59, %add3A_54 : vector<32x1024xf32>
    %select_n3A_61 = arith.select %ge3A_57, %add3A_54, %mul3A_60 : vector<32x1024xi1>, vector<32x1024xf32>
    %get3A_62 = arith.constant 0 : index
    %get3A_63 = arith.constant 0 : index
    %get3A_64 = vector.load %arg13[%get3A_62, %get3A_63] : memref<1x1024xf32, #tpu.memory_space<vmem>>, vector<1x1024xf32>
    %sub3A_65 = vector.broadcast %get3A_64 : vector<1x1024xf32> to vector<32x1024xf32>
    %sub3A_66 = arith.subf %select_n3A_61, %sub3A_65 : vector<32x1024xf32>
    %get3A_67 = arith.constant 0 : index
    %get3A_68 = arith.constant 0 : index
    %get3A_69 = vector.load %arg14[%get3A_67, %get3A_68] : memref<1x1024xf32, #tpu.memory_space<vmem>>, vector<1x1024xf32>
    %add3A_70 = arith.constant 1.000000e-03 : f32
    %add3A_71 = vector.broadcast %add3A_70 : f32 to vector<1x1024xf32>
    %add3A_72 = arith.addf %get3A_69, %add3A_71 : vector<1x1024xf32>
    %rsqrt3A_73 = math.rsqrt %add3A_72 : vector<1x1024xf32>
    %mul3A_74 = vector.broadcast %rsqrt3A_73 : vector<1x1024xf32> to vector<32x1024xf32>
    %mul3A_75 = arith.mulf %sub3A_66, %mul3A_74 : vector<32x1024xf32>
    %get3A_76 = arith.constant 0 : index
    %get3A_77 = arith.constant 0 : index
    %get3A_78 = vector.load %arg11[%get3A_76, %get3A_77] : memref<1x1024xf32, #tpu.memory_space<vmem>>, vector<1x1024xf32>
    %mul3A_79 = vector.broadcast %get3A_78 : vector<1x1024xf32> to vector<32x1024xf32>
    %mul3A_80 = arith.mulf %mul3A_75, %mul3A_79 : vector<32x1024xf32>
    %get3A_81 = arith.constant 0 : index
    %get3A_82 = arith.constant 0 : index
    %get3A_83 = vector.load %arg12[%get3A_81, %get3A_82] : memref<1x1024xf32, #tpu.memory_space<vmem>>, vector<1x1024xf32>
    %add3A_84 = vector.broadcast %get3A_83 : vector<1x1024xf32> to vector<32x1024xf32>
    %add3A_85 = arith.addf %mul3A_80, %add3A_84 : vector<32x1024xf32>
    %get3A_86 = arith.constant 0 : index
    %get3A_87 = arith.constant 0 : index
    %get3A_88 = vector.load %arg15[%get3A_86, %get3A_87] : memref<1024x512xf32, #tpu.memory_space<vmem>>, vector<1024x512xf32>
    %dot_general3A_89 = arith.constant dense<0.000000e+00> : vector<32x512xf32>
    %dot_general3A_90 = tpu.matmul %add3A_85, %get3A_88, %dot_general3A_89 {dimension_numbers = #tpu.dot_dimension_numbers<[1], [0], [0], [1], [0, 0, 1, 1], [], []>, transpose_lhs_hint = false} : vector<32x1024xf32>, vector<1024x512xf32>, vector<32x512xf32> -> vector<32x512xf32>
    %get3A_91 = arith.constant 0 : index
    %get3A_92 = arith.constant 0 : index
    %get3A_93 = vector.load %arg16[%get3A_91, %get3A_92] : memref<1x512xf32, #tpu.memory_space<vmem>>, vector<1x512xf32>
    %add3A_94 = vector.broadcast %get3A_93 : vector<1x512xf32> to vector<32x512xf32>
    %add3A_95 = arith.addf %dot_general3A_90, %add3A_94 : vector<32x512xf32>
    %ge3A_96 = arith.constant 0.000000e+00 : f32
    %ge3A_97 = vector.broadcast %ge3A_96 : f32 to vector<32x512xf32>
    %ge3A_98 = arith.cmpf oge, %add3A_95, %ge3A_97 : vector<32x512xf32>
    %mul3A_99 = arith.constant 1.500000e-01 : f32
    %mul3A_100 = vector.broadcast %mul3A_99 : f32 to vector<32x512xf32>
    %mul3A_101 = arith.mulf %mul3A_100, %add3A_95 : vector<32x512xf32>
    %select_n3A_102 = arith.select %ge3A_98, %add3A_95, %mul3A_101 : vector<32x512xi1>, vector<32x512xf32>
    %get3A_103 = arith.constant 0 : index
    %get3A_104 = arith.constant 0 : index
    %get3A_105 = vector.load %arg19[%get3A_103, %get3A_104] : memref<1x512xf32, #tpu.memory_space<vmem>>, vector<1x512xf32>
    %sub3A_106 = vector.broadcast %get3A_105 : vector<1x512xf32> to vector<32x512xf32>
    %sub3A_107 = arith.subf %select_n3A_102, %sub3A_106 : vector<32x512xf32>
    %get3A_108 = arith.constant 0 : index
    %get3A_109 = arith.constant 0 : index
    %get3A_110 = vector.load %arg20[%get3A_108, %get3A_109] : memref<1x512xf32, #tpu.memory_space<vmem>>, vector<1x512xf32>
    %add3A_111 = arith.constant 1.000000e-03 : f32
    %add3A_112 = vector.broadcast %add3A_111 : f32 to vector<1x512xf32>
    %add3A_113 = arith.addf %get3A_110, %add3A_112 : vector<1x512xf32>
    %rsqrt3A_114 = math.rsqrt %add3A_113 : vector<1x512xf32>
    %mul3A_115 = vector.broadcast %rsqrt3A_114 : vector<1x512xf32> to vector<32x512xf32>
    %mul3A_116 = arith.mulf %sub3A_107, %mul3A_115 : vector<32x512xf32>
    %get3A_117 = arith.constant 0 : index
    %get3A_118 = arith.constant 0 : index
    %get3A_119 = vector.load %arg17[%get3A_117, %get3A_118] : memref<1x512xf32, #tpu.memory_space<vmem>>, vector<1x512xf32>
    %mul3A_120 = vector.broadcast %get3A_119 : vector<1x512xf32> to vector<32x512xf32>
    %mul3A_121 = arith.mulf %mul3A_116, %mul3A_120 : vector<32x512xf32>
    %get3A_122 = arith.constant 0 : index
    %get3A_123 = arith.constant 0 : index
    %get3A_124 = vector.load %arg18[%get3A_122, %get3A_123] : memref<1x512xf32, #tpu.memory_space<vmem>>, vector<1x512xf32>
    %add3A_125 = vector.broadcast %get3A_124 : vector<1x512xf32> to vector<32x512xf32>
    %add3A_126 = arith.addf %mul3A_121, %add3A_125 : vector<32x512xf32>
    %get3A_127 = arith.constant 0 : index
    %get3A_128 = arith.constant 0 : index
    %get3A_129 = vector.load %arg21[%get3A_127, %get3A_128] : memref<512x64xf32, #tpu.memory_space<vmem>>, vector<512x64xf32>
    %dot_general3A_130 = arith.constant dense<0.000000e+00> : vector<32x64xf32>
    %dot_general3A_131 = tpu.matmul %add3A_126, %get3A_129, %dot_general3A_130 {dimension_numbers = #tpu.dot_dimension_numbers<[1], [0], [0], [1], [0, 0, 1, 1], [], []>, transpose_lhs_hint = false} : vector<32x512xf32>, vector<512x64xf32>, vector<32x64xf32> -> vector<32x64xf32>
    %get3A_132 = arith.constant 0 : index
    %get3A_133 = arith.constant 0 : index
    %get3A_134 = vector.load %arg22[%get3A_132, %get3A_133] : memref<1x64xf32, #tpu.memory_space<vmem>>, vector<1x64xf32>
    %add3A_135 = vector.broadcast %get3A_134 : vector<1x64xf32> to vector<32x64xf32>
    %add3A_136 = arith.addf %dot_general3A_131, %add3A_135 : vector<32x64xf32>
    %get3A_137 = arith.constant 0 : index
    %get3A_138 = arith.constant 0 : index
    %get3A_139 = vector.load %arg23[%get3A_137, %get3A_138] : memref<64x64xf32, #tpu.memory_space<vmem>>, vector<64x64xf32>
    %dot_general3A_140 = arith.constant dense<0.000000e+00> : vector<32x64xf32>
    %dot_general3A_141 = tpu.matmul %add3A_136, %get3A_139, %dot_general3A_140 {dimension_numbers = #tpu.dot_dimension_numbers<[1], [0], [0], [1], [0, 0, 1, 1], [], []>, transpose_lhs_hint = false} : vector<32x64xf32>, vector<64x64xf32>, vector<32x64xf32> -> vector<32x64xf32>
    %get3A_142 = arith.constant 0 : index
    %get3A_143 = arith.constant 0 : index
    %get3A_144 = vector.load %arg24[%get3A_142, %get3A_143] : memref<1x64xf32, #tpu.memory_space<vmem>>, vector<1x64xf32>
    %add3A_145 = vector.broadcast %get3A_144 : vector<1x64xf32> to vector<32x64xf32>
    %add3A_146 = arith.addf %dot_general3A_141, %add3A_145 : vector<32x64xf32>
    %get3A_147 = arith.constant 0 : index
    %get3A_148 = arith.constant 0 : index
    %get3A_149 = vector.load %arg25[%get3A_147, %get3A_148] : memref<64x128xf32, #tpu.memory_space<vmem>>, vector<64x128xf32>
    %dot_general3A_150 = arith.constant dense<0.000000e+00> : vector<32x128xf32>
    %dot_general3A_151 = tpu.matmul %add3A_146, %get3A_149, %dot_general3A_150 {dimension_numbers = #tpu.dot_dimension_numbers<[1], [0], [0], [1], [0, 0, 1, 1], [], []>, transpose_lhs_hint = false} : vector<32x64xf32>, vector<64x128xf32>, vector<32x128xf32> -> vector<32x128xf32>
    %get3A_152 = arith.constant 0 : index
    %get3A_153 = arith.constant 0 : index
    %get3A_154 = vector.load %arg26[%get3A_152, %get3A_153] : memref<1x128xf32, #tpu.memory_space<vmem>>, vector<1x128xf32>
    %add3A_155 = vector.broadcast %get3A_154 : vector<1x128xf32> to vector<32x128xf32>
    %add3A_156 = arith.addf %dot_general3A_151, %add3A_155 : vector<32x128xf32>
    %mul3A_157 = arith.mulf %add3A_156, %add3A_156 : vector<32x128xf32>
    %reduce_sum3A = arith.constant dense<0.000000e+00> : vector<32xf32>
    %reduce_sum3A_158 = vector.multi_reduction <add>, %mul3A_157, %reduce_sum3A [1] : vector<32x128xf32> to vector<32xf32>
    %broadcast_in_dim3A = vector.shape_cast %reduce_sum3A_158 : vector<32xf32> to vector<32x1xf32>
    %sqrt3A = math.sqrt %broadcast_in_dim3A : vector<32x1xf32>
    %gt3A = arith.constant 0.000000e+00 : f32
    %gt3A_159 = vector.broadcast %gt3A : f32 to vector<32x1xf32>
    %gt3A_160 = arith.cmpf ogt, %broadcast_in_dim3A, %gt3A_159 : vector<32x1xf32>
    %gt3A_161 = arith.constant 0.000000e+00 : f32
    %gt3A_162 = vector.broadcast %gt3A_161 : f32 to vector<32x1xf32>
    %gt3A_163 = arith.cmpf ogt, %broadcast_in_dim3A, %gt3A_162 : vector<32x1xf32>
    %jit3A = arith.constant 1.000000e+00 : f32
    %broadcast_in_dim3A_164 = vector.broadcast %jit3A : f32 to vector<32x1xf32>
    %select_n3A_165 = arith.select %gt3A_163, %sqrt3A, %broadcast_in_dim3A_164 : vector<32x1xi1>, vector<32x1xf32>
    %div3A_166 = arith.constant 1.000000e+00 : f32
    %div3A_167 = vector.broadcast %div3A_166 : f32 to vector<32x1xf32>
    %div3A_168 = arith.divf %div3A_167, %select_n3A_165 : vector<32x1xf32>
    %jit3A_169 = arith.constant 0.000000e+00 : f32
    %broadcast_in_dim3A_170 = vector.broadcast %jit3A_169 : f32 to vector<32x1xf32>
    %select_n3A_171 = arith.select %gt3A_160, %div3A_168, %broadcast_in_dim3A_170 : vector<32x1xi1>, vector<32x1xf32>
    %mul3A_172 = vector.broadcast %select_n3A_171 : vector<32x1xf32> to vector<32x128xf32>
    %mul3A_173 = arith.mulf %add3A_156, %mul3A_172 : vector<32x128xf32>
    %swap3A = arith.constant 0 : index
    %swap3A_174 = arith.constant 0 : index
    %swap3A_175 = vector.load %arg31[%swap3A, %swap3A_174] : memref<32x128xf32, #tpu.memory_space<vmem>>, vector<32x128xf32>
    tpu.vector_store %arg31[%swap3A, %swap3A_174], %mul3A_173 {strides = array<i32>} : memref<32x128xf32, #tpu.memory_space<vmem>>, vector<32x128xf32>,
    %get3A_176 = arith.constant 0 : index
    %get3A_177 = arith.constant 0 : index
    %get3A_178 = vector.load %arg27[%get3A_176, %get3A_177] : memref<512x64xf32, #tpu.memory_space<vmem>>, vector<512x64xf32>
    %dot_general3A_179 = arith.constant dense<0.000000e+00> : vector<32x64xf32>
    %dot_general3A_180 = tpu.matmul %add3A_126, %get3A_178, %dot_general3A_179 {dimension_numbers = #tpu.dot_dimension_numbers<[1], [0], [0], [1], [0, 0, 1, 1], [], []>, transpose_lhs_hint = false} : vector<32x512xf32>, vector<512x64xf32>, vector<32x64xf32> -> vector<32x64xf32>
    %get3A_181 = arith.constant 0 : index
    %get3A_182 = arith.constant 0 : index
    %get3A_183 = vector.load %arg28[%get3A_181, %get3A_182] : memref<1x64xf32, #tpu.memory_space<vmem>>, vector<1x64xf32>
    %add3A_184 = vector.broadcast %get3A_183 : vector<1x64xf32> to vector<32x64xf32>
    %add3A_185 = arith.addf %dot_general3A_180, %add3A_184 : vector<32x64xf32>
    %get3A_186 = arith.constant 0 : index
    %get3A_187 = arith.constant 0 : index
    %get3A_188 = vector.load %arg29[%get3A_186, %get3A_187] : memref<64x128xf32, #tpu.memory_space<vmem>>, vector<64x128xf32>
    %dot_general3A_189 = arith.constant dense<0.000000e+00> : vector<32x128xf32>
    %dot_general3A_190 = tpu.matmul %add3A_185, %get3A_188, %dot_general3A_189 {dimension_numbers = #tpu.dot_dimension_numbers<[1], [0], [0], [1], [0, 0, 1, 1], [], []>, transpose_lhs_hint = false} : vector<32x64xf32>, vector<64x128xf32>, vector<32x128xf32> -> vector<32x128xf32>
    %get3A_191 = arith.constant 0 : index
    %get3A_192 = arith.constant 0 : index
    %get3A_193 = vector.load %arg30[%get3A_191, %get3A_192] : memref<1x128xf32, #tpu.memory_space<vmem>>, vector<1x128xf32>
    %add3A_194 = vector.broadcast %get3A_193 : vector<1x128xf32> to vector<32x128xf32>
    %add3A_195 = arith.addf %dot_general3A_190, %add3A_194 : vector<32x128xf32>
    %abs3A = math.absf %add3A_195 : vector<32x128xf32>
    %add3A_196 = arith.constant 9.99999974E-6 : f32
    %add3A_197 = vector.broadcast %add3A_196 : f32 to vector<32x128xf32>
    %add3A_198 = arith.addf %abs3A, %add3A_197 : vector<32x128xf32>
    %swap3A_199 = arith.constant 0 : index
    %swap3A_200 = arith.constant 0 : index
    %swap3A_201 = vector.load %arg32[%swap3A_199, %swap3A_200] : memref<32x128xf32, #tpu.memory_space<vmem>>, vector<32x128xf32>
    tpu.vector_store %arg32[%swap3A_199, %swap3A_200], %add3A_198 {strides = array<i32>} : memref<32x128xf32, #tpu.memory_space<vmem>>, vector<32x128xf32>,
    return
  }
}

</mosaic_0001>

<sc_bundles>
// kernel: kernel.15.cloned.1.call-start
scs
__scs_entry_jumppad:
0x0: {  	(pc) =	sbr.rel $0x88, $3  }
0x1: {  	(tag) =	ssettag $0x0;
	lr =	simm.s32 $0x1  }
0x2: {  	[smem:$0x3F72] =	sst lr;
	_ =	strace $0xD0000000  }
0x3: {  	_ = 	snop  }
0x4: {  	_ = 	snop  }
0x5: {  	_ = 	snop  }
0x6: {  	_ = 	snop  }
0x7: {  	_ = 	snop  }
__scs_overlays_trampoline_lowered:
0x8: {  	[smem:$0x3F81] =	sst s0  }
0x9: {  	[smem:$0x3F82] =	sst s1  }
0xa: {  	[smem:$0x3F83] =	sst s2  }
0xb: {  	[smem:$0x3F84] =	sst s3  }
0xc: {  	[smem:$0x3F85] =	sst s4  }
0xd: {  	[smem:$0x3F86] =	sst s5  }
0xe: {  	[smem:$0x3F87] =	sst s6  }
0xf: {  	[smem:$0x3F88] =	sst s7  }
0x10: {  	[smem:$0x3F89] =	sst s8  }
0x11: {  	[smem:$0x3F8A] =	sst s9;
	s0 =	simm.s32 @!p0 $0x0  }
0x12: {  	s1 =	sld [smem:$0x3F70];
	s0 =	simm.s32 @p0 $0x1  }
0x13: {  	[smem:$0x3F8B] =	sst s0;
	s0 =	simm.s32 @!p1 $0x0  }
0x14: {  	s2 =	sld [smem:$0x3F6F];
	s0 =	simm.s32 @p1 $0x1  }
0x15: {  	[smem:$0x3F8C] =	sst s0;
	s0 =	simm.s32 @!p2 $0x0  }
0x16: {  	s3 =	sld [smem:$0x3FDB];
	s0 =	simm.s32 @p2 $0x1  }
0x17: {  	s4 =	simm.s32 $0x1BF5;
	[smem:$0x3F8E] =	sst s0  }
0x18: {  	s0 =	sld [smem:$0x3F71];
	_ =	swait.ge [sflag:s4], $0x0  }
0x19: {  	s7 =	sld [smem:$0x3F72]  }
0x1a: {  	s8 =	sadd.s32 $0xFFFFE003, lr  }
0x1b: {  	s9 =	sadd.s32 $0xFFFFFEF7, lr;
	s5 =	simm.s32 $0xFFFFFFFF;
	p2 =	slt.u32 s8, $0xFFFFF086  }
0x1c: {  	p1 =	slt.u32 s9, $0xF7A;
	s5 =	simm.s32 @!p2 $0x0  }
0x1d: {  	s5 =	simm.s32 @p1 $0x1;
	p0 =	seq.s32 s7, s2  }
0x1e: {  	s7 =	smul.u32 @!p0 $0xF7A, s2;
	p2 =	seq.s32 @!p0 s5, $0x0  }
0x1f: {  	s9 =	smul.u32 $0xF7A, s1;
	s8 =	simm.s32 @!p0 $0x1BF5;
	p2 =	por !p2, p0  }
0x20: {  	[sflag:s8] =	ssyncset.s32 @!p0 $0xFFFFF086;
	s6 =	sadd.s32 @!p0 s3, s7;
	s7 =	simm.s32 @!p0 $0x108  }
0x21: {  	s3 =	sadd.s32 s3, s9;
	s6 =	sadd.s32 @!p0 $0x88, s6;
	s7 =	simm.s32 @p2 $0x1082  }
0x22: {  	[simem:s7], [sflag:s8] =	dma.local @!p0 [hbm:s6], $0xF7A  }
0x23: {  	s9 =	sor.u32 $0xD0000000, s2;
	s6 =	simm.s32 $0x108;
	_ =	swait.ge @!p0 [sflag:s8], $0x0  }
0x24: {  	s3 =	sadd.s32 $0x88, s3;
	s6 =	simm.s32 @!p1 $0x1082;
	[sflag:s4] =	ssyncset.s32 $0xFFFFF086  }
0x25: {  	[simem:s6], [sflag:s4] =	dma.local [hbm:s3], $0xF7A  }
0x26: {  	[smem:$0x3F72] =	sst s1;
	(tag) =	ssettag s2;
	_ =	strace s9  }
0x27: {  	s1 =	sld [smem:$0x3F82]  }
0x28: {  	s2 =	sld [smem:$0x3F83]  }
0x29: {  	s4 =	sld [smem:$0x3F85]  }
0x2a: {  	p0 =	seq.s32 s5, $0x0;
	s5 =	sld [smem:$0x3F86]  }
0x2b: {  	s6 =	sld [smem:$0x3F87]  }
0x2c: {  	s7 =	sld [smem:$0x3F88]  }
0x2d: {  	s3 =	simm.s32 $0x108;
	s8 =	sld [smem:$0x3F89]  }
0x2e: {  	s3 =	simm.s32 @!p0 $0x1082;
	s9 =	sld [smem:$0x3F8A]  }
0x2f: {  	lr =	sadd.s32 s0, s3;
	s0 =	sld [smem:$0x3F81]  }
0x30: {  	s3 =	sld [smem:$0x3F84]  }
0x31: {  	[smem:$0x3F8D] =	sst s10  }
0x32: {  	s10 =	sld [smem:$0x3F8B];
	_ =	sdelay $0x3  }
0x33: {  	p0 =	seq.s32 s10, $0x1;
	s10 =	sld [smem:$0x3F8D];
	_ =	sdelay $0x3  }
0x34: {  	[smem:$0x3F8D] =	sst s10  }
0x35: {  	s10 =	sld [smem:$0x3F8C];
	_ =	sdelay $0x3  }
0x36: {  	p1 =	seq.s32 s10, $0x1;
	s10 =	sld [smem:$0x3F8D];
	_ =	sdelay $0x3  }
0x37: {  	[smem:$0x3F8D] =	sst s10  }
0x38: {  	s10 =	sld [smem:$0x3F8E]  }
0x39: {  	_ = 	snop;
	(pc) =	sbr.ind lr, $3  }
0x3a: {  	_ = 	snop  }
0x3b: {  	_ = 	snop  }
0x3c: {  	p2 =	seq.s32 s10, $0x1;
	s10 =	sld [smem:$0x3F8D]  }
0x3d: {  	_ =	shalt  }
0x3e: {  	_ =	shalt  }
0x3f: {  	_ =	shalt  }
0x40: {  	_ =	shalt  }
0x41: {  	_ =	shalt  }
0x42: {  	_ =	shalt  }
0x43: {  	_ =	shalt  }
0x44: {  	_ =	shalt  }
0x45: {  	_ =	shalt  }
0x46: {  	_ =	shalt  }
0x47: {  	_ =	shalt  }
0x48: {  	_ =	shalt  }
0x49: {  	_ =	shalt  }
0x4a: {  	_ =	shalt  }
0x4b: {  	_ =	shalt  }
0x4c: {  	_ =	shalt  }
0x4d: {  	_ =	shalt  }
0x4e: {  	_ =	shalt  }
0x4f: {  	_ =	shalt  }
0x50: {  	_ =	shalt  }
0x51: {  	_ =	shalt  }
0x52: {  	_ =	shalt  }
0x53: {  	_ =	shalt  }
0x54: {  	_ =	shalt  }
0x55: {  	_ =	shalt  }
0x56: {  	_ =	shalt  }
0x57: {  	_ =	shalt  }
0x58: {  	_ =	shalt  }
0x59: {  	_ =	shalt  }
0x5a: {  	_ =	shalt  }
0x5b: {  	_ =	shalt  }
0x5c: {  	_ =	shalt  }
0x5d: {  	_ =	shalt  }
0x5e: {  	_ =	shalt  }
0x5f: {  	_ =	shalt  }
0x60: {  	_ =	shalt  }
0x61: {  	_ =	shalt  }
0x62: {  	_ =	shalt  }
0x63: {  	_ =	shalt  }
0x64: {  	_ =	shalt  }
0x65: {  	_ =	shalt  }
0x66: {  	_ =	shalt  }
0x67: {  	_ =	shalt  }
0x68: {  	_ =	shalt  }
0x69: {  	_ =	shalt  }
0x6a: {  	_ =	shalt  }
0x6b: {  	_ =	shalt  }
0x6c: {  	_ =	shalt  }
0x6d: {  	_ =	shalt  }
0x6e: {  	_ =	shalt  }
0x6f: {  	_ =	shalt  }
0x70: {  	_ =	shalt  }
0x71: {  	_ =	shalt  }
0x72: {  	_ =	shalt  }
0x73: {  	_ =	shalt  }
0x74: {  	_ =	shalt  }
0x75: {  	_ =	shalt  }
0x76: {  	_ =	shalt  }
0x77: {  	_ =	shalt  }
0x78: {  	_ =	shalt  }
0x79: {  	_ =	shalt  }
0x7a: {  	_ =	shalt  }
0x7b: {  	_ =	shalt  }
0x7c: {  	_ =	shalt  }
0x7d: {  	_ =	shalt  }
0x7e: {  	_ =	shalt  }
0x7f: {  	_ =	shalt  }
0x80: {  	_ =	shalt  }
0x81: {  	_ =	shalt  }
0x82: {  	_ =	shalt  }
0x83: {  	_ =	shalt  }
0x84: {  	_ =	shalt  }
0x85: {  	_ =	shalt  }
0x86: {  	_ =	shalt  }
0x87: {  	_ =	shalt  }
.Lfunc_end0:
.L_simem_size_0:
called_computation_lowered:
.L_overlay_start_0:
0x88: {  	s2 =	sld [smem:$0x3FD9]  }
0x89: {  	s3 =	sld [smem:$0x3FFE];
	_ =	sdelay $0x1  }
0x8a: {  	s1 =	srdreg.scid  }
0x8b: {  	s0 =	sand.u32 $0x1, s1  }
0x8c: {  	s16 =	sshll.u32 s0, $0xA;
	s2 =	sadd.s32 s3, s2  }
0x8d: {  	s2 =	sadd.s32 s2, s16  }
0x8e: {  	[smem:$0x3F99] =	sst s2  }
0x8f: {  	_ = 	snop  }
0x90: {  	(tm) =	ssettm $0x1  }
0x91: {  	s17 =	sld [smem:$0x3FFB];
	_ =	sdelay $0x3  }
0x92: {  	_ =	strace s17  }
0x93: {  	s2 =	sld [smem:$0x3FFC];
	_ =	sdelay $0x3  }
0x94: {  	_ =	strace s2  }
0x95: {  	s2 =	sld [smem:$0x3FFD];
	_ =	sdelay $0x3  }
0x96: {  	_ =	strace s2  }
0x97: {  	_ =	strace $0x8FFFFFFF  }
0x98: {  	s18 =	sld [smem:$0x3FDB];
	_ =	sdelay $0x1  }
0x99: {  	s19 =	simm.s32 $_scs_section_size  }
0x9a: {  	s4 =	simm.s32 $_size__tile_overlayer_lowered;
	s5 =	simm.s32 $_tile_overlayer_lowered  }
0x9b: {  	s22 =	simm.s32 $0x1BFF;
	s21 =	sshll.u32 s5, $0x1;
	s2 =	sadd.s32 s19, s18  }
0x9c: {  	s6 =	simm.s32 $0x0;
	s20 =	sshll.u32 s4, $0x1;
	s4 =	sadd.s32 s21, s2  }
0x9d: {  	[timem:s6], [sflag:s22] =	dma.local [hbm:s4], s20  }
0x9e: {  	_ =	swait.ge [sflag:s22], s20  }
0x9f: {  	s3 =	ssub.s32 $0x0, s20;
	[sflag:s22] =	ssyncset.done $0x0  }
0xa0: {  	[sflag:s22] =	ssyncadd.s32 s3;
	_ =	sdelay $0x1  }
0xa1: {  	s23 =	simm.s32 $0x1B8B  }
0xa2: {  	_ =	swait.ge [sflag:s23], $0x1  }
0xa3: {  	[sflag:s23] =	ssyncset.done $0x0  }
0xa4: {  	s25 =	simm.s32 $0x1B8E;
	s24 =	sld [smem:$0x3FFE];
	[sflag:s23] =	ssyncadd.s32 $0xFFFFFFFF  }
0xa5: {  	s26 =	simm.s32 $execute0_lowered;
	[smem:$0x3FD2] =	sst s25  }
0xa6: {  	s4 =	sshll.u32 s26, $0x1;
	_ =	strace $0x80000046;
	[dreg:$0x1] =	wrdreg $0xFFFFFFFF  }
0xa7: {  	s28 =	simm.s32 $_size_execute0_lowered;
	s2 =	sadd.s32 s2, s4;
	[dreg:$0x0] =	wrdreg $0x0  }
0xa8: {  	s4 =	sshll.u32 s28, $0x1;
	[dreg:$0x2] =	wrdreg s2  }
0xa9: {  	[dreg:$0x3] =	wrdreg s4  }
0xaa: {  	[dreg:$0x4] =	wrdreg $0xC0  }
0xab: {  	_ =	task [dreg:s6], $0x5FFFF  }
0xac: {  	[dreg:$0x1] =	wrdreg $0xFFFFFFFF  }
0xad: {  	[dreg:$0x0] =	wrdreg $0x60  }
0xae: {  	[dreg:$0x2] =	wrdreg s24  }
0xaf: {  	[dreg:$0x3] =	wrdreg $0x9  }
0xb0: {  	_ =	task.clear_ibuf [dreg:s6], $0x4FFFF;
	_ =	strace $0x90000046  }
0xb1: {  	s29 =	simm.s32 $0x9;
	_ =	strace $0x80000048  }
0xb2: {  	_ =	swait.ge [sflag:s29], $0x1  }
0xb3: {  	[sflag:s29] =	ssyncadd.s32 $0xFFFFFFFF  }
0xb4: {  	_ =	strace $0x90000048  }
0xb5: {  	_ =	sfence  }
0xb6: {  	s30 =	sld [smem:$0x0];
	_ =	sdelay $0x2  }
0xb7: {  	s31 =	sshll.u32 s1, $0xD;
	s1 =	sshrl.u32 s1, $0x2  }
0xb8: {  	s3 =	sand.u32 $0x4000, s31;
	s1 =	sadd.s32 s1, s30  }
0xb9: {  	s0 =	sor.u32 s3, s0;
	s1 =	sshll.u32 s1, $0x11  }
0xba: {  	s0 =	sor.u32 s1, s0  }
0xbb: {  	s0 =	sadd.s32 $0x8F2B, s0  }
0xbc: {  	[sflag:s0] =	ssyncadd.remote.s32 $0x1  }
0xbd: {  	_ =	sfence.sel $0xFFFF  }
0xbe: {  	[dreg:$0x0] =	wrdreg $0xFFFFFFFF;
	(pc) =	sbr.abs _section_cstart, $3  }
0xbf: {  	[dreg:$0x1] =	wrdreg $0xFFFFFFFF  }
0xc0: {  	_ =	task.clear_ibuf [dreg:s6], $0x2FFFF;
	_ =	strace $0x9FFFFFFF  }
0xc1: {  	(tm) =	ssettm $0x7FFFFFFF  }
tec
execute0_lowered:
.L_overlay_start_1:
0x0: {  	(tag) =	ssettag $0x1  }
0x1: {  	s4 =	rddreg [dreg:$0x0]  }
0x2: {  	s0 =	rddreg [dreg:$0x1];
	s1 =	stileid.u32  }
0x3: {  	s3 =	srdreg.scid;
	s2 =	simm.s32 $0x0;
	s6 =	smul.u32 $0x5000, s1  }
0x4: {  	s11 =	simm.s32 $0x1;
	s5 =	sand.u32 $0x1, s3;
	s8 =	smul.u32 $0x50000, s1  }
0x5: {  	s12 =	simm.s32 $0x0;
	[smem:$0x7FF] =	sst s2;
	s7 =	smul.u32 $0x2800, s5  }
0x6: {  	s3 =	sadd.s32 $0x2F200, s4;
	s29 =	ssub.s32 $0x2, s5;
	s5 =	smul.u32 $0x28000, s5  }
0x7: {  	_ =	strace $0x80000047;
	s8 =	sadd.s32 s8, s4;
	s9 =	sshrl.u32 s29, $0x1  }
0x8: {  	s6 =	sadd.s32 s7, s6;
	s30 =	ssub.s32 s29, s9;
	s31 =	sadd.s32 s5, s8  }
0x9: {  	s9 =	simm.s32 $0x2;
	s6 =	sshrl.u32 s6, $0x3;
	s5 =	sadd.s32 $0x6B200, s31  }
0xa: {  	s10 =	sadd.s32 s6, s4;
	s4 =	smax.u32 s30, $0x1;
	s6 =	sadd.s32 $0x56B200, s31  }
0xb: {  	s7 =	sadd.s32 $0x57200, s10;
	s8 =	sadd.s32 $0x61200, s10;
	s10 =	simm.s32 $0x80  }
.LBB2_1:
0xc: {  	s13 =	sadd.s32 $0x0, s8  }
0xd: {  	[tilespmem:s2], [sflag:$0x2] =	stream.linear.gather [hbm4b:s13+s2], $0x80, $0x38;
	[tilespmem:$0x4080] =	vst v63  }
0xe: {  	_ =	swait.ge [sflag:s9], $0x80  }
0xf: {  	[sflag:s9] =	ssyncset.done $0x0  }
0x10: {  	[sflag:s9] =	ssyncadd.s32 $0xFFFFFF80  }
0x11: {  	[tilespmem:s10], [sflag:$0x1] =	stream.indirect.gather [hbm4b:s3+s10], $0x80, s2, s10, $0xb8;
	[tilespmem:$0x4080] =	vst v63  }
0x12: {  	_ =	swait.ge [sflag:s11], $0x4000  }
0x13: {  	[sflag:s11] =	ssyncset.done $0x0  }
0x14: {  	[sflag:s11] =	ssyncadd.s32 $0xFFFFC000  }
0x15: {  	[hbm4b:s5+s2] =	stream.linear.scatter [tilespmem:s10], [sflag:$0x2], $0x4000, $0x38;
	[tilespmem:$0x4080] =	vst v63  }
0x16: {  	_ =	swait.ge [sflag:s9], $0x4000  }
0x17: {  	[sflag:s9] =	ssyncset.done $0x0  }
0x18: {  	s31 =	sadd.s32 $0x0, s7;
	[sflag:s9] =	ssyncadd.s32 $0xFFFFC000  }
0x19: {  	[tilespmem:s2], [sflag:$0x2] =	stream.linear.gather [hbm4b:s31+s2], $0x80, $0x38;
	[tilespmem:$0x4080] =	vst v63  }
0x1a: {  	_ =	swait.ge [sflag:s9], $0x80  }
0x1b: {  	[sflag:s9] =	ssyncset.done $0x0  }
0x1c: {  	[sflag:s9] =	ssyncadd.s32 $0xFFFFFF80  }
0x1d: {  	[tilespmem:s10], [sflag:$0x1] =	stream.indirect.gather [hbm4b:s3+s10], $0x80, s2, s10, $0xb8;
	[tilespmem:$0x4080] =	vst v63  }
0x1e: {  	_ =	swait.ge [sflag:s11], $0x4000  }
0x1f: {  	[sflag:s11] =	ssyncset.done $0x0  }
0x20: {  	[sflag:s11] =	ssyncadd.s32 $0xFFFFC000  }
0x21: {  	[hbm4b:s6+s2] =	stream.linear.scatter [tilespmem:s10], [sflag:$0x2], $0x4000, $0x38;
	[tilespmem:$0x4080] =	vst v63  }
0x22: {  	s14 =	simm.s32 $0x10;
	s16 =	simm.s32 $0x20;
	_ =	swait.ge [sflag:s9], $0x4000  }
0x23: {  	s15 =	sadd.s32 $0x800, s5;
	s13 =	sadd.s32 $0x800, s6;
	[sflag:s9] =	ssyncset.done $0x0  }
.LBB2_2:
0x24: {  	s17 =	sadd.s32 s14, s8  }
0x25: {  	[sflag:s9] =	ssyncadd.s32 $0xFFFFC000;
	s18 =	smov.u32 s16;
	s19 =	sadd.s32 $0x10, s16  }
0x26: {  	[tilespmem:s2], [sflag:$0x2] =	stream.linear.gather [hbm4b:s17+s2], $0x80, $0x38;
	[tilespmem:$0x4080] =	vst v63  }
0x27: {  	p0 =	sne.s32 s16, $0x4F0;
	_ =	swait.ge [sflag:s9], $0x80  }
0x28: {  	[sflag:s9] =	ssyncset.done $0x0  }
0x29: {  	[sflag:s9] =	ssyncadd.s32 $0xFFFFFF80  }
0x2a: {  	[tilespmem:s10], [sflag:$0x1] =	stream.indirect.gather [hbm4b:s3+s10], $0x80, s2, s10, $0xb8;
	[tilespmem:$0x4080] =	vst v63  }
0x2b: {  	_ =	swait.ge [sflag:s11], $0x4000  }
0x2c: {  	[sflag:s11] =	ssyncset.done $0x0  }
0x2d: {  	[sflag:s11] =	ssyncadd.s32 $0xFFFFC000  }
0x2e: {  	[hbm4b:s15+s2] =	stream.linear.scatter [tilespmem:s10], [sflag:$0x2], $0x4000, $0x38;
	[tilespmem:$0x4080] =	vst v63  }
0x2f: {  	_ =	swait.ge [sflag:s9], $0x4000  }
0x30: {  	[sflag:s9] =	ssyncset.done $0x0  }
0x31: {  	s16 =	sadd.s32 s14, s7;
	s14 =	smov.u32 s18;
	[sflag:s9] =	ssyncadd.s32 $0xFFFFC000  }
0x32: {  	[tilespmem:s2], [sflag:$0x2] =	stream.linear.gather [hbm4b:s16+s2], $0x80, $0x38;
	[tilespmem:$0x4080] =	vst v63  }
0x33: {  	_ =	swait.ge [sflag:s9], $0x80  }
0x34: {  	[sflag:s9] =	ssyncset.done $0x0  }
0x35: {  	[sflag:s9] =	ssyncadd.s32 $0xFFFFFF80  }
0x36: {  	[tilespmem:s10], [sflag:$0x1] =	stream.indirect.gather [hbm4b:s3+s10], $0x80, s2, s10, $0xb8;
	[tilespmem:$0x4080] =	vst v63  }
0x37: {  	_ =	swait.ge [sflag:s11], $0x4000  }
.Ltmp0:
0x38: {  	[sflag:s11] =	ssyncset.done $0x0;
	(pc) =	sbr.rel @p0 .LBB2_2-.Ltmp0, $4  }
0x39: {  	[sflag:s11] =	ssyncadd.s32 $0xFFFFC000  }
0x3a: {  	[hbm4b:s13+s2] =	stream.linear.scatter [tilespmem:s10], [sflag:$0x2], $0x4000, $0x38;
	[tilespmem:$0x4080] =	vst v63  }
0x3b: {  	s15 =	sadd.s32 $0x800, s15;
	_ =	swait.ge [sflag:s9], $0x4000  }
0x3c: {  	s16 =	smov.u32 s19;
	s13 =	sadd.s32 $0x800, s13;
	[sflag:s9] =	ssyncset.done $0x0  }
0x3d: {  	s16 =	sadd.s32 s14, s8;
	[sflag:s9] =	ssyncadd.s32 $0xFFFFC000  }
0x3e: {  	[tilespmem:s2], [sflag:$0x2] =	stream.linear.gather [hbm4b:s16+s2], $0x80, $0x38;
	[tilespmem:$0x4080] =	vst v63  }
0x3f: {  	_ =	swait.ge [sflag:s9], $0x80  }
0x40: {  	[sflag:s9] =	ssyncset.done $0x0  }
0x41: {  	[sflag:s9] =	ssyncadd.s32 $0xFFFFFF80  }
0x42: {  	[tilespmem:s10], [sflag:$0x1] =	stream.indirect.gather [hbm4b:s3+s10], $0x80, s2, s10, $0xb8;
	[tilespmem:$0x4080] =	vst v63  }
0x43: {  	_ =	swait.ge [sflag:s11], $0x4000  }
0x44: {  	[sflag:s11] =	ssyncset.done $0x0  }
0x45: {  	[sflag:s11] =	ssyncadd.s32 $0xFFFFC000  }
0x46: {  	[hbm4b:s15+s2] =	stream.linear.scatter [tilespmem:s10], [sflag:$0x2], $0x4000, $0x38;
	[tilespmem:$0x4080] =	vst v63  }
0x47: {  	_ =	swait.ge [sflag:s9], $0x4000  }
0x48: {  	[sflag:s9] =	ssyncset.done $0x0  }
0x49: {  	s31 =	sadd.s32 s14, s7;
	[sflag:s9] =	ssyncadd.s32 $0xFFFFC000  }
0x4a: {  	[tilespmem:s2], [sflag:$0x2] =	stream.linear.gather [hbm4b:s31+s2], $0x80, $0x38;
	[tilespmem:$0x4080] =	vst v63  }
0x4b: {  	_ =	swait.ge [sflag:s9], $0x80  }
0x4c: {  	[sflag:s9] =	ssyncset.done $0x0  }
0x4d: {  	[sflag:s9] =	ssyncadd.s32 $0xFFFFFF80  }
0x4e: {  	[tilespmem:s10], [sflag:$0x1] =	stream.indirect.gather [hbm4b:s3+s10], $0x80, s2, s10, $0xb8;
	[tilespmem:$0x4080] =	vst v63  }
0x4f: {  	s12 =	sadd.s32 $0x1, s12;
	_ =	swait.ge [sflag:s11], $0x4000  }
0x50: {  	p0 =	sne.s32 s12, s4;
	[sflag:s11] =	ssyncset.done $0x0  }
.Ltmp1:
0x51: {  	[sflag:s11] =	ssyncadd.s32 $0xFFFFC000;
	(pc) =	sbr.rel @p0 .LBB2_1-.Ltmp1, $4  }
0x52: {  	[hbm4b:s13+s2] =	stream.linear.scatter [tilespmem:s10], [sflag:$0x2], $0x4000, $0x38;
	[tilespmem:$0x4080] =	vst v63  }
0x53: {  	_ =	swait.ge [sflag:s9], $0x4000  }
0x54: {  	[sflag:s9] =	ssyncset.done $0x0  }
0x55: {  	[sflag:s9] =	ssyncadd.s32 $0xFFFFC000  }
0x56: {  	_ =	sfence.sel $0x180000  }
0x57: {  	[bflag:$0x0] =	sbarrier.arrive $0xFFFF  }
0x58: {  	p0 =	sne.s32 s1, $0x0;
	_ =	strace $0x90000047  }
0x59: {  	s0 =	sadd.s32 @!p0 $0x100000, s0;
	[bflag:$0x2] =	sbarrier.arrive $0xFFFF  }
0x5a: {  	[sflag:s0] =	ssyncadd.tile.s32 @!p0 $0x1;
	_ =	shalt  }
.Lfunc_end2:
_tile_overlayer_lowered:
.L_overlay_start_2:
0x5b: {  	(tag) =	ssettag $0x2  }
0x5c: {  	s0 =	rddreg [dreg:$0x0];
	s2 =	stileid.u32  }
0x5d: {  	s1 =	rddreg [dreg:$0x1];
	p0 =	sne.s32 s2, $0x0  }
0x5e: {  	s3 =	rddreg [dreg:$0x2];
	[bflag:$0x3] =	sbarrier.arrive $0xFFFF;
	s2 =	simm.s32 @!p0 $0x1C02  }
0x5f: {  	[timem:s3], [sflag:s2] =	dma.local @!p0 [hbm:s0], s1  }
0x60: {  	s0 =	simm.s32 @!p0 $0x2  }
0x61: {  	_ =	swait.ge @!p0 [sflag:s0], s1  }
0x62: {  	s1 =	ssub.s32 @!p0 $0x0, s1;
	[sflag:s0] =	ssyncset.done @!p0 $0x0  }
0x63: {  	[sflag:s0] =	ssyncadd.s32 @!p0 s1  }
0x64: {  	[bflag:$0x3] =	sbarrier.arrive $0xFFFF  }
0x65: {  	_ =	shalt  }

// kernel: kernel.18.cloned.1.call-start
scs
__scs_entry_jumppad:
0x0: {  	(pc) =	sbr.rel $0x88, $3  }
0x1: {  	(tag) =	ssettag $0x0;
	lr =	simm.s32 $0x1  }
0x2: {  	[smem:$0x3F72] =	sst lr;
	_ =	strace $0xD0000000  }
0x3: {  	_ = 	snop  }
0x4: {  	_ = 	snop  }
0x5: {  	_ = 	snop  }
0x6: {  	_ = 	snop  }
0x7: {  	_ = 	snop  }
__scs_overlays_trampoline_lowered:
0x8: {  	[smem:$0x3F81] =	sst s0  }
0x9: {  	[smem:$0x3F82] =	sst s1  }
0xa: {  	[smem:$0x3F83] =	sst s2  }
0xb: {  	[smem:$0x3F84] =	sst s3  }
0xc: {  	[smem:$0x3F85] =	sst s4  }
0xd: {  	[smem:$0x3F86] =	sst s5  }
0xe: {  	[smem:$0x3F87] =	sst s6  }
0xf: {  	[smem:$0x3F88] =	sst s7  }
0x10: {  	[smem:$0x3F89] =	sst s8  }
0x11: {  	[smem:$0x3F8A] =	sst s9;
	s0 =	simm.s32 @!p0 $0x0  }
0x12: {  	s1 =	sld [smem:$0x3F70];
	s0 =	simm.s32 @p0 $0x1  }
0x13: {  	[smem:$0x3F8B] =	sst s0;
	s0 =	simm.s32 @!p1 $0x0  }
0x14: {  	s2 =	sld [smem:$0x3F6F];
	s0 =	simm.s32 @p1 $0x1  }
0x15: {  	[smem:$0x3F8C] =	sst s0;
	s0 =	simm.s32 @!p2 $0x0  }
0x16: {  	s3 =	sld [smem:$0x3FDB];
	s0 =	simm.s32 @p2 $0x1  }
0x17: {  	s4 =	simm.s32 $0x1BF5;
	[smem:$0x3F8E] =	sst s0  }
0x18: {  	s0 =	sld [smem:$0x3F71];
	_ =	swait.ge [sflag:s4], $0x0  }
0x19: {  	s7 =	sld [smem:$0x3F72]  }
0x1a: {  	s8 =	sadd.s32 $0xFFFFE003, lr  }
0x1b: {  	s9 =	sadd.s32 $0xFFFFFEF7, lr;
	s5 =	simm.s32 $0xFFFFFFFF;
	p2 =	slt.u32 s8, $0xFFFFF086  }
0x1c: {  	p1 =	slt.u32 s9, $0xF7A;
	s5 =	simm.s32 @!p2 $0x0  }
0x1d: {  	s5 =	simm.s32 @p1 $0x1;
	p0 =	seq.s32 s7, s2  }
0x1e: {  	s7 =	smul.u32 @!p0 $0xF7A, s2;
	p2 =	seq.s32 @!p0 s5, $0x0  }
0x1f: {  	s9 =	smul.u32 $0xF7A, s1;
	s8 =	simm.s32 @!p0 $0x1BF5;
	p2 =	por !p2, p0  }
0x20: {  	[sflag:s8] =	ssyncset.s32 @!p0 $0xFFFFF086;
	s6 =	sadd.s32 @!p0 s3, s7;
	s7 =	simm.s32 @!p0 $0x108  }
0x21: {  	s3 =	sadd.s32 s3, s9;
	s6 =	sadd.s32 @!p0 $0x88, s6;
	s7 =	simm.s32 @p2 $0x1082  }
0x22: {  	[simem:s7], [sflag:s8] =	dma.local @!p0 [hbm:s6], $0xF7A  }
0x23: {  	s9 =	sor.u32 $0xD0000000, s2;
	s6 =	simm.s32 $0x108;
	_ =	swait.ge @!p0 [sflag:s8], $0x0  }
0x24: {  	s3 =	sadd.s32 $0x88, s3;
	s6 =	simm.s32 @!p1 $0x1082;
	[sflag:s4] =	ssyncset.s32 $0xFFFFF086  }
0x25: {  	[simem:s6], [sflag:s4] =	dma.local [hbm:s3], $0xF7A  }
0x26: {  	[smem:$0x3F72] =	sst s1;
	(tag) =	ssettag s2;
	_ =	strace s9  }
0x27: {  	s1 =	sld [smem:$0x3F82]  }
0x28: {  	s2 =	sld [smem:$0x3F83]  }
0x29: {  	s4 =	sld [smem:$0x3F85]  }
0x2a: {  	p0 =	seq.s32 s5, $0x0;
	s5 =	sld [smem:$0x3F86]  }
0x2b: {  	s6 =	sld [smem:$0x3F87]  }
0x2c: {  	s7 =	sld [smem:$0x3F88]  }
0x2d: {  	s3 =	simm.s32 $0x108;
	s8 =	sld [smem:$0x3F89]  }
0x2e: {  	s3 =	simm.s32 @!p0 $0x1082;
	s9 =	sld [smem:$0x3F8A]  }
0x2f: {  	lr =	sadd.s32 s0, s3;
	s0 =	sld [smem:$0x3F81]  }
0x30: {  	s3 =	sld [smem:$0x3F84]  }
0x31: {  	[smem:$0x3F8D] =	sst s10  }
0x32: {  	s10 =	sld [smem:$0x3F8B];
	_ =	sdelay $0x3  }
0x33: {  	p0 =	seq.s32 s10, $0x1;
	s10 =	sld [smem:$0x3F8D];
	_ =	sdelay $0x3  }
0x34: {  	[smem:$0x3F8D] =	sst s10  }
0x35: {  	s10 =	sld [smem:$0x3F8C];
	_ =	sdelay $0x3  }
0x36: {  	p1 =	seq.s32 s10, $0x1;
	s10 =	sld [smem:$0x3F8D];
	_ =	sdelay $0x3  }
0x37: {  	[smem:$0x3F8D] =	sst s10  }
0x38: {  	s10 =	sld [smem:$0x3F8E]  }
0x39: {  	_ = 	snop;
	(pc) =	sbr.ind lr, $3  }
0x3a: {  	_ = 	snop  }
0x3b: {  	_ = 	snop  }
0x3c: {  	p2 =	seq.s32 s10, $0x1;
	s10 =	sld [smem:$0x3F8D]  }
0x3d: {  	_ =	shalt  }
0x3e: {  	_ =	shalt  }
0x3f: {  	_ =	shalt  }
0x40: {  	_ =	shalt  }
0x41: {  	_ =	shalt  }
0x42: {  	_ =	shalt  }
0x43: {  	_ =	shalt  }
0x44: {  	_ =	shalt  }
0x45: {  	_ =	shalt  }
0x46: {  	_ =	shalt  }
0x47: {  	_ =	shalt  }
0x48: {  	_ =	shalt  }
0x49: {  	_ =	shalt  }
0x4a: {  	_ =	shalt  }
0x4b: {  	_ =	shalt  }
0x4c: {  	_ =	shalt  }
0x4d: {  	_ =	shalt  }
0x4e: {  	_ =	shalt  }
0x4f: {  	_ =	shalt  }
0x50: {  	_ =	shalt  }
0x51: {  	_ =	shalt  }
0x52: {  	_ =	shalt  }
0x53: {  	_ =	shalt  }
0x54: {  	_ =	shalt  }
0x55: {  	_ =	shalt  }
0x56: {  	_ =	shalt  }
0x57: {  	_ =	shalt  }
0x58: {  	_ =	shalt  }
0x59: {  	_ =	shalt  }
0x5a: {  	_ =	shalt  }
0x5b: {  	_ =	shalt  }
0x5c: {  	_ =	shalt  }
0x5d: {  	_ =	shalt  }
0x5e: {  	_ =	shalt  }
0x5f: {  	_ =	shalt  }
0x60: {  	_ =	shalt  }
0x61: {  	_ =	shalt  }
0x62: {  	_ =	shalt  }
0x63: {  	_ =	shalt  }
0x64: {  	_ =	shalt  }
0x65: {  	_ =	shalt  }
0x66: {  	_ =	shalt  }
0x67: {  	_ =	shalt  }
0x68: {  	_ =	shalt  }
0x69: {  	_ =	shalt  }
0x6a: {  	_ =	shalt  }
0x6b: {  	_ =	shalt  }
0x6c: {  	_ =	shalt  }
0x6d: {  	_ =	shalt  }
0x6e: {  	_ =	shalt  }
0x6f: {  	_ =	shalt  }
0x70: {  	_ =	shalt  }
0x71: {  	_ =	shalt  }
0x72: {  	_ =	shalt  }
0x73: {  	_ =	shalt  }
0x74: {  	_ =	shalt  }
0x75: {  	_ =	shalt  }
0x76: {  	_ =	shalt  }
0x77: {  	_ =	shalt  }
0x78: {  	_ =	shalt  }
0x79: {  	_ =	shalt  }
0x7a: {  	_ =	shalt  }
0x7b: {  	_ =	shalt  }
0x7c: {  	_ =	shalt  }
0x7d: {  	_ =	shalt  }
0x7e: {  	_ =	shalt  }
0x7f: {  	_ =	shalt  }
0x80: {  	_ =	shalt  }
0x81: {  	_ =	shalt  }
0x82: {  	_ =	shalt  }
0x83: {  	_ =	shalt  }
0x84: {  	_ =	shalt  }
0x85: {  	_ =	shalt  }
0x86: {  	_ =	shalt  }
0x87: {  	_ =	shalt  }
.Lfunc_end0:
.L_simem_size_0:
called_computation.1_lowered:
.L_overlay_start_0:
0x88: {  	s2 =	sld [smem:$0x3FD9]  }
0x89: {  	s3 =	sld [smem:$0x3FFE];
	_ =	sdelay $0x1  }
0x8a: {  	s1 =	srdreg.scid  }
0x8b: {  	s0 =	sand.u32 $0x1, s1  }
0x8c: {  	s16 =	sshll.u32 s0, $0xA;
	s2 =	sadd.s32 s3, s2  }
0x8d: {  	s2 =	sadd.s32 s2, s16  }
0x8e: {  	[smem:$0x3F99] =	sst s2  }
0x8f: {  	_ = 	snop  }
0x90: {  	(tm) =	ssettm $0x1  }
0x91: {  	s17 =	sld [smem:$0x3FFB];
	_ =	sdelay $0x3  }
0x92: {  	_ =	strace s17  }
0x93: {  	s2 =	sld [smem:$0x3FFC];
	_ =	sdelay $0x3  }
0x94: {  	_ =	strace s2  }
0x95: {  	s2 =	sld [smem:$0x3FFD];
	_ =	sdelay $0x3  }
0x96: {  	_ =	strace s2  }
0x97: {  	_ =	strace $0x8FFFFFFF  }
0x98: {  	s18 =	sld [smem:$0x3FDB];
	_ =	sdelay $0x1  }
0x99: {  	s19 =	simm.s32 $_scs_section_size  }
0x9a: {  	s4 =	simm.s32 $_size__tile_overlayer_lowered;
	s5 =	simm.s32 $_tile_overlayer_lowered  }
0x9b: {  	s22 =	simm.s32 $0x1BFF;
	s21 =	sshll.u32 s5, $0x1;
	s2 =	sadd.s32 s19, s18  }
0x9c: {  	s6 =	simm.s32 $0x0;
	s20 =	sshll.u32 s4, $0x1;
	s4 =	sadd.s32 s21, s2  }
0x9d: {  	[timem:s6], [sflag:s22] =	dma.local [hbm:s4], s20  }
0x9e: {  	_ =	swait.ge [sflag:s22], s20  }
0x9f: {  	s3 =	ssub.s32 $0x0, s20;
	[sflag:s22] =	ssyncset.done $0x0  }
0xa0: {  	[sflag:s22] =	ssyncadd.s32 s3;
	_ =	sdelay $0x1  }
0xa1: {  	s23 =	simm.s32 $0x1B8B  }
0xa2: {  	_ =	swait.ge [sflag:s23], $0x1  }
0xa3: {  	[sflag:s23] =	ssyncset.done $0x0  }
0xa4: {  	s25 =	simm.s32 $0x1B8E;
	s24 =	sld [smem:$0x3FFE];
	[sflag:s23] =	ssyncadd.s32 $0xFFFFFFFF  }
0xa5: {  	s26 =	simm.s32 $execute0_lowered;
	[smem:$0x3FD2] =	sst s25  }
0xa6: {  	s4 =	sshll.u32 s26, $0x1;
	_ =	strace $0x80000049;
	[dreg:$0x1] =	wrdreg $0xFFFFFFFF  }
0xa7: {  	s28 =	simm.s32 $_size_execute0_lowered;
	s2 =	sadd.s32 s2, s4;
	[dreg:$0x0] =	wrdreg $0x0  }
0xa8: {  	s4 =	sshll.u32 s28, $0x1;
	[dreg:$0x2] =	wrdreg s2  }
0xa9: {  	[dreg:$0x3] =	wrdreg s4  }
0xaa: {  	[dreg:$0x4] =	wrdreg $0xC0  }
0xab: {  	_ =	task [dreg:s6], $0x5FFFF  }
0xac: {  	[dreg:$0x1] =	wrdreg $0xFFFFFFFF  }
0xad: {  	[dreg:$0x0] =	wrdreg $0x60  }
0xae: {  	[dreg:$0x2] =	wrdreg s24  }
0xaf: {  	[dreg:$0x3] =	wrdreg $0x68000  }
0xb0: {  	[dreg:$0x4] =	wrdreg $0x9  }
0xb1: {  	_ =	task.clear_ibuf [dreg:s6], $0x5FFFF;
	_ =	strace $0x90000049  }
0xb2: {  	s29 =	simm.s32 $0x9;
	_ =	strace $0x8000004B  }
0xb3: {  	_ =	swait.ge [sflag:s29], $0x1  }
0xb4: {  	[sflag:s29] =	ssyncadd.s32 $0xFFFFFFFF  }
0xb5: {  	_ =	strace $0x9000004B  }
0xb6: {  	_ =	sfence  }
0xb7: {  	s30 =	sld [smem:$0x0];
	_ =	sdelay $0x2  }
0xb8: {  	s31 =	sshll.u32 s1, $0xD;
	s1 =	sshrl.u32 s1, $0x2  }
0xb9: {  	s3 =	sand.u32 $0x4000, s31;
	s1 =	sadd.s32 s1, s30  }
0xba: {  	s0 =	sor.u32 s3, s0;
	s1 =	sshll.u32 s1, $0x11  }
0xbb: {  	s0 =	sor.u32 s1, s0  }
0xbc: {  	s0 =	sadd.s32 $0x8F2B, s0  }
0xbd: {  	[sflag:s0] =	ssyncadd.remote.s32 $0x1  }
0xbe: {  	_ =	sfence.sel $0xFFFF  }
0xbf: {  	[dreg:$0x0] =	wrdreg $0xFFFFFFFF;
	(pc) =	sbr.abs _section_cstart, $3  }
0xc0: {  	[dreg:$0x1] =	wrdreg $0xFFFFFFFF  }
0xc1: {  	_ =	task.clear_ibuf [dreg:s6], $0x2FFFF;
	_ =	strace $0x9FFFFFFF  }
0xc2: {  	(tm) =	ssettm $0x7FFFFFFF  }
0xc3: {  	_ =	shalt  }
tec
execute0_lowered:
.L_overlay_start_1:
0x0: {  	(tag) =	ssettag $0x1  }
0x1: {  	s1 =	srdreg.scid;
	s4 =	rddreg [dreg:$0x0]  }
0x2: {  	s0 =	stileid.u32;
	s2 =	rddreg [dreg:$0x1];
	s3 =	simm.s32 $0x0  }
0x3: {  	s12 =	simm.s32 $0x1;
	s13 =	simm.s32 $0x80;
	s5 =	sand.u32 $0x1, s1  }
0x4: {  	s28 =	sshll.u32 s0, $0x1;
	s1 =	rddreg [dreg:$0x2];
	s14 =	smul.u32 $0x2800, s0  }
0x5: {  	[smem:$0x7FF] =	sst s3;
	s8 =	smul.u32 $0x50000, s0;
	s31 =	sshll.u32 s0, $0x6  }
0x6: {  	s6 =	sor.u32 s5, s28;
	_ =	strace $0x8000004A;
	s7 =	smul.u32 $0x28000, s5  }
0x7: {  	s5 =	ssub.s32 $0x2, s5;
	s6 =	smul.u32 $0x500, s6;
	s9 =	sadd.s32 s14, s4  }
0x8: {  	s29 =	sshrl.u32 s5, $0x1;
	s30 =	sshrl.u32 s8, $0x2;
	s7 =	sadd.s32 s7, s4  }
0x9: {  	s10 =	ssub.s32 s5, s29;
	s11 =	sadd.s32 s30, s2;
	s5 =	sor.u32 $0x1C02, s31  }
0xa: {  	s6 =	sadd.s32 s6, s4;
	s4 =	sadd.s32 $0x2F200, s9;
	s15 =	sadd.s32 $0x6B200, s7  }
0xb: {  	s8 =	sadd.s32 s8, s7;
	s7 =	smax.u32 s10, $0x1;
	s9 =	sshrl.u32 s11, $0x3  }
0xc: {  	s10 =	simm.s32 $0x2;
	s11 =	simm.s32 $0x2800;
	s6 =	sadd.s32 $0x57200, s6  }
0xd: {  	s8 =	sadd.s32 $0xA6B200, s8;
	s14 =	sadd.s32 s14, s15;
	s15 =	simm.s32 $0x0  }
.LBB2_1:
0xe: {  	[spmem:s9], [sflag:s5] =	dma.local [hbm:s4], $0x2800  }
0xf: {  	_ =	swait.ge [sflag:s10], $0x2800  }
0x10: {  	[sflag:s10] =	ssyncset.done $0x0  }
0x11: {  	[sflag:s10] =	ssyncadd.s32 $0xFFFFD800  }
0x12: {  	[tilespmem:s3], [sflag:$0x2] =	stream.linear.gather [hbm4b:s6+s3], $0x2800, $0x38;
	[tilespmem:$0x1A800] =	vst v63  }
0x13: {  	_ =	swait.ge [sflag:s10], $0x2800  }
0x14: {  	[sflag:s10] =	ssyncset.done $0x0  }
0x15: {  	[sflag:s10] =	ssyncadd.s32 $0xFFFFD800  }
0x16: {  	[bflag:$0x0] =	sbarrier.arrive $0xFFFF  }
0x17: {  	[tilespmem:s11], [sflag:$0x1] =	stream.linear.gather [hbm4b:s8+s3], $0x4000, $0x38;
	[tilespmem:$0x1A800] =	vst v63  }
0x18: {  	_ =	swait.ge [sflag:s12], $0x4000  }
0x19: {  	[sflag:s12] =	ssyncset.done $0x0  }
0x1a: {  	s16 =	simm.s32 $0x0;
	[sflag:s12] =	ssyncadd.s32 $0xFFFFC000  }
0x1b: {  	[spmem:s2] =	stream.indirect.scatter.add.f32 [tilespmem:s11], [sflag:$0x2], $0x80, s16, s13, $0xb8;
	[tilespmem:$0x1A800] =	vst v63  }
0x1c: {  	_ =	swait.ge [sflag:s10], $0x4000  }
0x1d: {  	s17 =	smov.u32 s8;
	s16 =	simm.s32 $0x200;
	[sflag:s10] =	ssyncset.done $0x0  }
.LBB2_2:
0x1e: {  	p0 =	sne.s32 s16, $0x9E00;
	[sflag:s10] =	ssyncadd.s32 $0xFFFFC000;
	s17 =	sadd.s32 $0x800, s17  }
0x1f: {  	[tilespmem:s11], [sflag:$0x1] =	stream.linear.gather [hbm4b:s17+s3], $0x4000, $0x38;
	[tilespmem:$0x1A800] =	vst v63  }
0x20: {  	s18 =	smov.u32 s16;
	s16 =	sadd.s32 $0x200, s16;
	_ =	swait.ge [sflag:s12], $0x4000  }
.Ltmp0:
0x21: {  	[sflag:s12] =	ssyncset.done $0x0;
	(pc) =	sbr.rel @p0 .LBB2_2-.Ltmp0, $4  }
0x22: {  	s18 =	sshra.s32 s18, $0x2;
	[sflag:s12] =	ssyncadd.s32 $0xFFFFC000  }
0x23: {  	[spmem:s2] =	stream.indirect.scatter.add.f32 [tilespmem:s11], [sflag:$0x2], $0x80, s18, s13, $0xb8;
	[tilespmem:$0x1A800] =	vst v63  }
0x24: {  	_ =	swait.ge [sflag:s10], $0x4000  }
0x25: {  	[sflag:s10] =	ssyncset.done $0x0  }
0x26: {  	s15 =	sadd.s32 $0x1, s15  }
0x27: {  	[sflag:s10] =	ssyncadd.s32 $0xFFFFC000;
	p0 =	sne.s32 s15, s7  }
.Ltmp1:
0x28: {  	[bflag:$0x0] =	sbarrier.arrive $0xFFFF;
	(pc) =	sbr.rel @p0 .LBB2_1-.Ltmp1, $4  }
0x29: {  	[hbm:s14], [sflag:s5] =	dma.local [spmem:s9], $0x2800  }
0x2a: {  	_ =	swait.ge [sflag:s10], $0x2800  }
0x2b: {  	[sflag:s10] =	ssyncset.done $0x0  }
0x2c: {  	[sflag:s10] =	ssyncadd.s32 $0xFFFFD800  }
0x2d: {  	_ =	sfence.sel $0x180000  }
0x2e: {  	[bflag:$0x0] =	sbarrier.arrive $0xFFFF  }
0x2f: {  	p0 =	sne.s32 s0, $0x0;
	_ =	strace $0x9000004A  }
0x30: {  	s0 =	sadd.s32 @!p0 $0x100000, s1;
	[bflag:$0x2] =	sbarrier.arrive $0xFFFF  }
0x31: {  	[sflag:s0] =	ssyncadd.tile.s32 @!p0 $0x1;
	_ =	shalt  }
.Lfunc_end2:
_tile_overlayer_lowered:
.L_overlay_start_2:
0x32: {  	(tag) =	ssettag $0x2  }
0x33: {  	s0 =	rddreg [dreg:$0x0];
	s2 =	stileid.u32  }
0x34: {  	s1 =	rddreg [dreg:$0x1];
	p0 =	sne.s32 s2, $0x0  }
0x35: {  	s3 =	rddreg [dreg:$0x2];
	[bflag:$0x3] =	sbarrier.arrive $0xFFFF;
	s2 =	simm.s32 @!p0 $0x1C02  }
0x36: {  	[timem:s3], [sflag:s2] =	dma.local @!p0 [hbm:s0], s1  }
0x37: {  	s0 =	simm.s32 @!p0 $0x2  }
0x38: {  	_ =	swait.ge @!p0 [sflag:s0], s1  }
0x39: {  	s1 =	ssub.s32 @!p0 $0x0, s1;
	[sflag:s0] =	ssyncset.done @!p0 $0x0  }
0x3a: {  	[sflag:s0] =	ssyncadd.s32 @!p0 s1  }
0x3b: {  	[bflag:$0x3] =	sbarrier.arrive $0xFFFF  }
0x3c: {  	_ =	shalt  }

// kernel: kernel.21.cloned.1.call-start
scs
__scs_entry_jumppad:
0x0: {  	(pc) =	sbr.rel $0x88, $3  }
0x1: {  	(tag) =	ssettag $0x0;
	lr =	simm.s32 $0x1  }
0x2: {  	[smem:$0x3F72] =	sst lr;
	_ =	strace $0xD0000000  }
0x3: {  	_ = 	snop  }
0x4: {  	_ = 	snop  }
0x5: {  	_ = 	snop  }
0x6: {  	_ = 	snop  }
0x7: {  	_ = 	snop  }
__scs_overlays_trampoline_lowered:
0x8: {  	[smem:$0x3F81] =	sst s0  }
0x9: {  	[smem:$0x3F82] =	sst s1  }
0xa: {  	[smem:$0x3F83] =	sst s2  }
0xb: {  	[smem:$0x3F84] =	sst s3  }
0xc: {  	[smem:$0x3F85] =	sst s4  }
0xd: {  	[smem:$0x3F86] =	sst s5  }
0xe: {  	[smem:$0x3F87] =	sst s6  }
0xf: {  	[smem:$0x3F88] =	sst s7  }
0x10: {  	[smem:$0x3F89] =	sst s8  }
0x11: {  	[smem:$0x3F8A] =	sst s9;
	s0 =	simm.s32 @!p0 $0x0  }
0x12: {  	s1 =	sld [smem:$0x3F70];
	s0 =	simm.s32 @p0 $0x1  }
0x13: {  	[smem:$0x3F8B] =	sst s0;
	s0 =	simm.s32 @!p1 $0x0  }
0x14: {  	s2 =	sld [smem:$0x3F6F];
	s0 =	simm.s32 @p1 $0x1  }
0x15: {  	[smem:$0x3F8C] =	sst s0;
	s0 =	simm.s32 @!p2 $0x0  }
0x16: {  	s3 =	sld [smem:$0x3FDB];
	s0 =	simm.s32 @p2 $0x1  }
0x17: {  	s4 =	simm.s32 $0x1BF5;
	[smem:$0x3F8E] =	sst s0  }
0x18: {  	s0 =	sld [smem:$0x3F71];
	_ =	swait.ge [sflag:s4], $0x0  }
0x19: {  	s7 =	sld [smem:$0x3F72]  }
0x1a: {  	s8 =	sadd.s32 $0xFFFFE003, lr  }
0x1b: {  	s9 =	sadd.s32 $0xFFFFFEF7, lr;
	s5 =	simm.s32 $0xFFFFFFFF;
	p2 =	slt.u32 s8, $0xFFFFF086  }
0x1c: {  	p1 =	slt.u32 s9, $0xF7A;
	s5 =	simm.s32 @!p2 $0x0  }
0x1d: {  	s5 =	simm.s32 @p1 $0x1;
	p0 =	seq.s32 s7, s2  }
0x1e: {  	s7 =	smul.u32 @!p0 $0xF7A, s2;
	p2 =	seq.s32 @!p0 s5, $0x0  }
0x1f: {  	s9 =	smul.u32 $0xF7A, s1;
	s8 =	simm.s32 @!p0 $0x1BF5;
	p2 =	por !p2, p0  }
0x20: {  	[sflag:s8] =	ssyncset.s32 @!p0 $0xFFFFF086;
	s6 =	sadd.s32 @!p0 s3, s7;
	s7 =	simm.s32 @!p0 $0x108  }
0x21: {  	s3 =	sadd.s32 s3, s9;
	s6 =	sadd.s32 @!p0 $0x88, s6;
	s7 =	simm.s32 @p2 $0x1082  }
0x22: {  	[simem:s7], [sflag:s8] =	dma.local @!p0 [hbm:s6], $0xF7A  }
0x23: {  	s9 =	sor.u32 $0xD0000000, s2;
	s6 =	simm.s32 $0x108;
	_ =	swait.ge @!p0 [sflag:s8], $0x0  }
0x24: {  	s3 =	sadd.s32 $0x88, s3;
	s6 =	simm.s32 @!p1 $0x1082;
	[sflag:s4] =	ssyncset.s32 $0xFFFFF086  }
0x25: {  	[simem:s6], [sflag:s4] =	dma.local [hbm:s3], $0xF7A  }
0x26: {  	[smem:$0x3F72] =	sst s1;
	(tag) =	ssettag s2;
	_ =	strace s9  }
0x27: {  	s1 =	sld [smem:$0x3F82]  }
0x28: {  	s2 =	sld [smem:$0x3F83]  }
0x29: {  	s4 =	sld [smem:$0x3F85]  }
0x2a: {  	p0 =	seq.s32 s5, $0x0;
	s5 =	sld [smem:$0x3F86]  }
0x2b: {  	s6 =	sld [smem:$0x3F87]  }
0x2c: {  	s7 =	sld [smem:$0x3F88]  }
0x2d: {  	s3 =	simm.s32 $0x108;
	s8 =	sld [smem:$0x3F89]  }
0x2e: {  	s3 =	simm.s32 @!p0 $0x1082;
	s9 =	sld [smem:$0x3F8A]  }
0x2f: {  	lr =	sadd.s32 s0, s3;
	s0 =	sld [smem:$0x3F81]  }
0x30: {  	s3 =	sld [smem:$0x3F84]  }
0x31: {  	[smem:$0x3F8D] =	sst s10  }
0x32: {  	s10 =	sld [smem:$0x3F8B];
	_ =	sdelay $0x3  }
0x33: {  	p0 =	seq.s32 s10, $0x1;
	s10 =	sld [smem:$0x3F8D];
	_ =	sdelay $0x3  }
0x34: {  	[smem:$0x3F8D] =	sst s10  }
0x35: {  	s10 =	sld [smem:$0x3F8C];
	_ =	sdelay $0x3  }
0x36: {  	p1 =	seq.s32 s10, $0x1;
	s10 =	sld [smem:$0x3F8D];
	_ =	sdelay $0x3  }
0x37: {  	[smem:$0x3F8D] =	sst s10  }
0x38: {  	s10 =	sld [smem:$0x3F8E]  }
0x39: {  	_ = 	snop;
	(pc) =	sbr.ind lr, $3  }
0x3a: {  	_ = 	snop  }
0x3b: {  	_ = 	snop  }
0x3c: {  	p2 =	seq.s32 s10, $0x1;
	s10 =	sld [smem:$0x3F8D]  }
0x3d: {  	_ =	shalt  }
0x3e: {  	_ =	shalt  }
0x3f: {  	_ =	shalt  }
0x40: {  	_ =	shalt  }
0x41: {  	_ =	shalt  }
0x42: {  	_ =	shalt  }
0x43: {  	_ =	shalt  }
0x44: {  	_ =	shalt  }
0x45: {  	_ =	shalt  }
0x46: {  	_ =	shalt  }
0x47: {  	_ =	shalt  }
0x48: {  	_ =	shalt  }
0x49: {  	_ =	shalt  }
0x4a: {  	_ =	shalt  }
0x4b: {  	_ =	shalt  }
0x4c: {  	_ =	shalt  }
0x4d: {  	_ =	shalt  }
0x4e: {  	_ =	shalt  }
0x4f: {  	_ =	shalt  }
0x50: {  	_ =	shalt  }
0x51: {  	_ =	shalt  }
0x52: {  	_ =	shalt  }
0x53: {  	_ =	shalt  }
0x54: {  	_ =	shalt  }
0x55: {  	_ =	shalt  }
0x56: {  	_ =	shalt  }
0x57: {  	_ =	shalt  }
0x58: {  	_ =	shalt  }
0x59: {  	_ =	shalt  }
0x5a: {  	_ =	shalt  }
0x5b: {  	_ =	shalt  }
0x5c: {  	_ =	shalt  }
0x5d: {  	_ =	shalt  }
0x5e: {  	_ =	shalt  }
0x5f: {  	_ =	shalt  }
0x60: {  	_ =	shalt  }
0x61: {  	_ =	shalt  }
0x62: {  	_ =	shalt  }
0x63: {  	_ =	shalt  }
0x64: {  	_ =	shalt  }
0x65: {  	_ =	shalt  }
0x66: {  	_ =	shalt  }
0x67: {  	_ =	shalt  }
0x68: {  	_ =	shalt  }
0x69: {  	_ =	shalt  }
0x6a: {  	_ =	shalt  }
0x6b: {  	_ =	shalt  }
0x6c: {  	_ =	shalt  }
0x6d: {  	_ =	shalt  }
0x6e: {  	_ =	shalt  }
0x6f: {  	_ =	shalt  }
0x70: {  	_ =	shalt  }
0x71: {  	_ =	shalt  }
0x72: {  	_ =	shalt  }
0x73: {  	_ =	shalt  }
0x74: {  	_ =	shalt  }
0x75: {  	_ =	shalt  }
0x76: {  	_ =	shalt  }
0x77: {  	_ =	shalt  }
0x78: {  	_ =	shalt  }
0x79: {  	_ =	shalt  }
0x7a: {  	_ =	shalt  }
0x7b: {  	_ =	shalt  }
0x7c: {  	_ =	shalt  }
0x7d: {  	_ =	shalt  }
0x7e: {  	_ =	shalt  }
0x7f: {  	_ =	shalt  }
0x80: {  	_ =	shalt  }
0x81: {  	_ =	shalt  }
0x82: {  	_ =	shalt  }
0x83: {  	_ =	shalt  }
0x84: {  	_ =	shalt  }
0x85: {  	_ =	shalt  }
0x86: {  	_ =	shalt  }
0x87: {  	_ =	shalt  }
.Lfunc_end0:
.L_simem_size_0:
called_computation.2_lowered:
.L_overlay_start_0:
0x88: {  	s2 =	sld [smem:$0x3FD9]  }
0x89: {  	s3 =	sld [smem:$0x3FFE];
	_ =	sdelay $0x1  }
0x8a: {  	s1 =	srdreg.scid  }
0x8b: {  	s0 =	sand.u32 $0x1, s1  }
0x8c: {  	s16 =	sshll.u32 s0, $0xA;
	s2 =	sadd.s32 s3, s2  }
0x8d: {  	s2 =	sadd.s32 s2, s16  }
0x8e: {  	[smem:$0x3F99] =	sst s2  }
0x8f: {  	_ = 	snop  }
0x90: {  	(tm) =	ssettm $0x1  }
0x91: {  	s17 =	sld [smem:$0x3FFB];
	_ =	sdelay $0x3  }
0x92: {  	_ =	strace s17  }
0x93: {  	s2 =	sld [smem:$0x3FFC];
	_ =	sdelay $0x3  }
0x94: {  	_ =	strace s2  }
0x95: {  	s2 =	sld [smem:$0x3FFD];
	_ =	sdelay $0x3  }
0x96: {  	_ =	strace s2  }
0x97: {  	_ =	strace $0x8FFFFFFF  }
0x98: {  	s18 =	sld [smem:$0x3FDB];
	_ =	sdelay $0x1  }
0x99: {  	s19 =	simm.s32 $_scs_section_size  }
0x9a: {  	s4 =	simm.s32 $_size__tile_overlayer_lowered;
	s5 =	simm.s32 $_tile_overlayer_lowered  }
0x9b: {  	s22 =	simm.s32 $0x1BFF;
	s21 =	sshll.u32 s5, $0x1;
	s2 =	sadd.s32 s19, s18  }
0x9c: {  	s6 =	simm.s32 $0x0;
	s20 =	sshll.u32 s4, $0x1;
	s4 =	sadd.s32 s21, s2  }
0x9d: {  	[timem:s6], [sflag:s22] =	dma.local [hbm:s4], s20  }
0x9e: {  	_ =	swait.ge [sflag:s22], s20  }
0x9f: {  	s3 =	ssub.s32 $0x0, s20;
	[sflag:s22] =	ssyncset.done $0x0  }
0xa0: {  	[sflag:s22] =	ssyncadd.s32 s3;
	_ =	sdelay $0x1  }
0xa1: {  	s23 =	simm.s32 $0x1B8B  }
0xa2: {  	_ =	swait.ge [sflag:s23], $0x1  }
0xa3: {  	[sflag:s23] =	ssyncset.done $0x0  }
0xa4: {  	s25 =	simm.s32 $0x1B8E;
	s24 =	sld [smem:$0x3FFE];
	[sflag:s23] =	ssyncadd.s32 $0xFFFFFFFF  }
0xa5: {  	s26 =	simm.s32 $execute0_lowered;
	[smem:$0x3FD2] =	sst s25  }
0xa6: {  	s4 =	sshll.u32 s26, $0x1;
	_ =	strace $0x8000004C;
	[dreg:$0x1] =	wrdreg $0xFFFFFFFF  }
0xa7: {  	s28 =	simm.s32 $_size_execute0_lowered;
	s2 =	sadd.s32 s2, s4;
	[dreg:$0x0] =	wrdreg $0x0  }
0xa8: {  	s4 =	sshll.u32 s28, $0x1;
	[dreg:$0x2] =	wrdreg s2  }
0xa9: {  	[dreg:$0x3] =	wrdreg s4  }
0xaa: {  	[dreg:$0x4] =	wrdreg $0xC0  }
0xab: {  	_ =	task [dreg:s6], $0x5FFFF  }
0xac: {  	[dreg:$0x1] =	wrdreg $0xFFFFFFFF  }
0xad: {  	[dreg:$0x0] =	wrdreg $0x60  }
0xae: {  	[dreg:$0x2] =	wrdreg s24  }
0xaf: {  	[dreg:$0x3] =	wrdreg $0x90000  }
0xb0: {  	[dreg:$0x4] =	wrdreg $0x9  }
0xb1: {  	_ =	task.clear_ibuf [dreg:s6], $0x5FFFF;
	_ =	strace $0x9000004C  }
0xb2: {  	s29 =	simm.s32 $0x9;
	_ =	strace $0x8000004E  }
0xb3: {  	_ =	swait.ge [sflag:s29], $0x1  }
0xb4: {  	[sflag:s29] =	ssyncadd.s32 $0xFFFFFFFF  }
0xb5: {  	_ =	strace $0x9000004E  }
0xb6: {  	_ =	sfence  }
0xb7: {  	s30 =	sld [smem:$0x0];
	_ =	sdelay $0x2  }
0xb8: {  	s31 =	sshll.u32 s1, $0xD;
	s1 =	sshrl.u32 s1, $0x2  }
0xb9: {  	s3 =	sand.u32 $0x4000, s31;
	s1 =	sadd.s32 s1, s30  }
0xba: {  	s0 =	sor.u32 s3, s0;
	s1 =	sshll.u32 s1, $0x11  }
0xbb: {  	s0 =	sor.u32 s1, s0  }
0xbc: {  	s0 =	sadd.s32 $0x8F2B, s0  }
0xbd: {  	[sflag:s0] =	ssyncadd.remote.s32 $0x1  }
0xbe: {  	_ =	sfence.sel $0xFFFF  }
0xbf: {  	[dreg:$0x0] =	wrdreg $0xFFFFFFFF;
	(pc) =	sbr.abs _section_cstart, $3  }
0xc0: {  	[dreg:$0x1] =	wrdreg $0xFFFFFFFF  }
0xc1: {  	_ =	task.clear_ibuf [dreg:s6], $0x2FFFF;
	_ =	strace $0x9FFFFFFF  }
0xc2: {  	(tm) =	ssettm $0x7FFFFFFF  }
0xc3: {  	_ =	shalt  }
tec
execute0_lowered:
.L_overlay_start_1:
0x0: {  	(tag) =	ssettag $0x1  }
0x1: {  	s1 =	srdreg.scid  }
0x2: {  	s0 =	stileid.u32;
	s5 =	rddreg [dreg:$0x0]  }
0x3: {  	s2 =	rddreg [dreg:$0x1];
	s3 =	simm.s32 $0x0;
	s13 =	simm.s32 $0x80  }
0x4: {  	s14 =	simm.s32 $0x5000;
	s15 =	simm.s32 $0x1;
	s6 =	sand.u32 $0x1, s1  }
0x5: {  	s29 =	sshll.u32 s0, $0x1;
	s1 =	rddreg [dreg:$0x2];
	s16 =	smul.u32 $0x2800, s0  }
0x6: {  	[smem:$0x7FF] =	sst s3;
	s9 =	smul.u32 $0x50000, s0;
	s31 =	sshll.u32 s0, $0x6  }
0x7: {  	s4 =	sor.u32 s6, s29;
	_ =	strace $0x8000004D;
	s8 =	smul.u32 $0x28000, s6  }
0x8: {  	s6 =	ssub.s32 $0x2, s6;
	s7 =	smul.u32 $0x500, s4;
	s4 =	sadd.s32 $0x6B200, s5  }
0x9: {  	s10 =	sadd.s32 s16, s5;
	s30 =	sshrl.u32 s6, $0x1;
	s9 =	sshrl.u32 s9, $0x2  }
0xa: {  	s8 =	sadd.s32 s8, s5;
	s11 =	ssub.s32 s6, s30;
	s12 =	sadd.s32 s9, s2  }
0xb: {  	s9 =	simm.s32 $0x2;
	s7 =	sadd.s32 s7, s5;
	s17 =	sadd.s32 $0x93200, s8  }
0xc: {  	s8 =	smax.u32 s11, $0x1;
	s11 =	sor.u32 $0x1C02, s31;
	s12 =	sshrl.u32 s12, $0x3  }
0xd: {  	s5 =	sadd.s32 $0x61200, s7;
	s6 =	sadd.s32 $0x57200, s7;
	s7 =	sadd.s32 $0x2F200, s10  }
0xe: {  	s10 =	simm.s32 $0x2800;
	s16 =	sadd.s32 s16, s17;
	s17 =	simm.s32 $0x0  }
.LBB2_1:
0xf: {  	[tilespmem:s3], [sflag:$0x2] =	stream.linear.gather [hbm4b:s5+s3], $0x2800, $0x38;
	[tilespmem:$0x1D000] =	vst v63  }
0x10: {  	_ =	swait.ge [sflag:s9], $0x2800  }
0x11: {  	[sflag:s9] =	ssyncset.done $0x0  }
0x12: {  	[sflag:s9] =	ssyncadd.s32 $0xFFFFD800  }
0x13: {  	[tilespmem:s10], [sflag:$0x2] =	stream.linear.gather [hbm4b:s6+s3], $0x2800, $0x38;
	[tilespmem:$0x1D000] =	vst v63  }
0x14: {  	_ =	swait.ge [sflag:s9], $0x2800  }
0x15: {  	[sflag:s9] =	ssyncset.done $0x0  }
0x16: {  	[sflag:s9] =	ssyncadd.s32 $0xFFFFD800  }
0x17: {  	[spmem:s12], [sflag:s11] =	dma.local [hbm:s7], $0x2800  }
0x18: {  	_ =	swait.ge [sflag:s9], $0x2800  }
0x19: {  	[sflag:s9] =	ssyncset.done $0x0  }
0x1a: {  	[sflag:s9] =	ssyncadd.s32 $0xFFFFD800  }
0x1b: {  	s18 =	simm.s32 $0x2800;
	[bflag:$0x0] =	sbarrier.arrive $0xFFFF  }
0x1c: {  	[tilespmem:s14], [sflag:$0x1] =	stream.indirect.gather [hbm4b:s4+s13], $0x80, s18, s13, $0xb8;
	[tilespmem:$0x1D000] =	vst v63  }
0x1d: {  	_ =	swait.ge [sflag:s15], $0x4000  }
0x1e: {  	[sflag:s15] =	ssyncset.done $0x0  }
0x1f: {  	s31 =	simm.s32 $0x0;
	[sflag:s15] =	ssyncadd.s32 $0xFFFFC000  }
0x20: {  	[spmem:s2] =	stream.indirect.scatter.add.f32 [tilespmem:s14], [sflag:$0x2], $0x80, s31, s13, $0xb8;
	[tilespmem:$0x1D000] =	vst v63  }
0x21: {  	_ =	swait.ge [sflag:s9], $0x4000  }
0x22: {  	s19 =	simm.s32 $0x400;
	s18 =	simm.s32 $0x80;
	[sflag:s9] =	ssyncset.done $0x0  }
.LBB2_2:
0x23: {  	s20 =	sadd.s32 $0x2800, s18  }
0x24: {  	[sflag:s9] =	ssyncadd.s32 $0xFFFFC000;
	s21 =	smov.u32 s19;
	s22 =	sadd.s32 $0x200, s19  }
0x25: {  	[tilespmem:s14], [sflag:$0x1] =	stream.indirect.gather [hbm4b:s4+s13], $0x80, s20, s13, $0xb8;
	[tilespmem:$0x1D000] =	vst v63  }
0x26: {  	p0 =	sne.s32 s19, $0x9E00;
	_ =	swait.ge [sflag:s15], $0x4000  }
.Ltmp0:
0x27: {  	[sflag:s15] =	ssyncset.done $0x0;
	(pc) =	sbr.rel @p0 .LBB2_2-.Ltmp0, $4  }
0x28: {  	[sflag:s15] =	ssyncadd.s32 $0xFFFFC000  }
0x29: {  	[spmem:s2] =	stream.indirect.scatter.add.f32 [tilespmem:s14], [sflag:$0x2], $0x80, s18, s13, $0xb8;
	[tilespmem:$0x1D000] =	vst v63  }
0x2a: {  	_ =	swait.ge [sflag:s9], $0x4000  }
0x2b: {  	s19 =	smov.u32 s22;
	s18 =	sshra.s32 s21, $0x2;
	[sflag:s9] =	ssyncset.done $0x0  }
0x2c: {  	s19 =	sadd.s32 $0x2800, s18;
	[sflag:s9] =	ssyncadd.s32 $0xFFFFC000  }
0x2d: {  	[tilespmem:s14], [sflag:$0x1] =	stream.indirect.gather [hbm4b:s4+s13], $0x80, s19, s13, $0xb8;
	[tilespmem:$0x1D000] =	vst v63  }
0x2e: {  	_ =	swait.ge [sflag:s15], $0x4000  }
0x2f: {  	[sflag:s15] =	ssyncset.done $0x0  }
0x30: {  	[sflag:s15] =	ssyncadd.s32 $0xFFFFC000  }
0x31: {  	[spmem:s2] =	stream.indirect.scatter.add.f32 [tilespmem:s14], [sflag:$0x2], $0x80, s18, s13, $0xb8;
	[tilespmem:$0x1D000] =	vst v63  }
0x32: {  	_ =	swait.ge [sflag:s9], $0x4000  }
0x33: {  	s17 =	sadd.s32 $0x1, s17;
	[sflag:s9] =	ssyncset.done $0x0  }
0x34: {  	p0 =	sne.s32 s17, s8;
	[sflag:s9] =	ssyncadd.s32 $0xFFFFC000  }
.Ltmp1:
0x35: {  	[bflag:$0x0] =	sbarrier.arrive $0xFFFF;
	(pc) =	sbr.rel @p0 .LBB2_1-.Ltmp1, $4  }
0x36: {  	[hbm:s16], [sflag:s11] =	dma.local [spmem:s12], $0x2800  }
0x37: {  	_ =	swait.ge [sflag:s9], $0x2800  }
0x38: {  	[sflag:s9] =	ssyncset.done $0x0  }
0x39: {  	[sflag:s9] =	ssyncadd.s32 $0xFFFFD800  }
0x3a: {  	_ =	sfence.sel $0x180000  }
0x3b: {  	[bflag:$0x0] =	sbarrier.arrive $0xFFFF  }
0x3c: {  	p0 =	sne.s32 s0, $0x0;
	_ =	strace $0x9000004D  }
0x3d: {  	s0 =	sadd.s32 @!p0 $0x100000, s1;
	[bflag:$0x2] =	sbarrier.arrive $0xFFFF  }
0x3e: {  	[sflag:s0] =	ssyncadd.tile.s32 @!p0 $0x1;
	_ =	shalt  }
.Lfunc_end2:
_tile_overlayer_lowered:
.L_overlay_start_2:
0x3f: {  	(tag) =	ssettag $0x2  }
0x40: {  	s0 =	rddreg [dreg:$0x0];
	s2 =	stileid.u32  }
0x41: {  	s1 =	rddreg [dreg:$0x1];
	p0 =	sne.s32 s2, $0x0  }
0x42: {  	s3 =	rddreg [dreg:$0x2];
	[bflag:$0x3] =	sbarrier.arrive $0xFFFF;
	s2 =	simm.s32 @!p0 $0x1C02  }
0x43: {  	[timem:s3], [sflag:s2] =	dma.local @!p0 [hbm:s0], s1  }
0x44: {  	s0 =	simm.s32 @!p0 $0x2  }
0x45: {  	_ =	swait.ge @!p0 [sflag:s0], s1  }
0x46: {  	s1 =	ssub.s32 @!p0 $0x0, s1;
	[sflag:s0] =	ssyncset.done @!p0 $0x0  }
0x47: {  	[sflag:s0] =	ssyncadd.s32 @!p0 s1  }
0x48: {  	[bflag:$0x3] =	sbarrier.arrive $0xFFFF  }
0x49: {  	_ =	shalt  }

// kernel: kernel.24.cloned.1.call-start
scs
__scs_entry_jumppad:
0x0: {  	(pc) =	sbr.rel $0x88, $3  }
0x1: {  	(tag) =	ssettag $0x0;
	lr =	simm.s32 $0x1  }
0x2: {  	[smem:$0x3F72] =	sst lr;
	_ =	strace $0xD0000000  }
0x3: {  	_ = 	snop  }
0x4: {  	_ = 	snop  }
0x5: {  	_ = 	snop  }
0x6: {  	_ = 	snop  }
0x7: {  	_ = 	snop  }
__scs_overlays_trampoline_lowered:
0x8: {  	[smem:$0x3F81] =	sst s0  }
0x9: {  	[smem:$0x3F82] =	sst s1  }
0xa: {  	[smem:$0x3F83] =	sst s2  }
0xb: {  	[smem:$0x3F84] =	sst s3  }
0xc: {  	[smem:$0x3F85] =	sst s4  }
0xd: {  	[smem:$0x3F86] =	sst s5  }
0xe: {  	[smem:$0x3F87] =	sst s6  }
0xf: {  	[smem:$0x3F88] =	sst s7  }
0x10: {  	[smem:$0x3F89] =	sst s8  }
0x11: {  	[smem:$0x3F8A] =	sst s9;
	s0 =	simm.s32 @!p0 $0x0  }
0x12: {  	s1 =	sld [smem:$0x3F70];
	s0 =	simm.s32 @p0 $0x1  }
0x13: {  	[smem:$0x3F8B] =	sst s0;
	s0 =	simm.s32 @!p1 $0x0  }
0x14: {  	s2 =	sld [smem:$0x3F6F];
	s0 =	simm.s32 @p1 $0x1  }
0x15: {  	[smem:$0x3F8C] =	sst s0;
	s0 =	simm.s32 @!p2 $0x0  }
0x16: {  	s3 =	sld [smem:$0x3FDB];
	s0 =	simm.s32 @p2 $0x1  }
0x17: {  	s4 =	simm.s32 $0x1BF5;
	[smem:$0x3F8E] =	sst s0  }
0x18: {  	s0 =	sld [smem:$0x3F71];
	_ =	swait.ge [sflag:s4], $0x0  }
0x19: {  	s7 =	sld [smem:$0x3F72]  }
0x1a: {  	s8 =	sadd.s32 $0xFFFFE003, lr  }
0x1b: {  	s9 =	sadd.s32 $0xFFFFFEF7, lr;
	s5 =	simm.s32 $0xFFFFFFFF;
	p2 =	slt.u32 s8, $0xFFFFF086  }
0x1c: {  	p1 =	slt.u32 s9, $0xF7A;
	s5 =	simm.s32 @!p2 $0x0  }
0x1d: {  	s5 =	simm.s32 @p1 $0x1;
	p0 =	seq.s32 s7, s2  }
0x1e: {  	s7 =	smul.u32 @!p0 $0xF7A, s2;
	p2 =	seq.s32 @!p0 s5, $0x0  }
0x1f: {  	s9 =	smul.u32 $0xF7A, s1;
	s8 =	simm.s32 @!p0 $0x1BF5;
	p2 =	por !p2, p0  }
0x20: {  	[sflag:s8] =	ssyncset.s32 @!p0 $0xFFFFF086;
	s6 =	sadd.s32 @!p0 s3, s7;
	s7 =	simm.s32 @!p0 $0x108  }
0x21: {  	s3 =	sadd.s32 s3, s9;
	s6 =	sadd.s32 @!p0 $0x88, s6;
	s7 =	simm.s32 @p2 $0x1082  }
0x22: {  	[simem:s7], [sflag:s8] =	dma.local @!p0 [hbm:s6], $0xF7A  }
0x23: {  	s9 =	sor.u32 $0xD0000000, s2;
	s6 =	simm.s32 $0x108;
	_ =	swait.ge @!p0 [sflag:s8], $0x0  }
0x24: {  	s3 =	sadd.s32 $0x88, s3;
	s6 =	simm.s32 @!p1 $0x1082;
	[sflag:s4] =	ssyncset.s32 $0xFFFFF086  }
0x25: {  	[simem:s6], [sflag:s4] =	dma.local [hbm:s3], $0xF7A  }
0x26: {  	[smem:$0x3F72] =	sst s1;
	(tag) =	ssettag s2;
	_ =	strace s9  }
0x27: {  	s1 =	sld [smem:$0x3F82]  }
0x28: {  	s2 =	sld [smem:$0x3F83]  }
0x29: {  	s4 =	sld [smem:$0x3F85]  }
0x2a: {  	p0 =	seq.s32 s5, $0x0;
	s5 =	sld [smem:$0x3F86]  }
0x2b: {  	s6 =	sld [smem:$0x3F87]  }
0x2c: {  	s7 =	sld [smem:$0x3F88]  }
0x2d: {  	s3 =	simm.s32 $0x108;
	s8 =	sld [smem:$0x3F89]  }
0x2e: {  	s3 =	simm.s32 @!p0 $0x1082;
	s9 =	sld [smem:$0x3F8A]  }
0x2f: {  	lr =	sadd.s32 s0, s3;
	s0 =	sld [smem:$0x3F81]  }
0x30: {  	s3 =	sld [smem:$0x3F84]  }
0x31: {  	[smem:$0x3F8D] =	sst s10  }
0x32: {  	s10 =	sld [smem:$0x3F8B];
	_ =	sdelay $0x3  }
0x33: {  	p0 =	seq.s32 s10, $0x1;
	s10 =	sld [smem:$0x3F8D];
	_ =	sdelay $0x3  }
0x34: {  	[smem:$0x3F8D] =	sst s10  }
0x35: {  	s10 =	sld [smem:$0x3F8C];
	_ =	sdelay $0x3  }
0x36: {  	p1 =	seq.s32 s10, $0x1;
	s10 =	sld [smem:$0x3F8D];
	_ =	sdelay $0x3  }
0x37: {  	[smem:$0x3F8D] =	sst s10  }
0x38: {  	s10 =	sld [smem:$0x3F8E]  }
0x39: {  	_ = 	snop;
	(pc) =	sbr.ind lr, $3  }
0x3a: {  	_ = 	snop  }
0x3b: {  	_ = 	snop  }
0x3c: {  	p2 =	seq.s32 s10, $0x1;
	s10 =	sld [smem:$0x3F8D]  }
0x3d: {  	_ =	shalt  }
0x3e: {  	_ =	shalt  }
0x3f: {  	_ =	shalt  }
0x40: {  	_ =	shalt  }
0x41: {  	_ =	shalt  }
0x42: {  	_ =	shalt  }
0x43: {  	_ =	shalt  }
0x44: {  	_ =	shalt  }
0x45: {  	_ =	shalt  }
0x46: {  	_ =	shalt  }
0x47: {  	_ =	shalt  }
0x48: {  	_ =	shalt  }
0x49: {  	_ =	shalt  }
0x4a: {  	_ =	shalt  }
0x4b: {  	_ =	shalt  }
0x4c: {  	_ =	shalt  }
0x4d: {  	_ =	shalt  }
0x4e: {  	_ =	shalt  }
0x4f: {  	_ =	shalt  }
0x50: {  	_ =	shalt  }
0x51: {  	_ =	shalt  }
0x52: {  	_ =	shalt  }
0x53: {  	_ =	shalt  }
0x54: {  	_ =	shalt  }
0x55: {  	_ =	shalt  }
0x56: {  	_ =	shalt  }
0x57: {  	_ =	shalt  }
0x58: {  	_ =	shalt  }
0x59: {  	_ =	shalt  }
0x5a: {  	_ =	shalt  }
0x5b: {  	_ =	shalt  }
0x5c: {  	_ =	shalt  }
0x5d: {  	_ =	shalt  }
0x5e: {  	_ =	shalt  }
0x5f: {  	_ =	shalt  }
0x60: {  	_ =	shalt  }
0x61: {  	_ =	shalt  }
0x62: {  	_ =	shalt  }
0x63: {  	_ =	shalt  }
0x64: {  	_ =	shalt  }
0x65: {  	_ =	shalt  }
0x66: {  	_ =	shalt  }
0x67: {  	_ =	shalt  }
0x68: {  	_ =	shalt  }
0x69: {  	_ =	shalt  }
0x6a: {  	_ =	shalt  }
0x6b: {  	_ =	shalt  }
0x6c: {  	_ =	shalt  }
0x6d: {  	_ =	shalt  }
0x6e: {  	_ =	shalt  }
0x6f: {  	_ =	shalt  }
0x70: {  	_ =	shalt  }
0x71: {  	_ =	shalt  }
0x72: {  	_ =	shalt  }
0x73: {  	_ =	shalt  }
0x74: {  	_ =	shalt  }
0x75: {  	_ =	shalt  }
0x76: {  	_ =	shalt  }
0x77: {  	_ =	shalt  }
0x78: {  	_ =	shalt  }
0x79: {  	_ =	shalt  }
0x7a: {  	_ =	shalt  }
0x7b: {  	_ =	shalt  }
0x7c: {  	_ =	shalt  }
0x7d: {  	_ =	shalt  }
0x7e: {  	_ =	shalt  }
0x7f: {  	_ =	shalt  }
0x80: {  	_ =	shalt  }
0x81: {  	_ =	shalt  }
0x82: {  	_ =	shalt  }
0x83: {  	_ =	shalt  }
0x84: {  	_ =	shalt  }
0x85: {  	_ =	shalt  }
0x86: {  	_ =	shalt  }
0x87: {  	_ =	shalt  }
.Lfunc_end0:
.L_simem_size_0:
called_computation.3_lowered:
.L_overlay_start_0:
0x88: {  	s2 =	sld [smem:$0x3FD9]  }
0x89: {  	s3 =	sld [smem:$0x3FFE];
	_ =	sdelay $0x1  }
0x8a: {  	s1 =	srdreg.scid  }
0x8b: {  	s0 =	sand.u32 $0x1, s1  }
0x8c: {  	s16 =	sshll.u32 s0, $0xA;
	s2 =	sadd.s32 s3, s2  }
0x8d: {  	s2 =	sadd.s32 s2, s16  }
0x8e: {  	[smem:$0x3F99] =	sst s2  }
0x8f: {  	_ = 	snop  }
0x90: {  	(tm) =	ssettm $0x1  }
0x91: {  	s17 =	sld [smem:$0x3FFB];
	_ =	sdelay $0x3  }
0x92: {  	_ =	strace s17  }
0x93: {  	s2 =	sld [smem:$0x3FFC];
	_ =	sdelay $0x3  }
0x94: {  	_ =	strace s2  }
0x95: {  	s2 =	sld [smem:$0x3FFD];
	_ =	sdelay $0x3  }
0x96: {  	_ =	strace s2  }
0x97: {  	_ =	strace $0x8FFFFFFF  }
0x98: {  	s18 =	sld [smem:$0x3FDB];
	_ =	sdelay $0x1  }
0x99: {  	s19 =	simm.s32 $_scs_section_size  }
0x9a: {  	s4 =	simm.s32 $_size__tile_overlayer_lowered;
	s5 =	simm.s32 $_tile_overlayer_lowered  }
0x9b: {  	s22 =	simm.s32 $0x1BFF;
	s21 =	sshll.u32 s5, $0x1;
	s2 =	sadd.s32 s19, s18  }
0x9c: {  	s6 =	simm.s32 $0x0;
	s20 =	sshll.u32 s4, $0x1;
	s4 =	sadd.s32 s21, s2  }
0x9d: {  	[timem:s6], [sflag:s22] =	dma.local [hbm:s4], s20  }
0x9e: {  	_ =	swait.ge [sflag:s22], s20  }
0x9f: {  	s3 =	ssub.s32 $0x0, s20;
	[sflag:s22] =	ssyncset.done $0x0  }
0xa0: {  	[sflag:s22] =	ssyncadd.s32 s3;
	_ =	sdelay $0x1  }
0xa1: {  	s23 =	simm.s32 $0x1B8B  }
0xa2: {  	_ =	swait.ge [sflag:s23], $0x1  }
0xa3: {  	[sflag:s23] =	ssyncset.done $0x0  }
0xa4: {  	s25 =	simm.s32 $0x1B8E;
	s24 =	sld [smem:$0x3FFE];
	[sflag:s23] =	ssyncadd.s32 $0xFFFFFFFF  }
0xa5: {  	s26 =	simm.s32 $execute0_lowered;
	[smem:$0x3FD2] =	sst s25  }
0xa6: {  	s4 =	sshll.u32 s26, $0x1;
	_ =	strace $0x8000004F;
	[dreg:$0x1] =	wrdreg $0xFFFFFFFF  }
0xa7: {  	s28 =	simm.s32 $_size_execute0_lowered;
	s2 =	sadd.s32 s2, s4;
	[dreg:$0x0] =	wrdreg $0x0  }
0xa8: {  	s4 =	sshll.u32 s28, $0x1;
	[dreg:$0x2] =	wrdreg s2  }
0xa9: {  	[dreg:$0x3] =	wrdreg s4  }
0xaa: {  	[dreg:$0x4] =	wrdreg $0xC0  }
0xab: {  	_ =	task [dreg:s6], $0x5FFFF  }
0xac: {  	[dreg:$0x1] =	wrdreg $0xFFFFFFFF  }
0xad: {  	[dreg:$0x0] =	wrdreg $0x60  }
0xae: {  	[dreg:$0x2] =	wrdreg s24  }
0xaf: {  	[dreg:$0x3] =	wrdreg $0x90000  }
0xb0: {  	[dreg:$0x4] =	wrdreg $0x9  }
0xb1: {  	_ =	task.clear_ibuf [dreg:s6], $0x5FFFF;
	_ =	strace $0x9000004F  }
0xb2: {  	s29 =	simm.s32 $0x9;
	_ =	strace $0x80000051  }
0xb3: {  	_ =	swait.ge [sflag:s29], $0x1  }
0xb4: {  	[sflag:s29] =	ssyncadd.s32 $0xFFFFFFFF  }
0xb5: {  	_ =	strace $0x90000051  }
0xb6: {  	_ =	sfence  }
0xb7: {  	s30 =	sld [smem:$0x0];
	_ =	sdelay $0x2  }
0xb8: {  	s31 =	sshll.u32 s1, $0xD;
	s1 =	sshrl.u32 s1, $0x2  }
0xb9: {  	s3 =	sand.u32 $0x4000, s31;
	s1 =	sadd.s32 s1, s30  }
0xba: {  	s0 =	sor.u32 s3, s0;
	s1 =	sshll.u32 s1, $0x11  }
0xbb: {  	s0 =	sor.u32 s1, s0  }
0xbc: {  	s0 =	sadd.s32 $0x8F2B, s0  }
0xbd: {  	[sflag:s0] =	ssyncadd.remote.s32 $0x1  }
0xbe: {  	_ =	sfence.sel $0xFFFF  }
0xbf: {  	[dreg:$0x0] =	wrdreg $0xFFFFFFFF;
	(pc) =	sbr.abs _section_cstart, $3  }
0xc0: {  	[dreg:$0x1] =	wrdreg $0xFFFFFFFF  }
0xc1: {  	_ =	task.clear_ibuf [dreg:s6], $0x2FFFF;
	_ =	strace $0x9FFFFFFF  }
0xc2: {  	(tm) =	ssettm $0x7FFFFFFF  }
0xc3: {  	_ =	shalt  }
tec
execute0_lowered:
.L_overlay_start_1:
0x0: {  	(tag) =	ssettag $0x1  }
0x1: {  	s1 =	srdreg.scid  }
0x2: {  	s0 =	stileid.u32;
	s5 =	rddreg [dreg:$0x0]  }
0x3: {  	s2 =	rddreg [dreg:$0x1];
	s3 =	simm.s32 $0x0;
	s13 =	simm.s32 $0x80  }
0x4: {  	s14 =	simm.s32 $0x5000;
	s15 =	simm.s32 $0x1;
	s6 =	sand.u32 $0x1, s1  }
0x5: {  	s29 =	sshll.u32 s0, $0x1;
	s1 =	rddreg [dreg:$0x2];
	s16 =	smul.u32 $0x2800, s0  }
0x6: {  	[smem:$0x7FF] =	sst s3;
	s9 =	smul.u32 $0x50000, s0;
	s31 =	sshll.u32 s0, $0x6  }
0x7: {  	s4 =	sor.u32 s6, s29;
	_ =	strace $0x80000050;
	s8 =	smul.u32 $0x28000, s6  }
0x8: {  	s6 =	ssub.s32 $0x2, s6;
	s7 =	smul.u32 $0x500, s4;
	s4 =	sadd.s32 $0x6B200, s5  }
0x9: {  	s10 =	sadd.s32 s16, s5;
	s30 =	sshrl.u32 s6, $0x1;
	s9 =	sshrl.u32 s9, $0x2  }
0xa: {  	s8 =	sadd.s32 s8, s5;
	s11 =	ssub.s32 s6, s30;
	s12 =	sadd.s32 s9, s2  }
0xb: {  	s9 =	simm.s32 $0x2;
	s7 =	sadd.s32 s7, s5;
	s17 =	sadd.s32 $0x93200, s8  }
0xc: {  	s8 =	smax.u32 s11, $0x1;
	s11 =	sor.u32 $0x1C02, s31;
	s12 =	sshrl.u32 s12, $0x3  }
0xd: {  	s5 =	sadd.s32 $0x61200, s7;
	s6 =	sadd.s32 $0x57200, s7;
	s7 =	sadd.s32 $0x2F200, s10  }
0xe: {  	s10 =	simm.s32 $0x2800;
	s16 =	sadd.s32 s16, s17;
	s17 =	simm.s32 $0x0  }
.LBB2_1:
0xf: {  	[tilespmem:s3], [sflag:$0x2] =	stream.linear.gather [hbm4b:s5+s3], $0x2800, $0x38;
	[tilespmem:$0x1D000] =	vst v63  }
0x10: {  	_ =	swait.ge [sflag:s9], $0x2800  }
0x11: {  	[sflag:s9] =	ssyncset.done $0x0  }
0x12: {  	[sflag:s9] =	ssyncadd.s32 $0xFFFFD800  }
0x13: {  	[tilespmem:s10], [sflag:$0x2] =	stream.linear.gather [hbm4b:s6+s3], $0x2800, $0x38;
	[tilespmem:$0x1D000] =	vst v63  }
0x14: {  	_ =	swait.ge [sflag:s9], $0x2800  }
0x15: {  	[sflag:s9] =	ssyncset.done $0x0  }
0x16: {  	[sflag:s9] =	ssyncadd.s32 $0xFFFFD800  }
0x17: {  	[spmem:s12], [sflag:s11] =	dma.local [hbm:s7], $0x2800  }
0x18: {  	_ =	swait.ge [sflag:s9], $0x2800  }
0x19: {  	[sflag:s9] =	ssyncset.done $0x0  }
0x1a: {  	[sflag:s9] =	ssyncadd.s32 $0xFFFFD800  }
0x1b: {  	s18 =	simm.s32 $0x2800;
	[bflag:$0x0] =	sbarrier.arrive $0xFFFF  }
0x1c: {  	[tilespmem:s14], [sflag:$0x1] =	stream.indirect.gather [hbm4b:s4+s13], $0x80, s18, s13, $0xb8;
	[tilespmem:$0x1D000] =	vst v63  }
0x1d: {  	_ =	swait.ge [sflag:s15], $0x4000  }
0x1e: {  	[sflag:s15] =	ssyncset.done $0x0  }
0x1f: {  	s31 =	simm.s32 $0x0;
	[sflag:s15] =	ssyncadd.s32 $0xFFFFC000  }
0x20: {  	[spmem:s2] =	stream.indirect.scatter.add.f32 [tilespmem:s14], [sflag:$0x2], $0x80, s31, s13, $0xb8;
	[tilespmem:$0x1D000] =	vst v63  }
0x21: {  	_ =	swait.ge [sflag:s9], $0x4000  }
0x22: {  	s19 =	simm.s32 $0x400;
	s18 =	simm.s32 $0x80;
	[sflag:s9] =	ssyncset.done $0x0  }
.LBB2_2:
0x23: {  	s20 =	sadd.s32 $0x2800, s18  }
0x24: {  	[sflag:s9] =	ssyncadd.s32 $0xFFFFC000;
	s21 =	smov.u32 s19;
	s22 =	sadd.s32 $0x200, s19  }
0x25: {  	[tilespmem:s14], [sflag:$0x1] =	stream.indirect.gather [hbm4b:s4+s13], $0x80, s20, s13, $0xb8;
	[tilespmem:$0x1D000] =	vst v63  }
0x26: {  	p0 =	sne.s32 s19, $0x9E00;
	_ =	swait.ge [sflag:s15], $0x4000  }
.Ltmp0:
0x27: {  	[sflag:s15] =	ssyncset.done $0x0;
	(pc) =	sbr.rel @p0 .LBB2_2-.Ltmp0, $4  }
0x28: {  	[sflag:s15] =	ssyncadd.s32 $0xFFFFC000  }
0x29: {  	[spmem:s2] =	stream.indirect.scatter.add.f32 [tilespmem:s14], [sflag:$0x2], $0x80, s18, s13, $0xb8;
	[tilespmem:$0x1D000] =	vst v63  }
0x2a: {  	_ =	swait.ge [sflag:s9], $0x4000  }
0x2b: {  	s19 =	smov.u32 s22;
	s18 =	sshra.s32 s21, $0x2;
	[sflag:s9] =	ssyncset.done $0x0  }
0x2c: {  	s19 =	sadd.s32 $0x2800, s18;
	[sflag:s9] =	ssyncadd.s32 $0xFFFFC000  }
0x2d: {  	[tilespmem:s14], [sflag:$0x1] =	stream.indirect.gather [hbm4b:s4+s13], $0x80, s19, s13, $0xb8;
	[tilespmem:$0x1D000] =	vst v63  }
0x2e: {  	_ =	swait.ge [sflag:s15], $0x4000  }
0x2f: {  	[sflag:s15] =	ssyncset.done $0x0  }
0x30: {  	[sflag:s15] =	ssyncadd.s32 $0xFFFFC000  }
0x31: {  	[spmem:s2] =	stream.indirect.scatter.add.f32 [tilespmem:s14], [sflag:$0x2], $0x80, s18, s13, $0xb8;
	[tilespmem:$0x1D000] =	vst v63  }
0x32: {  	_ =	swait.ge [sflag:s9], $0x4000  }
0x33: {  	s17 =	sadd.s32 $0x1, s17;
	[sflag:s9] =	ssyncset.done $0x0  }
0x34: {  	p0 =	sne.s32 s17, s8;
	[sflag:s9] =	ssyncadd.s32 $0xFFFFC000  }
.Ltmp1:
0x35: {  	[bflag:$0x0] =	sbarrier.arrive $0xFFFF;
	(pc) =	sbr.rel @p0 .LBB2_1-.Ltmp1, $4  }
0x36: {  	[hbm:s16], [sflag:s11] =	dma.local [spmem:s12], $0x2800  }
0x37: {  	_ =	swait.ge [sflag:s9], $0x2800  }
0x38: {  	[sflag:s9] =	ssyncset.done $0x0  }
0x39: {  	[sflag:s9] =	ssyncadd.s32 $0xFFFFD800  }
0x3a: {  	_ =	sfence.sel $0x180000  }
0x3b: {  	[bflag:$0x0] =	sbarrier.arrive $0xFFFF  }
0x3c: {  	p0 =	sne.s32 s0, $0x0;
	_ =	strace $0x90000050  }
0x3d: {  	s0 =	sadd.s32 @!p0 $0x100000, s1;
	[bflag:$0x2] =	sbarrier.arrive $0xFFFF  }
0x3e: {  	[sflag:s0] =	ssyncadd.tile.s32 @!p0 $0x1;
	_ =	shalt  }
.Lfunc_end2:
_tile_overlayer_lowered:
.L_overlay_start_2:
0x3f: {  	(tag) =	ssettag $0x2  }
0x40: {  	s0 =	rddreg [dreg:$0x0];
	s2 =	stileid.u32  }
0x41: {  	s1 =	rddreg [dreg:$0x1];
	p0 =	sne.s32 s2, $0x0  }
0x42: {  	s3 =	rddreg [dreg:$0x2];
	[bflag:$0x3] =	sbarrier.arrive $0xFFFF;
	s2 =	simm.s32 @!p0 $0x1C02  }
0x43: {  	[timem:s3], [sflag:s2] =	dma.local @!p0 [hbm:s0], s1  }
0x44: {  	s0 =	simm.s32 @!p0 $0x2  }
0x45: {  	_ =	swait.ge @!p0 [sflag:s0], s1  }
0x46: {  	s1 =	ssub.s32 @!p0 $0x0, s1;
	[sflag:s0] =	ssyncset.done @!p0 $0x0  }
0x47: {  	[sflag:s0] =	ssyncadd.s32 @!p0 s1  }
0x48: {  	[bflag:$0x3] =	sbarrier.arrive $0xFFFF  }
0x49: {  	_ =	shalt  }

// kernel: kernel.27.cloned.1.call-start
scs
__scs_entry_jumppad:
0x0: {  	(pc) =	sbr.rel $0x88, $3  }
0x1: {  	(tag) =	ssettag $0x0;
	lr =	simm.s32 $0x1  }
0x2: {  	[smem:$0x3F72] =	sst lr;
	_ =	strace $0xD0000000  }
0x3: {  	_ = 	snop  }
0x4: {  	_ = 	snop  }
0x5: {  	_ = 	snop  }
0x6: {  	_ = 	snop  }
0x7: {  	_ = 	snop  }
__scs_overlays_trampoline_lowered:
0x8: {  	[smem:$0x3F81] =	sst s0  }
0x9: {  	[smem:$0x3F82] =	sst s1  }
0xa: {  	[smem:$0x3F83] =	sst s2  }
0xb: {  	[smem:$0x3F84] =	sst s3  }
0xc: {  	[smem:$0x3F85] =	sst s4  }
0xd: {  	[smem:$0x3F86] =	sst s5  }
0xe: {  	[smem:$0x3F87] =	sst s6  }
0xf: {  	[smem:$0x3F88] =	sst s7  }
0x10: {  	[smem:$0x3F89] =	sst s8  }
0x11: {  	[smem:$0x3F8A] =	sst s9;
	s0 =	simm.s32 @!p0 $0x0  }
0x12: {  	s1 =	sld [smem:$0x3F70];
	s0 =	simm.s32 @p0 $0x1  }
0x13: {  	[smem:$0x3F8B] =	sst s0;
	s0 =	simm.s32 @!p1 $0x0  }
0x14: {  	s2 =	sld [smem:$0x3F6F];
	s0 =	simm.s32 @p1 $0x1  }
0x15: {  	[smem:$0x3F8C] =	sst s0;
	s0 =	simm.s32 @!p2 $0x0  }
0x16: {  	s3 =	sld [smem:$0x3FDB];
	s0 =	simm.s32 @p2 $0x1  }
0x17: {  	s4 =	simm.s32 $0x1BF5;
	[smem:$0x3F8E] =	sst s0  }
0x18: {  	s0 =	sld [smem:$0x3F71];
	_ =	swait.ge [sflag:s4], $0x0  }
0x19: {  	s7 =	sld [smem:$0x3F72]  }
0x1a: {  	s8 =	sadd.s32 $0xFFFFE003, lr  }
0x1b: {  	s9 =	sadd.s32 $0xFFFFFEF7, lr;
	s5 =	simm.s32 $0xFFFFFFFF;
	p2 =	slt.u32 s8, $0xFFFFF086  }
0x1c: {  	p1 =	slt.u32 s9, $0xF7A;
	s5 =	simm.s32 @!p2 $0x0  }
0x1d: {  	s5 =	simm.s32 @p1 $0x1;
	p0 =	seq.s32 s7, s2  }
0x1e: {  	s7 =	smul.u32 @!p0 $0xF7A, s2;
	p2 =	seq.s32 @!p0 s5, $0x0  }
0x1f: {  	s9 =	smul.u32 $0xF7A, s1;
	s8 =	simm.s32 @!p0 $0x1BF5;
	p2 =	por !p2, p0  }
0x20: {  	[sflag:s8] =	ssyncset.s32 @!p0 $0xFFFFF086;
	s6 =	sadd.s32 @!p0 s3, s7;
	s7 =	simm.s32 @!p0 $0x108  }
0x21: {  	s3 =	sadd.s32 s3, s9;
	s6 =	sadd.s32 @!p0 $0x88, s6;
	s7 =	simm.s32 @p2 $0x1082  }
0x22: {  	[simem:s7], [sflag:s8] =	dma.local @!p0 [hbm:s6], $0xF7A  }
0x23: {  	s9 =	sor.u32 $0xD0000000, s2;
	s6 =	simm.s32 $0x108;
	_ =	swait.ge @!p0 [sflag:s8], $0x0  }
0x24: {  	s3 =	sadd.s32 $0x88, s3;
	s6 =	simm.s32 @!p1 $0x1082;
	[sflag:s4] =	ssyncset.s32 $0xFFFFF086  }
0x25: {  	[simem:s6], [sflag:s4] =	dma.local [hbm:s3], $0xF7A  }
0x26: {  	[smem:$0x3F72] =	sst s1;
	(tag) =	ssettag s2;
	_ =	strace s9  }
0x27: {  	s1 =	sld [smem:$0x3F82]  }
0x28: {  	s2 =	sld [smem:$0x3F83]  }
0x29: {  	s4 =	sld [smem:$0x3F85]  }
0x2a: {  	p0 =	seq.s32 s5, $0x0;
	s5 =	sld [smem:$0x3F86]  }
0x2b: {  	s6 =	sld [smem:$0x3F87]  }
0x2c: {  	s7 =	sld [smem:$0x3F88]  }
0x2d: {  	s3 =	simm.s32 $0x108;
	s8 =	sld [smem:$0x3F89]  }
0x2e: {  	s3 =	simm.s32 @!p0 $0x1082;
	s9 =	sld [smem:$0x3F8A]  }
0x2f: {  	lr =	sadd.s32 s0, s3;
	s0 =	sld [smem:$0x3F81]  }
0x30: {  	s3 =	sld [smem:$0x3F84]  }
0x31: {  	[smem:$0x3F8D] =	sst s10  }
0x32: {  	s10 =	sld [smem:$0x3F8B];
	_ =	sdelay $0x3  }
0x33: {  	p0 =	seq.s32 s10, $0x1;
	s10 =	sld [smem:$0x3F8D];
	_ =	sdelay $0x3  }
0x34: {  	[smem:$0x3F8D] =	sst s10  }
0x35: {  	s10 =	sld [smem:$0x3F8C];
	_ =	sdelay $0x3  }
0x36: {  	p1 =	seq.s32 s10, $0x1;
	s10 =	sld [smem:$0x3F8D];
	_ =	sdelay $0x3  }
0x37: {  	[smem:$0x3F8D] =	sst s10  }
0x38: {  	s10 =	sld [smem:$0x3F8E]  }
0x39: {  	_ = 	snop;
	(pc) =	sbr.ind lr, $3  }
0x3a: {  	_ = 	snop  }
0x3b: {  	_ = 	snop  }
0x3c: {  	p2 =	seq.s32 s10, $0x1;
	s10 =	sld [smem:$0x3F8D]  }
0x3d: {  	_ =	shalt  }
0x3e: {  	_ =	shalt  }
0x3f: {  	_ =	shalt  }
0x40: {  	_ =	shalt  }
0x41: {  	_ =	shalt  }
0x42: {  	_ =	shalt  }
0x43: {  	_ =	shalt  }
0x44: {  	_ =	shalt  }
0x45: {  	_ =	shalt  }
0x46: {  	_ =	shalt  }
0x47: {  	_ =	shalt  }
0x48: {  	_ =	shalt  }
0x49: {  	_ =	shalt  }
0x4a: {  	_ =	shalt  }
0x4b: {  	_ =	shalt  }
0x4c: {  	_ =	shalt  }
0x4d: {  	_ =	shalt  }
0x4e: {  	_ =	shalt  }
0x4f: {  	_ =	shalt  }
0x50: {  	_ =	shalt  }
0x51: {  	_ =	shalt  }
0x52: {  	_ =	shalt  }
0x53: {  	_ =	shalt  }
0x54: {  	_ =	shalt  }
0x55: {  	_ =	shalt  }
0x56: {  	_ =	shalt  }
0x57: {  	_ =	shalt  }
0x58: {  	_ =	shalt  }
0x59: {  	_ =	shalt  }
0x5a: {  	_ =	shalt  }
0x5b: {  	_ =	shalt  }
0x5c: {  	_ =	shalt  }
0x5d: {  	_ =	shalt  }
0x5e: {  	_ =	shalt  }
0x5f: {  	_ =	shalt  }
0x60: {  	_ =	shalt  }
0x61: {  	_ =	shalt  }
0x62: {  	_ =	shalt  }
0x63: {  	_ =	shalt  }
0x64: {  	_ =	shalt  }
0x65: {  	_ =	shalt  }
0x66: {  	_ =	shalt  }
0x67: {  	_ =	shalt  }
0x68: {  	_ =	shalt  }
0x69: {  	_ =	shalt  }
0x6a: {  	_ =	shalt  }
0x6b: {  	_ =	shalt  }
0x6c: {  	_ =	shalt  }
0x6d: {  	_ =	shalt  }
0x6e: {  	_ =	shalt  }
0x6f: {  	_ =	shalt  }
0x70: {  	_ =	shalt  }
0x71: {  	_ =	shalt  }
0x72: {  	_ =	shalt  }
0x73: {  	_ =	shalt  }
0x74: {  	_ =	shalt  }
0x75: {  	_ =	shalt  }
0x76: {  	_ =	shalt  }
0x77: {  	_ =	shalt  }
0x78: {  	_ =	shalt  }
0x79: {  	_ =	shalt  }
0x7a: {  	_ =	shalt  }
0x7b: {  	_ =	shalt  }
0x7c: {  	_ =	shalt  }
0x7d: {  	_ =	shalt  }
0x7e: {  	_ =	shalt  }
0x7f: {  	_ =	shalt  }
0x80: {  	_ =	shalt  }
0x81: {  	_ =	shalt  }
0x82: {  	_ =	shalt  }
0x83: {  	_ =	shalt  }
0x84: {  	_ =	shalt  }
0x85: {  	_ =	shalt  }
0x86: {  	_ =	shalt  }
0x87: {  	_ =	shalt  }
.Lfunc_end0:
.L_simem_size_0:
called_computation.4_lowered:
.L_overlay_start_0:
0x88: {  	s2 =	sld [smem:$0x3FD9]  }
0x89: {  	s3 =	sld [smem:$0x3FFE];
	_ =	sdelay $0x1  }
0x8a: {  	s1 =	srdreg.scid  }
0x8b: {  	s0 =	sand.u32 $0x1, s1  }
0x8c: {  	s16 =	sshll.u32 s0, $0xA;
	s2 =	sadd.s32 s3, s2  }
0x8d: {  	s2 =	sadd.s32 s2, s16  }
0x8e: {  	[smem:$0x3F99] =	sst s2  }
0x8f: {  	_ = 	snop  }
0x90: {  	(tm) =	ssettm $0x1  }
0x91: {  	s17 =	sld [smem:$0x3FFB];
	_ =	sdelay $0x3  }
0x92: {  	_ =	strace s17  }
0x93: {  	s2 =	sld [smem:$0x3FFC];
	_ =	sdelay $0x3  }
0x94: {  	_ =	strace s2  }
0x95: {  	s2 =	sld [smem:$0x3FFD];
	_ =	sdelay $0x3  }
0x96: {  	_ =	strace s2  }
0x97: {  	_ =	strace $0x8FFFFFFF  }
0x98: {  	s18 =	sld [smem:$0x3FDB];
	_ =	sdelay $0x1  }
0x99: {  	s19 =	simm.s32 $_scs_section_size  }
0x9a: {  	s4 =	simm.s32 $_size__tile_overlayer_lowered;
	s5 =	simm.s32 $_tile_overlayer_lowered  }
0x9b: {  	s22 =	simm.s32 $0x1BFF;
	s21 =	sshll.u32 s5, $0x1;
	s2 =	sadd.s32 s19, s18  }
0x9c: {  	s6 =	simm.s32 $0x0;
	s20 =	sshll.u32 s4, $0x1;
	s4 =	sadd.s32 s21, s2  }
0x9d: {  	[timem:s6], [sflag:s22] =	dma.local [hbm:s4], s20  }
0x9e: {  	_ =	swait.ge [sflag:s22], s20  }
0x9f: {  	s3 =	ssub.s32 $0x0, s20;
	[sflag:s22] =	ssyncset.done $0x0  }
0xa0: {  	[sflag:s22] =	ssyncadd.s32 s3;
	_ =	sdelay $0x1  }
0xa1: {  	s23 =	simm.s32 $0x1B8B  }
0xa2: {  	_ =	swait.ge [sflag:s23], $0x1  }
0xa3: {  	[sflag:s23] =	ssyncset.done $0x0  }
0xa4: {  	s25 =	simm.s32 $0x1B8E;
	s24 =	sld [smem:$0x3FFE];
	[sflag:s23] =	ssyncadd.s32 $0xFFFFFFFF  }
0xa5: {  	s26 =	simm.s32 $execute0_lowered;
	[smem:$0x3FD2] =	sst s25  }
0xa6: {  	s4 =	sshll.u32 s26, $0x1;
	_ =	strace $0x80000052;
	[dreg:$0x1] =	wrdreg $0xFFFFFFFF  }
0xa7: {  	s28 =	simm.s32 $_size_execute0_lowered;
	s2 =	sadd.s32 s2, s4;
	[dreg:$0x0] =	wrdreg $0x0  }
0xa8: {  	s4 =	sshll.u32 s28, $0x1;
	[dreg:$0x2] =	wrdreg s2  }
0xa9: {  	[dreg:$0x3] =	wrdreg s4  }
0xaa: {  	[dreg:$0x4] =	wrdreg $0xC0  }
0xab: {  	_ =	task [dreg:s6], $0x5FFFF  }
0xac: {  	[dreg:$0x1] =	wrdreg $0xFFFFFFFF  }
0xad: {  	[dreg:$0x0] =	wrdreg $0x60  }
0xae: {  	[dreg:$0x2] =	wrdreg s24  }
0xaf: {  	[dreg:$0x3] =	wrdreg $0x90000  }
0xb0: {  	[dreg:$0x4] =	wrdreg $0x9  }
0xb1: {  	_ =	task.clear_ibuf [dreg:s6], $0x5FFFF;
	_ =	strace $0x90000052  }
0xb2: {  	s29 =	simm.s32 $0x9;
	_ =	strace $0x80000054  }
0xb3: {  	_ =	swait.ge [sflag:s29], $0x1  }
0xb4: {  	[sflag:s29] =	ssyncadd.s32 $0xFFFFFFFF  }
0xb5: {  	_ =	strace $0x90000054  }
0xb6: {  	_ =	sfence  }
0xb7: {  	s30 =	sld [smem:$0x0];
	_ =	sdelay $0x2  }
0xb8: {  	s31 =	sshll.u32 s1, $0xD;
	s1 =	sshrl.u32 s1, $0x2  }
0xb9: {  	s3 =	sand.u32 $0x4000, s31;
	s1 =	sadd.s32 s1, s30  }
0xba: {  	s0 =	sor.u32 s3, s0;
	s1 =	sshll.u32 s1, $0x11  }
0xbb: {  	s0 =	sor.u32 s1, s0  }
0xbc: {  	s0 =	sadd.s32 $0x8F2B, s0  }
0xbd: {  	[sflag:s0] =	ssyncadd.remote.s32 $0x1  }
0xbe: {  	_ =	sfence.sel $0xFFFF  }
0xbf: {  	[dreg:$0x0] =	wrdreg $0xFFFFFFFF;
	(pc) =	sbr.abs _section_cstart, $3  }
0xc0: {  	[dreg:$0x1] =	wrdreg $0xFFFFFFFF  }
0xc1: {  	_ =	task.clear_ibuf [dreg:s6], $0x2FFFF;
	_ =	strace $0x9FFFFFFF  }
0xc2: {  	(tm) =	ssettm $0x7FFFFFFF  }
0xc3: {  	_ =	shalt  }
tec
execute0_lowered:
.L_overlay_start_1:
0x0: {  	(tag) =	ssettag $0x1  }
0x1: {  	s1 =	srdreg.scid;
	s8 =	rddreg [dreg:$0x0]  }
0x2: {  	s0 =	stileid.u32;
	s2 =	rddreg [dreg:$0x1];
	s3 =	simm.s32 $0x0  }
0x3: {  	s14 =	simm.s32 $0x80;
	s15 =	simm.s32 $0x5000;
	s19 =	simm.s32 $0x0  }
0x4: {  	s5 =	sand.u32 $0x1, s1;
	s1 =	rddreg [dreg:$0x2];
	s16 =	smul.u32 $0x2800, s0  }
0x5: {  	s29 =	sshll.u32 s0, $0x1;
	[smem:$0x7FF] =	sst s3;
	s9 =	smul.u32 $0x50000, s0  }
0x6: {  	s31 =	sshll.u32 s0, $0x6;
	s4 =	sor.u32 s5, s29;
	s7 =	smul.u32 $0x50000, s5  }
0x7: {  	_ =	strace $0x80000053;
	s5 =	ssub.s32 $0x2, s5;
	s6 =	smul.u32 $0x500, s4  }
0x8: {  	s4 =	sadd.s32 $0x6B200, s8;
	s10 =	sadd.s32 s16, s8;
	s11 =	sshrl.u32 s5, $0x1  }
0x9: {  	s30 =	sshrl.u32 s9, $0x2;
	s12 =	sadd.s32 s7, s8;
	s11 =	ssub.s32 s5, s11  }
0xa: {  	s13 =	sadd.s32 s30, s2;
	s7 =	sadd.s32 $0x2F200, s10;
	s10 =	simm.s32 $0x2  }
0xb: {  	s6 =	sadd.s32 s6, s8;
	s17 =	sadd.s32 $0xBB200, s12;
	s8 =	sadd.s32 $0x93200, s8  }
0xc: {  	s9 =	smax.u32 s11, $0x1;
	s11 =	simm.s32 $0x2800;
	s12 =	sor.u32 $0x1C02, s31  }
0xd: {  	s13 =	sshrl.u32 s13, $0x3;
	s5 =	sadd.s32 $0x61200, s6;
	s16 =	sadd.s32 s16, s17  }
0xe: {  	s6 =	sadd.s32 $0x57200, s6;
	s17 =	simm.s32 $0x1;
	s18 =	sadd.s32 $0x28000, s16  }
.LBB2_1:
0xf: {  	[tilespmem:s3], [sflag:$0x2] =	stream.linear.gather [hbm4b:s5+s3], $0x2800, $0x38;
	[tilespmem:$0x1D000] =	vst v63  }
0x10: {  	_ =	swait.ge [sflag:s10], $0x2800  }
0x11: {  	[sflag:s10] =	ssyncset.done $0x0  }
0x12: {  	[sflag:s10] =	ssyncadd.s32 $0xFFFFD800  }
0x13: {  	[tilespmem:s11], [sflag:$0x2] =	stream.linear.gather [hbm4b:s6+s3], $0x2800, $0x38;
	[tilespmem:$0x1D000] =	vst v63  }
0x14: {  	_ =	swait.ge [sflag:s10], $0x2800  }
0x15: {  	[sflag:s10] =	ssyncset.done $0x0  }
0x16: {  	[sflag:s10] =	ssyncadd.s32 $0xFFFFD800  }
0x17: {  	[spmem:s13], [sflag:s12] =	dma.local [hbm:s7], $0x2800  }
0x18: {  	_ =	swait.ge [sflag:s10], $0x2800  }
0x19: {  	[sflag:s10] =	ssyncset.done $0x0  }
0x1a: {  	[sflag:s10] =	ssyncadd.s32 $0xFFFFD800  }
0x1b: {  	s20 =	simm.s32 $0x2800;
	[bflag:$0x0] =	sbarrier.arrive $0xFFFF  }
0x1c: {  	[tilespmem:s15], [sflag:$0x1] =	stream.indirect.gather [hbm4b:s4+s14], $0x80, s20, s14, $0xb8;
	[tilespmem:$0x1D000] =	vst v63  }
0x1d: {  	_ =	swait.ge [sflag:s17], $0x4000  }
0x1e: {  	[sflag:s17] =	ssyncset.done $0x0  }
0x1f: {  	s31 =	simm.s32 $0x0;
	[sflag:s17] =	ssyncadd.s32 $0xFFFFC000  }
0x20: {  	[spmem:s2] =	stream.indirect.scatter.add.f32 [tilespmem:s15], [sflag:$0x2], $0x80, s31, s14, $0xb8;
	[tilespmem:$0x1D000] =	vst v63  }
0x21: {  	_ =	swait.ge [sflag:s10], $0x4000  }
0x22: {  	s21 =	simm.s32 $0x400;
	s20 =	simm.s32 $0x80;
	[sflag:s10] =	ssyncset.done $0x0  }
.LBB2_2:
0x23: {  	s22 =	sadd.s32 $0x2800, s20  }
0x24: {  	[sflag:s10] =	ssyncadd.s32 $0xFFFFC000;
	s23 =	smov.u32 s21;
	s24 =	sadd.s32 $0x200, s21  }
0x25: {  	[tilespmem:s15], [sflag:$0x1] =	stream.indirect.gather [hbm4b:s4+s14], $0x80, s22, s14, $0xb8;
	[tilespmem:$0x1D000] =	vst v63  }
0x26: {  	p0 =	sne.s32 s21, $0x9E00;
	_ =	swait.ge [sflag:s17], $0x4000  }
.Ltmp0:
0x27: {  	[sflag:s17] =	ssyncset.done $0x0;
	(pc) =	sbr.rel @p0 .LBB2_2-.Ltmp0, $4  }
0x28: {  	[sflag:s17] =	ssyncadd.s32 $0xFFFFC000  }
0x29: {  	[spmem:s2] =	stream.indirect.scatter.add.f32 [tilespmem:s15], [sflag:$0x2], $0x80, s20, s14, $0xb8;
	[tilespmem:$0x1D000] =	vst v63  }
0x2a: {  	_ =	swait.ge [sflag:s10], $0x4000  }
0x2b: {  	s21 =	smov.u32 s24;
	s20 =	sshra.s32 s23, $0x2;
	[sflag:s10] =	ssyncset.done $0x0  }
0x2c: {  	s21 =	sadd.s32 $0x2800, s20;
	[sflag:s10] =	ssyncadd.s32 $0xFFFFC000  }
0x2d: {  	[tilespmem:s15], [sflag:$0x1] =	stream.indirect.gather [hbm4b:s4+s14], $0x80, s21, s14, $0xb8;
	[tilespmem:$0x1D000] =	vst v63  }
0x2e: {  	_ =	swait.ge [sflag:s17], $0x4000  }
0x2f: {  	[sflag:s17] =	ssyncset.done $0x0  }
0x30: {  	[sflag:s17] =	ssyncadd.s32 $0xFFFFC000  }
0x31: {  	[spmem:s2] =	stream.indirect.scatter.add.f32 [tilespmem:s15], [sflag:$0x2], $0x80, s20, s14, $0xb8;
	[tilespmem:$0x1D000] =	vst v63  }
0x32: {  	_ =	swait.ge [sflag:s10], $0x4000  }
0x33: {  	[sflag:s10] =	ssyncset.done $0x0  }
0x34: {  	[sflag:s10] =	ssyncadd.s32 $0xFFFFC000  }
0x35: {  	[bflag:$0x0] =	sbarrier.arrive $0xFFFF  }
0x36: {  	[hbm:s16], [sflag:s12] =	dma.local [spmem:s13], $0x2800  }
0x37: {  	_ =	swait.ge [sflag:s10], $0x2800  }
0x38: {  	[sflag:s10] =	ssyncset.done $0x0  }
0x39: {  	[sflag:s10] =	ssyncadd.s32 $0xFFFFD800  }
0x3a: {  	[spmem:s13], [sflag:s12] =	dma.local [hbm:s7], $0x2800  }
0x3b: {  	_ =	swait.ge [sflag:s10], $0x2800  }
0x3c: {  	[sflag:s10] =	ssyncset.done $0x0  }
0x3d: {  	[sflag:s10] =	ssyncadd.s32 $0xFFFFD800  }
0x3e: {  	s30 =	simm.s32 $0x2800;
	[bflag:$0x0] =	sbarrier.arrive $0xFFFF  }
0x3f: {  	[tilespmem:s15], [sflag:$0x1] =	stream.indirect.gather [hbm4b:s8+s14], $0x80, s30, s14, $0xb8;
	[tilespmem:$0x1D000] =	vst v63  }
0x40: {  	_ =	swait.ge [sflag:s17], $0x4000  }
0x41: {  	[sflag:s17] =	ssyncset.done $0x0  }
0x42: {  	s31 =	simm.s32 $0x0;
	[sflag:s17] =	ssyncadd.s32 $0xFFFFC000  }
0x43: {  	[spmem:s2] =	stream.indirect.scatter.add.f32 [tilespmem:s15], [sflag:$0x2], $0x80, s31, s14, $0xb8;
	[tilespmem:$0x1D000] =	vst v63  }
0x44: {  	_ =	swait.ge [sflag:s10], $0x4000  }
0x45: {  	s21 =	simm.s32 $0x400;
	s20 =	simm.s32 $0x80;
	[sflag:s10] =	ssyncset.done $0x0  }
.LBB2_4:
0x46: {  	s22 =	sadd.s32 $0x2800, s20  }
0x47: {  	[sflag:s10] =	ssyncadd.s32 $0xFFFFC000;
	s23 =	smov.u32 s21;
	s24 =	sadd.s32 $0x200, s21  }
0x48: {  	[tilespmem:s15], [sflag:$0x1] =	stream.indirect.gather [hbm4b:s8+s14], $0x80, s22, s14, $0xb8;
	[tilespmem:$0x1D000] =	vst v63  }
0x49: {  	p0 =	sne.s32 s21, $0x9E00;
	_ =	swait.ge [sflag:s17], $0x4000  }
.Ltmp1:
0x4a: {  	[sflag:s17] =	ssyncset.done $0x0;
	(pc) =	sbr.rel @p0 .LBB2_4-.Ltmp1, $4  }
0x4b: {  	[sflag:s17] =	ssyncadd.s32 $0xFFFFC000  }
0x4c: {  	[spmem:s2] =	stream.indirect.scatter.add.f32 [tilespmem:s15], [sflag:$0x2], $0x80, s20, s14, $0xb8;
	[tilespmem:$0x1D000] =	vst v63  }
0x4d: {  	_ =	swait.ge [sflag:s10], $0x4000  }
0x4e: {  	s21 =	smov.u32 s24;
	s20 =	sshra.s32 s23, $0x2;
	[sflag:s10] =	ssyncset.done $0x0  }
0x4f: {  	s21 =	sadd.s32 $0x2800, s20;
	[sflag:s10] =	ssyncadd.s32 $0xFFFFC000  }
0x50: {  	[tilespmem:s15], [sflag:$0x1] =	stream.indirect.gather [hbm4b:s8+s14], $0x80, s21, s14, $0xb8;
	[tilespmem:$0x1D000] =	vst v63  }
0x51: {  	_ =	swait.ge [sflag:s17], $0x4000  }
0x52: {  	[sflag:s17] =	ssyncset.done $0x0  }
0x53: {  	[sflag:s17] =	ssyncadd.s32 $0xFFFFC000  }
0x54: {  	[spmem:s2] =	stream.indirect.scatter.add.f32 [tilespmem:s15], [sflag:$0x2], $0x80, s20, s14, $0xb8;
	[tilespmem:$0x1D000] =	vst v63  }
0x55: {  	_ =	swait.ge [sflag:s10], $0x4000  }
0x56: {  	s19 =	sadd.s32 $0x1, s19;
	[sflag:s10] =	ssyncset.done $0x0  }
0x57: {  	p0 =	sne.s32 s19, s9;
	[sflag:s10] =	ssyncadd.s32 $0xFFFFC000  }
.Ltmp2:
0x58: {  	[bflag:$0x0] =	sbarrier.arrive $0xFFFF;
	(pc) =	sbr.rel @p0 .LBB2_1-.Ltmp2, $4  }
0x59: {  	[hbm:s18], [sflag:s12] =	dma.local [spmem:s13], $0x2800  }
0x5a: {  	_ =	swait.ge [sflag:s10], $0x2800  }
0x5b: {  	[sflag:s10] =	ssyncset.done $0x0  }
0x5c: {  	[sflag:s10] =	ssyncadd.s32 $0xFFFFD800  }
0x5d: {  	_ =	sfence.sel $0x180000  }
0x5e: {  	[bflag:$0x0] =	sbarrier.arrive $0xFFFF  }
0x5f: {  	p0 =	sne.s32 s0, $0x0;
	_ =	strace $0x90000053  }
0x60: {  	s0 =	sadd.s32 @!p0 $0x100000, s1;
	[bflag:$0x2] =	sbarrier.arrive $0xFFFF  }
0x61: {  	[sflag:s0] =	ssyncadd.tile.s32 @!p0 $0x1;
	_ =	shalt  }
.Lfunc_end2:
_tile_overlayer_lowered:
.L_overlay_start_2:
0x62: {  	(tag) =	ssettag $0x2  }
0x63: {  	s0 =	rddreg [dreg:$0x0];
	s2 =	stileid.u32  }
0x64: {  	s1 =	rddreg [dreg:$0x1];
	p0 =	sne.s32 s2, $0x0  }
0x65: {  	s3 =	rddreg [dreg:$0x2];
	[bflag:$0x3] =	sbarrier.arrive $0xFFFF;
	s2 =	simm.s32 @!p0 $0x1C02  }
0x66: {  	[timem:s3], [sflag:s2] =	dma.local @!p0 [hbm:s0], s1  }
0x67: {  	s0 =	simm.s32 @!p0 $0x2  }
0x68: {  	_ =	swait.ge @!p0 [sflag:s0], s1  }
0x69: {  	s1 =	ssub.s32 @!p0 $0x0, s1;
	[sflag:s0] =	ssyncset.done @!p0 $0x0  }
0x6a: {  	[sflag:s0] =	ssyncadd.s32 @!p0 s1  }
0x6b: {  	[bflag:$0x3] =	sbarrier.arrive $0xFFFF  }
0x6c: {  	_ =	shalt  }

// kernel: kernel.30.cloned.1.call-start
scs
__scs_entry_jumppad:
0x0: {  	(pc) =	sbr.rel $0x88, $3  }
0x1: {  	(tag) =	ssettag $0x0;
	lr =	simm.s32 $0x1  }
0x2: {  	[smem:$0x3F72] =	sst lr;
	_ =	strace $0xD0000000  }
0x3: {  	_ = 	snop  }
0x4: {  	_ = 	snop  }
0x5: {  	_ = 	snop  }
0x6: {  	_ = 	snop  }
0x7: {  	_ = 	snop  }
__scs_overlays_trampoline_lowered:
0x8: {  	[smem:$0x3F81] =	sst s0  }
0x9: {  	[smem:$0x3F82] =	sst s1  }
0xa: {  	[smem:$0x3F83] =	sst s2  }
0xb: {  	[smem:$0x3F84] =	sst s3  }
0xc: {  	[smem:$0x3F85] =	sst s4  }
0xd: {  	[smem:$0x3F86] =	sst s5  }
0xe: {  	[smem:$0x3F87] =	sst s6  }
0xf: {  	[smem:$0x3F88] =	sst s7  }
0x10: {  	[smem:$0x3F89] =	sst s8  }
0x11: {  	[smem:$0x3F8A] =	sst s9;
	s0 =	simm.s32 @!p0 $0x0  }
0x12: {  	s1 =	sld [smem:$0x3F70];
	s0 =	simm.s32 @p0 $0x1  }
0x13: {  	[smem:$0x3F8B] =	sst s0;
	s0 =	simm.s32 @!p1 $0x0  }
0x14: {  	s2 =	sld [smem:$0x3F6F];
	s0 =	simm.s32 @p1 $0x1  }
0x15: {  	[smem:$0x3F8C] =	sst s0;
	s0 =	simm.s32 @!p2 $0x0  }
0x16: {  	s3 =	sld [smem:$0x3FDB];
	s0 =	simm.s32 @p2 $0x1  }
0x17: {  	s4 =	simm.s32 $0x1BF5;
	[smem:$0x3F8E] =	sst s0  }
0x18: {  	s0 =	sld [smem:$0x3F71];
	_ =	swait.ge [sflag:s4], $0x0  }
0x19: {  	s7 =	sld [smem:$0x3F72]  }
0x1a: {  	s8 =	sadd.s32 $0xFFFFE003, lr  }
0x1b: {  	s9 =	sadd.s32 $0xFFFFFEF7, lr;
	s5 =	simm.s32 $0xFFFFFFFF;
	p2 =	slt.u32 s8, $0xFFFFF086  }
0x1c: {  	p1 =	slt.u32 s9, $0xF7A;
	s5 =	simm.s32 @!p2 $0x0  }
0x1d: {  	s5 =	simm.s32 @p1 $0x1;
	p0 =	seq.s32 s7, s2  }
0x1e: {  	s7 =	smul.u32 @!p0 $0xF7A, s2;
	p2 =	seq.s32 @!p0 s5, $0x0  }
0x1f: {  	s9 =	smul.u32 $0xF7A, s1;
	s8 =	simm.s32 @!p0 $0x1BF5;
	p2 =	por !p2, p0  }
0x20: {  	[sflag:s8] =	ssyncset.s32 @!p0 $0xFFFFF086;
	s6 =	sadd.s32 @!p0 s3, s7;
	s7 =	simm.s32 @!p0 $0x108  }
0x21: {  	s3 =	sadd.s32 s3, s9;
	s6 =	sadd.s32 @!p0 $0x88, s6;
	s7 =	simm.s32 @p2 $0x1082  }
0x22: {  	[simem:s7], [sflag:s8] =	dma.local @!p0 [hbm:s6], $0xF7A  }
0x23: {  	s9 =	sor.u32 $0xD0000000, s2;
	s6 =	simm.s32 $0x108;
	_ =	swait.ge @!p0 [sflag:s8], $0x0  }
0x24: {  	s3 =	sadd.s32 $0x88, s3;
	s6 =	simm.s32 @!p1 $0x1082;
	[sflag:s4] =	ssyncset.s32 $0xFFFFF086  }
0x25: {  	[simem:s6], [sflag:s4] =	dma.local [hbm:s3], $0xF7A  }
0x26: {  	[smem:$0x3F72] =	sst s1;
	(tag) =	ssettag s2;
	_ =	strace s9  }
0x27: {  	s1 =	sld [smem:$0x3F82]  }
0x28: {  	s2 =	sld [smem:$0x3F83]  }
0x29: {  	s4 =	sld [smem:$0x3F85]  }
0x2a: {  	p0 =	seq.s32 s5, $0x0;
	s5 =	sld [smem:$0x3F86]  }
0x2b: {  	s6 =	sld [smem:$0x3F87]  }
0x2c: {  	s7 =	sld [smem:$0x3F88]  }
0x2d: {  	s3 =	simm.s32 $0x108;
	s8 =	sld [smem:$0x3F89]  }
0x2e: {  	s3 =	simm.s32 @!p0 $0x1082;
	s9 =	sld [smem:$0x3F8A]  }
0x2f: {  	lr =	sadd.s32 s0, s3;
	s0 =	sld [smem:$0x3F81]  }
0x30: {  	s3 =	sld [smem:$0x3F84]  }
0x31: {  	[smem:$0x3F8D] =	sst s10  }
0x32: {  	s10 =	sld [smem:$0x3F8B];
	_ =	sdelay $0x3  }
0x33: {  	p0 =	seq.s32 s10, $0x1;
	s10 =	sld [smem:$0x3F8D];
	_ =	sdelay $0x3  }
0x34: {  	[smem:$0x3F8D] =	sst s10  }
0x35: {  	s10 =	sld [smem:$0x3F8C];
	_ =	sdelay $0x3  }
0x36: {  	p1 =	seq.s32 s10, $0x1;
	s10 =	sld [smem:$0x3F8D];
	_ =	sdelay $0x3  }
0x37: {  	[smem:$0x3F8D] =	sst s10  }
0x38: {  	s10 =	sld [smem:$0x3F8E]  }
0x39: {  	_ = 	snop;
	(pc) =	sbr.ind lr, $3  }
0x3a: {  	_ = 	snop  }
0x3b: {  	_ = 	snop  }
0x3c: {  	p2 =	seq.s32 s10, $0x1;
	s10 =	sld [smem:$0x3F8D]  }
0x3d: {  	_ =	shalt  }
0x3e: {  	_ =	shalt  }
0x3f: {  	_ =	shalt  }
0x40: {  	_ =	shalt  }
0x41: {  	_ =	shalt  }
0x42: {  	_ =	shalt  }
0x43: {  	_ =	shalt  }
0x44: {  	_ =	shalt  }
0x45: {  	_ =	shalt  }
0x46: {  	_ =	shalt  }
0x47: {  	_ =	shalt  }
0x48: {  	_ =	shalt  }
0x49: {  	_ =	shalt  }
0x4a: {  	_ =	shalt  }
0x4b: {  	_ =	shalt  }
0x4c: {  	_ =	shalt  }
0x4d: {  	_ =	shalt  }
0x4e: {  	_ =	shalt  }
0x4f: {  	_ =	shalt  }
0x50: {  	_ =	shalt  }
0x51: {  	_ =	shalt  }
0x52: {  	_ =	shalt  }
0x53: {  	_ =	shalt  }
0x54: {  	_ =	shalt  }
0x55: {  	_ =	shalt  }
0x56: {  	_ =	shalt  }
0x57: {  	_ =	shalt  }
0x58: {  	_ =	shalt  }
0x59: {  	_ =	shalt  }
0x5a: {  	_ =	shalt  }
0x5b: {  	_ =	shalt  }
0x5c: {  	_ =	shalt  }
0x5d: {  	_ =	shalt  }
0x5e: {  	_ =	shalt  }
0x5f: {  	_ =	shalt  }
0x60: {  	_ =	shalt  }
0x61: {  	_ =	shalt  }
0x62: {  	_ =	shalt  }
0x63: {  	_ =	shalt  }
0x64: {  	_ =	shalt  }
0x65: {  	_ =	shalt  }
0x66: {  	_ =	shalt  }
0x67: {  	_ =	shalt  }
0x68: {  	_ =	shalt  }
0x69: {  	_ =	shalt  }
0x6a: {  	_ =	shalt  }
0x6b: {  	_ =	shalt  }
0x6c: {  	_ =	shalt  }
0x6d: {  	_ =	shalt  }
0x6e: {  	_ =	shalt  }
0x6f: {  	_ =	shalt  }
0x70: {  	_ =	shalt  }
0x71: {  	_ =	shalt  }
0x72: {  	_ =	shalt  }
0x73: {  	_ =	shalt  }
0x74: {  	_ =	shalt  }
0x75: {  	_ =	shalt  }
0x76: {  	_ =	shalt  }
0x77: {  	_ =	shalt  }
0x78: {  	_ =	shalt  }
0x79: {  	_ =	shalt  }
0x7a: {  	_ =	shalt  }
0x7b: {  	_ =	shalt  }
0x7c: {  	_ =	shalt  }
0x7d: {  	_ =	shalt  }
0x7e: {  	_ =	shalt  }
0x7f: {  	_ =	shalt  }
0x80: {  	_ =	shalt  }
0x81: {  	_ =	shalt  }
0x82: {  	_ =	shalt  }
0x83: {  	_ =	shalt  }
0x84: {  	_ =	shalt  }
0x85: {  	_ =	shalt  }
0x86: {  	_ =	shalt  }
0x87: {  	_ =	shalt  }
.Lfunc_end0:
.L_simem_size_0:
called_computation.5_lowered:
.L_overlay_start_0:
0x88: {  	s2 =	sld [smem:$0x3FD9]  }
0x89: {  	s3 =	sld [smem:$0x3FFE];
	_ =	sdelay $0x1  }
0x8a: {  	s1 =	srdreg.scid  }
0x8b: {  	s0 =	sand.u32 $0x1, s1  }
0x8c: {  	s16 =	sshll.u32 s0, $0xA;
	s2 =	sadd.s32 s3, s2  }
0x8d: {  	s2 =	sadd.s32 s2, s16  }
0x8e: {  	[smem:$0x3F99] =	sst s2  }
0x8f: {  	_ = 	snop  }
0x90: {  	(tm) =	ssettm $0x1  }
0x91: {  	s17 =	sld [smem:$0x3FFB];
	_ =	sdelay $0x3  }
0x92: {  	_ =	strace s17  }
0x93: {  	s2 =	sld [smem:$0x3FFC];
	_ =	sdelay $0x3  }
0x94: {  	_ =	strace s2  }
0x95: {  	s2 =	sld [smem:$0x3FFD];
	_ =	sdelay $0x3  }
0x96: {  	_ =	strace s2  }
0x97: {  	_ =	strace $0x8FFFFFFF  }
0x98: {  	s18 =	sld [smem:$0x3FDB];
	_ =	sdelay $0x1  }
0x99: {  	s19 =	simm.s32 $_scs_section_size  }
0x9a: {  	s4 =	simm.s32 $_size__tile_overlayer_lowered;
	s5 =	simm.s32 $_tile_overlayer_lowered  }
0x9b: {  	s22 =	simm.s32 $0x1BFF;
	s21 =	sshll.u32 s5, $0x1;
	s2 =	sadd.s32 s19, s18  }
0x9c: {  	s6 =	simm.s32 $0x0;
	s20 =	sshll.u32 s4, $0x1;
	s4 =	sadd.s32 s21, s2  }
0x9d: {  	[timem:s6], [sflag:s22] =	dma.local [hbm:s4], s20  }
0x9e: {  	_ =	swait.ge [sflag:s22], s20  }
0x9f: {  	s3 =	ssub.s32 $0x0, s20;
	[sflag:s22] =	ssyncset.done $0x0  }
0xa0: {  	[sflag:s22] =	ssyncadd.s32 s3;
	_ =	sdelay $0x1  }
0xa1: {  	s23 =	simm.s32 $0x1B8B  }
0xa2: {  	_ =	swait.ge [sflag:s23], $0x1  }
0xa3: {  	[sflag:s23] =	ssyncset.done $0x0  }
0xa4: {  	s25 =	simm.s32 $0x1B8E;
	s24 =	sld [smem:$0x3FFE];
	[sflag:s23] =	ssyncadd.s32 $0xFFFFFFFF  }
0xa5: {  	s26 =	simm.s32 $execute0_lowered;
	[smem:$0x3FD2] =	sst s25  }
0xa6: {  	s4 =	sshll.u32 s26, $0x1;
	_ =	strace $0x80000055;
	[dreg:$0x1] =	wrdreg $0xFFFFFFFF  }
0xa7: {  	s28 =	simm.s32 $_size_execute0_lowered;
	s2 =	sadd.s32 s2, s4;
	[dreg:$0x0] =	wrdreg $0x0  }
0xa8: {  	s4 =	sshll.u32 s28, $0x1;
	[dreg:$0x2] =	wrdreg s2  }
0xa9: {  	[dreg:$0x3] =	wrdreg s4  }
0xaa: {  	[dreg:$0x4] =	wrdreg $0xC0  }
0xab: {  	_ =	task [dreg:s6], $0x5FFFF  }
0xac: {  	[dreg:$0x1] =	wrdreg $0xFFFFFFFF  }
0xad: {  	[dreg:$0x0] =	wrdreg $0x60  }
0xae: {  	[dreg:$0x2] =	wrdreg s24  }
0xaf: {  	[dreg:$0x3] =	wrdreg $0x90000  }
0xb0: {  	[dreg:$0x4] =	wrdreg $0x9  }
0xb1: {  	_ =	task.clear_ibuf [dreg:s6], $0x5FFFF;
	_ =	strace $0x90000055  }
0xb2: {  	s29 =	simm.s32 $0x9;
	_ =	strace $0x80000057  }
0xb3: {  	_ =	swait.ge [sflag:s29], $0x1  }
0xb4: {  	[sflag:s29] =	ssyncadd.s32 $0xFFFFFFFF  }
0xb5: {  	_ =	strace $0x90000057  }
0xb6: {  	_ =	sfence  }
0xb7: {  	s30 =	sld [smem:$0x0];
	_ =	sdelay $0x2  }
0xb8: {  	s31 =	sshll.u32 s1, $0xD;
	s1 =	sshrl.u32 s1, $0x2  }
0xb9: {  	s3 =	sand.u32 $0x4000, s31;
	s1 =	sadd.s32 s1, s30  }
0xba: {  	s0 =	sor.u32 s3, s0;
	s1 =	sshll.u32 s1, $0x11  }
0xbb: {  	s0 =	sor.u32 s1, s0  }
0xbc: {  	s0 =	sadd.s32 $0x8F2B, s0  }
0xbd: {  	[sflag:s0] =	ssyncadd.remote.s32 $0x1  }
0xbe: {  	_ =	sfence.sel $0xFFFF  }
0xbf: {  	[dreg:$0x0] =	wrdreg $0xFFFFFFFF;
	(pc) =	sbr.abs _section_cstart, $3  }
0xc0: {  	[dreg:$0x1] =	wrdreg $0xFFFFFFFF  }
0xc1: {  	_ =	task.clear_ibuf [dreg:s6], $0x2FFFF;
	_ =	strace $0x9FFFFFFF  }
0xc2: {  	(tm) =	ssettm $0x7FFFFFFF  }
0xc3: {  	_ =	shalt  }
tec
execute0_lowered:
.L_overlay_start_1:
0x0: {  	(tag) =	ssettag $0x1  }
0x1: {  	s10 =	rddreg [dreg:$0x0];
	s1 =	srdreg.scid  }
0x2: {  	s0 =	stileid.u32;
	s2 =	rddreg [dreg:$0x1]  }
0x3: {  	s3 =	simm.s32 $0x0;
	s16 =	simm.s32 $0x80;
	s17 =	simm.s32 $0x5000  }
0x4: {  	s21 =	simm.s32 $0x0;
	s5 =	sand.u32 $0x1, s1;
	s1 =	rddreg [dreg:$0x2]  }
0x5: {  	s4 =	sshll.u32 s0, $0x1;
	[smem:$0x7FF] =	sst s3;
	s18 =	smul.u32 $0x2800, s0  }
0x6: {  	s9 =	smul.u32 $0x50000, s0;
	s14 =	sshll.u32 s0, $0x6;
	s4 =	sor.u32 s5, s4  }
0x7: {  	_ =	strace $0x80000056;
	s7 =	smul.u32 $0xA0000, s5;
	s5 =	ssub.s32 $0x2, s5  }
0x8: {  	s14 =	sor.u32 $0x1C02, s14;
	s6 =	smul.u32 $0x500, s4;
	s4 =	sadd.s32 $0x6B200, s10  }
0x9: {  	s8 =	sshrl.u32 s5, $0x1;
	s11 =	sadd.s32 s18, s10;
	s31 =	sshrl.u32 s9, $0x2  }
0xa: {  	s9 =	sadd.s32 $0xBB200, s10;
	s12 =	sadd.s32 s7, s10;
	s13 =	ssub.s32 s5, s8  }
0xb: {  	s15 =	sadd.s32 s31, s2;
	s7 =	sadd.s32 $0x2F200, s11;
	s8 =	sadd.s32 $0x93200, s10  }
0xc: {  	s6 =	sadd.s32 s6, s10;
	s19 =	sadd.s32 $0x10B200, s12;
	s10 =	sadd.s32 $0xE3200, s10  }
0xd: {  	s11 =	smax.u32 s13, $0x1;
	s12 =	simm.s32 $0x2;
	s13 =	simm.s32 $0x2800  }
0xe: {  	s15 =	sshrl.u32 s15, $0x3;
	s5 =	sadd.s32 $0x61200, s6;
	s18 =	sadd.s32 s18, s19  }
0xf: {  	s6 =	sadd.s32 $0x57200, s6;
	s19 =	simm.s32 $0x1;
	s20 =	sadd.s32 $0x28000, s18  }
.LBB2_1:
0x10: {  	[tilespmem:s3], [sflag:$0x2] =	stream.linear.gather [hbm4b:s5+s3], $0x2800, $0x38;
	[tilespmem:$0x1D000] =	vst v63  }
0x11: {  	_ =	swait.ge [sflag:s12], $0x2800  }
0x12: {  	[sflag:s12] =	ssyncset.done $0x0  }
0x13: {  	[sflag:s12] =	ssyncadd.s32 $0xFFFFD800  }
0x14: {  	[tilespmem:s13], [sflag:$0x2] =	stream.linear.gather [hbm4b:s6+s3], $0x2800, $0x38;
	[tilespmem:$0x1D000] =	vst v63  }
0x15: {  	_ =	swait.ge [sflag:s12], $0x2800  }
0x16: {  	[sflag:s12] =	ssyncset.done $0x0  }
0x17: {  	[sflag:s12] =	ssyncadd.s32 $0xFFFFD800  }
0x18: {  	[spmem:s15], [sflag:s14] =	dma.local [hbm:s7], $0x2800  }
0x19: {  	_ =	swait.ge [sflag:s12], $0x2800  }
0x1a: {  	[sflag:s12] =	ssyncset.done $0x0  }
0x1b: {  	[sflag:s12] =	ssyncadd.s32 $0xFFFFD800  }
0x1c: {  	s22 =	simm.s32 $0x2800;
	[bflag:$0x0] =	sbarrier.arrive $0xFFFF  }
0x1d: {  	[tilespmem:s17], [sflag:$0x1] =	stream.indirect.gather [hbm4b:s4+s16], $0x80, s22, s16, $0xb8;
	[tilespmem:$0x1D000] =	vst v63  }
0x1e: {  	_ =	swait.ge [sflag:s19], $0x4000  }
0x1f: {  	[sflag:s19] =	ssyncset.done $0x0  }
0x20: {  	s31 =	simm.s32 $0x0;
	[sflag:s19] =	ssyncadd.s32 $0xFFFFC000  }
0x21: {  	[spmem:s2] =	stream.indirect.scatter.add.f32 [tilespmem:s17], [sflag:$0x2], $0x80, s31, s16, $0xb8;
	[tilespmem:$0x1D000] =	vst v63  }
0x22: {  	_ =	swait.ge [sflag:s12], $0x4000  }
0x23: {  	s23 =	simm.s32 $0x400;
	s22 =	simm.s32 $0x80;
	[sflag:s12] =	ssyncset.done $0x0  }
.LBB2_2:
0x24: {  	s24 =	sadd.s32 $0x2800, s22  }
0x25: {  	[sflag:s12] =	ssyncadd.s32 $0xFFFFC000;
	s25 =	smov.u32 s23;
	s26 =	sadd.s32 $0x200, s23  }
0x26: {  	[tilespmem:s17], [sflag:$0x1] =	stream.indirect.gather [hbm4b:s4+s16], $0x80, s24, s16, $0xb8;
	[tilespmem:$0x1D000] =	vst v63  }
0x27: {  	p0 =	sne.s32 s23, $0x9E00;
	_ =	swait.ge [sflag:s19], $0x4000  }
.Ltmp0:
0x28: {  	[sflag:s19] =	ssyncset.done $0x0;
	(pc) =	sbr.rel @p0 .LBB2_2-.Ltmp0, $4  }
0x29: {  	[sflag:s19] =	ssyncadd.s32 $0xFFFFC000  }
0x2a: {  	[spmem:s2] =	stream.indirect.scatter.add.f32 [tilespmem:s17], [sflag:$0x2], $0x80, s22, s16, $0xb8;
	[tilespmem:$0x1D000] =	vst v63  }
0x2b: {  	_ =	swait.ge [sflag:s12], $0x4000  }
0x2c: {  	s23 =	smov.u32 s26;
	s22 =	sshra.s32 s25, $0x2;
	[sflag:s12] =	ssyncset.done $0x0  }
0x2d: {  	s23 =	sadd.s32 $0x2800, s22;
	[sflag:s12] =	ssyncadd.s32 $0xFFFFC000  }
0x2e: {  	[tilespmem:s17], [sflag:$0x1] =	stream.indirect.gather [hbm4b:s4+s16], $0x80, s23, s16, $0xb8;
	[tilespmem:$0x1D000] =	vst v63  }
0x2f: {  	_ =	swait.ge [sflag:s19], $0x4000  }
0x30: {  	[sflag:s19] =	ssyncset.done $0x0  }
0x31: {  	[sflag:s19] =	ssyncadd.s32 $0xFFFFC000  }
0x32: {  	[spmem:s2] =	stream.indirect.scatter.add.f32 [tilespmem:s17], [sflag:$0x2], $0x80, s22, s16, $0xb8;
	[tilespmem:$0x1D000] =	vst v63  }
0x33: {  	_ =	swait.ge [sflag:s12], $0x4000  }
0x34: {  	[sflag:s12] =	ssyncset.done $0x0  }
0x35: {  	[sflag:s12] =	ssyncadd.s32 $0xFFFFC000  }
0x36: {  	[bflag:$0x0] =	sbarrier.arrive $0xFFFF  }
0x37: {  	[hbm:s18], [sflag:s14] =	dma.local [spmem:s15], $0x2800  }
0x38: {  	_ =	swait.ge [sflag:s12], $0x2800  }
0x39: {  	[sflag:s12] =	ssyncset.done $0x0  }
0x3a: {  	[sflag:s12] =	ssyncadd.s32 $0xFFFFD800  }
0x3b: {  	[spmem:s15], [sflag:s14] =	dma.local [hbm:s7], $0x2800  }
0x3c: {  	_ =	swait.ge [sflag:s12], $0x2800  }
0x3d: {  	[sflag:s12] =	ssyncset.done $0x0  }
0x3e: {  	[sflag:s12] =	ssyncadd.s32 $0xFFFFD800  }
0x3f: {  	s30 =	simm.s32 $0x2800;
	[bflag:$0x0] =	sbarrier.arrive $0xFFFF  }
0x40: {  	[tilespmem:s17], [sflag:$0x1] =	stream.indirect.gather [hbm4b:s8+s16], $0x80, s30, s16, $0xb8;
	[tilespmem:$0x1D000] =	vst v63  }
0x41: {  	_ =	swait.ge [sflag:s19], $0x4000  }
0x42: {  	[sflag:s19] =	ssyncset.done $0x0  }
0x43: {  	s31 =	simm.s32 $0x0;
	[sflag:s19] =	ssyncadd.s32 $0xFFFFC000  }
0x44: {  	[spmem:s2] =	stream.indirect.scatter.add.f32 [tilespmem:s17], [sflag:$0x2], $0x80, s31, s16, $0xb8;
	[tilespmem:$0x1D000] =	vst v63  }
0x45: {  	_ =	swait.ge [sflag:s12], $0x4000  }
0x46: {  	s23 =	simm.s32 $0x400;
	s22 =	simm.s32 $0x80;
	[sflag:s12] =	ssyncset.done $0x0  }
.LBB2_4:
0x47: {  	s24 =	sadd.s32 $0x2800, s22  }
0x48: {  	[sflag:s12] =	ssyncadd.s32 $0xFFFFC000;
	s25 =	smov.u32 s23;
	s26 =	sadd.s32 $0x200, s23  }
0x49: {  	[tilespmem:s17], [sflag:$0x1] =	stream.indirect.gather [hbm4b:s8+s16], $0x80, s24, s16, $0xb8;
	[tilespmem:$0x1D000] =	vst v63  }
0x4a: {  	p0 =	sne.s32 s23, $0x9E00;
	_ =	swait.ge [sflag:s19], $0x4000  }
.Ltmp1:
0x4b: {  	[sflag:s19] =	ssyncset.done $0x0;
	(pc) =	sbr.rel @p0 .LBB2_4-.Ltmp1, $4  }
0x4c: {  	[sflag:s19] =	ssyncadd.s32 $0xFFFFC000  }
0x4d: {  	[spmem:s2] =	stream.indirect.scatter.add.f32 [tilespmem:s17], [sflag:$0x2], $0x80, s22, s16, $0xb8;
	[tilespmem:$0x1D000] =	vst v63  }
0x4e: {  	_ =	swait.ge [sflag:s12], $0x4000  }
0x4f: {  	s23 =	smov.u32 s26;
	s22 =	sshra.s32 s25, $0x2;
	[sflag:s12] =	ssyncset.done $0x0  }
0x50: {  	s23 =	sadd.s32 $0x2800, s22;
	[sflag:s12] =	ssyncadd.s32 $0xFFFFC000  }
0x51: {  	[tilespmem:s17], [sflag:$0x1] =	stream.indirect.gather [hbm4b:s8+s16], $0x80, s23, s16, $0xb8;
	[tilespmem:$0x1D000] =	vst v63  }
0x52: {  	_ =	swait.ge [sflag:s19], $0x4000  }
0x53: {  	[sflag:s19] =	ssyncset.done $0x0  }
0x54: {  	[sflag:s19] =	ssyncadd.s32 $0xFFFFC000  }
0x55: {  	[spmem:s2] =	stream.indirect.scatter.add.f32 [tilespmem:s17], [sflag:$0x2], $0x80, s22, s16, $0xb8;
	[tilespmem:$0x1D000] =	vst v63  }
0x56: {  	_ =	swait.ge [sflag:s12], $0x4000  }
0x57: {  	[sflag:s12] =	ssyncset.done $0x0  }
0x58: {  	[sflag:s12] =	ssyncadd.s32 $0xFFFFC000  }
0x59: {  	[bflag:$0x0] =	sbarrier.arrive $0xFFFF  }
0x5a: {  	[hbm:s20], [sflag:s14] =	dma.local [spmem:s15], $0x2800  }
0x5b: {  	_ =	swait.ge [sflag:s12], $0x2800  }
0x5c: {  	[sflag:s12] =	ssyncset.done $0x0  }
0x5d: {  	[sflag:s12] =	ssyncadd.s32 $0xFFFFD800  }
0x5e: {  	[spmem:s15], [sflag:s14] =	dma.local [hbm:s7], $0x2800  }
0x5f: {  	_ =	swait.ge [sflag:s12], $0x2800  }
0x60: {  	[sflag:s12] =	ssyncset.done $0x0  }
0x61: {  	[sflag:s12] =	ssyncadd.s32 $0xFFFFD800  }
0x62: {  	s30 =	simm.s32 $0x2800;
	[bflag:$0x0] =	sbarrier.arrive $0xFFFF  }
0x63: {  	[tilespmem:s17], [sflag:$0x1] =	stream.indirect.gather [hbm4b:s9+s16], $0x80, s30, s16, $0xb8;
	[tilespmem:$0x1D000] =	vst v63  }
0x64: {  	_ =	swait.ge [sflag:s19], $0x4000  }
0x65: {  	[sflag:s19] =	ssyncset.done $0x0  }
0x66: {  	s31 =	simm.s32 $0x0;
	[sflag:s19] =	ssyncadd.s32 $0xFFFFC000  }
0x67: {  	[spmem:s2] =	stream.indirect.scatter.add.f32 [tilespmem:s17], [sflag:$0x2], $0x80, s31, s16, $0xb8;
	[tilespmem:$0x1D000] =	vst v63  }
0x68: {  	_ =	swait.ge [sflag:s12], $0x4000  }
0x69: {  	s23 =	simm.s32 $0x400;
	s22 =	simm.s32 $0x80;
	[sflag:s12] =	ssyncset.done $0x0  }
.LBB2_6:
0x6a: {  	s24 =	sadd.s32 $0x2800, s22  }
0x6b: {  	[sflag:s12] =	ssyncadd.s32 $0xFFFFC000;
	s25 =	smov.u32 s23;
	s26 =	sadd.s32 $0x200, s23  }
0x6c: {  	[tilespmem:s17], [sflag:$0x1] =	stream.indirect.gather [hbm4b:s9+s16], $0x80, s24, s16, $0xb8;
	[tilespmem:$0x1D000] =	vst v63  }
0x6d: {  	p0 =	sne.s32 s23, $0x9E00;
	_ =	swait.ge [sflag:s19], $0x4000  }
.Ltmp2:
0x6e: {  	[sflag:s19] =	ssyncset.done $0x0;
	(pc) =	sbr.rel @p0 .LBB2_6-.Ltmp2, $4  }
0x6f: {  	[sflag:s19] =	ssyncadd.s32 $0xFFFFC000  }
0x70: {  	[spmem:s2] =	stream.indirect.scatter.add.f32 [tilespmem:s17], [sflag:$0x2], $0x80, s22, s16, $0xb8;
	[tilespmem:$0x1D000] =	vst v63  }
0x71: {  	_ =	swait.ge [sflag:s12], $0x4000  }
0x72: {  	s23 =	smov.u32 s26;
	s22 =	sshra.s32 s25, $0x2;
	[sflag:s12] =	ssyncset.done $0x0  }
0x73: {  	s23 =	sadd.s32 $0x2800, s22;
	[sflag:s12] =	ssyncadd.s32 $0xFFFFC000  }
0x74: {  	[tilespmem:s17], [sflag:$0x1] =	stream.indirect.gather [hbm4b:s9+s16], $0x80, s23, s16, $0xb8;
	[tilespmem:$0x1D000] =	vst v63  }
0x75: {  	_ =	swait.ge [sflag:s19], $0x4000  }
0x76: {  	[sflag:s19] =	ssyncset.done $0x0  }
0x77: {  	[sflag:s19] =	ssyncadd.s32 $0xFFFFC000  }
0x78: {  	[spmem:s2] =	stream.indirect.scatter.add.f32 [tilespmem:s17], [sflag:$0x2], $0x80, s22, s16, $0xb8;
	[tilespmem:$0x1D000] =	vst v63  }
0x79: {  	_ =	swait.ge [sflag:s12], $0x4000  }
0x7a: {  	[sflag:s12] =	ssyncset.done $0x0  }
0x7b: {  	[sflag:s12] =	ssyncadd.s32 $0xFFFFC000  }
0x7c: {  	s29 =	sadd.s32 $0x50000, s18;
	[bflag:$0x0] =	sbarrier.arrive $0xFFFF  }
0x7d: {  	[hbm:s29], [sflag:s14] =	dma.local [spmem:s15], $0x2800  }
0x7e: {  	_ =	swait.ge [sflag:s12], $0x2800  }
0x7f: {  	[sflag:s12] =	ssyncset.done $0x0  }
0x80: {  	[sflag:s12] =	ssyncadd.s32 $0xFFFFD800  }
0x81: {  	[spmem:s15], [sflag:s14] =	dma.local [hbm:s7], $0x2800  }
0x82: {  	_ =	swait.ge [sflag:s12], $0x2800  }
0x83: {  	[sflag:s12] =	ssyncset.done $0x0  }
0x84: {  	[sflag:s12] =	ssyncadd.s32 $0xFFFFD800  }
0x85: {  	s30 =	simm.s32 $0x2800;
	[bflag:$0x0] =	sbarrier.arrive $0xFFFF  }
0x86: {  	[tilespmem:s17], [sflag:$0x1] =	stream.indirect.gather [hbm4b:s10+s16], $0x80, s30, s16, $0xb8;
	[tilespmem:$0x1D000] =	vst v63  }
0x87: {  	_ =	swait.ge [sflag:s19], $0x4000  }
0x88: {  	[sflag:s19] =	ssyncset.done $0x0  }
0x89: {  	s31 =	simm.s32 $0x0;
	[sflag:s19] =	ssyncadd.s32 $0xFFFFC000  }
0x8a: {  	[spmem:s2] =	stream.indirect.scatter.add.f32 [tilespmem:s17], [sflag:$0x2], $0x80, s31, s16, $0xb8;
	[tilespmem:$0x1D000] =	vst v63  }
0x8b: {  	_ =	swait.ge [sflag:s12], $0x4000  }
0x8c: {  	s23 =	simm.s32 $0x400;
	s22 =	simm.s32 $0x80;
	[sflag:s12] =	ssyncset.done $0x0  }
.LBB2_8:
0x8d: {  	s24 =	sadd.s32 $0x2800, s22  }
0x8e: {  	[sflag:s12] =	ssyncadd.s32 $0xFFFFC000;
	s25 =	smov.u32 s23;
	s26 =	sadd.s32 $0x200, s23  }
0x8f: {  	[tilespmem:s17], [sflag:$0x1] =	stream.indirect.gather [hbm4b:s10+s16], $0x80, s24, s16, $0xb8;
	[tilespmem:$0x1D000] =	vst v63  }
0x90: {  	p0 =	sne.s32 s23, $0x9E00;
	_ =	swait.ge [sflag:s19], $0x4000  }
.Ltmp3:
0x91: {  	[sflag:s19] =	ssyncset.done $0x0;
	(pc) =	sbr.rel @p0 .LBB2_8-.Ltmp3, $4  }
0x92: {  	[sflag:s19] =	ssyncadd.s32 $0xFFFFC000  }
0x93: {  	[spmem:s2] =	stream.indirect.scatter.add.f32 [tilespmem:s17], [sflag:$0x2], $0x80, s22, s16, $0xb8;
	[tilespmem:$0x1D000] =	vst v63  }
0x94: {  	_ =	swait.ge [sflag:s12], $0x4000  }
0x95: {  	s23 =	smov.u32 s26;
	s22 =	sshra.s32 s25, $0x2;
	[sflag:s12] =	ssyncset.done $0x0  }
0x96: {  	s23 =	sadd.s32 $0x2800, s22;
	[sflag:s12] =	ssyncadd.s32 $0xFFFFC000  }
0x97: {  	[tilespmem:s17], [sflag:$0x1] =	stream.indirect.gather [hbm4b:s10+s16], $0x80, s23, s16, $0xb8;
	[tilespmem:$0x1D000] =	vst v63  }
0x98: {  	_ =	swait.ge [sflag:s19], $0x4000  }
0x99: {  	[sflag:s19] =	ssyncset.done $0x0  }
0x9a: {  	[sflag:s19] =	ssyncadd.s32 $0xFFFFC000  }
0x9b: {  	[spmem:s2] =	stream.indirect.scatter.add.f32 [tilespmem:s17], [sflag:$0x2], $0x80, s22, s16, $0xb8;
	[tilespmem:$0x1D000] =	vst v63  }
0x9c: {  	_ =	swait.ge [sflag:s12], $0x4000  }
0x9d: {  	s21 =	sadd.s32 $0x1, s21;
	[sflag:s12] =	ssyncset.done $0x0  }
0x9e: {  	p0 =	sne.s32 s21, s11;
	[sflag:s12] =	ssyncadd.s32 $0xFFFFC000  }
.Ltmp4:
0x9f: {  	s31 =	sadd.s32 $0x78000, s18;
	[bflag:$0x0] =	sbarrier.arrive $0xFFFF;
	(pc) =	sbr.rel @p0 .LBB2_1-.Ltmp4, $4  }
0xa0: {  	[hbm:s31], [sflag:s14] =	dma.local [spmem:s15], $0x2800  }
0xa1: {  	_ =	swait.ge [sflag:s12], $0x2800  }
0xa2: {  	[sflag:s12] =	ssyncset.done $0x0  }
0xa3: {  	[sflag:s12] =	ssyncadd.s32 $0xFFFFD800  }
0xa4: {  	_ =	sfence.sel $0x180000  }
0xa5: {  	[bflag:$0x0] =	sbarrier.arrive $0xFFFF  }
0xa6: {  	p0 =	sne.s32 s0, $0x0;
	_ =	strace $0x90000056  }
0xa7: {  	s0 =	sadd.s32 @!p0 $0x100000, s1;
	[bflag:$0x2] =	sbarrier.arrive $0xFFFF  }
0xa8: {  	[sflag:s0] =	ssyncadd.tile.s32 @!p0 $0x1;
	_ =	shalt  }
.Lfunc_end2:
_tile_overlayer_lowered:
.L_overlay_start_2:
0xa9: {  	(tag) =	ssettag $0x2  }
0xaa: {  	s0 =	rddreg [dreg:$0x0];
	s2 =	stileid.u32  }
0xab: {  	s1 =	rddreg [dreg:$0x1];
	p0 =	sne.s32 s2, $0x0  }
0xac: {  	s3 =	rddreg [dreg:$0x2];
	[bflag:$0x3] =	sbarrier.arrive $0xFFFF;
	s2 =	simm.s32 @!p0 $0x1C02  }
0xad: {  	[timem:s3], [sflag:s2] =	dma.local @!p0 [hbm:s0], s1  }
0xae: {  	s0 =	simm.s32 @!p0 $0x2  }
0xaf: {  	_ =	swait.ge @!p0 [sflag:s0], s1  }
0xb0: {  	s1 =	ssub.s32 @!p0 $0x0, s1;
	[sflag:s0] =	ssyncset.done @!p0 $0x0  }
0xb1: {  	[sflag:s0] =	ssyncadd.s32 @!p0 s1  }
0xb2: {  	[bflag:$0x3] =	sbarrier.arrive $0xFFFF  }
0xb3: {  	_ =	shalt  }

</sc_bundles>
